<compile_context>
chip_gen: v7x
topology: tpu7x:2x2x1
jax: 0.10.2.dev20260603
libtpu: 0.0.44.dev20260713+nightly
codegen_flags: <defaults>
</compile_context>

<pallas_src>
import functools

import jax
import jax.numpy as jnp
from jax import lax
from jax.experimental import pallas as pl
from jax.experimental.pallas import tpu as pltpu
from jax.experimental.pallas import tpu_sc as plsc

N = 50000
NP = 51200
E = 800000
EP = 851968
CH = 256
GRP = 8
NCHUNK = EP // CH
ROWS_T = NP // 16
ZR = 640
BR = 2000
GRID = N // BR

_f32 = jnp.float32



def _zero_acc(zeros_hbm, acc, s):
    def zb(k, carry):
        pltpu.sync_copy(zeros_hbm, acc.at[pl.ds(s * ROWS_T + k * ZR, ZR)])
        return carry
    lax.fori_loop(0, ROWS_T // ZR, zb, 0)


def _init_acc(table, zeros_hbm, acc, s):
    @pl.when(s < 15)
    def _():
        pltpu.sync_copy(table.at[pl.ds(s * ROWS_T, ROWS_T)],
                        acc.at[pl.ds(s * ROWS_T, ROWS_T)])

    @pl.when(s == 15)
    def _():
        pltpu.sync_copy(table.at[pl.ds(15 * ROWS_T, N - 15 * ROWS_T)],
                        acc.at[pl.ds(15 * ROWS_T, N - 15 * ROWS_T)])
        def zb(k, carry):
            pltpu.sync_copy(zeros_hbm.at[pl.ds(0, ZR // 2)],
                            acc.at[pl.ds(N + k * (ZR // 2), ZR // 2)])
            return carry
        lax.fori_loop(0, (NP - N) // (ZR // 2), zb, 0)


def _writeback(acc, out, s):
    pltpu.sync_copy(acc.at[pl.ds(s * ROWS_T, ROWS_T)],
                    out.at[pl.ds(s * ROWS_T, ROWS_T)])


def _drain(zeros_hbm, buf, sem):
    pltpu.make_async_copy(zeros_hbm.at[pl.ds(0, CH)], buf, sem).wait()


def _acc_ring(src2, dst2, table, zeros_hbm, src_i, dst_i, bufs, acc,
              gsem, ssem, base, ngrp):
    pltpu.sync_copy(src2.at[pl.ds(base, GRP)], src_i.at[0])
    pltpu.sync_copy(dst2.at[pl.ds(base, GRP)], dst_i.at[0])
    pltpu.async_copy(table.at[src_i.at[0, 0]], bufs.at[0], gsem)
    pltpu.async_copy(zeros_hbm.at[pl.ds(0, CH)], bufs.at[1], ssem)

    def body(g, carry):
        pg = lax.rem(g, 2)
        qg = lax.rem(g + 1, 2)
        for b in range(GRP):
            pbuf = b % 2
            qbuf = (b + 1) % 2
            _drain(zeros_hbm, bufs.at[pbuf], gsem)
            _drain(zeros_hbm, bufs.at[qbuf], ssem)
            if b == 0:
                r1 = base + lax.min(g + 1, ngrp - 1) * GRP
                pltpu.sync_copy(src2.at[pl.ds(r1, GRP)], src_i.at[qg])
                pltpu.sync_copy(dst2.at[pl.ds(r1, GRP)], dst_i.at[qg])
            pltpu.async_copy(bufs.at[pbuf], acc.at[dst_i.at[pg, b]], ssem,
                             add=True)
            if b < GRP - 1:
                pltpu.async_copy(table.at[src_i.at[pg, b + 1]],
                                 bufs.at[qbuf], gsem)
            else:
                pltpu.async_copy(table.at[src_i.at[qg, 0]],
                                 bufs.at[qbuf], gsem)
        return carry
    lax.fori_loop(0, ngrp, body, 0)
    _drain(zeros_hbm, bufs.at[0], ssem)
    _drain(zeros_hbm, bufs.at[1], gsem)


def _make_deg():
    W = 16
    mesh = plsc.VectorSubcoreMesh(core_axis_name="c", subcore_axis_name="s")

    @functools.partial(
        pl.kernel, mesh=mesh,
        compiler_params=pltpu.CompilerParams(use_tc_tiling_on_sc=False),
        out_type=[jax.ShapeDtypeStruct((NP, W), _f32),
                  jax.ShapeDtypeStruct((NP, W), _f32)],
        scratch_types=[pltpu.VMEM((2, GRP, CH), jnp.int32),
                       pltpu.VMEM((CH, W), _f32),
                       pltpu.VMEM((CH, W), _f32),
                       pltpu.VMEM_SHARED((NP, W), _f32),
                       pltpu.SemaphoreType.DMA],
    )
    def deg_k(dst2, ones_hbm, zeros_hbm, out_a, out_b, dst_i, ones_b, dump,
              acc, ssem):
        c = lax.axis_index("c")
        s = lax.axis_index("s")
        pltpu.sync_copy(ones_hbm, ones_b)
        _zero_acc(zeros_hbm, acc, s)
        plsc.subcore_barrier()
        base = (c * 16 + s) * (NCHUNK // 32)
        ngrp = (NCHUNK // 32) // GRP

        pltpu.sync_copy(dst2.at[pl.ds(base, GRP)], dst_i.at[0])
        pltpu.async_copy(zeros_hbm.at[pl.ds(0, CH)], dump, ssem)

        def grp_body(g, carry):
            pg = lax.rem(g, 2)
            qg = lax.rem(g + 1, 2)
            for b in range(GRP):
                _drain(zeros_hbm, dump, ssem)
                if b == 0:
                    r1 = base + lax.min(g + 1, ngrp - 1) * GRP
                    pltpu.sync_copy(dst2.at[pl.ds(r1, GRP)], dst_i.at[qg])
                pltpu.async_copy(ones_b, acc.at[dst_i.at[pg, b]], ssem,
                                 add=True)
            return carry
        lax.fori_loop(0, ngrp, grp_body, 0)
        _drain(zeros_hbm, dump, ssem)
        plsc.subcore_barrier()

        @pl.when(c == 0)
        def _():
            _writeback(acc, out_a, s)

        @pl.when(c == 1)
        def _():
            _writeback(acc, out_b, s)

    return deg_k


def _make_prop16():
    W = 16
    mesh = plsc.VectorSubcoreMesh(core_axis_name="c", subcore_axis_name="s")

    @functools.partial(
        pl.kernel, mesh=mesh,
        compiler_params=pltpu.CompilerParams(use_tc_tiling_on_sc=False),
        out_type=[jax.ShapeDtypeStruct((NP, W), _f32),
                  jax.ShapeDtypeStruct((NP, W), _f32)],
        scratch_types=[pltpu.VMEM((2, GRP, CH), jnp.int32),
                       pltpu.VMEM((2, GRP, CH), jnp.int32),
                       pltpu.VMEM((2, CH, W), _f32),
                       pltpu.VMEM_SHARED((NP, W), _f32),
                       pltpu.VMEM_SHARED((N, W), _f32),
                       pltpu.SemaphoreType.DMA,
                       pltpu.SemaphoreType.DMA],
    )
    def prop_k(src2, dst2, table, zeros_hbm, out_a, out_b,
               src_i, dst_i, bufs, acc, stab, gsem, ssem):
        c = lax.axis_index("c")
        s = lax.axis_index("s")
        @pl.when(s < 15)
        def _():
            pltpu.sync_copy(table.at[pl.ds(s * 3128, 3128)],
                            stab.at[pl.ds(s * 3128, 3128)])

        @pl.when(s == 15)
        def _():
            pltpu.sync_copy(table.at[pl.ds(15 * 3128, 3080)],
                            stab.at[pl.ds(15 * 3128, 3080)])

        @pl.when(c == 0)
        def _():
            _init_acc(table, zeros_hbm, acc, s)

        @pl.when(c == 1)
        def _():
            _zero_acc(zeros_hbm, acc, s)
        plsc.subcore_barrier()
        base = (c * 16 + s) * (NCHUNK // 32)
        _acc_ring(src2, dst2, stab, zeros_hbm, src_i, dst_i, bufs, acc,
                  gsem, ssem, base, (NCHUNK // 32) // GRP)
        plsc.subcore_barrier()

        @pl.when(c == 0)
        def _():
            _writeback(acc, out_a, s)

        @pl.when(c == 1)
        def _():
            _writeback(acc, out_b, s)

    return prop_k


def _stage_table(table, stab, s):
    @pl.when(s < 15)
    def _():
        pltpu.sync_copy(table.at[pl.ds(s * 3128, 3128)],
                        stab.at[pl.ds(s * 3128, 3128)])

    @pl.when(s == 15)
    def _():
        pltpu.sync_copy(table.at[pl.ds(15 * 3128, 3080)],
                        stab.at[pl.ds(15 * 3128, 3080)])


def _make_propq():
    W = 16
    mesh = plsc.VectorSubcoreMesh(core_axis_name="c", subcore_axis_name="s")

    @functools.partial(
        pl.kernel, mesh=mesh,
        compiler_params=pltpu.CompilerParams(use_tc_tiling_on_sc=False),
        out_type=jax.ShapeDtypeStruct((NP, 64), _f32),
        scratch_types=[pltpu.VMEM((2, GRP, CH), jnp.int32),
                       pltpu.VMEM((2, GRP, CH), jnp.int32),
                       pltpu.VMEM((2, CH, W), _f32),
                       pltpu.VMEM_SHARED((NP, W), _f32),
                       pltpu.VMEM_SHARED((N, W), _f32),
                       pltpu.SemaphoreType.DMA,
                       pltpu.SemaphoreType.DMA],
    )
    def prop_k(src2, dst2, tbl, zeros_hbm, out,
               src_i, dst_i, bufs, acc, stab, gsem, ssem):
        c = lax.axis_index("c")
        s = lax.axis_index("s")
        base = s * (NCHUNK // 16)
        ngrp = (NCHUNK // 16) // GRP

        def quarter(k, carry):
            cq = (2 * c + k) * W

            @pl.when(s < 15)
            def _():
                d1 = pltpu.async_copy(tbl.at[pl.ds(s * 3128, 3128),
                                             pl.ds(cq, W)],
                                      stab.at[pl.ds(s * 3128, 3128)], gsem)
                d2 = pltpu.async_copy(tbl.at[pl.ds(s * ROWS_T, ROWS_T),
                                             pl.ds(cq, W)],
                                      acc.at[pl.ds(s * ROWS_T, ROWS_T)],
                                      ssem)
                d1.wait()
                d2.wait()

            @pl.when(s == 15)
            def _():
                d1 = pltpu.async_copy(tbl.at[pl.ds(15 * 3128, 3080),
                                             pl.ds(cq, W)],
                                      stab.at[pl.ds(15 * 3128, 3080)], gsem)
                d2 = pltpu.async_copy(
                    tbl.at[pl.ds(15 * ROWS_T, N - 15 * ROWS_T),
                           pl.ds(cq, W)],
                    acc.at[pl.ds(15 * ROWS_T, N - 15 * ROWS_T)], ssem)
                def zb(k, carry):
                    pltpu.sync_copy(
                        zeros_hbm.at[pl.ds(0, ZR // 2)],
                        acc.at[pl.ds(N + k * (ZR // 2), ZR // 2)])
                    return carry
                lax.fori_loop(0, (NP - N) // (ZR // 2), zb, 0)
                d1.wait()
                d2.wait()
            plsc.subcore_barrier()
            _acc_ring(src2, dst2, stab, zeros_hbm, src_i, dst_i, bufs, acc,
                      gsem, ssem, base, ngrp)
            plsc.subcore_barrier()
            pltpu.sync_copy(acc.at[pl.ds(s * ROWS_T, ROWS_T)],
                            out.at[pl.ds(s * ROWS_T, ROWS_T), pl.ds(cq, W)])
            plsc.subcore_barrier()
            return carry

        lax.fori_loop(0, 2, quarter, 0)

    return prop_k


_deg = _make_deg()
_prop16 = _make_prop16()
_propq = _make_propq()



def _row_spec(w):
    return pl.BlockSpec((BR, w), lambda i: (i, 0))


def _full_spec(shape):
    return pl.BlockSpec(shape, lambda i: (0, 0))


def _prep(deg_a, deg_b, xp):
    def body(da, db, xr, g0, dinv):
        deg = da[:, 0:1] + db[:, 0:1] + 1.0
        di = lax.rsqrt(deg)
        dinv[...] = di
        g0[...] = jnp.pad(xr[...] * di, ((0, 0), (0, 11)))

    return pl.pallas_call(
        body, grid=(GRID,),
        in_specs=[_row_spec(16), _row_spec(16), _row_spec(5)],
        out_specs=[_row_spec(16), _row_spec(1)],
        out_shape=[jax.ShapeDtypeStruct((N, 16), _f32),
                   jax.ShapeDtypeStruct((N, 1), _f32)],
    )(deg_a, deg_b, xp)


def _layer1(a0a, a0b, dinv, w1p, b1, w2):
    def body(aa, ab, dr, w1r, b1r, w2r, *outs):
        di = dr[...]
        q = di * (aa[...] + ab[...])
        h1 = jnp.maximum(
            jnp.dot(q, w1r[...], preferred_element_type=_f32) + b1r[...], 0.0)
        g1 = di * jnp.dot(h1, w2r[...], preferred_element_type=_f32)
        outs[0][...] = g1

    return pl.pallas_call(
        body, grid=(GRID,),
        in_specs=[_row_spec(16), _row_spec(16), _row_spec(1),
                  _full_spec((16, 64)), _full_spec((1, 64)),
                  _full_spec((64, 64))],
        out_specs=[_row_spec(64)],
        out_shape=[jax.ShapeDtypeStruct((N, 64), _f32)],
    )(a0a, a0b, dinv, w1p, b1, w2)


def _layer_mid(acc, dinv, b, w):
    def body(ar, dr, br, wr, out):
        di = dr[...]
        h = jnp.maximum(di * ar[...] + br[...], 0.0)
        out[...] = di * jnp.dot(h, wr[...], preferred_element_type=_f32)

    return pl.pallas_call(
        body, grid=(GRID,),
        in_specs=[_row_spec(64), _row_spec(1), _full_spec((1, 64)),
                  _full_spec((64, 64))],
        out_specs=_row_spec(64),
        out_shape=jax.ShapeDtypeStruct((N, 64), _f32),
    )(acc, dinv, b, w)


def _final(acc, dinv, b3, xp, wf1p, bf1, wf2, bf2, wcat, bcat):
    def body(ar, dr, b3r, xr, wf1r, bf1r,
             wf2r, bf2r, wcr, bcr, out, emb_s, gf_s):
        i = pl.program_id(0)

        @pl.when(i == 0)
        def _():
            emb_s[...] = jnp.zeros_like(emb_s)
            gf_s[...] = jnp.zeros_like(gf_s)

        di = dr[...]
        h3 = jnp.maximum(di * ar[...] + b3r[...], 0.0)
        ones_row = jnp.ones((1, BR), _f32)
        emb_s[...] = emb_s[...] + jnp.dot(ones_row, h3,
                                          precision=lax.Precision.HIGHEST,
                                          preferred_element_type=_f32)

        xb = xr[...]
        x2 = xb[:, 2:3]
        m = x2 == 1.0
        mf = m.astype(_f32)
        stats = jnp.concatenate(
            [xb[:, 2:5], mf, jnp.where(m, xb[:, 0:2], 0.0),
             jnp.zeros((BR, 2), _f32)], axis=1)
        gf_s[...] = gf_s[...] + jnp.dot(ones_row, stats,
                                        precision=lax.Precision.HIGHEST,
                                        preferred_element_type=_f32)

        @pl.when(i == GRID - 1)
        def _():
            emb = emb_s[...] * (1.0 / N)
            n_comp, n_and, n_or = gf_s[0, 0], gf_s[0, 1], gf_s[0, 2]
            cnt, s0, s1 = gf_s[0, 3], gf_s[0, 4], gf_s[0, 5]
            avg_l = jnp.where(cnt > 0, s0 / jnp.maximum(cnt, 1.0), 0.0)
            avg_m = jnp.where(cnt > 0, s1 / jnp.maximum(cnt, 1.0), 0.0)
            lane = lax.broadcasted_iota(jnp.int32, (1, 8), 1)
            z = jnp.zeros((1, 8), _f32)
            gf = (jnp.where(lane == 0, n_comp, z)
                  + jnp.where(lane == 1, n_and, z)
                  + jnp.where(lane == 2, n_or, z)
                  + jnp.where(lane == 3, n_and + n_or, z)
                  + jnp.where(lane == 4, avg_l, z)
                  + jnp.where(lane == 5, avg_m, z)
                  + jnp.where(lane == 6, jnp.float32(0.2), z))
            f1 = jnp.maximum(
                jnp.dot(emb, wf1r[0:64, :], preferred_element_type=_f32)
                + jnp.dot(gf, wf1r[64:72, :], preferred_element_type=_f32)
                + bf1r[...], 0.0)
            f2 = jnp.maximum(
                jnp.dot(f1, wf2r[...], preferred_element_type=_f32)
                + bf2r[...], 0.0)
            out[...] = (jnp.dot(f2, wcr[...], preferred_element_type=_f32)
                        + bcr[...])

    return pl.pallas_call(
        body, grid=(GRID,),
        in_specs=[_row_spec(64), _row_spec(1), _full_spec((1, 64)),
                  _row_spec(5),
                  _full_spec((72, 64)), _full_spec((1, 64)),
                  _full_spec((64, 32)), _full_spec((1, 32)),
                  _full_spec((32, 16)), _full_spec((1, 16))],
        out_specs=pl.BlockSpec((1, 16), lambda i: (0, 0)),
        out_shape=jax.ShapeDtypeStruct((1, 16), _f32),
        scratch_shapes=[pltpu.VMEM((1, 64), _f32),
                        pltpu.VMEM((1, 8), _f32)],
    )(acc, dinv, b3, xp, wf1p, bf1, wf2, bf2, wcat, bcat)



def kernel(x, edge_index, W1, b1, W2, b2, W3, b3,
           Wf1, bf1, Wf2, bf2, Wis, bis, Wmc, bmc):
    ei3 = edge_index.reshape(2, E // 256, 256)
    npad = (EP - E) // 256
    pad_dst = N + (jnp.arange(npad * 256, dtype=jnp.int32) % (NP - N))
    src2 = jnp.concatenate(
        [ei3[0], jnp.zeros((npad, 256), jnp.int32)],
        axis=0).reshape(NCHUNK, CH)
    dst2 = jnp.concatenate(
        [ei3[1], pad_dst.reshape(npad, 256)], axis=0).reshape(NCHUNK, CH)
    ones16 = jnp.ones((CH, 16), _f32)
    zeros16 = jnp.zeros((ZR, 16), _f32)

    deg_a, deg_b = _deg(dst2, ones16, zeros16)
    g0, dinv = _prep(deg_a, deg_b, x)
    a0a, a0b = _prop16(src2, dst2, g0, zeros16)
    w1p = jnp.pad(W1, ((0, 11), (0, 0)))
    g1, = _layer1(a0a, a0b, dinv, w1p, b1.reshape(1, -1), W2)
    acc1 = _propq(src2, dst2, g1, zeros16)
    g2 = _layer_mid(acc1, dinv, b2.reshape(1, -1), W3)
    acc2 = _propq(src2, dst2, g2, zeros16)
    wf1p = jnp.pad(Wf1, ((0, 1), (0, 0)))
    wcat = jnp.concatenate([jnp.pad(Wis, ((0, 0), (0, 2))),
                            jnp.pad(Wmc, ((0, 0), (0, 2)))], axis=1)
    bcat = jnp.concatenate([jnp.pad(bis, (0, 2)),
                            jnp.pad(bmc, (0, 2))]).reshape(1, 16)
    out = _final(acc2, dinv, b3.reshape(1, -1), x,
                 wf1p, bf1.reshape(1, -1), Wf2, bf2.reshape(1, -1),
                 wcat, bcat)
    return out[:, 0:6], out[:, 8:14]

# --- scband reference (transcript-rebuilt; emitter-appended) ---
"""Pipeline reference for scband-sample-predictor-10771777978869 (READ-ONLY COPY).

The authoritative reference and input builder live on the scoring server;
editing this copy changes nothing except your own understanding.
"""

import jax, jax.numpy as jnp
import numpy as np

N_NODES = 50000
N_EDGES = 800000
NF = 5
HD = 64
N_IS = 6
N_MC = 6


def _gcn_conv(x, edge_index, W, b):
    # PyG GCNConv: x' = D^-1/2 (A + I) D^-1/2 (x W) + b
    n = x.shape[0]
    h = x @ W
    src = edge_index[0]
    dst = edge_index[1]
    loop = jnp.arange(n, dtype=src.dtype)
    src = jnp.concatenate([src, loop])
    dst = jnp.concatenate([dst, loop])
    deg = jnp.zeros((n,), dtype=h.dtype).at[dst].add(1.0)
    dinv = jnp.where(deg > 0, deg ** -0.5, 0.0)
    norm = dinv[src] * dinv[dst]
    msg = h[src] * norm[:, None]
    out = jnp.zeros_like(h).at[dst].add(msg)
    return out + b


def setup_inputs(seed: int = 0) -> dict:
    key = jax.random.key(seed)
    ks = jax.random.split(key, 20)
    x = jax.random.normal(ks[0], (N_NODES, NF), dtype=jnp.float32)
    edge_index = jax.random.randint(ks[1], (2, N_EDGES), 0, N_NODES, dtype=jnp.int32)
    def lin(k, fi, fo):
        s = 1.0 / np.sqrt(fi)
        return jax.random.uniform(k, (fi, fo), jnp.float32, -s, s)
    W1 = lin(ks[2], NF, HD); b1 = jnp.zeros((HD,), jnp.float32)
    W2 = lin(ks[3], HD, HD); b2 = jnp.zeros((HD,), jnp.float32)
    W3 = lin(ks[4], HD, HD); b3 = jnp.zeros((HD,), jnp.float32)
    Wf1 = lin(ks[5], HD + 7, 64); bf1 = jnp.zeros((64,), jnp.float32)
    Wf2 = lin(ks[6], 64, 32); bf2 = jnp.zeros((32,), jnp.float32)
    Wis = lin(ks[7], 32, N_IS); bis = jnp.zeros((N_IS,), jnp.float32)
    Wmc = lin(ks[8], 32, N_MC); bmc = jnp.zeros((N_MC,), jnp.float32)
    return {"x": x, "edge_index": edge_index,
            "W1": W1, "b1": b1, "W2": W2, "b2": b2, "W3": W3, "b3": b3,
            "Wf1": Wf1, "bf1": bf1, "Wf2": Wf2, "bf2": bf2,
            "Wis": Wis, "bis": bis, "Wmc": Wmc, "bmc": bmc}


def _global_features(x, T_normalized):
    n_comp = jnp.sum(x[:, 2])
    n_AND = jnp.sum(x[:, 3])
    n_OR = jnp.sum(x[:, 4])
    comp_mask = x[:, 2] == 1.0
    cnt = jnp.sum(comp_mask.astype(jnp.float32))
    avg_lambda = jnp.where(cnt > 0, jnp.sum(jnp.where(comp_mask, x[:, 0], 0.0)) / jnp.maximum(cnt, 1.0), 0.0)
    avg_mu = jnp.where(cnt > 0, jnp.sum(jnp.where(comp_mask, x[:, 1], 0.0)) / jnp.maximum(cnt, 1.0), 0.0)
    depth = n_AND + n_OR
    gf = jnp.stack([n_comp, n_AND, n_OR, depth, avg_lambda, avg_mu,
                    jnp.asarray(T_normalized, jnp.float32)])[None, :]
    # torch uses .item() -> constants w.r.t. autograd
    return jax.lax.stop_gradient(gf)


def reference(x, edge_index, W1, b1, W2, b2, W3, b3, Wf1, bf1, Wf2, bf2, Wis, bis, Wmc, bmc):
    T, T_max = 100.0, 500.0
    h = jax.nn.relu(_gcn_conv(x, edge_index, W1, b1))
    h = jax.nn.relu(_gcn_conv(h, edge_index, W2, b2))
    h = jax.nn.relu(_gcn_conv(h, edge_index, W3, b3))
    # global_mean_pool with batch = zeros -> mean over all nodes
    embedding = jnp.mean(h, axis=0, keepdims=True)
    gf = _global_features(x, T / T_max)
    embedding = jnp.concatenate([embedding, gf], axis=1)
    f = jax.nn.relu(embedding @ Wf1 + bf1)  # dropout is identity in eval
    f = jax.nn.relu(f @ Wf2 + bf2)
    is_logits = f @ Wis + bis
    mc_logits = f @ Wmc + bmc
    return (is_logits, mc_logits)

if __name__ == "__main__":
    import jax
    _d = setup_inputs()
    print(jax.jit(kernel)(*tuple(_d.values())))

</pallas_src>

<mosaic_0001>
#map = affine_map<(d0, d1) -> (0, 0)>
module attributes {stable_mosaic.version = 14 : i64} {
  func.func @prop_k(%arg0: i32, %arg1: i32, %arg2: memref<3328x256xi32, #tpu.memory_space<hbm>>, %arg3: memref<3328x256xi32, #tpu.memory_space<hbm>>, %arg4: memref<50000x16xf32, #tpu.memory_space<hbm>>, %arg5: memref<640x16xf32, #tpu.memory_space<hbm>>, %arg6: memref<51200x16xf32, #tpu.memory_space<hbm>>, %arg7: memref<51200x16xf32, #tpu.memory_space<hbm>>, %arg8: memref<2x8x256xi32, #tpu.memory_space<vmem>>, %arg9: memref<2x8x256xi32, #tpu.memory_space<vmem>>, %arg10: memref<2x256x16xf32, #tpu.memory_space<vmem>>, %arg11: memref<51200x16xf32, #tpu.memory_space<vmem_shared>>, %arg12: memref<50000x16xf32, #tpu.memory_space<vmem_shared>>, %arg13: memref<!tpu.dma_semaphore, #tpu.memory_space<semaphore_mem>>, %arg14: memref<!tpu.dma_semaphore, #tpu.memory_space<semaphore_mem>>) attributes {dimension_semantics = [#tpu.dimension_semantics<core_parallel>, #tpu.dimension_semantics<subcore_parallel>], iteration_bounds = array<i64: 2, 16>, scalar_prefetch = 0 : i64, scratch_operands = 7 : i64, tpu.core_type = #tpu.core_type<sc_vector_subcore>, window_params = [{transform_indices = #map}, {transform_indices = #map}, {transform_indices = #map}, {transform_indices = #map}, {transform_indices = #map}, {transform_indices = #map}]} {
    %lt3A = arith.constant 15 : i32
    %lt3A_0 = arith.cmpi slt, %arg1, %lt3A : i32
    %convert_element_type3A = arith.extui %lt3A_0 : i1 to i32
    %cond3A = arith.constant 0 : i32
    %cond3A_1 = arith.cmpi ne, %convert_element_type3A, %cond3A : i32
    scf.if %cond3A_1 {
      %mul3A_92 = arith.constant 3128 : i32
      %mul3A_93 = arith.muli %arg1, %mul3A_92 : i32
      %mul3A_94 = arith.constant 3128 : i32
      %mul3A_95 = arith.muli %arg1, %mul3A_94 : i32
      "tpu.region"() ({
        %run_scoped3A_96 = tpu.sem_alloc : memref<!tpu.dma_semaphore, #tpu.memory_space<semaphore_mem>>
        %dma_start3A_97 = arith.constant 0 : i32
        %dma_start3A_98 = tpu.memref_slice %arg12[%mul3A_95, %dma_start3A_97] : memref<50000x16xf32, #tpu.memory_space<vmem_shared>> -> memref<3128x16xf32, #tpu.memory_space<vmem_shared>>
        %dma_start3A_99 = arith.constant 0 : i32
        %dma_start3A_100 = tpu.memref_slice %arg4[%mul3A_93, %dma_start3A_99] : memref<50000x16xf32, #tpu.memory_space<hbm>> -> memref<3128x16xf32, #tpu.memory_space<hbm>>
        tpu.enqueue_dma source(%dma_start3A_100 : memref<3128x16xf32, #tpu.memory_space<hbm>>) target(%dma_start3A_98 : memref<3128x16xf32, #tpu.memory_space<vmem_shared>>) target_semaphore(%run_scoped3A_96 : memref<!tpu.dma_semaphore, #tpu.memory_space<semaphore_mem>>)
        %dma_wait3A_101 = arith.constant 0 : i32
        %dma_wait3A_102 = tpu.memref_slice %arg12[%mul3A_95, %dma_wait3A_101] : memref<50000x16xf32, #tpu.memory_space<vmem_shared>> -> memref<3128x16xf32, #tpu.memory_space<vmem_shared>>
        %dma_wait3A_103 = arith.constant 0 : i32
        %dma_wait3A_104 = tpu.memref_slice %arg4[%mul3A_93, %dma_wait3A_103] : memref<50000x16xf32, #tpu.memory_space<hbm>> -> memref<3128x16xf32, #tpu.memory_space<hbm>>
        tpu.wait_dma2 semaphore(%run_scoped3A_96 : memref<!tpu.dma_semaphore, #tpu.memory_space<semaphore_mem>>) src(%dma_wait3A_104 : memref<3128x16xf32, #tpu.memory_space<hbm>>) dst(%dma_wait3A_102 : memref<3128x16xf32, #tpu.memory_space<vmem_shared>>)
        tpu.yield
      }) : () -> ()
    } else {
    }
    %eq3A = arith.constant 15 : i32
    %eq3A_2 = arith.cmpi eq, %arg1, %eq3A : i32
    %convert_element_type3A_3 = arith.extui %eq3A_2 : i1 to i32
    %cond3A_4 = arith.constant 0 : i32
    %cond3A_5 = arith.cmpi ne, %convert_element_type3A_3, %cond3A_4 : i32
    scf.if %cond3A_5 {
      "tpu.region"() ({
        %run_scoped3A_92 = tpu.sem_alloc : memref<!tpu.dma_semaphore, #tpu.memory_space<semaphore_mem>>
        %dma_start3A_93 = arith.constant 46920 : i32
        %dma_start3A_94 = arith.constant 0 : i32
        %dma_start3A_95 = tpu.memref_slice %arg12[%dma_start3A_93, %dma_start3A_94] : memref<50000x16xf32, #tpu.memory_space<vmem_shared>> -> memref<3080x16xf32, #tpu.memory_space<vmem_shared>>
        %dma_start3A_96 = arith.constant 46920 : i32
        %dma_start3A_97 = arith.constant 0 : i32
        %dma_start3A_98 = tpu.memref_slice %arg4[%dma_start3A_96, %dma_start3A_97] : memref<50000x16xf32, #tpu.memory_space<hbm>> -> memref<3080x16xf32, #tpu.memory_space<hbm>>
        tpu.enqueue_dma source(%dma_start3A_98 : memref<3080x16xf32, #tpu.memory_space<hbm>>) target(%dma_start3A_95 : memref<3080x16xf32, #tpu.memory_space<vmem_shared>>) target_semaphore(%run_scoped3A_92 : memref<!tpu.dma_semaphore, #tpu.memory_space<semaphore_mem>>)
        %dma_wait3A_99 = arith.constant 46920 : i32
        %dma_wait3A_100 = arith.constant 0 : i32
        %dma_wait3A_101 = tpu.memref_slice %arg12[%dma_wait3A_99, %dma_wait3A_100] : memref<50000x16xf32, #tpu.memory_space<vmem_shared>> -> memref<3080x16xf32, #tpu.memory_space<vmem_shared>>
        %dma_wait3A_102 = arith.constant 46920 : i32
        %dma_wait3A_103 = arith.constant 0 : i32
        %dma_wait3A_104 = tpu.memref_slice %arg4[%dma_wait3A_102, %dma_wait3A_103] : memref<50000x16xf32, #tpu.memory_space<hbm>> -> memref<3080x16xf32, #tpu.memory_space<hbm>>
        tpu.wait_dma2 semaphore(%run_scoped3A_92 : memref<!tpu.dma_semaphore, #tpu.memory_space<semaphore_mem>>) src(%dma_wait3A_104 : memref<3080x16xf32, #tpu.memory_space<hbm>>) dst(%dma_wait3A_101 : memref<3080x16xf32, #tpu.memory_space<vmem_shared>>)
        tpu.yield
      }) : () -> ()
    } else {
    }
    %eq3A_6 = arith.constant 0 : i32
    %eq3A_7 = arith.cmpi eq, %arg0, %eq3A_6 : i32
    %convert_element_type3A_8 = arith.extui %eq3A_7 : i1 to i32
    %cond3A_9 = arith.constant 0 : i32
    %cond3A_10 = arith.cmpi ne, %convert_element_type3A_8, %cond3A_9 : i32
    scf.if %cond3A_10 {
      %lt3A_92 = arith.constant 15 : i32
      %lt3A_93 = arith.cmpi slt, %arg1, %lt3A_92 : i32
      %convert_element_type3A_94 = arith.extui %lt3A_93 : i1 to i32
      %cond3A_95 = arith.constant 0 : i32
      %cond3A_96 = arith.cmpi ne, %convert_element_type3A_94, %cond3A_95 : i32
      scf.if %cond3A_96 {
        %mul3A_102 = arith.constant 3200 : i32
        %mul3A_103 = arith.muli %arg1, %mul3A_102 : i32
        %mul3A_104 = arith.constant 3200 : i32
        %mul3A_105 = arith.muli %arg1, %mul3A_104 : i32
        "tpu.region"() ({
          %run_scoped3A_106 = tpu.sem_alloc : memref<!tpu.dma_semaphore, #tpu.memory_space<semaphore_mem>>
          %dma_start3A_107 = arith.constant 0 : i32
          %dma_start3A_108 = tpu.memref_slice %arg11[%mul3A_105, %dma_start3A_107] : memref<51200x16xf32, #tpu.memory_space<vmem_shared>> -> memref<3200x16xf32, #tpu.memory_space<vmem_shared>>
          %dma_start3A_109 = arith.constant 0 : i32
          %dma_start3A_110 = tpu.memref_slice %arg4[%mul3A_103, %dma_start3A_109] : memref<50000x16xf32, #tpu.memory_space<hbm>> -> memref<3200x16xf32, #tpu.memory_space<hbm>>
          tpu.enqueue_dma source(%dma_start3A_110 : memref<3200x16xf32, #tpu.memory_space<hbm>>) target(%dma_start3A_108 : memref<3200x16xf32, #tpu.memory_space<vmem_shared>>) target_semaphore(%run_scoped3A_106 : memref<!tpu.dma_semaphore, #tpu.memory_space<semaphore_mem>>)
          %dma_wait3A_111 = arith.constant 0 : i32
          %dma_wait3A_112 = tpu.memref_slice %arg11[%mul3A_105, %dma_wait3A_111] : memref<51200x16xf32, #tpu.memory_space<vmem_shared>> -> memref<3200x16xf32, #tpu.memory_space<vmem_shared>>
          %dma_wait3A_113 = arith.constant 0 : i32
          %dma_wait3A_114 = tpu.memref_slice %arg4[%mul3A_103, %dma_wait3A_113] : memref<50000x16xf32, #tpu.memory_space<hbm>> -> memref<3200x16xf32, #tpu.memory_space<hbm>>
          tpu.wait_dma2 semaphore(%run_scoped3A_106 : memref<!tpu.dma_semaphore, #tpu.memory_space<semaphore_mem>>) src(%dma_wait3A_114 : memref<3200x16xf32, #tpu.memory_space<hbm>>) dst(%dma_wait3A_112 : memref<3200x16xf32, #tpu.memory_space<vmem_shared>>)
          tpu.yield
        }) : () -> ()
      } else {
      }
      %eq3A_97 = arith.constant 15 : i32
      %eq3A_98 = arith.cmpi eq, %arg1, %eq3A_97 : i32
      %convert_element_type3A_99 = arith.extui %eq3A_98 : i1 to i32
      %cond3A_100 = arith.constant 0 : i32
      %cond3A_101 = arith.cmpi ne, %convert_element_type3A_99, %cond3A_100 : i32
      scf.if %cond3A_101 {
        "tpu.region"() ({
          %run_scoped3A_108 = tpu.sem_alloc : memref<!tpu.dma_semaphore, #tpu.memory_space<semaphore_mem>>
          %dma_start3A_109 = arith.constant 48000 : i32
          %dma_start3A_110 = arith.constant 0 : i32
          %dma_start3A_111 = tpu.memref_slice %arg11[%dma_start3A_109, %dma_start3A_110] : memref<51200x16xf32, #tpu.memory_space<vmem_shared>> -> memref<2000x16xf32, #tpu.memory_space<vmem_shared>>
          %dma_start3A_112 = arith.constant 48000 : i32
          %dma_start3A_113 = arith.constant 0 : i32
          %dma_start3A_114 = tpu.memref_slice %arg4[%dma_start3A_112, %dma_start3A_113] : memref<50000x16xf32, #tpu.memory_space<hbm>> -> memref<2000x16xf32, #tpu.memory_space<hbm>>
          tpu.enqueue_dma source(%dma_start3A_114 : memref<2000x16xf32, #tpu.memory_space<hbm>>) target(%dma_start3A_111 : memref<2000x16xf32, #tpu.memory_space<vmem_shared>>) target_semaphore(%run_scoped3A_108 : memref<!tpu.dma_semaphore, #tpu.memory_space<semaphore_mem>>)
          %dma_wait3A_115 = arith.constant 48000 : i32
          %dma_wait3A_116 = arith.constant 0 : i32
          %dma_wait3A_117 = tpu.memref_slice %arg11[%dma_wait3A_115, %dma_wait3A_116] : memref<51200x16xf32, #tpu.memory_space<vmem_shared>> -> memref<2000x16xf32, #tpu.memory_space<vmem_shared>>
          %dma_wait3A_118 = arith.constant 48000 : i32
          %dma_wait3A_119 = arith.constant 0 : i32
          %dma_wait3A_120 = tpu.memref_slice %arg4[%dma_wait3A_118, %dma_wait3A_119] : memref<50000x16xf32, #tpu.memory_space<hbm>> -> memref<2000x16xf32, #tpu.memory_space<hbm>>
          tpu.wait_dma2 semaphore(%run_scoped3A_108 : memref<!tpu.dma_semaphore, #tpu.memory_space<semaphore_mem>>) src(%dma_wait3A_120 : memref<2000x16xf32, #tpu.memory_space<hbm>>) dst(%dma_wait3A_117 : memref<2000x16xf32, #tpu.memory_space<vmem_shared>>)
          tpu.yield
        }) : () -> ()
        %scan3A_102 = arith.constant 0 : i32
        %scan3A_103 = arith.constant 0 : i32
        %scan3A_104 = arith.constant 3 : i32
        %scan3A_105 = arith.addi %scan3A_103, %scan3A_104 : i32
        %scan3A_106 = arith.constant 1 : i32
        scf.for %scan3A_108 = %scan3A_103 to %scan3A_105 step %scan3A_106  : i32 {
          %mul3A_109 = arith.constant 320 : i32
          %mul3A_110 = arith.muli %scan3A_108, %mul3A_109 : i32
          %add3A_111 = arith.constant 50000 : i32
          %add3A_112 = arith.addi %add3A_111, %mul3A_110 : i32
          "tpu.region"() ({
            %run_scoped3A_113 = tpu.sem_alloc : memref<!tpu.dma_semaphore, #tpu.memory_space<semaphore_mem>>
            %dma_start3A_114 = arith.constant 0 : i32
            %dma_start3A_115 = tpu.memref_slice %arg11[%add3A_112, %dma_start3A_114] : memref<51200x16xf32, #tpu.memory_space<vmem_shared>> -> memref<320x16xf32, #tpu.memory_space<vmem_shared>>
            %dma_start3A_116 = arith.constant 0 : i32
            %dma_start3A_117 = arith.constant 0 : i32
            %dma_start3A_118 = tpu.memref_slice %arg5[%dma_start3A_116, %dma_start3A_117] : memref<640x16xf32, #tpu.memory_space<hbm>> -> memref<320x16xf32, #tpu.memory_space<hbm>>
            tpu.enqueue_dma source(%dma_start3A_118 : memref<320x16xf32, #tpu.memory_space<hbm>>) target(%dma_start3A_115 : memref<320x16xf32, #tpu.memory_space<vmem_shared>>) target_semaphore(%run_scoped3A_113 : memref<!tpu.dma_semaphore, #tpu.memory_space<semaphore_mem>>)
            %dma_wait3A_119 = arith.constant 0 : i32
            %dma_wait3A_120 = tpu.memref_slice %arg11[%add3A_112, %dma_wait3A_119] : memref<51200x16xf32, #tpu.memory_space<vmem_shared>> -> memref<320x16xf32, #tpu.memory_space<vmem_shared>>
            %dma_wait3A_121 = arith.constant 0 : i32
            %dma_wait3A_122 = arith.constant 0 : i32
            %dma_wait3A_123 = tpu.memref_slice %arg5[%dma_wait3A_121, %dma_wait3A_122] : memref<640x16xf32, #tpu.memory_space<hbm>> -> memref<320x16xf32, #tpu.memory_space<hbm>>
            tpu.wait_dma2 semaphore(%run_scoped3A_113 : memref<!tpu.dma_semaphore, #tpu.memory_space<semaphore_mem>>) src(%dma_wait3A_123 : memref<320x16xf32, #tpu.memory_space<hbm>>) dst(%dma_wait3A_120 : memref<320x16xf32, #tpu.memory_space<vmem_shared>>)
            tpu.yield
          }) : () -> ()
        }
        %scan3A_107 = arith.constant 3 : i32
      } else {
      }
    } else {
    }
    %eq3A_11 = arith.constant 1 : i32
    %eq3A_12 = arith.cmpi eq, %arg0, %eq3A_11 : i32
    %convert_element_type3A_13 = arith.extui %eq3A_12 : i1 to i32
    %cond3A_14 = arith.constant 0 : i32
    %cond3A_15 = arith.cmpi ne, %convert_element_type3A_13, %cond3A_14 : i32
    scf.if %cond3A_15 {
      %scan3A_92 = arith.constant 0 : i32
      %scan3A_93 = arith.constant 0 : i32
      %scan3A_94 = arith.constant 5 : i32
      %scan3A_95 = arith.addi %scan3A_93, %scan3A_94 : i32
      %scan3A_96 = arith.constant 1 : i32
      scf.for %scan3A_98 = %scan3A_93 to %scan3A_95 step %scan3A_96  : i32 {
        %mul3A_99 = arith.constant 3200 : i32
        %mul3A_100 = arith.muli %arg1, %mul3A_99 : i32
        %mul3A_101 = arith.constant 640 : i32
        %mul3A_102 = arith.muli %scan3A_98, %mul3A_101 : i32
        %add3A_103 = arith.addi %mul3A_100, %mul3A_102 : i32
        "tpu.region"() ({
          %run_scoped3A_104 = tpu.sem_alloc : memref<!tpu.dma_semaphore, #tpu.memory_space<semaphore_mem>>
          %dma_start3A_105 = arith.constant 0 : i32
          %dma_start3A_106 = tpu.memref_slice %arg11[%add3A_103, %dma_start3A_105] : memref<51200x16xf32, #tpu.memory_space<vmem_shared>> -> memref<640x16xf32, #tpu.memory_space<vmem_shared>>
          tpu.enqueue_dma source(%arg5 : memref<640x16xf32, #tpu.memory_space<hbm>>) target(%dma_start3A_106 : memref<640x16xf32, #tpu.memory_space<vmem_shared>>) target_semaphore(%run_scoped3A_104 : memref<!tpu.dma_semaphore, #tpu.memory_space<semaphore_mem>>)
          %dma_wait3A_107 = arith.constant 0 : i32
          %dma_wait3A_108 = tpu.memref_slice %arg11[%add3A_103, %dma_wait3A_107] : memref<51200x16xf32, #tpu.memory_space<vmem_shared>> -> memref<640x16xf32, #tpu.memory_space<vmem_shared>>
          tpu.wait_dma2 semaphore(%run_scoped3A_104 : memref<!tpu.dma_semaphore, #tpu.memory_space<semaphore_mem>>) src(%arg5 : memref<640x16xf32, #tpu.memory_space<hbm>>) dst(%dma_wait3A_108 : memref<640x16xf32, #tpu.memory_space<vmem_shared>>)
          tpu.yield
        }) : () -> ()
      }
      %scan3A_97 = arith.constant 5 : i32
    } else {
    }
    %barrier3A = arith.constant 0 : index
    tpu.barrier barrier_id(%barrier3A)
    %mul3A = arith.constant 16 : i32
    %mul3A_16 = arith.muli %arg0, %mul3A : i32
    %add3A = arith.addi %mul3A_16, %arg1 : i32
    %mul3A_17 = arith.constant 104 : i32
    %mul3A_18 = arith.muli %add3A, %mul3A_17 : i32
    %run_scoped3A = arith.constant 0 : i32
    "tpu.region"() ({
      %run_scoped3A_92 = tpu.sem_alloc : memref<!tpu.dma_semaphore, #tpu.memory_space<semaphore_mem>>
      %dma_start3A_93 = arith.constant 0 : i32
      %dma_start3A_94 = arith.constant 0 : i32
      %dma_start3A_95 = tpu.memref_slice %arg8[%run_scoped3A, %dma_start3A_93, %dma_start3A_94] : memref<2x8x256xi32, #tpu.memory_space<vmem>> -> memref<1x8x256xi32, #tpu.memory_space<vmem>>
      %dma_start3A_96 = tpu.memref_squeeze %dma_start3A_95 : memref<1x8x256xi32, #tpu.memory_space<vmem>> -> memref<8x256xi32, #tpu.memory_space<vmem>>
      %dma_start3A_97 = arith.constant 0 : i32
      %dma_start3A_98 = tpu.memref_slice %arg2[%mul3A_18, %dma_start3A_97] : memref<3328x256xi32, #tpu.memory_space<hbm>> -> memref<8x256xi32, #tpu.memory_space<hbm>>
      %dma_start3A_99 = arith.constant 0 : i32
      %dma_start3A_100 = arith.constant 0 : i32
      %dma_start3A_101 = tpu.memref_slice %arg8[%run_scoped3A, %dma_start3A_99, %dma_start3A_100] : memref<2x8x256xi32, #tpu.memory_space<vmem>> -> memref<1x8x256xi32, #tpu.memory_space<vmem>>
      %dma_start3A_102 = tpu.memref_squeeze %dma_start3A_101 : memref<1x8x256xi32, #tpu.memory_space<vmem>> -> memref<8x256xi32, #tpu.memory_space<vmem>>
      %dma_start3A_103 = arith.constant 0 : i32
      %dma_start3A_104 = tpu.memref_slice %arg2[%mul3A_18, %dma_start3A_103] : memref<3328x256xi32, #tpu.memory_space<hbm>> -> memref<8x256xi32, #tpu.memory_space<hbm>>
      tpu.enqueue_dma source(%dma_start3A_104 : memref<8x256xi32, #tpu.memory_space<hbm>>) target(%dma_start3A_102 : memref<8x256xi32, #tpu.memory_space<vmem>>) target_semaphore(%run_scoped3A_92 : memref<!tpu.dma_semaphore, #tpu.memory_space<semaphore_mem>>)
      %dma_wait3A_105 = arith.constant 0 : i32
      %dma_wait3A_106 = arith.constant 0 : i32
      %dma_wait3A_107 = tpu.memref_slice %arg8[%run_scoped3A, %dma_wait3A_105, %dma_wait3A_106] : memref<2x8x256xi32, #tpu.memory_space<vmem>> -> memref<1x8x256xi32, #tpu.memory_space<vmem>>
      %dma_wait3A_108 = tpu.memref_squeeze %dma_wait3A_107 : memref<1x8x256xi32, #tpu.memory_space<vmem>> -> memref<8x256xi32, #tpu.memory_space<vmem>>
      %dma_wait3A_109 = arith.constant 0 : i32
      %dma_wait3A_110 = tpu.memref_slice %arg2[%mul3A_18, %dma_wait3A_109] : memref<3328x256xi32, #tpu.memory_space<hbm>> -> memref<8x256xi32, #tpu.memory_space<hbm>>
      %dma_wait3A_111 = arith.constant 0 : i32
      %dma_wait3A_112 = arith.constant 0 : i32
      %dma_wait3A_113 = tpu.memref_slice %arg8[%run_scoped3A, %dma_wait3A_111, %dma_wait3A_112] : memref<2x8x256xi32, #tpu.memory_space<vmem>> -> memref<1x8x256xi32, #tpu.memory_space<vmem>>
      %dma_wait3A_114 = tpu.memref_squeeze %dma_wait3A_113 : memref<1x8x256xi32, #tpu.memory_space<vmem>> -> memref<8x256xi32, #tpu.memory_space<vmem>>
      %dma_wait3A_115 = arith.constant 0 : i32
      %dma_wait3A_116 = tpu.memref_slice %arg2[%mul3A_18, %dma_wait3A_115] : memref<3328x256xi32, #tpu.memory_space<hbm>> -> memref<8x256xi32, #tpu.memory_space<hbm>>
      tpu.wait_dma2 semaphore(%run_scoped3A_92 : memref<!tpu.dma_semaphore, #tpu.memory_space<semaphore_mem>>) src(%dma_wait3A_116 : memref<8x256xi32, #tpu.memory_space<hbm>>) dst(%dma_wait3A_114 : memref<8x256xi32, #tpu.memory_space<vmem>>)
      tpu.yield
    }) : () -> ()
    %run_scoped3A_19 = arith.constant 0 : i32
    "tpu.region"() ({
      %run_scoped3A_92 = tpu.sem_alloc : memref<!tpu.dma_semaphore, #tpu.memory_space<semaphore_mem>>
      %dma_start3A_93 = arith.constant 0 : i32
      %dma_start3A_94 = arith.constant 0 : i32
      %dma_start3A_95 = tpu.memref_slice %arg9[%run_scoped3A_19, %dma_start3A_93, %dma_start3A_94] : memref<2x8x256xi32, #tpu.memory_space<vmem>> -> memref<1x8x256xi32, #tpu.memory_space<vmem>>
      %dma_start3A_96 = tpu.memref_squeeze %dma_start3A_95 : memref<1x8x256xi32, #tpu.memory_space<vmem>> -> memref<8x256xi32, #tpu.memory_space<vmem>>
      %dma_start3A_97 = arith.constant 0 : i32
      %dma_start3A_98 = tpu.memref_slice %arg3[%mul3A_18, %dma_start3A_97] : memref<3328x256xi32, #tpu.memory_space<hbm>> -> memref<8x256xi32, #tpu.memory_space<hbm>>
      %dma_start3A_99 = arith.constant 0 : i32
      %dma_start3A_100 = arith.constant 0 : i32
      %dma_start3A_101 = tpu.memref_slice %arg9[%run_scoped3A_19, %dma_start3A_99, %dma_start3A_100] : memref<2x8x256xi32, #tpu.memory_space<vmem>> -> memref<1x8x256xi32, #tpu.memory_space<vmem>>
      %dma_start3A_102 = tpu.memref_squeeze %dma_start3A_101 : memref<1x8x256xi32, #tpu.memory_space<vmem>> -> memref<8x256xi32, #tpu.memory_space<vmem>>
      %dma_start3A_103 = arith.constant 0 : i32
      %dma_start3A_104 = tpu.memref_slice %arg3[%mul3A_18, %dma_start3A_103] : memref<3328x256xi32, #tpu.memory_space<hbm>> -> memref<8x256xi32, #tpu.memory_space<hbm>>
      tpu.enqueue_dma source(%dma_start3A_104 : memref<8x256xi32, #tpu.memory_space<hbm>>) target(%dma_start3A_102 : memref<8x256xi32, #tpu.memory_space<vmem>>) target_semaphore(%run_scoped3A_92 : memref<!tpu.dma_semaphore, #tpu.memory_space<semaphore_mem>>)
      %dma_wait3A_105 = arith.constant 0 : i32
      %dma_wait3A_106 = arith.constant 0 : i32
      %dma_wait3A_107 = tpu.memref_slice %arg9[%run_scoped3A_19, %dma_wait3A_105, %dma_wait3A_106] : memref<2x8x256xi32, #tpu.memory_space<vmem>> -> memref<1x8x256xi32, #tpu.memory_space<vmem>>
      %dma_wait3A_108 = tpu.memref_squeeze %dma_wait3A_107 : memref<1x8x256xi32, #tpu.memory_space<vmem>> -> memref<8x256xi32, #tpu.memory_space<vmem>>
      %dma_wait3A_109 = arith.constant 0 : i32
      %dma_wait3A_110 = tpu.memref_slice %arg3[%mul3A_18, %dma_wait3A_109] : memref<3328x256xi32, #tpu.memory_space<hbm>> -> memref<8x256xi32, #tpu.memory_space<hbm>>
      %dma_wait3A_111 = arith.constant 0 : i32
      %dma_wait3A_112 = arith.constant 0 : i32
      %dma_wait3A_113 = tpu.memref_slice %arg9[%run_scoped3A_19, %dma_wait3A_111, %dma_wait3A_112] : memref<2x8x256xi32, #tpu.memory_space<vmem>> -> memref<1x8x256xi32, #tpu.memory_space<vmem>>
      %dma_wait3A_114 = tpu.memref_squeeze %dma_wait3A_113 : memref<1x8x256xi32, #tpu.memory_space<vmem>> -> memref<8x256xi32, #tpu.memory_space<vmem>>
      %dma_wait3A_115 = arith.constant 0 : i32
      %dma_wait3A_116 = tpu.memref_slice %arg3[%mul3A_18, %dma_wait3A_115] : memref<3328x256xi32, #tpu.memory_space<hbm>> -> memref<8x256xi32, #tpu.memory_space<hbm>>
      tpu.wait_dma2 semaphore(%run_scoped3A_92 : memref<!tpu.dma_semaphore, #tpu.memory_space<semaphore_mem>>) src(%dma_wait3A_116 : memref<8x256xi32, #tpu.memory_space<hbm>>) dst(%dma_wait3A_114 : memref<8x256xi32, #tpu.memory_space<vmem>>)
      tpu.yield
    }) : () -> ()
    %dma_start3A = arith.constant 0 : i32
    %dma_start3A_20 = arith.constant 0 : i32
    %dma_start3A_21 = arith.constant 0 : i32
    %dma_start3A_22 = arith.constant 0 : i32
    %dma_start3A_23 = arith.constant 0 : i32
    %dma_start3A_24 = tpu.memref_slice %arg10[%dma_start3A_21, %dma_start3A_22, %dma_start3A_23] : memref<2x256x16xf32, #tpu.memory_space<vmem>> -> memref<1x256x16xf32, #tpu.memory_space<vmem>>
    %dma_start3A_25 = tpu.memref_squeeze %dma_start3A_24 : memref<1x256x16xf32, #tpu.memory_space<vmem>> -> memref<256x16xf32, #tpu.memory_space<vmem>>
    %dma_start3A_26 = arith.constant 0 : i32
    %dma_start3A_27 = tpu.memref_slice %arg8[%dma_start3A, %dma_start3A_20, %dma_start3A_26] : memref<2x8x256xi32, #tpu.memory_space<vmem>> -> memref<1x1x256xi32, #tpu.memory_space<vmem>>
    %dma_start3A_28 = tpu.memref_squeeze %dma_start3A_27 : memref<1x1x256xi32, #tpu.memory_space<vmem>> -> memref<256xi32, #tpu.memory_space<vmem>>
    %dma_start3A_29 = arith.constant 0 : i32
    %dma_start3A_30 = arith.constant 0 : i32
    %dma_start3A_31 = tpu.memref_slice %arg12[%dma_start3A_29, %dma_start3A_30] : memref<50000x16xf32, #tpu.memory_space<vmem_shared>> -> memref<50000x16xf32, #tpu.memory_space<vmem_shared>>
    tpu.enqueue_indirect_dma source(%dma_start3A_31 : memref<50000x16xf32, #tpu.memory_space<vmem_shared>>) target(%dma_start3A_25 : memref<256x16xf32, #tpu.memory_space<vmem>>) offsets(%dma_start3A_28 : memref<256xi32, #tpu.memory_space<vmem>>) semaphore(%arg13 : memref<!tpu.dma_semaphore, #tpu.memory_space<semaphore_mem>>)
    %dma_start3A_32 = arith.constant 1 : i32
    %dma_start3A_33 = arith.constant 0 : i32
    %dma_start3A_34 = arith.constant 0 : i32
    %dma_start3A_35 = tpu.memref_slice %arg10[%dma_start3A_32, %dma_start3A_33, %dma_start3A_34] : memref<2x256x16xf32, #tpu.memory_space<vmem>> -> memref<1x256x16xf32, #tpu.memory_space<vmem>>
    %dma_start3A_36 = tpu.memref_squeeze %dma_start3A_35 : memref<1x256x16xf32, #tpu.memory_space<vmem>> -> memref<256x16xf32, #tpu.memory_space<vmem>>
    %dma_start3A_37 = arith.constant 0 : i32
    %dma_start3A_38 = arith.constant 0 : i32
    %dma_start3A_39 = tpu.memref_slice %arg5[%dma_start3A_37, %dma_start3A_38] : memref<640x16xf32, #tpu.memory_space<hbm>> -> memref<256x16xf32, #tpu.memory_space<hbm>>
    %dma_start3A_40 = arith.constant 0 : i32
    %dma_start3A_41 = arith.constant 0 : i32
    %dma_start3A_42 = tpu.memref_slice %arg10[%dma_start3A_32, %dma_start3A_40, %dma_start3A_41] : memref<2x256x16xf32, #tpu.memory_space<vmem>> -> memref<1x256x16xf32, #tpu.memory_space<vmem>>
    %dma_start3A_43 = tpu.memref_squeeze %dma_start3A_42 : memref<1x256x16xf32, #tpu.memory_space<vmem>> -> memref<256x16xf32, #tpu.memory_space<vmem>>
    %dma_start3A_44 = arith.constant 0 : i32
    %dma_start3A_45 = arith.constant 0 : i32
    %dma_start3A_46 = tpu.memref_slice %arg5[%dma_start3A_44, %dma_start3A_45] : memref<640x16xf32, #tpu.memory_space<hbm>> -> memref<256x16xf32, #tpu.memory_space<hbm>>
    tpu.enqueue_dma source(%dma_start3A_46 : memref<256x16xf32, #tpu.memory_space<hbm>>) target(%dma_start3A_43 : memref<256x16xf32, #tpu.memory_space<vmem>>) target_semaphore(%arg14 : memref<!tpu.dma_semaphore, #tpu.memory_space<semaphore_mem>>)
    %scan3A = arith.constant 0 : i32
    %scan3A_47 = arith.constant 0 : i32
    %scan3A_48 = arith.constant 13 : i32
    %scan3A_49 = arith.addi %scan3A_47, %scan3A_48 : i32
    %scan3A_50 = arith.constant 1 : i32
    scf.for %scan3A_92 = %scan3A_47 to %scan3A_49 step %scan3A_50  : i32 {
      %rem3A = arith.constant 2 : i32
      %rem3A_93 = arith.remsi %scan3A_92, %rem3A : i32
      %add3A_94 = arith.constant 1 : i32
      %add3A_95 = arith.addi %scan3A_92, %add3A_94 : i32
      %rem3A_96 = arith.constant 2 : i32
      %rem3A_97 = arith.remsi %add3A_95, %rem3A_96 : i32
      %dma_wait3A_98 = arith.constant 0 : i32
      %dma_wait3A_99 = arith.constant 0 : i32
      %dma_wait3A_100 = arith.constant 0 : i32
      %dma_wait3A_101 = tpu.memref_slice %arg10[%dma_wait3A_98, %dma_wait3A_99, %dma_wait3A_100] : memref<2x256x16xf32, #tpu.memory_space<vmem>> -> memref<1x256x16xf32, #tpu.memory_space<vmem>>
      %dma_wait3A_102 = tpu.memref_squeeze %dma_wait3A_101 : memref<1x256x16xf32, #tpu.memory_space<vmem>> -> memref<256x16xf32, #tpu.memory_space<vmem>>
      %dma_wait3A_103 = arith.constant 0 : i32
      %dma_wait3A_104 = arith.constant 0 : i32
      %dma_wait3A_105 = tpu.memref_slice %arg5[%dma_wait3A_103, %dma_wait3A_104] : memref<640x16xf32, #tpu.memory_space<hbm>> -> memref<256x16xf32, #tpu.memory_space<hbm>>
      %dma_wait3A_106 = arith.constant 0 : i32
      %dma_wait3A_107 = arith.constant 0 : i32
      %dma_wait3A_108 = tpu.memref_slice %arg10[%dma_wait3A_98, %dma_wait3A_106, %dma_wait3A_107] : memref<2x256x16xf32, #tpu.memory_space<vmem>> -> memref<1x256x16xf32, #tpu.memory_space<vmem>>
      %dma_wait3A_109 = tpu.memref_squeeze %dma_wait3A_108 : memref<1x256x16xf32, #tpu.memory_space<vmem>> -> memref<256x16xf32, #tpu.memory_space<vmem>>
      %dma_wait3A_110 = arith.constant 0 : i32
      %dma_wait3A_111 = arith.constant 0 : i32
      %dma_wait3A_112 = tpu.memref_slice %arg5[%dma_wait3A_110, %dma_wait3A_111] : memref<640x16xf32, #tpu.memory_space<hbm>> -> memref<256x16xf32, #tpu.memory_space<hbm>>
      tpu.wait_dma2 semaphore(%arg13 : memref<!tpu.dma_semaphore, #tpu.memory_space<semaphore_mem>>) src(%dma_wait3A_112 : memref<256x16xf32, #tpu.memory_space<hbm>>) dst(%dma_wait3A_109 : memref<256x16xf32, #tpu.memory_space<vmem>>)
      %dma_wait3A_113 = arith.constant 1 : i32
      %dma_wait3A_114 = arith.constant 0 : i32
      %dma_wait3A_115 = arith.constant 0 : i32
      %dma_wait3A_116 = tpu.memref_slice %arg10[%dma_wait3A_113, %dma_wait3A_114, %dma_wait3A_115] : memref<2x256x16xf32, #tpu.memory_space<vmem>> -> memref<1x256x16xf32, #tpu.memory_space<vmem>>
      %dma_wait3A_117 = tpu.memref_squeeze %dma_wait3A_116 : memref<1x256x16xf32, #tpu.memory_space<vmem>> -> memref<256x16xf32, #tpu.memory_space<vmem>>
      %dma_wait3A_118 = arith.constant 0 : i32
      %dma_wait3A_119 = arith.constant 0 : i32
      %dma_wait3A_120 = tpu.memref_slice %arg5[%dma_wait3A_118, %dma_wait3A_119] : memref<640x16xf32, #tpu.memory_space<hbm>> -> memref<256x16xf32, #tpu.memory_space<hbm>>
      %dma_wait3A_121 = arith.constant 0 : i32
      %dma_wait3A_122 = arith.constant 0 : i32
      %dma_wait3A_123 = tpu.memref_slice %arg10[%dma_wait3A_113, %dma_wait3A_121, %dma_wait3A_122] : memref<2x256x16xf32, #tpu.memory_space<vmem>> -> memref<1x256x16xf32, #tpu.memory_space<vmem>>
      %dma_wait3A_124 = tpu.memref_squeeze %dma_wait3A_123 : memref<1x256x16xf32, #tpu.memory_space<vmem>> -> memref<256x16xf32, #tpu.memory_space<vmem>>
      %dma_wait3A_125 = arith.constant 0 : i32
      %dma_wait3A_126 = arith.constant 0 : i32
      %dma_wait3A_127 = tpu.memref_slice %arg5[%dma_wait3A_125, %dma_wait3A_126] : memref<640x16xf32, #tpu.memory_space<hbm>> -> memref<256x16xf32, #tpu.memory_space<hbm>>
      tpu.wait_dma2 semaphore(%arg14 : memref<!tpu.dma_semaphore, #tpu.memory_space<semaphore_mem>>) src(%dma_wait3A_127 : memref<256x16xf32, #tpu.memory_space<hbm>>) dst(%dma_wait3A_124 : memref<256x16xf32, #tpu.memory_space<vmem>>)
      %add3A_128 = arith.constant 1 : i32
      %add3A_129 = arith.addi %scan3A_92, %add3A_128 : i32
      %min3A = arith.constant 12 : i32
      %min3A_130 = arith.minsi %add3A_129, %min3A : i32
      %mul3A_131 = arith.constant 8 : i32
      %mul3A_132 = arith.muli %min3A_130, %mul3A_131 : i32
      %add3A_133 = arith.addi %mul3A_18, %mul3A_132 : i32
      "tpu.region"() ({
        %run_scoped3A_536 = tpu.sem_alloc : memref<!tpu.dma_semaphore, #tpu.memory_space<semaphore_mem>>
        %dma_start3A_537 = arith.constant 0 : i32
        %dma_start3A_538 = arith.constant 0 : i32
        %dma_start3A_539 = tpu.memref_slice %arg8[%rem3A_97, %dma_start3A_537, %dma_start3A_538] : memref<2x8x256xi32, #tpu.memory_space<vmem>> -> memref<1x8x256xi32, #tpu.memory_space<vmem>>
        %dma_start3A_540 = tpu.memref_squeeze %dma_start3A_539 : memref<1x8x256xi32, #tpu.memory_space<vmem>> -> memref<8x256xi32, #tpu.memory_space<vmem>>
        %dma_start3A_541 = arith.constant 0 : i32
        %dma_start3A_542 = tpu.memref_slice %arg2[%add3A_133, %dma_start3A_541] : memref<3328x256xi32, #tpu.memory_space<hbm>> -> memref<8x256xi32, #tpu.memory_space<hbm>>
        %dma_start3A_543 = arith.constant 0 : i32
        %dma_start3A_544 = arith.constant 0 : i32
        %dma_start3A_545 = tpu.memref_slice %arg8[%rem3A_97, %dma_start3A_543, %dma_start3A_544] : memref<2x8x256xi32, #tpu.memory_space<vmem>> -> memref<1x8x256xi32, #tpu.memory_space<vmem>>
        %dma_start3A_546 = tpu.memref_squeeze %dma_start3A_545 : memref<1x8x256xi32, #tpu.memory_space<vmem>> -> memref<8x256xi32, #tpu.memory_space<vmem>>
        %dma_start3A_547 = arith.constant 0 : i32
        %dma_start3A_548 = tpu.memref_slice %arg2[%add3A_133, %dma_start3A_547] : memref<3328x256xi32, #tpu.memory_space<hbm>> -> memref<8x256xi32, #tpu.memory_space<hbm>>
        tpu.enqueue_dma source(%dma_start3A_548 : memref<8x256xi32, #tpu.memory_space<hbm>>) target(%dma_start3A_546 : memref<8x256xi32, #tpu.memory_space<vmem>>) target_semaphore(%run_scoped3A_536 : memref<!tpu.dma_semaphore, #tpu.memory_space<semaphore_mem>>)
        %dma_wait3A_549 = arith.constant 0 : i32
        %dma_wait3A_550 = arith.constant 0 : i32
        %dma_wait3A_551 = tpu.memref_slice %arg8[%rem3A_97, %dma_wait3A_549, %dma_wait3A_550] : memref<2x8x256xi32, #tpu.memory_space<vmem>> -> memref<1x8x256xi32, #tpu.memory_space<vmem>>
        %dma_wait3A_552 = tpu.memref_squeeze %dma_wait3A_551 : memref<1x8x256xi32, #tpu.memory_space<vmem>> -> memref<8x256xi32, #tpu.memory_space<vmem>>
        %dma_wait3A_553 = arith.constant 0 : i32
        %dma_wait3A_554 = tpu.memref_slice %arg2[%add3A_133, %dma_wait3A_553] : memref<3328x256xi32, #tpu.memory_space<hbm>> -> memref<8x256xi32, #tpu.memory_space<hbm>>
        %dma_wait3A_555 = arith.constant 0 : i32
        %dma_wait3A_556 = arith.constant 0 : i32
        %dma_wait3A_557 = tpu.memref_slice %arg8[%rem3A_97, %dma_wait3A_555, %dma_wait3A_556] : memref<2x8x256xi32, #tpu.memory_space<vmem>> -> memref<1x8x256xi32, #tpu.memory_space<vmem>>
        %dma_wait3A_558 = tpu.memref_squeeze %dma_wait3A_557 : memref<1x8x256xi32, #tpu.memory_space<vmem>> -> memref<8x256xi32, #tpu.memory_space<vmem>>
        %dma_wait3A_559 = arith.constant 0 : i32
        %dma_wait3A_560 = tpu.memref_slice %arg2[%add3A_133, %dma_wait3A_559] : memref<3328x256xi32, #tpu.memory_space<hbm>> -> memref<8x256xi32, #tpu.memory_space<hbm>>
        tpu.wait_dma2 semaphore(%run_scoped3A_536 : memref<!tpu.dma_semaphore, #tpu.memory_space<semaphore_mem>>) src(%dma_wait3A_560 : memref<8x256xi32, #tpu.memory_space<hbm>>) dst(%dma_wait3A_558 : memref<8x256xi32, #tpu.memory_space<vmem>>)
        tpu.yield
      }) : () -> ()
      "tpu.region"() ({
        %run_scoped3A_536 = tpu.sem_alloc : memref<!tpu.dma_semaphore, #tpu.memory_space<semaphore_mem>>
        %dma_start3A_537 = arith.constant 0 : i32
        %dma_start3A_538 = arith.constant 0 : i32
        %dma_start3A_539 = tpu.memref_slice %arg9[%rem3A_97, %dma_start3A_537, %dma_start3A_538] : memref<2x8x256xi32, #tpu.memory_space<vmem>> -> memref<1x8x256xi32, #tpu.memory_space<vmem>>
        %dma_start3A_540 = tpu.memref_squeeze %dma_start3A_539 : memref<1x8x256xi32, #tpu.memory_space<vmem>> -> memref<8x256xi32, #tpu.memory_space<vmem>>
        %dma_start3A_541 = arith.constant 0 : i32
        %dma_start3A_542 = tpu.memref_slice %arg3[%add3A_133, %dma_start3A_541] : memref<3328x256xi32, #tpu.memory_space<hbm>> -> memref<8x256xi32, #tpu.memory_space<hbm>>
        %dma_start3A_543 = arith.constant 0 : i32
        %dma_start3A_544 = arith.constant 0 : i32
        %dma_start3A_545 = tpu.memref_slice %arg9[%rem3A_97, %dma_start3A_543, %dma_start3A_544] : memref<2x8x256xi32, #tpu.memory_space<vmem>> -> memref<1x8x256xi32, #tpu.memory_space<vmem>>
        %dma_start3A_546 = tpu.memref_squeeze %dma_start3A_545 : memref<1x8x256xi32, #tpu.memory_space<vmem>> -> memref<8x256xi32, #tpu.memory_space<vmem>>
        %dma_start3A_547 = arith.constant 0 : i32
        %dma_start3A_548 = tpu.memref_slice %arg3[%add3A_133, %dma_start3A_547] : memref<3328x256xi32, #tpu.memory_space<hbm>> -> memref<8x256xi32, #tpu.memory_space<hbm>>
        tpu.enqueue_dma source(%dma_start3A_548 : memref<8x256xi32, #tpu.memory_space<hbm>>) target(%dma_start3A_546 : memref<8x256xi32, #tpu.memory_space<vmem>>) target_semaphore(%run_scoped3A_536 : memref<!tpu.dma_semaphore, #tpu.memory_space<semaphore_mem>>)
        %dma_wait3A_549 = arith.constant 0 : i32
        %dma_wait3A_550 = arith.constant 0 : i32
        %dma_wait3A_551 = tpu.memref_slice %arg9[%rem3A_97, %dma_wait3A_549, %dma_wait3A_550] : memref<2x8x256xi32, #tpu.memory_space<vmem>> -> memref<1x8x256xi32, #tpu.memory_space<vmem>>
        %dma_wait3A_552 = tpu.memref_squeeze %dma_wait3A_551 : memref<1x8x256xi32, #tpu.memory_space<vmem>> -> memref<8x256xi32, #tpu.memory_space<vmem>>
        %dma_wait3A_553 = arith.constant 0 : i32
        %dma_wait3A_554 = tpu.memref_slice %arg3[%add3A_133, %dma_wait3A_553] : memref<3328x256xi32, #tpu.memory_space<hbm>> -> memref<8x256xi32, #tpu.memory_space<hbm>>
        %dma_wait3A_555 = arith.constant 0 : i32
        %dma_wait3A_556 = arith.constant 0 : i32
        %dma_wait3A_557 = tpu.memref_slice %arg9[%rem3A_97, %dma_wait3A_555, %dma_wait3A_556] : memref<2x8x256xi32, #tpu.memory_space<vmem>> -> memref<1x8x256xi32, #tpu.memory_space<vmem>>
        %dma_wait3A_558 = tpu.memref_squeeze %dma_wait3A_557 : memref<1x8x256xi32, #tpu.memory_space<vmem>> -> memref<8x256xi32, #tpu.memory_space<vmem>>
        %dma_wait3A_559 = arith.constant 0 : i32
        %dma_wait3A_560 = tpu.memref_slice %arg3[%add3A_133, %dma_wait3A_559] : memref<3328x256xi32, #tpu.memory_space<hbm>> -> memref<8x256xi32, #tpu.memory_space<hbm>>
        tpu.wait_dma2 semaphore(%run_scoped3A_536 : memref<!tpu.dma_semaphore, #tpu.memory_space<semaphore_mem>>) src(%dma_wait3A_560 : memref<8x256xi32, #tpu.memory_space<hbm>>) dst(%dma_wait3A_558 : memref<8x256xi32, #tpu.memory_space<vmem>>)
        tpu.yield
      }) : () -> ()
      %dma_start3A_134 = arith.constant 0 : i32
      %dma_start3A_135 = arith.constant 0 : i32
      %dma_start3A_136 = arith.constant 0 : i32
      %dma_start3A_137 = arith.constant 0 : i32
      %dma_start3A_138 = tpu.memref_slice %arg10[%dma_start3A_134, %dma_start3A_136, %dma_start3A_137] : memref<2x256x16xf32, #tpu.memory_space<vmem>> -> memref<1x256x16xf32, #tpu.memory_space<vmem>>
      %dma_start3A_139 = tpu.memref_squeeze %dma_start3A_138 : memref<1x256x16xf32, #tpu.memory_space<vmem>> -> memref<256x16xf32, #tpu.memory_space<vmem>>
      %dma_start3A_140 = arith.constant 0 : i32
      %dma_start3A_141 = tpu.memref_slice %arg9[%rem3A_93, %dma_start3A_135, %dma_start3A_140] : memref<2x8x256xi32, #tpu.memory_space<vmem>> -> memref<1x1x256xi32, #tpu.memory_space<vmem>>
      %dma_start3A_142 = tpu.memref_squeeze %dma_start3A_141 : memref<1x1x256xi32, #tpu.memory_space<vmem>> -> memref<256xi32, #tpu.memory_space<vmem>>
      %dma_start3A_143 = arith.constant 0 : i32
      %dma_start3A_144 = arith.constant 0 : i32
      %dma_start3A_145 = tpu.memref_slice %arg11[%dma_start3A_143, %dma_start3A_144] : memref<51200x16xf32, #tpu.memory_space<vmem_shared>> -> memref<51200x16xf32, #tpu.memory_space<vmem_shared>>
      tpu.enqueue_indirect_dma source(%dma_start3A_139 : memref<256x16xf32, #tpu.memory_space<vmem>>) target(%dma_start3A_145 : memref<51200x16xf32, #tpu.memory_space<vmem_shared>>) offsets(%dma_start3A_142 : memref<256xi32, #tpu.memory_space<vmem>>) semaphore(%arg14 : memref<!tpu.dma_semaphore, #tpu.memory_space<semaphore_mem>>) {add = true}
      %dma_start3A_146 = arith.constant 1 : i32
      %dma_start3A_147 = arith.constant 1 : i32
      %dma_start3A_148 = arith.constant 0 : i32
      %dma_start3A_149 = arith.constant 0 : i32
      %dma_start3A_150 = tpu.memref_slice %arg10[%dma_start3A_147, %dma_start3A_148, %dma_start3A_149] : memref<2x256x16xf32, #tpu.memory_space<vmem>> -> memref<1x256x16xf32, #tpu.memory_space<vmem>>
      %dma_start3A_151 = tpu.memref_squeeze %dma_start3A_150 : memref<1x256x16xf32, #tpu.memory_space<vmem>> -> memref<256x16xf32, #tpu.memory_space<vmem>>
      %dma_start3A_152 = arith.constant 0 : i32
      %dma_start3A_153 = tpu.memref_slice %arg8[%rem3A_93, %dma_start3A_146, %dma_start3A_152] : memref<2x8x256xi32, #tpu.memory_space<vmem>> -> memref<1x1x256xi32, #tpu.memory_space<vmem>>
      %dma_start3A_154 = tpu.memref_squeeze %dma_start3A_153 : memref<1x1x256xi32, #tpu.memory_space<vmem>> -> memref<256xi32, #tpu.memory_space<vmem>>
      %dma_start3A_155 = arith.constant 0 : i32
      %dma_start3A_156 = arith.constant 0 : i32
      %dma_start3A_157 = tpu.memref_slice %arg12[%dma_start3A_155, %dma_start3A_156] : memref<50000x16xf32, #tpu.memory_space<vmem_shared>> -> memref<50000x16xf32, #tpu.memory_space<vmem_shared>>
      tpu.enqueue_indirect_dma source(%dma_start3A_157 : memref<50000x16xf32, #tpu.memory_space<vmem_shared>>) target(%dma_start3A_151 : memref<256x16xf32, #tpu.memory_space<vmem>>) offsets(%dma_start3A_154 : memref<256xi32, #tpu.memory_space<vmem>>) semaphore(%arg13 : memref<!tpu.dma_semaphore, #tpu.memory_space<semaphore_mem>>)
      %dma_wait3A_158 = arith.constant 1 : i32
      %dma_wait3A_159 = arith.constant 0 : i32
      %dma_wait3A_160 = arith.constant 0 : i32
      %dma_wait3A_161 = tpu.memref_slice %arg10[%dma_wait3A_158, %dma_wait3A_159, %dma_wait3A_160] : memref<2x256x16xf32, #tpu.memory_space<vmem>> -> memref<1x256x16xf32, #tpu.memory_space<vmem>>
      %dma_wait3A_162 = tpu.memref_squeeze %dma_wait3A_161 : memref<1x256x16xf32, #tpu.memory_space<vmem>> -> memref<256x16xf32, #tpu.memory_space<vmem>>
      %dma_wait3A_163 = arith.constant 0 : i32
      %dma_wait3A_164 = arith.constant 0 : i32
      %dma_wait3A_165 = tpu.memref_slice %arg5[%dma_wait3A_163, %dma_wait3A_164] : memref<640x16xf32, #tpu.memory_space<hbm>> -> memref<256x16xf32, #tpu.memory_space<hbm>>
      %dma_wait3A_166 = arith.constant 0 : i32
      %dma_wait3A_167 = arith.constant 0 : i32
      %dma_wait3A_168 = tpu.memref_slice %arg10[%dma_wait3A_158, %dma_wait3A_166, %dma_wait3A_167] : memref<2x256x16xf32, #tpu.memory_space<vmem>> -> memref<1x256x16xf32, #tpu.memory_space<vmem>>
      %dma_wait3A_169 = tpu.memref_squeeze %dma_wait3A_168 : memref<1x256x16xf32, #tpu.memory_space<vmem>> -> memref<256x16xf32, #tpu.memory_space<vmem>>
      %dma_wait3A_170 = arith.constant 0 : i32
      %dma_wait3A_171 = arith.constant 0 : i32
      %dma_wait3A_172 = tpu.memref_slice %arg5[%dma_wait3A_170, %dma_wait3A_171] : memref<640x16xf32, #tpu.memory_space<hbm>> -> memref<256x16xf32, #tpu.memory_space<hbm>>
      tpu.wait_dma2 semaphore(%arg13 : memref<!tpu.dma_semaphore, #tpu.memory_space<semaphore_mem>>) src(%dma_wait3A_172 : memref<256x16xf32, #tpu.memory_space<hbm>>) dst(%dma_wait3A_169 : memref<256x16xf32, #tpu.memory_space<vmem>>)
      %dma_wait3A_173 = arith.constant 0 : i32
      %dma_wait3A_174 = arith.constant 0 : i32
      %dma_wait3A_175 = arith.constant 0 : i32
      %dma_wait3A_176 = tpu.memref_slice %arg10[%dma_wait3A_173, %dma_wait3A_174, %dma_wait3A_175] : memref<2x256x16xf32, #tpu.memory_space<vmem>> -> memref<1x256x16xf32, #tpu.memory_space<vmem>>
      %dma_wait3A_177 = tpu.memref_squeeze %dma_wait3A_176 : memref<1x256x16xf32, #tpu.memory_space<vmem>> -> memref<256x16xf32, #tpu.memory_space<vmem>>
      %dma_wait3A_178 = arith.constant 0 : i32
      %dma_wait3A_179 = arith.constant 0 : i32
      %dma_wait3A_180 = tpu.memref_slice %arg5[%dma_wait3A_178, %dma_wait3A_179] : memref<640x16xf32, #tpu.memory_space<hbm>> -> memref<256x16xf32, #tpu.memory_space<hbm>>
      %dma_wait3A_181 = arith.constant 0 : i32
      %dma_wait3A_182 = arith.constant 0 : i32
      %dma_wait3A_183 = tpu.memref_slice %arg10[%dma_wait3A_173, %dma_wait3A_181, %dma_wait3A_182] : memref<2x256x16xf32, #tpu.memory_space<vmem>> -> memref<1x256x16xf32, #tpu.memory_space<vmem>>
      %dma_wait3A_184 = tpu.memref_squeeze %dma_wait3A_183 : memref<1x256x16xf32, #tpu.memory_space<vmem>> -> memref<256x16xf32, #tpu.memory_space<vmem>>
      %dma_wait3A_185 = arith.constant 0 : i32
      %dma_wait3A_186 = arith.constant 0 : i32
      %dma_wait3A_187 = tpu.memref_slice %arg5[%dma_wait3A_185, %dma_wait3A_186] : memref<640x16xf32, #tpu.memory_space<hbm>> -> memref<256x16xf32, #tpu.memory_space<hbm>>
      tpu.wait_dma2 semaphore(%arg14 : memref<!tpu.dma_semaphore, #tpu.memory_space<semaphore_mem>>) src(%dma_wait3A_187 : memref<256x16xf32, #tpu.memory_space<hbm>>) dst(%dma_wait3A_184 : memref<256x16xf32, #tpu.memory_space<vmem>>)
      %dma_start3A_188 = arith.constant 1 : i32
      %dma_start3A_189 = arith.constant 1 : i32
      %dma_start3A_190 = arith.constant 0 : i32
      %dma_start3A_191 = arith.constant 0 : i32
      %dma_start3A_192 = tpu.memref_slice %arg10[%dma_start3A_188, %dma_start3A_190, %dma_start3A_191] : memref<2x256x16xf32, #tpu.memory_space<vmem>> -> memref<1x256x16xf32, #tpu.memory_space<vmem>>
      %dma_start3A_193 = tpu.memref_squeeze %dma_start3A_192 : memref<1x256x16xf32, #tpu.memory_space<vmem>> -> memref<256x16xf32, #tpu.memory_space<vmem>>
      %dma_start3A_194 = arith.constant 0 : i32
      %dma_start3A_195 = tpu.memref_slice %arg9[%rem3A_93, %dma_start3A_189, %dma_start3A_194] : memref<2x8x256xi32, #tpu.memory_space<vmem>> -> memref<1x1x256xi32, #tpu.memory_space<vmem>>
      %dma_start3A_196 = tpu.memref_squeeze %dma_start3A_195 : memref<1x1x256xi32, #tpu.memory_space<vmem>> -> memref<256xi32, #tpu.memory_space<vmem>>
      %dma_start3A_197 = arith.constant 0 : i32
      %dma_start3A_198 = arith.constant 0 : i32
      %dma_start3A_199 = tpu.memref_slice %arg11[%dma_start3A_197, %dma_start3A_198] : memref<51200x16xf32, #tpu.memory_space<vmem_shared>> -> memref<51200x16xf32, #tpu.memory_space<vmem_shared>>
      tpu.enqueue_indirect_dma source(%dma_start3A_193 : memref<256x16xf32, #tpu.memory_space<vmem>>) target(%dma_start3A_199 : memref<51200x16xf32, #tpu.memory_space<vmem_shared>>) offsets(%dma_start3A_196 : memref<256xi32, #tpu.memory_space<vmem>>) semaphore(%arg14 : memref<!tpu.dma_semaphore, #tpu.memory_space<semaphore_mem>>) {add = true}
      %dma_start3A_200 = arith.constant 2 : i32
      %dma_start3A_201 = arith.constant 0 : i32
      %dma_start3A_202 = arith.constant 0 : i32
      %dma_start3A_203 = arith.constant 0 : i32
      %dma_start3A_204 = tpu.memref_slice %arg10[%dma_start3A_201, %dma_start3A_202, %dma_start3A_203] : memref<2x256x16xf32, #tpu.memory_space<vmem>> -> memref<1x256x16xf32, #tpu.memory_space<vmem>>
      %dma_start3A_205 = tpu.memref_squeeze %dma_start3A_204 : memref<1x256x16xf32, #tpu.memory_space<vmem>> -> memref<256x16xf32, #tpu.memory_space<vmem>>
      %dma_start3A_206 = arith.constant 0 : i32
      %dma_start3A_207 = tpu.memref_slice %arg8[%rem3A_93, %dma_start3A_200, %dma_start3A_206] : memref<2x8x256xi32, #tpu.memory_space<vmem>> -> memref<1x1x256xi32, #tpu.memory_space<vmem>>
      %dma_start3A_208 = tpu.memref_squeeze %dma_start3A_207 : memref<1x1x256xi32, #tpu.memory_space<vmem>> -> memref<256xi32, #tpu.memory_space<vmem>>
      %dma_start3A_209 = arith.constant 0 : i32
      %dma_start3A_210 = arith.constant 0 : i32
      %dma_start3A_211 = tpu.memref_slice %arg12[%dma_start3A_209, %dma_start3A_210] : memref<50000x16xf32, #tpu.memory_space<vmem_shared>> -> memref<50000x16xf32, #tpu.memory_space<vmem_shared>>
      tpu.enqueue_indirect_dma source(%dma_start3A_211 : memref<50000x16xf32, #tpu.memory_space<vmem_shared>>) target(%dma_start3A_205 : memref<256x16xf32, #tpu.memory_space<vmem>>) offsets(%dma_start3A_208 : memref<256xi32, #tpu.memory_space<vmem>>) semaphore(%arg13 : memref<!tpu.dma_semaphore, #tpu.memory_space<semaphore_mem>>)
      %dma_wait3A_212 = arith.constant 0 : i32
      %dma_wait3A_213 = arith.constant 0 : i32
      %dma_wait3A_214 = arith.constant 0 : i32
      %dma_wait3A_215 = tpu.memref_slice %arg10[%dma_wait3A_212, %dma_wait3A_213, %dma_wait3A_214] : memref<2x256x16xf32, #tpu.memory_space<vmem>> -> memref<1x256x16xf32, #tpu.memory_space<vmem>>
      %dma_wait3A_216 = tpu.memref_squeeze %dma_wait3A_215 : memref<1x256x16xf32, #tpu.memory_space<vmem>> -> memref<256x16xf32, #tpu.memory_space<vmem>>
      %dma_wait3A_217 = arith.constant 0 : i32
      %dma_wait3A_218 = arith.constant 0 : i32
      %dma_wait3A_219 = tpu.memref_slice %arg5[%dma_wait3A_217, %dma_wait3A_218] : memref<640x16xf32, #tpu.memory_space<hbm>> -> memref<256x16xf32, #tpu.memory_space<hbm>>
      %dma_wait3A_220 = arith.constant 0 : i32
      %dma_wait3A_221 = arith.constant 0 : i32
      %dma_wait3A_222 = tpu.memref_slice %arg10[%dma_wait3A_212, %dma_wait3A_220, %dma_wait3A_221] : memref<2x256x16xf32, #tpu.memory_space<vmem>> -> memref<1x256x16xf32, #tpu.memory_space<vmem>>
      %dma_wait3A_223 = tpu.memref_squeeze %dma_wait3A_222 : memref<1x256x16xf32, #tpu.memory_space<vmem>> -> memref<256x16xf32, #tpu.memory_space<vmem>>
      %dma_wait3A_224 = arith.constant 0 : i32
      %dma_wait3A_225 = arith.constant 0 : i32
      %dma_wait3A_226 = tpu.memref_slice %arg5[%dma_wait3A_224, %dma_wait3A_225] : memref<640x16xf32, #tpu.memory_space<hbm>> -> memref<256x16xf32, #tpu.memory_space<hbm>>
      tpu.wait_dma2 semaphore(%arg13 : memref<!tpu.dma_semaphore, #tpu.memory_space<semaphore_mem>>) src(%dma_wait3A_226 : memref<256x16xf32, #tpu.memory_space<hbm>>) dst(%dma_wait3A_223 : memref<256x16xf32, #tpu.memory_space<vmem>>)
      %dma_wait3A_227 = arith.constant 1 : i32
      %dma_wait3A_228 = arith.constant 0 : i32
      %dma_wait3A_229 = arith.constant 0 : i32
      %dma_wait3A_230 = tpu.memref_slice %arg10[%dma_wait3A_227, %dma_wait3A_228, %dma_wait3A_229] : memref<2x256x16xf32, #tpu.memory_space<vmem>> -> memref<1x256x16xf32, #tpu.memory_space<vmem>>
      %dma_wait3A_231 = tpu.memref_squeeze %dma_wait3A_230 : memref<1x256x16xf32, #tpu.memory_space<vmem>> -> memref<256x16xf32, #tpu.memory_space<vmem>>
      %dma_wait3A_232 = arith.constant 0 : i32
      %dma_wait3A_233 = arith.constant 0 : i32
      %dma_wait3A_234 = tpu.memref_slice %arg5[%dma_wait3A_232, %dma_wait3A_233] : memref<640x16xf32, #tpu.memory_space<hbm>> -> memref<256x16xf32, #tpu.memory_space<hbm>>
      %dma_wait3A_235 = arith.constant 0 : i32
      %dma_wait3A_236 = arith.constant 0 : i32
      %dma_wait3A_237 = tpu.memref_slice %arg10[%dma_wait3A_227, %dma_wait3A_235, %dma_wait3A_236] : memref<2x256x16xf32, #tpu.memory_space<vmem>> -> memref<1x256x16xf32, #tpu.memory_space<vmem>>
      %dma_wait3A_238 = tpu.memref_squeeze %dma_wait3A_237 : memref<1x256x16xf32, #tpu.memory_space<vmem>> -> memref<256x16xf32, #tpu.memory_space<vmem>>
      %dma_wait3A_239 = arith.constant 0 : i32
      %dma_wait3A_240 = arith.constant 0 : i32
      %dma_wait3A_241 = tpu.memref_slice %arg5[%dma_wait3A_239, %dma_wait3A_240] : memref<640x16xf32, #tpu.memory_space<hbm>> -> memref<256x16xf32, #tpu.memory_space<hbm>>
      tpu.wait_dma2 semaphore(%arg14 : memref<!tpu.dma_semaphore, #tpu.memory_space<semaphore_mem>>) src(%dma_wait3A_241 : memref<256x16xf32, #tpu.memory_space<hbm>>) dst(%dma_wait3A_238 : memref<256x16xf32, #tpu.memory_space<vmem>>)
      %dma_start3A_242 = arith.constant 0 : i32
      %dma_start3A_243 = arith.constant 2 : i32
      %dma_start3A_244 = arith.constant 0 : i32
      %dma_start3A_245 = arith.constant 0 : i32
      %dma_start3A_246 = tpu.memref_slice %arg10[%dma_start3A_242, %dma_start3A_244, %dma_start3A_245] : memref<2x256x16xf32, #tpu.memory_space<vmem>> -> memref<1x256x16xf32, #tpu.memory_space<vmem>>
      %dma_start3A_247 = tpu.memref_squeeze %dma_start3A_246 : memref<1x256x16xf32, #tpu.memory_space<vmem>> -> memref<256x16xf32, #tpu.memory_space<vmem>>
      %dma_start3A_248 = arith.constant 0 : i32
      %dma_start3A_249 = tpu.memref_slice %arg9[%rem3A_93, %dma_start3A_243, %dma_start3A_248] : memref<2x8x256xi32, #tpu.memory_space<vmem>> -> memref<1x1x256xi32, #tpu.memory_space<vmem>>
      %dma_start3A_250 = tpu.memref_squeeze %dma_start3A_249 : memref<1x1x256xi32, #tpu.memory_space<vmem>> -> memref<256xi32, #tpu.memory_space<vmem>>
      %dma_start3A_251 = arith.constant 0 : i32
      %dma_start3A_252 = arith.constant 0 : i32
      %dma_start3A_253 = tpu.memref_slice %arg11[%dma_start3A_251, %dma_start3A_252] : memref<51200x16xf32, #tpu.memory_space<vmem_shared>> -> memref<51200x16xf32, #tpu.memory_space<vmem_shared>>
      tpu.enqueue_indirect_dma source(%dma_start3A_247 : memref<256x16xf32, #tpu.memory_space<vmem>>) target(%dma_start3A_253 : memref<51200x16xf32, #tpu.memory_space<vmem_shared>>) offsets(%dma_start3A_250 : memref<256xi32, #tpu.memory_space<vmem>>) semaphore(%arg14 : memref<!tpu.dma_semaphore, #tpu.memory_space<semaphore_mem>>) {add = true}
      %dma_start3A_254 = arith.constant 3 : i32
      %dma_start3A_255 = arith.constant 1 : i32
      %dma_start3A_256 = arith.constant 0 : i32
      %dma_start3A_257 = arith.constant 0 : i32
      %dma_start3A_258 = tpu.memref_slice %arg10[%dma_start3A_255, %dma_start3A_256, %dma_start3A_257] : memref<2x256x16xf32, #tpu.memory_space<vmem>> -> memref<1x256x16xf32, #tpu.memory_space<vmem>>
      %dma_start3A_259 = tpu.memref_squeeze %dma_start3A_258 : memref<1x256x16xf32, #tpu.memory_space<vmem>> -> memref<256x16xf32, #tpu.memory_space<vmem>>
      %dma_start3A_260 = arith.constant 0 : i32
      %dma_start3A_261 = tpu.memref_slice %arg8[%rem3A_93, %dma_start3A_254, %dma_start3A_260] : memref<2x8x256xi32, #tpu.memory_space<vmem>> -> memref<1x1x256xi32, #tpu.memory_space<vmem>>
      %dma_start3A_262 = tpu.memref_squeeze %dma_start3A_261 : memref<1x1x256xi32, #tpu.memory_space<vmem>> -> memref<256xi32, #tpu.memory_space<vmem>>
      %dma_start3A_263 = arith.constant 0 : i32
      %dma_start3A_264 = arith.constant 0 : i32
      %dma_start3A_265 = tpu.memref_slice %arg12[%dma_start3A_263, %dma_start3A_264] : memref<50000x16xf32, #tpu.memory_space<vmem_shared>> -> memref<50000x16xf32, #tpu.memory_space<vmem_shared>>
      tpu.enqueue_indirect_dma source(%dma_start3A_265 : memref<50000x16xf32, #tpu.memory_space<vmem_shared>>) target(%dma_start3A_259 : memref<256x16xf32, #tpu.memory_space<vmem>>) offsets(%dma_start3A_262 : memref<256xi32, #tpu.memory_space<vmem>>) semaphore(%arg13 : memref<!tpu.dma_semaphore, #tpu.memory_space<semaphore_mem>>)
      %dma_wait3A_266 = arith.constant 1 : i32
      %dma_wait3A_267 = arith.constant 0 : i32
      %dma_wait3A_268 = arith.constant 0 : i32
      %dma_wait3A_269 = tpu.memref_slice %arg10[%dma_wait3A_266, %dma_wait3A_267, %dma_wait3A_268] : memref<2x256x16xf32, #tpu.memory_space<vmem>> -> memref<1x256x16xf32, #tpu.memory_space<vmem>>
      %dma_wait3A_270 = tpu.memref_squeeze %dma_wait3A_269 : memref<1x256x16xf32, #tpu.memory_space<vmem>> -> memref<256x16xf32, #tpu.memory_space<vmem>>
      %dma_wait3A_271 = arith.constant 0 : i32
      %dma_wait3A_272 = arith.constant 0 : i32
      %dma_wait3A_273 = tpu.memref_slice %arg5[%dma_wait3A_271, %dma_wait3A_272] : memref<640x16xf32, #tpu.memory_space<hbm>> -> memref<256x16xf32, #tpu.memory_space<hbm>>
      %dma_wait3A_274 = arith.constant 0 : i32
      %dma_wait3A_275 = arith.constant 0 : i32
      %dma_wait3A_276 = tpu.memref_slice %arg10[%dma_wait3A_266, %dma_wait3A_274, %dma_wait3A_275] : memref<2x256x16xf32, #tpu.memory_space<vmem>> -> memref<1x256x16xf32, #tpu.memory_space<vmem>>
      %dma_wait3A_277 = tpu.memref_squeeze %dma_wait3A_276 : memref<1x256x16xf32, #tpu.memory_space<vmem>> -> memref<256x16xf32, #tpu.memory_space<vmem>>
      %dma_wait3A_278 = arith.constant 0 : i32
      %dma_wait3A_279 = arith.constant 0 : i32
      %dma_wait3A_280 = tpu.memref_slice %arg5[%dma_wait3A_278, %dma_wait3A_279] : memref<640x16xf32, #tpu.memory_space<hbm>> -> memref<256x16xf32, #tpu.memory_space<hbm>>
      tpu.wait_dma2 semaphore(%arg13 : memref<!tpu.dma_semaphore, #tpu.memory_space<semaphore_mem>>) src(%dma_wait3A_280 : memref<256x16xf32, #tpu.memory_space<hbm>>) dst(%dma_wait3A_277 : memref<256x16xf32, #tpu.memory_space<vmem>>)
      %dma_wait3A_281 = arith.constant 0 : i32
      %dma_wait3A_282 = arith.constant 0 : i32
      %dma_wait3A_283 = arith.constant 0 : i32
      %dma_wait3A_284 = tpu.memref_slice %arg10[%dma_wait3A_281, %dma_wait3A_282, %dma_wait3A_283] : memref<2x256x16xf32, #tpu.memory_space<vmem>> -> memref<1x256x16xf32, #tpu.memory_space<vmem>>
      %dma_wait3A_285 = tpu.memref_squeeze %dma_wait3A_284 : memref<1x256x16xf32, #tpu.memory_space<vmem>> -> memref<256x16xf32, #tpu.memory_space<vmem>>
      %dma_wait3A_286 = arith.constant 0 : i32
      %dma_wait3A_287 = arith.constant 0 : i32
      %dma_wait3A_288 = tpu.memref_slice %arg5[%dma_wait3A_286, %dma_wait3A_287] : memref<640x16xf32, #tpu.memory_space<hbm>> -> memref<256x16xf32, #tpu.memory_space<hbm>>
      %dma_wait3A_289 = arith.constant 0 : i32
      %dma_wait3A_290 = arith.constant 0 : i32
      %dma_wait3A_291 = tpu.memref_slice %arg10[%dma_wait3A_281, %dma_wait3A_289, %dma_wait3A_290] : memref<2x256x16xf32, #tpu.memory_space<vmem>> -> memref<1x256x16xf32, #tpu.memory_space<vmem>>
      %dma_wait3A_292 = tpu.memref_squeeze %dma_wait3A_291 : memref<1x256x16xf32, #tpu.memory_space<vmem>> -> memref<256x16xf32, #tpu.memory_space<vmem>>
      %dma_wait3A_293 = arith.constant 0 : i32
      %dma_wait3A_294 = arith.constant 0 : i32
      %dma_wait3A_295 = tpu.memref_slice %arg5[%dma_wait3A_293, %dma_wait3A_294] : memref<640x16xf32, #tpu.memory_space<hbm>> -> memref<256x16xf32, #tpu.memory_space<hbm>>
      tpu.wait_dma2 semaphore(%arg14 : memref<!tpu.dma_semaphore, #tpu.memory_space<semaphore_mem>>) src(%dma_wait3A_295 : memref<256x16xf32, #tpu.memory_space<hbm>>) dst(%dma_wait3A_292 : memref<256x16xf32, #tpu.memory_space<vmem>>)
      %dma_start3A_296 = arith.constant 1 : i32
      %dma_start3A_297 = arith.constant 3 : i32
      %dma_start3A_298 = arith.constant 0 : i32
      %dma_start3A_299 = arith.constant 0 : i32
      %dma_start3A_300 = tpu.memref_slice %arg10[%dma_start3A_296, %dma_start3A_298, %dma_start3A_299] : memref<2x256x16xf32, #tpu.memory_space<vmem>> -> memref<1x256x16xf32, #tpu.memory_space<vmem>>
      %dma_start3A_301 = tpu.memref_squeeze %dma_start3A_300 : memref<1x256x16xf32, #tpu.memory_space<vmem>> -> memref<256x16xf32, #tpu.memory_space<vmem>>
      %dma_start3A_302 = arith.constant 0 : i32
      %dma_start3A_303 = tpu.memref_slice %arg9[%rem3A_93, %dma_start3A_297, %dma_start3A_302] : memref<2x8x256xi32, #tpu.memory_space<vmem>> -> memref<1x1x256xi32, #tpu.memory_space<vmem>>
      %dma_start3A_304 = tpu.memref_squeeze %dma_start3A_303 : memref<1x1x256xi32, #tpu.memory_space<vmem>> -> memref<256xi32, #tpu.memory_space<vmem>>
      %dma_start3A_305 = arith.constant 0 : i32
      %dma_start3A_306 = arith.constant 0 : i32
      %dma_start3A_307 = tpu.memref_slice %arg11[%dma_start3A_305, %dma_start3A_306] : memref<51200x16xf32, #tpu.memory_space<vmem_shared>> -> memref<51200x16xf32, #tpu.memory_space<vmem_shared>>
      tpu.enqueue_indirect_dma source(%dma_start3A_301 : memref<256x16xf32, #tpu.memory_space<vmem>>) target(%dma_start3A_307 : memref<51200x16xf32, #tpu.memory_space<vmem_shared>>) offsets(%dma_start3A_304 : memref<256xi32, #tpu.memory_space<vmem>>) semaphore(%arg14 : memref<!tpu.dma_semaphore, #tpu.memory_space<semaphore_mem>>) {add = true}
      %dma_start3A_308 = arith.constant 4 : i32
      %dma_start3A_309 = arith.constant 0 : i32
      %dma_start3A_310 = arith.constant 0 : i32
      %dma_start3A_311 = arith.constant 0 : i32
      %dma_start3A_312 = tpu.memref_slice %arg10[%dma_start3A_309, %dma_start3A_310, %dma_start3A_311] : memref<2x256x16xf32, #tpu.memory_space<vmem>> -> memref<1x256x16xf32, #tpu.memory_space<vmem>>
      %dma_start3A_313 = tpu.memref_squeeze %dma_start3A_312 : memref<1x256x16xf32, #tpu.memory_space<vmem>> -> memref<256x16xf32, #tpu.memory_space<vmem>>
      %dma_start3A_314 = arith.constant 0 : i32
      %dma_start3A_315 = tpu.memref_slice %arg8[%rem3A_93, %dma_start3A_308, %dma_start3A_314] : memref<2x8x256xi32, #tpu.memory_space<vmem>> -> memref<1x1x256xi32, #tpu.memory_space<vmem>>
      %dma_start3A_316 = tpu.memref_squeeze %dma_start3A_315 : memref<1x1x256xi32, #tpu.memory_space<vmem>> -> memref<256xi32, #tpu.memory_space<vmem>>
      %dma_start3A_317 = arith.constant 0 : i32
      %dma_start3A_318 = arith.constant 0 : i32
      %dma_start3A_319 = tpu.memref_slice %arg12[%dma_start3A_317, %dma_start3A_318] : memref<50000x16xf32, #tpu.memory_space<vmem_shared>> -> memref<50000x16xf32, #tpu.memory_space<vmem_shared>>
      tpu.enqueue_indirect_dma source(%dma_start3A_319 : memref<50000x16xf32, #tpu.memory_space<vmem_shared>>) target(%dma_start3A_313 : memref<256x16xf32, #tpu.memory_space<vmem>>) offsets(%dma_start3A_316 : memref<256xi32, #tpu.memory_space<vmem>>) semaphore(%arg13 : memref<!tpu.dma_semaphore, #tpu.memory_space<semaphore_mem>>)
      %dma_wait3A_320 = arith.constant 0 : i32
      %dma_wait3A_321 = arith.constant 0 : i32
      %dma_wait3A_322 = arith.constant 0 : i32
      %dma_wait3A_323 = tpu.memref_slice %arg10[%dma_wait3A_320, %dma_wait3A_321, %dma_wait3A_322] : memref<2x256x16xf32, #tpu.memory_space<vmem>> -> memref<1x256x16xf32, #tpu.memory_space<vmem>>
      %dma_wait3A_324 = tpu.memref_squeeze %dma_wait3A_323 : memref<1x256x16xf32, #tpu.memory_space<vmem>> -> memref<256x16xf32, #tpu.memory_space<vmem>>
      %dma_wait3A_325 = arith.constant 0 : i32
      %dma_wait3A_326 = arith.constant 0 : i32
      %dma_wait3A_327 = tpu.memref_slice %arg5[%dma_wait3A_325, %dma_wait3A_326] : memref<640x16xf32, #tpu.memory_space<hbm>> -> memref<256x16xf32, #tpu.memory_space<hbm>>
      %dma_wait3A_328 = arith.constant 0 : i32
      %dma_wait3A_329 = arith.constant 0 : i32
      %dma_wait3A_330 = tpu.memref_slice %arg10[%dma_wait3A_320, %dma_wait3A_328, %dma_wait3A_329] : memref<2x256x16xf32, #tpu.memory_space<vmem>> -> memref<1x256x16xf32, #tpu.memory_space<vmem>>
      %dma_wait3A_331 = tpu.memref_squeeze %dma_wait3A_330 : memref<1x256x16xf32, #tpu.memory_space<vmem>> -> memref<256x16xf32, #tpu.memory_space<vmem>>
      %dma_wait3A_332 = arith.constant 0 : i32
      %dma_wait3A_333 = arith.constant 0 : i32
      %dma_wait3A_334 = tpu.memref_slice %arg5[%dma_wait3A_332, %dma_wait3A_333] : memref<640x16xf32, #tpu.memory_space<hbm>> -> memref<256x16xf32, #tpu.memory_space<hbm>>
      tpu.wait_dma2 semaphore(%arg13 : memref<!tpu.dma_semaphore, #tpu.memory_space<semaphore_mem>>) src(%dma_wait3A_334 : memref<256x16xf32, #tpu.memory_space<hbm>>) dst(%dma_wait3A_331 : memref<256x16xf32, #tpu.memory_space<vmem>>)
      %dma_wait3A_335 = arith.constant 1 : i32
      %dma_wait3A_336 = arith.constant 0 : i32
      %dma_wait3A_337 = arith.constant 0 : i32
      %dma_wait3A_338 = tpu.memref_slice %arg10[%dma_wait3A_335, %dma_wait3A_336, %dma_wait3A_337] : memref<2x256x16xf32, #tpu.memory_space<vmem>> -> memref<1x256x16xf32, #tpu.memory_space<vmem>>
      %dma_wait3A_339 = tpu.memref_squeeze %dma_wait3A_338 : memref<1x256x16xf32, #tpu.memory_space<vmem>> -> memref<256x16xf32, #tpu.memory_space<vmem>>
      %dma_wait3A_340 = arith.constant 0 : i32
      %dma_wait3A_341 = arith.constant 0 : i32
      %dma_wait3A_342 = tpu.memref_slice %arg5[%dma_wait3A_340, %dma_wait3A_341] : memref<640x16xf32, #tpu.memory_space<hbm>> -> memref<256x16xf32, #tpu.memory_space<hbm>>
      %dma_wait3A_343 = arith.constant 0 : i32
      %dma_wait3A_344 = arith.constant 0 : i32
      %dma_wait3A_345 = tpu.memref_slice %arg10[%dma_wait3A_335, %dma_wait3A_343, %dma_wait3A_344] : memref<2x256x16xf32, #tpu.memory_space<vmem>> -> memref<1x256x16xf32, #tpu.memory_space<vmem>>
      %dma_wait3A_346 = tpu.memref_squeeze %dma_wait3A_345 : memref<1x256x16xf32, #tpu.memory_space<vmem>> -> memref<256x16xf32, #tpu.memory_space<vmem>>
      %dma_wait3A_347 = arith.constant 0 : i32
      %dma_wait3A_348 = arith.constant 0 : i32
      %dma_wait3A_349 = tpu.memref_slice %arg5[%dma_wait3A_347, %dma_wait3A_348] : memref<640x16xf32, #tpu.memory_space<hbm>> -> memref<256x16xf32, #tpu.memory_space<hbm>>
      tpu.wait_dma2 semaphore(%arg14 : memref<!tpu.dma_semaphore, #tpu.memory_space<semaphore_mem>>) src(%dma_wait3A_349 : memref<256x16xf32, #tpu.memory_space<hbm>>) dst(%dma_wait3A_346 : memref<256x16xf32, #tpu.memory_space<vmem>>)
      %dma_start3A_350 = arith.constant 0 : i32
      %dma_start3A_351 = arith.constant 4 : i32
      %dma_start3A_352 = arith.constant 0 : i32
      %dma_start3A_353 = arith.constant 0 : i32
      %dma_start3A_354 = tpu.memref_slice %arg10[%dma_start3A_350, %dma_start3A_352, %dma_start3A_353] : memref<2x256x16xf32, #tpu.memory_space<vmem>> -> memref<1x256x16xf32, #tpu.memory_space<vmem>>
      %dma_start3A_355 = tpu.memref_squeeze %dma_start3A_354 : memref<1x256x16xf32, #tpu.memory_space<vmem>> -> memref<256x16xf32, #tpu.memory_space<vmem>>
      %dma_start3A_356 = arith.constant 0 : i32
      %dma_start3A_357 = tpu.memref_slice %arg9[%rem3A_93, %dma_start3A_351, %dma_start3A_356] : memref<2x8x256xi32, #tpu.memory_space<vmem>> -> memref<1x1x256xi32, #tpu.memory_space<vmem>>
      %dma_start3A_358 = tpu.memref_squeeze %dma_start3A_357 : memref<1x1x256xi32, #tpu.memory_space<vmem>> -> memref<256xi32, #tpu.memory_space<vmem>>
      %dma_start3A_359 = arith.constant 0 : i32
      %dma_start3A_360 = arith.constant 0 : i32
      %dma_start3A_361 = tpu.memref_slice %arg11[%dma_start3A_359, %dma_start3A_360] : memref<51200x16xf32, #tpu.memory_space<vmem_shared>> -> memref<51200x16xf32, #tpu.memory_space<vmem_shared>>
      tpu.enqueue_indirect_dma source(%dma_start3A_355 : memref<256x16xf32, #tpu.memory_space<vmem>>) target(%dma_start3A_361 : memref<51200x16xf32, #tpu.memory_space<vmem_shared>>) offsets(%dma_start3A_358 : memref<256xi32, #tpu.memory_space<vmem>>) semaphore(%arg14 : memref<!tpu.dma_semaphore, #tpu.memory_space<semaphore_mem>>) {add = true}
      %dma_start3A_362 = arith.constant 5 : i32
      %dma_start3A_363 = arith.constant 1 : i32
      %dma_start3A_364 = arith.constant 0 : i32
      %dma_start3A_365 = arith.constant 0 : i32
      %dma_start3A_366 = tpu.memref_slice %arg10[%dma_start3A_363, %dma_start3A_364, %dma_start3A_365] : memref<2x256x16xf32, #tpu.memory_space<vmem>> -> memref<1x256x16xf32, #tpu.memory_space<vmem>>
      %dma_start3A_367 = tpu.memref_squeeze %dma_start3A_366 : memref<1x256x16xf32, #tpu.memory_space<vmem>> -> memref<256x16xf32, #tpu.memory_space<vmem>>
      %dma_start3A_368 = arith.constant 0 : i32
      %dma_start3A_369 = tpu.memref_slice %arg8[%rem3A_93, %dma_start3A_362, %dma_start3A_368] : memref<2x8x256xi32, #tpu.memory_space<vmem>> -> memref<1x1x256xi32, #tpu.memory_space<vmem>>
      %dma_start3A_370 = tpu.memref_squeeze %dma_start3A_369 : memref<1x1x256xi32, #tpu.memory_space<vmem>> -> memref<256xi32, #tpu.memory_space<vmem>>
      %dma_start3A_371 = arith.constant 0 : i32
      %dma_start3A_372 = arith.constant 0 : i32
      %dma_start3A_373 = tpu.memref_slice %arg12[%dma_start3A_371, %dma_start3A_372] : memref<50000x16xf32, #tpu.memory_space<vmem_shared>> -> memref<50000x16xf32, #tpu.memory_space<vmem_shared>>
      tpu.enqueue_indirect_dma source(%dma_start3A_373 : memref<50000x16xf32, #tpu.memory_space<vmem_shared>>) target(%dma_start3A_367 : memref<256x16xf32, #tpu.memory_space<vmem>>) offsets(%dma_start3A_370 : memref<256xi32, #tpu.memory_space<vmem>>) semaphore(%arg13 : memref<!tpu.dma_semaphore, #tpu.memory_space<semaphore_mem>>)
      %dma_wait3A_374 = arith.constant 1 : i32
      %dma_wait3A_375 = arith.constant 0 : i32
      %dma_wait3A_376 = arith.constant 0 : i32
      %dma_wait3A_377 = tpu.memref_slice %arg10[%dma_wait3A_374, %dma_wait3A_375, %dma_wait3A_376] : memref<2x256x16xf32, #tpu.memory_space<vmem>> -> memref<1x256x16xf32, #tpu.memory_space<vmem>>
      %dma_wait3A_378 = tpu.memref_squeeze %dma_wait3A_377 : memref<1x256x16xf32, #tpu.memory_space<vmem>> -> memref<256x16xf32, #tpu.memory_space<vmem>>
      %dma_wait3A_379 = arith.constant 0 : i32
      %dma_wait3A_380 = arith.constant 0 : i32
      %dma_wait3A_381 = tpu.memref_slice %arg5[%dma_wait3A_379, %dma_wait3A_380] : memref<640x16xf32, #tpu.memory_space<hbm>> -> memref<256x16xf32, #tpu.memory_space<hbm>>
      %dma_wait3A_382 = arith.constant 0 : i32
      %dma_wait3A_383 = arith.constant 0 : i32
      %dma_wait3A_384 = tpu.memref_slice %arg10[%dma_wait3A_374, %dma_wait3A_382, %dma_wait3A_383] : memref<2x256x16xf32, #tpu.memory_space<vmem>> -> memref<1x256x16xf32, #tpu.memory_space<vmem>>
      %dma_wait3A_385 = tpu.memref_squeeze %dma_wait3A_384 : memref<1x256x16xf32, #tpu.memory_space<vmem>> -> memref<256x16xf32, #tpu.memory_space<vmem>>
      %dma_wait3A_386 = arith.constant 0 : i32
      %dma_wait3A_387 = arith.constant 0 : i32
      %dma_wait3A_388 = tpu.memref_slice %arg5[%dma_wait3A_386, %dma_wait3A_387] : memref<640x16xf32, #tpu.memory_space<hbm>> -> memref<256x16xf32, #tpu.memory_space<hbm>>
      tpu.wait_dma2 semaphore(%arg13 : memref<!tpu.dma_semaphore, #tpu.memory_space<semaphore_mem>>) src(%dma_wait3A_388 : memref<256x16xf32, #tpu.memory_space<hbm>>) dst(%dma_wait3A_385 : memref<256x16xf32, #tpu.memory_space<vmem>>)
      %dma_wait3A_389 = arith.constant 0 : i32
      %dma_wait3A_390 = arith.constant 0 : i32
      %dma_wait3A_391 = arith.constant 0 : i32
      %dma_wait3A_392 = tpu.memref_slice %arg10[%dma_wait3A_389, %dma_wait3A_390, %dma_wait3A_391] : memref<2x256x16xf32, #tpu.memory_space<vmem>> -> memref<1x256x16xf32, #tpu.memory_space<vmem>>
      %dma_wait3A_393 = tpu.memref_squeeze %dma_wait3A_392 : memref<1x256x16xf32, #tpu.memory_space<vmem>> -> memref<256x16xf32, #tpu.memory_space<vmem>>
      %dma_wait3A_394 = arith.constant 0 : i32
      %dma_wait3A_395 = arith.constant 0 : i32
      %dma_wait3A_396 = tpu.memref_slice %arg5[%dma_wait3A_394, %dma_wait3A_395] : memref<640x16xf32, #tpu.memory_space<hbm>> -> memref<256x16xf32, #tpu.memory_space<hbm>>
      %dma_wait3A_397 = arith.constant 0 : i32
      %dma_wait3A_398 = arith.constant 0 : i32
      %dma_wait3A_399 = tpu.memref_slice %arg10[%dma_wait3A_389, %dma_wait3A_397, %dma_wait3A_398] : memref<2x256x16xf32, #tpu.memory_space<vmem>> -> memref<1x256x16xf32, #tpu.memory_space<vmem>>
      %dma_wait3A_400 = tpu.memref_squeeze %dma_wait3A_399 : memref<1x256x16xf32, #tpu.memory_space<vmem>> -> memref<256x16xf32, #tpu.memory_space<vmem>>
      %dma_wait3A_401 = arith.constant 0 : i32
      %dma_wait3A_402 = arith.constant 0 : i32
      %dma_wait3A_403 = tpu.memref_slice %arg5[%dma_wait3A_401, %dma_wait3A_402] : memref<640x16xf32, #tpu.memory_space<hbm>> -> memref<256x16xf32, #tpu.memory_space<hbm>>
      tpu.wait_dma2 semaphore(%arg14 : memref<!tpu.dma_semaphore, #tpu.memory_space<semaphore_mem>>) src(%dma_wait3A_403 : memref<256x16xf32, #tpu.memory_space<hbm>>) dst(%dma_wait3A_400 : memref<256x16xf32, #tpu.memory_space<vmem>>)
      %dma_start3A_404 = arith.constant 1 : i32
      %dma_start3A_405 = arith.constant 5 : i32
      %dma_start3A_406 = arith.constant 0 : i32
      %dma_start3A_407 = arith.constant 0 : i32
      %dma_start3A_408 = tpu.memref_slice %arg10[%dma_start3A_404, %dma_start3A_406, %dma_start3A_407] : memref<2x256x16xf32, #tpu.memory_space<vmem>> -> memref<1x256x16xf32, #tpu.memory_space<vmem>>
      %dma_start3A_409 = tpu.memref_squeeze %dma_start3A_408 : memref<1x256x16xf32, #tpu.memory_space<vmem>> -> memref<256x16xf32, #tpu.memory_space<vmem>>
      %dma_start3A_410 = arith.constant 0 : i32
      %dma_start3A_411 = tpu.memref_slice %arg9[%rem3A_93, %dma_start3A_405, %dma_start3A_410] : memref<2x8x256xi32, #tpu.memory_space<vmem>> -> memref<1x1x256xi32, #tpu.memory_space<vmem>>
      %dma_start3A_412 = tpu.memref_squeeze %dma_start3A_411 : memref<1x1x256xi32, #tpu.memory_space<vmem>> -> memref<256xi32, #tpu.memory_space<vmem>>
      %dma_start3A_413 = arith.constant 0 : i32
      %dma_start3A_414 = arith.constant 0 : i32
      %dma_start3A_415 = tpu.memref_slice %arg11[%dma_start3A_413, %dma_start3A_414] : memref<51200x16xf32, #tpu.memory_space<vmem_shared>> -> memref<51200x16xf32, #tpu.memory_space<vmem_shared>>
      tpu.enqueue_indirect_dma source(%dma_start3A_409 : memref<256x16xf32, #tpu.memory_space<vmem>>) target(%dma_start3A_415 : memref<51200x16xf32, #tpu.memory_space<vmem_shared>>) offsets(%dma_start3A_412 : memref<256xi32, #tpu.memory_space<vmem>>) semaphore(%arg14 : memref<!tpu.dma_semaphore, #tpu.memory_space<semaphore_mem>>) {add = true}
      %dma_start3A_416 = arith.constant 6 : i32
      %dma_start3A_417 = arith.constant 0 : i32
      %dma_start3A_418 = arith.constant 0 : i32
      %dma_start3A_419 = arith.constant 0 : i32
      %dma_start3A_420 = tpu.memref_slice %arg10[%dma_start3A_417, %dma_start3A_418, %dma_start3A_419] : memref<2x256x16xf32, #tpu.memory_space<vmem>> -> memref<1x256x16xf32, #tpu.memory_space<vmem>>
      %dma_start3A_421 = tpu.memref_squeeze %dma_start3A_420 : memref<1x256x16xf32, #tpu.memory_space<vmem>> -> memref<256x16xf32, #tpu.memory_space<vmem>>
      %dma_start3A_422 = arith.constant 0 : i32
      %dma_start3A_423 = tpu.memref_slice %arg8[%rem3A_93, %dma_start3A_416, %dma_start3A_422] : memref<2x8x256xi32, #tpu.memory_space<vmem>> -> memref<1x1x256xi32, #tpu.memory_space<vmem>>
      %dma_start3A_424 = tpu.memref_squeeze %dma_start3A_423 : memref<1x1x256xi32, #tpu.memory_space<vmem>> -> memref<256xi32, #tpu.memory_space<vmem>>
      %dma_start3A_425 = arith.constant 0 : i32
      %dma_start3A_426 = arith.constant 0 : i32
      %dma_start3A_427 = tpu.memref_slice %arg12[%dma_start3A_425, %dma_start3A_426] : memref<50000x16xf32, #tpu.memory_space<vmem_shared>> -> memref<50000x16xf32, #tpu.memory_space<vmem_shared>>
      tpu.enqueue_indirect_dma source(%dma_start3A_427 : memref<50000x16xf32, #tpu.memory_space<vmem_shared>>) target(%dma_start3A_421 : memref<256x16xf32, #tpu.memory_space<vmem>>) offsets(%dma_start3A_424 : memref<256xi32, #tpu.memory_space<vmem>>) semaphore(%arg13 : memref<!tpu.dma_semaphore, #tpu.memory_space<semaphore_mem>>)
      %dma_wait3A_428 = arith.constant 0 : i32
      %dma_wait3A_429 = arith.constant 0 : i32
      %dma_wait3A_430 = arith.constant 0 : i32
      %dma_wait3A_431 = tpu.memref_slice %arg10[%dma_wait3A_428, %dma_wait3A_429, %dma_wait3A_430] : memref<2x256x16xf32, #tpu.memory_space<vmem>> -> memref<1x256x16xf32, #tpu.memory_space<vmem>>
      %dma_wait3A_432 = tpu.memref_squeeze %dma_wait3A_431 : memref<1x256x16xf32, #tpu.memory_space<vmem>> -> memref<256x16xf32, #tpu.memory_space<vmem>>
      %dma_wait3A_433 = arith.constant 0 : i32
      %dma_wait3A_434 = arith.constant 0 : i32
      %dma_wait3A_435 = tpu.memref_slice %arg5[%dma_wait3A_433, %dma_wait3A_434] : memref<640x16xf32, #tpu.memory_space<hbm>> -> memref<256x16xf32, #tpu.memory_space<hbm>>
      %dma_wait3A_436 = arith.constant 0 : i32
      %dma_wait3A_437 = arith.constant 0 : i32
      %dma_wait3A_438 = tpu.memref_slice %arg10[%dma_wait3A_428, %dma_wait3A_436, %dma_wait3A_437] : memref<2x256x16xf32, #tpu.memory_space<vmem>> -> memref<1x256x16xf32, #tpu.memory_space<vmem>>
      %dma_wait3A_439 = tpu.memref_squeeze %dma_wait3A_438 : memref<1x256x16xf32, #tpu.memory_space<vmem>> -> memref<256x16xf32, #tpu.memory_space<vmem>>
      %dma_wait3A_440 = arith.constant 0 : i32
      %dma_wait3A_441 = arith.constant 0 : i32
      %dma_wait3A_442 = tpu.memref_slice %arg5[%dma_wait3A_440, %dma_wait3A_441] : memref<640x16xf32, #tpu.memory_space<hbm>> -> memref<256x16xf32, #tpu.memory_space<hbm>>
      tpu.wait_dma2 semaphore(%arg13 : memref<!tpu.dma_semaphore, #tpu.memory_space<semaphore_mem>>) src(%dma_wait3A_442 : memref<256x16xf32, #tpu.memory_space<hbm>>) dst(%dma_wait3A_439 : memref<256x16xf32, #tpu.memory_space<vmem>>)
      %dma_wait3A_443 = arith.constant 1 : i32
      %dma_wait3A_444 = arith.constant 0 : i32
      %dma_wait3A_445 = arith.constant 0 : i32
      %dma_wait3A_446 = tpu.memref_slice %arg10[%dma_wait3A_443, %dma_wait3A_444, %dma_wait3A_445] : memref<2x256x16xf32, #tpu.memory_space<vmem>> -> memref<1x256x16xf32, #tpu.memory_space<vmem>>
      %dma_wait3A_447 = tpu.memref_squeeze %dma_wait3A_446 : memref<1x256x16xf32, #tpu.memory_space<vmem>> -> memref<256x16xf32, #tpu.memory_space<vmem>>
      %dma_wait3A_448 = arith.constant 0 : i32
      %dma_wait3A_449 = arith.constant 0 : i32
      %dma_wait3A_450 = tpu.memref_slice %arg5[%dma_wait3A_448, %dma_wait3A_449] : memref<640x16xf32, #tpu.memory_space<hbm>> -> memref<256x16xf32, #tpu.memory_space<hbm>>
      %dma_wait3A_451 = arith.constant 0 : i32
      %dma_wait3A_452 = arith.constant 0 : i32
      %dma_wait3A_453 = tpu.memref_slice %arg10[%dma_wait3A_443, %dma_wait3A_451, %dma_wait3A_452] : memref<2x256x16xf32, #tpu.memory_space<vmem>> -> memref<1x256x16xf32, #tpu.memory_space<vmem>>
      %dma_wait3A_454 = tpu.memref_squeeze %dma_wait3A_453 : memref<1x256x16xf32, #tpu.memory_space<vmem>> -> memref<256x16xf32, #tpu.memory_space<vmem>>
      %dma_wait3A_455 = arith.constant 0 : i32
      %dma_wait3A_456 = arith.constant 0 : i32
      %dma_wait3A_457 = tpu.memref_slice %arg5[%dma_wait3A_455, %dma_wait3A_456] : memref<640x16xf32, #tpu.memory_space<hbm>> -> memref<256x16xf32, #tpu.memory_space<hbm>>
      tpu.wait_dma2 semaphore(%arg14 : memref<!tpu.dma_semaphore, #tpu.memory_space<semaphore_mem>>) src(%dma_wait3A_457 : memref<256x16xf32, #tpu.memory_space<hbm>>) dst(%dma_wait3A_454 : memref<256x16xf32, #tpu.memory_space<vmem>>)
      %dma_start3A_458 = arith.constant 0 : i32
      %dma_start3A_459 = arith.constant 6 : i32
      %dma_start3A_460 = arith.constant 0 : i32
      %dma_start3A_461 = arith.constant 0 : i32
      %dma_start3A_462 = tpu.memref_slice %arg10[%dma_start3A_458, %dma_start3A_460, %dma_start3A_461] : memref<2x256x16xf32, #tpu.memory_space<vmem>> -> memref<1x256x16xf32, #tpu.memory_space<vmem>>
      %dma_start3A_463 = tpu.memref_squeeze %dma_start3A_462 : memref<1x256x16xf32, #tpu.memory_space<vmem>> -> memref<256x16xf32, #tpu.memory_space<vmem>>
      %dma_start3A_464 = arith.constant 0 : i32
      %dma_start3A_465 = tpu.memref_slice %arg9[%rem3A_93, %dma_start3A_459, %dma_start3A_464] : memref<2x8x256xi32, #tpu.memory_space<vmem>> -> memref<1x1x256xi32, #tpu.memory_space<vmem>>
      %dma_start3A_466 = tpu.memref_squeeze %dma_start3A_465 : memref<1x1x256xi32, #tpu.memory_space<vmem>> -> memref<256xi32, #tpu.memory_space<vmem>>
      %dma_start3A_467 = arith.constant 0 : i32
      %dma_start3A_468 = arith.constant 0 : i32
      %dma_start3A_469 = tpu.memref_slice %arg11[%dma_start3A_467, %dma_start3A_468] : memref<51200x16xf32, #tpu.memory_space<vmem_shared>> -> memref<51200x16xf32, #tpu.memory_space<vmem_shared>>
      tpu.enqueue_indirect_dma source(%dma_start3A_463 : memref<256x16xf32, #tpu.memory_space<vmem>>) target(%dma_start3A_469 : memref<51200x16xf32, #tpu.memory_space<vmem_shared>>) offsets(%dma_start3A_466 : memref<256xi32, #tpu.memory_space<vmem>>) semaphore(%arg14 : memref<!tpu.dma_semaphore, #tpu.memory_space<semaphore_mem>>) {add = true}
      %dma_start3A_470 = arith.constant 7 : i32
      %dma_start3A_471 = arith.constant 1 : i32
      %dma_start3A_472 = arith.constant 0 : i32
      %dma_start3A_473 = arith.constant 0 : i32
      %dma_start3A_474 = tpu.memref_slice %arg10[%dma_start3A_471, %dma_start3A_472, %dma_start3A_473] : memref<2x256x16xf32, #tpu.memory_space<vmem>> -> memref<1x256x16xf32, #tpu.memory_space<vmem>>
      %dma_start3A_475 = tpu.memref_squeeze %dma_start3A_474 : memref<1x256x16xf32, #tpu.memory_space<vmem>> -> memref<256x16xf32, #tpu.memory_space<vmem>>
      %dma_start3A_476 = arith.constant 0 : i32
      %dma_start3A_477 = tpu.memref_slice %arg8[%rem3A_93, %dma_start3A_470, %dma_start3A_476] : memref<2x8x256xi32, #tpu.memory_space<vmem>> -> memref<1x1x256xi32, #tpu.memory_space<vmem>>
      %dma_start3A_478 = tpu.memref_squeeze %dma_start3A_477 : memref<1x1x256xi32, #tpu.memory_space<vmem>> -> memref<256xi32, #tpu.memory_space<vmem>>
      %dma_start3A_479 = arith.constant 0 : i32
      %dma_start3A_480 = arith.constant 0 : i32
      %dma_start3A_481 = tpu.memref_slice %arg12[%dma_start3A_479, %dma_start3A_480] : memref<50000x16xf32, #tpu.memory_space<vmem_shared>> -> memref<50000x16xf32, #tpu.memory_space<vmem_shared>>
      tpu.enqueue_indirect_dma source(%dma_start3A_481 : memref<50000x16xf32, #tpu.memory_space<vmem_shared>>) target(%dma_start3A_475 : memref<256x16xf32, #tpu.memory_space<vmem>>) offsets(%dma_start3A_478 : memref<256xi32, #tpu.memory_space<vmem>>) semaphore(%arg13 : memref<!tpu.dma_semaphore, #tpu.memory_space<semaphore_mem>>)
      %dma_wait3A_482 = arith.constant 1 : i32
      %dma_wait3A_483 = arith.constant 0 : i32
      %dma_wait3A_484 = arith.constant 0 : i32
      %dma_wait3A_485 = tpu.memref_slice %arg10[%dma_wait3A_482, %dma_wait3A_483, %dma_wait3A_484] : memref<2x256x16xf32, #tpu.memory_space<vmem>> -> memref<1x256x16xf32, #tpu.memory_space<vmem>>
      %dma_wait3A_486 = tpu.memref_squeeze %dma_wait3A_485 : memref<1x256x16xf32, #tpu.memory_space<vmem>> -> memref<256x16xf32, #tpu.memory_space<vmem>>
      %dma_wait3A_487 = arith.constant 0 : i32
      %dma_wait3A_488 = arith.constant 0 : i32
      %dma_wait3A_489 = tpu.memref_slice %arg5[%dma_wait3A_487, %dma_wait3A_488] : memref<640x16xf32, #tpu.memory_space<hbm>> -> memref<256x16xf32, #tpu.memory_space<hbm>>
      %dma_wait3A_490 = arith.constant 0 : i32
      %dma_wait3A_491 = arith.constant 0 : i32
      %dma_wait3A_492 = tpu.memref_slice %arg10[%dma_wait3A_482, %dma_wait3A_490, %dma_wait3A_491] : memref<2x256x16xf32, #tpu.memory_space<vmem>> -> memref<1x256x16xf32, #tpu.memory_space<vmem>>
      %dma_wait3A_493 = tpu.memref_squeeze %dma_wait3A_492 : memref<1x256x16xf32, #tpu.memory_space<vmem>> -> memref<256x16xf32, #tpu.memory_space<vmem>>
      %dma_wait3A_494 = arith.constant 0 : i32
      %dma_wait3A_495 = arith.constant 0 : i32
      %dma_wait3A_496 = tpu.memref_slice %arg5[%dma_wait3A_494, %dma_wait3A_495] : memref<640x16xf32, #tpu.memory_space<hbm>> -> memref<256x16xf32, #tpu.memory_space<hbm>>
      tpu.wait_dma2 semaphore(%arg13 : memref<!tpu.dma_semaphore, #tpu.memory_space<semaphore_mem>>) src(%dma_wait3A_496 : memref<256x16xf32, #tpu.memory_space<hbm>>) dst(%dma_wait3A_493 : memref<256x16xf32, #tpu.memory_space<vmem>>)
      %dma_wait3A_497 = arith.constant 0 : i32
      %dma_wait3A_498 = arith.constant 0 : i32
      %dma_wait3A_499 = arith.constant 0 : i32
      %dma_wait3A_500 = tpu.memref_slice %arg10[%dma_wait3A_497, %dma_wait3A_498, %dma_wait3A_499] : memref<2x256x16xf32, #tpu.memory_space<vmem>> -> memref<1x256x16xf32, #tpu.memory_space<vmem>>
      %dma_wait3A_501 = tpu.memref_squeeze %dma_wait3A_500 : memref<1x256x16xf32, #tpu.memory_space<vmem>> -> memref<256x16xf32, #tpu.memory_space<vmem>>
      %dma_wait3A_502 = arith.constant 0 : i32
      %dma_wait3A_503 = arith.constant 0 : i32
      %dma_wait3A_504 = tpu.memref_slice %arg5[%dma_wait3A_502, %dma_wait3A_503] : memref<640x16xf32, #tpu.memory_space<hbm>> -> memref<256x16xf32, #tpu.memory_space<hbm>>
      %dma_wait3A_505 = arith.constant 0 : i32
      %dma_wait3A_506 = arith.constant 0 : i32
      %dma_wait3A_507 = tpu.memref_slice %arg10[%dma_wait3A_497, %dma_wait3A_505, %dma_wait3A_506] : memref<2x256x16xf32, #tpu.memory_space<vmem>> -> memref<1x256x16xf32, #tpu.memory_space<vmem>>
      %dma_wait3A_508 = tpu.memref_squeeze %dma_wait3A_507 : memref<1x256x16xf32, #tpu.memory_space<vmem>> -> memref<256x16xf32, #tpu.memory_space<vmem>>
      %dma_wait3A_509 = arith.constant 0 : i32
      %dma_wait3A_510 = arith.constant 0 : i32
      %dma_wait3A_511 = tpu.memref_slice %arg5[%dma_wait3A_509, %dma_wait3A_510] : memref<640x16xf32, #tpu.memory_space<hbm>> -> memref<256x16xf32, #tpu.memory_space<hbm>>
      tpu.wait_dma2 semaphore(%arg14 : memref<!tpu.dma_semaphore, #tpu.memory_space<semaphore_mem>>) src(%dma_wait3A_511 : memref<256x16xf32, #tpu.memory_space<hbm>>) dst(%dma_wait3A_508 : memref<256x16xf32, #tpu.memory_space<vmem>>)
      %dma_start3A_512 = arith.constant 1 : i32
      %dma_start3A_513 = arith.constant 7 : i32
      %dma_start3A_514 = arith.constant 0 : i32
      %dma_start3A_515 = arith.constant 0 : i32
      %dma_start3A_516 = tpu.memref_slice %arg10[%dma_start3A_512, %dma_start3A_514, %dma_start3A_515] : memref<2x256x16xf32, #tpu.memory_space<vmem>> -> memref<1x256x16xf32, #tpu.memory_space<vmem>>
      %dma_start3A_517 = tpu.memref_squeeze %dma_start3A_516 : memref<1x256x16xf32, #tpu.memory_space<vmem>> -> memref<256x16xf32, #tpu.memory_space<vmem>>
      %dma_start3A_518 = arith.constant 0 : i32
      %dma_start3A_519 = tpu.memref_slice %arg9[%rem3A_93, %dma_start3A_513, %dma_start3A_518] : memref<2x8x256xi32, #tpu.memory_space<vmem>> -> memref<1x1x256xi32, #tpu.memory_space<vmem>>
      %dma_start3A_520 = tpu.memref_squeeze %dma_start3A_519 : memref<1x1x256xi32, #tpu.memory_space<vmem>> -> memref<256xi32, #tpu.memory_space<vmem>>
      %dma_start3A_521 = arith.constant 0 : i32
      %dma_start3A_522 = arith.constant 0 : i32
      %dma_start3A_523 = tpu.memref_slice %arg11[%dma_start3A_521, %dma_start3A_522] : memref<51200x16xf32, #tpu.memory_space<vmem_shared>> -> memref<51200x16xf32, #tpu.memory_space<vmem_shared>>
      tpu.enqueue_indirect_dma source(%dma_start3A_517 : memref<256x16xf32, #tpu.memory_space<vmem>>) target(%dma_start3A_523 : memref<51200x16xf32, #tpu.memory_space<vmem_shared>>) offsets(%dma_start3A_520 : memref<256xi32, #tpu.memory_space<vmem>>) semaphore(%arg14 : memref<!tpu.dma_semaphore, #tpu.memory_space<semaphore_mem>>) {add = true}
      %dma_start3A_524 = arith.constant 0 : i32
      %dma_start3A_525 = arith.constant 0 : i32
      %dma_start3A_526 = arith.constant 0 : i32
      %dma_start3A_527 = arith.constant 0 : i32
      %dma_start3A_528 = tpu.memref_slice %arg10[%dma_start3A_525, %dma_start3A_526, %dma_start3A_527] : memref<2x256x16xf32, #tpu.memory_space<vmem>> -> memref<1x256x16xf32, #tpu.memory_space<vmem>>
      %dma_start3A_529 = tpu.memref_squeeze %dma_start3A_528 : memref<1x256x16xf32, #tpu.memory_space<vmem>> -> memref<256x16xf32, #tpu.memory_space<vmem>>
      %dma_start3A_530 = arith.constant 0 : i32
      %dma_start3A_531 = tpu.memref_slice %arg8[%rem3A_97, %dma_start3A_524, %dma_start3A_530] : memref<2x8x256xi32, #tpu.memory_space<vmem>> -> memref<1x1x256xi32, #tpu.memory_space<vmem>>
      %dma_start3A_532 = tpu.memref_squeeze %dma_start3A_531 : memref<1x1x256xi32, #tpu.memory_space<vmem>> -> memref<256xi32, #tpu.memory_space<vmem>>
      %dma_start3A_533 = arith.constant 0 : i32
      %dma_start3A_534 = arith.constant 0 : i32
      %dma_start3A_535 = tpu.memref_slice %arg12[%dma_start3A_533, %dma_start3A_534] : memref<50000x16xf32, #tpu.memory_space<vmem_shared>> -> memref<50000x16xf32, #tpu.memory_space<vmem_shared>>
      tpu.enqueue_indirect_dma source(%dma_start3A_535 : memref<50000x16xf32, #tpu.memory_space<vmem_shared>>) target(%dma_start3A_529 : memref<256x16xf32, #tpu.memory_space<vmem>>) offsets(%dma_start3A_532 : memref<256xi32, #tpu.memory_space<vmem>>) semaphore(%arg13 : memref<!tpu.dma_semaphore, #tpu.memory_space<semaphore_mem>>)
    }
    %scan3A_51 = arith.constant 13 : i32
    %dma_wait3A = arith.constant 0 : i32
    %dma_wait3A_52 = arith.constant 0 : i32
    %dma_wait3A_53 = arith.constant 0 : i32
    %dma_wait3A_54 = tpu.memref_slice %arg10[%dma_wait3A, %dma_wait3A_52, %dma_wait3A_53] : memref<2x256x16xf32, #tpu.memory_space<vmem>> -> memref<1x256x16xf32, #tpu.memory_space<vmem>>
    %dma_wait3A_55 = tpu.memref_squeeze %dma_wait3A_54 : memref<1x256x16xf32, #tpu.memory_space<vmem>> -> memref<256x16xf32, #tpu.memory_space<vmem>>
    %dma_wait3A_56 = arith.constant 0 : i32
    %dma_wait3A_57 = arith.constant 0 : i32
    %dma_wait3A_58 = tpu.memref_slice %arg5[%dma_wait3A_56, %dma_wait3A_57] : memref<640x16xf32, #tpu.memory_space<hbm>> -> memref<256x16xf32, #tpu.memory_space<hbm>>
    %dma_wait3A_59 = arith.constant 0 : i32
    %dma_wait3A_60 = arith.constant 0 : i32
    %dma_wait3A_61 = tpu.memref_slice %arg10[%dma_wait3A, %dma_wait3A_59, %dma_wait3A_60] : memref<2x256x16xf32, #tpu.memory_space<vmem>> -> memref<1x256x16xf32, #tpu.memory_space<vmem>>
    %dma_wait3A_62 = tpu.memref_squeeze %dma_wait3A_61 : memref<1x256x16xf32, #tpu.memory_space<vmem>> -> memref<256x16xf32, #tpu.memory_space<vmem>>
    %dma_wait3A_63 = arith.constant 0 : i32
    %dma_wait3A_64 = arith.constant 0 : i32
    %dma_wait3A_65 = tpu.memref_slice %arg5[%dma_wait3A_63, %dma_wait3A_64] : memref<640x16xf32, #tpu.memory_space<hbm>> -> memref<256x16xf32, #tpu.memory_space<hbm>>
    tpu.wait_dma2 semaphore(%arg14 : memref<!tpu.dma_semaphore, #tpu.memory_space<semaphore_mem>>) src(%dma_wait3A_65 : memref<256x16xf32, #tpu.memory_space<hbm>>) dst(%dma_wait3A_62 : memref<256x16xf32, #tpu.memory_space<vmem>>)
    %dma_wait3A_66 = arith.constant 1 : i32
    %dma_wait3A_67 = arith.constant 0 : i32
    %dma_wait3A_68 = arith.constant 0 : i32
    %dma_wait3A_69 = tpu.memref_slice %arg10[%dma_wait3A_66, %dma_wait3A_67, %dma_wait3A_68] : memref<2x256x16xf32, #tpu.memory_space<vmem>> -> memref<1x256x16xf32, #tpu.memory_space<vmem>>
    %dma_wait3A_70 = tpu.memref_squeeze %dma_wait3A_69 : memref<1x256x16xf32, #tpu.memory_space<vmem>> -> memref<256x16xf32, #tpu.memory_space<vmem>>
    %dma_wait3A_71 = arith.constant 0 : i32
    %dma_wait3A_72 = arith.constant 0 : i32
    %dma_wait3A_73 = tpu.memref_slice %arg5[%dma_wait3A_71, %dma_wait3A_72] : memref<640x16xf32, #tpu.memory_space<hbm>> -> memref<256x16xf32, #tpu.memory_space<hbm>>
    %dma_wait3A_74 = arith.constant 0 : i32
    %dma_wait3A_75 = arith.constant 0 : i32
    %dma_wait3A_76 = tpu.memref_slice %arg10[%dma_wait3A_66, %dma_wait3A_74, %dma_wait3A_75] : memref<2x256x16xf32, #tpu.memory_space<vmem>> -> memref<1x256x16xf32, #tpu.memory_space<vmem>>
    %dma_wait3A_77 = tpu.memref_squeeze %dma_wait3A_76 : memref<1x256x16xf32, #tpu.memory_space<vmem>> -> memref<256x16xf32, #tpu.memory_space<vmem>>
    %dma_wait3A_78 = arith.constant 0 : i32
    %dma_wait3A_79 = arith.constant 0 : i32
    %dma_wait3A_80 = tpu.memref_slice %arg5[%dma_wait3A_78, %dma_wait3A_79] : memref<640x16xf32, #tpu.memory_space<hbm>> -> memref<256x16xf32, #tpu.memory_space<hbm>>
    tpu.wait_dma2 semaphore(%arg13 : memref<!tpu.dma_semaphore, #tpu.memory_space<semaphore_mem>>) src(%dma_wait3A_80 : memref<256x16xf32, #tpu.memory_space<hbm>>) dst(%dma_wait3A_77 : memref<256x16xf32, #tpu.memory_space<vmem>>)
    %barrier3A_81 = arith.constant 0 : index
    tpu.barrier barrier_id(%barrier3A_81)
    %eq3A_82 = arith.constant 0 : i32
    %eq3A_83 = arith.cmpi eq, %arg0, %eq3A_82 : i32
    %convert_element_type3A_84 = arith.extui %eq3A_83 : i1 to i32
    %cond3A_85 = arith.constant 0 : i32
    %cond3A_86 = arith.cmpi ne, %convert_element_type3A_84, %cond3A_85 : i32
    scf.if %cond3A_86 {
      %mul3A_92 = arith.constant 3200 : i32
      %mul3A_93 = arith.muli %arg1, %mul3A_92 : i32
      %mul3A_94 = arith.constant 3200 : i32
      %mul3A_95 = arith.muli %arg1, %mul3A_94 : i32
      "tpu.region"() ({
        %run_scoped3A_96 = tpu.sem_alloc : memref<!tpu.dma_semaphore, #tpu.memory_space<semaphore_mem>>
        %dma_start3A_97 = arith.constant 0 : i32
        %dma_start3A_98 = tpu.memref_slice %arg6[%mul3A_95, %dma_start3A_97] : memref<51200x16xf32, #tpu.memory_space<hbm>> -> memref<3200x16xf32, #tpu.memory_space<hbm>>
        %dma_start3A_99 = arith.constant 0 : i32
        %dma_start3A_100 = tpu.memref_slice %arg11[%mul3A_93, %dma_start3A_99] : memref<51200x16xf32, #tpu.memory_space<vmem_shared>> -> memref<3200x16xf32, #tpu.memory_space<vmem_shared>>
        tpu.enqueue_dma source(%dma_start3A_100 : memref<3200x16xf32, #tpu.memory_space<vmem_shared>>) target(%dma_start3A_98 : memref<3200x16xf32, #tpu.memory_space<hbm>>) target_semaphore(%run_scoped3A_96 : memref<!tpu.dma_semaphore, #tpu.memory_space<semaphore_mem>>)
        %dma_wait3A_101 = arith.constant 0 : i32
        %dma_wait3A_102 = tpu.memref_slice %arg6[%mul3A_95, %dma_wait3A_101] : memref<51200x16xf32, #tpu.memory_space<hbm>> -> memref<3200x16xf32, #tpu.memory_space<hbm>>
        %dma_wait3A_103 = arith.constant 0 : i32
        %dma_wait3A_104 = tpu.memref_slice %arg11[%mul3A_93, %dma_wait3A_103] : memref<51200x16xf32, #tpu.memory_space<vmem_shared>> -> memref<3200x16xf32, #tpu.memory_space<vmem_shared>>
        tpu.wait_dma2 semaphore(%run_scoped3A_96 : memref<!tpu.dma_semaphore, #tpu.memory_space<semaphore_mem>>) src(%dma_wait3A_104 : memref<3200x16xf32, #tpu.memory_space<vmem_shared>>) dst(%dma_wait3A_102 : memref<3200x16xf32, #tpu.memory_space<hbm>>)
        tpu.yield
      }) : () -> ()
    } else {
    }
    %eq3A_87 = arith.constant 1 : i32
    %eq3A_88 = arith.cmpi eq, %arg0, %eq3A_87 : i32
    %convert_element_type3A_89 = arith.extui %eq3A_88 : i1 to i32
    %cond3A_90 = arith.constant 0 : i32
    %cond3A_91 = arith.cmpi ne, %convert_element_type3A_89, %cond3A_90 : i32
    scf.if %cond3A_91 {
      %mul3A_92 = arith.constant 3200 : i32
      %mul3A_93 = arith.muli %arg1, %mul3A_92 : i32
      %mul3A_94 = arith.constant 3200 : i32
      %mul3A_95 = arith.muli %arg1, %mul3A_94 : i32
      "tpu.region"() ({
        %run_scoped3A_96 = tpu.sem_alloc : memref<!tpu.dma_semaphore, #tpu.memory_space<semaphore_mem>>
        %dma_start3A_97 = arith.constant 0 : i32
        %dma_start3A_98 = tpu.memref_slice %arg7[%mul3A_95, %dma_start3A_97] : memref<51200x16xf32, #tpu.memory_space<hbm>> -> memref<3200x16xf32, #tpu.memory_space<hbm>>
        %dma_start3A_99 = arith.constant 0 : i32
        %dma_start3A_100 = tpu.memref_slice %arg11[%mul3A_93, %dma_start3A_99] : memref<51200x16xf32, #tpu.memory_space<vmem_shared>> -> memref<3200x16xf32, #tpu.memory_space<vmem_shared>>
        tpu.enqueue_dma source(%dma_start3A_100 : memref<3200x16xf32, #tpu.memory_space<vmem_shared>>) target(%dma_start3A_98 : memref<3200x16xf32, #tpu.memory_space<hbm>>) target_semaphore(%run_scoped3A_96 : memref<!tpu.dma_semaphore, #tpu.memory_space<semaphore_mem>>)
        %dma_wait3A_101 = arith.constant 0 : i32
        %dma_wait3A_102 = tpu.memref_slice %arg7[%mul3A_95, %dma_wait3A_101] : memref<51200x16xf32, #tpu.memory_space<hbm>> -> memref<3200x16xf32, #tpu.memory_space<hbm>>
        %dma_wait3A_103 = arith.constant 0 : i32
        %dma_wait3A_104 = tpu.memref_slice %arg11[%mul3A_93, %dma_wait3A_103] : memref<51200x16xf32, #tpu.memory_space<vmem_shared>> -> memref<3200x16xf32, #tpu.memory_space<vmem_shared>>
        tpu.wait_dma2 semaphore(%run_scoped3A_96 : memref<!tpu.dma_semaphore, #tpu.memory_space<semaphore_mem>>) src(%dma_wait3A_104 : memref<3200x16xf32, #tpu.memory_space<vmem_shared>>) dst(%dma_wait3A_102 : memref<3200x16xf32, #tpu.memory_space<hbm>>)
        tpu.yield
      }) : () -> ()
    } else {
    }
    return
  }
}

#map = affine_map<(d0, d1) -> (0, 0)>
module attributes {stable_mosaic.version = 14 : i64} {
  func.func @prop_k(%arg0: i32, %arg1: i32, %arg2: memref<3328x256xi32, #tpu.memory_space<hbm>>, %arg3: memref<3328x256xi32, #tpu.memory_space<hbm>>, %arg4: memref<50000x64xf32, #tpu.memory_space<hbm>>, %arg5: memref<640x16xf32, #tpu.memory_space<hbm>>, %arg6: memref<51200x64xf32, #tpu.memory_space<hbm>>, %arg7: memref<2x8x256xi32, #tpu.memory_space<vmem>>, %arg8: memref<2x8x256xi32, #tpu.memory_space<vmem>>, %arg9: memref<2x256x16xf32, #tpu.memory_space<vmem>>, %arg10: memref<51200x16xf32, #tpu.memory_space<vmem_shared>>, %arg11: memref<50000x16xf32, #tpu.memory_space<vmem_shared>>, %arg12: memref<!tpu.dma_semaphore, #tpu.memory_space<semaphore_mem>>, %arg13: memref<!tpu.dma_semaphore, #tpu.memory_space<semaphore_mem>>) attributes {dimension_semantics = [#tpu.dimension_semantics<core_parallel>, #tpu.dimension_semantics<subcore_parallel>], iteration_bounds = array<i64: 2, 16>, scalar_prefetch = 0 : i64, scratch_operands = 7 : i64, tpu.core_type = #tpu.core_type<sc_vector_subcore>, window_params = [{transform_indices = #map}, {transform_indices = #map}, {transform_indices = #map}, {transform_indices = #map}, {transform_indices = #map}]} {
    %mul3A = arith.constant 208 : i32
    %mul3A_0 = arith.muli %arg1, %mul3A : i32
    %scan3A = arith.constant 0 : i32
    %scan3A_1 = arith.constant 0 : i32
    %scan3A_2 = arith.constant 2 : i32
    %scan3A_3 = arith.addi %scan3A_1, %scan3A_2 : i32
    %scan3A_4 = arith.constant 1 : i32
    scf.for %scan3A_6 = %scan3A_1 to %scan3A_3 step %scan3A_4  : i32 {
      %mul3A_7 = arith.constant 2 : i32
      %mul3A_8 = arith.muli %mul3A_7, %arg0 : i32
      %add3A = arith.addi %mul3A_8, %scan3A_6 : i32
      %mul3A_9 = arith.constant 16 : i32
      %mul3A_10 = arith.muli %add3A, %mul3A_9 : i32
      %lt3A = arith.constant 15 : i32
      %lt3A_11 = arith.cmpi slt, %arg1, %lt3A : i32
      %convert_element_type3A = arith.extui %lt3A_11 : i1 to i32
      %cond3A = arith.constant 0 : i32
      %cond3A_12 = arith.cmpi ne, %convert_element_type3A, %cond3A : i32
      scf.if %cond3A_12 {
        %mul3A_86 = arith.constant 3128 : i32
        %mul3A_87 = arith.muli %arg1, %mul3A_86 : i32
        %mul3A_88 = arith.constant 3128 : i32
        %mul3A_89 = arith.muli %arg1, %mul3A_88 : i32
        %dma_start3A_90 = arith.constant 0 : i32
        %dma_start3A_91 = tpu.memref_slice %arg11[%mul3A_89, %dma_start3A_90] : memref<50000x16xf32, #tpu.memory_space<vmem_shared>> -> memref<3128x16xf32, #tpu.memory_space<vmem_shared>>
        %dma_start3A_92 = tpu.memref_slice %arg4[%mul3A_87, %mul3A_10] : memref<50000x64xf32, #tpu.memory_space<hbm>> -> memref<3128x16xf32, #tpu.memory_space<hbm>>
        tpu.enqueue_dma source(%dma_start3A_92 : memref<3128x16xf32, #tpu.memory_space<hbm>>) target(%dma_start3A_91 : memref<3128x16xf32, #tpu.memory_space<vmem_shared>>) target_semaphore(%arg12 : memref<!tpu.dma_semaphore, #tpu.memory_space<semaphore_mem>>)
        %mul3A_93 = arith.constant 3200 : i32
        %mul3A_94 = arith.muli %arg1, %mul3A_93 : i32
        %mul3A_95 = arith.constant 3200 : i32
        %mul3A_96 = arith.muli %arg1, %mul3A_95 : i32
        %dma_start3A_97 = arith.constant 0 : i32
        %dma_start3A_98 = tpu.memref_slice %arg10[%mul3A_96, %dma_start3A_97] : memref<51200x16xf32, #tpu.memory_space<vmem_shared>> -> memref<3200x16xf32, #tpu.memory_space<vmem_shared>>
        %dma_start3A_99 = tpu.memref_slice %arg4[%mul3A_94, %mul3A_10] : memref<50000x64xf32, #tpu.memory_space<hbm>> -> memref<3200x16xf32, #tpu.memory_space<hbm>>
        tpu.enqueue_dma source(%dma_start3A_99 : memref<3200x16xf32, #tpu.memory_space<hbm>>) target(%dma_start3A_98 : memref<3200x16xf32, #tpu.memory_space<vmem_shared>>) target_semaphore(%arg13 : memref<!tpu.dma_semaphore, #tpu.memory_space<semaphore_mem>>)
        %dma_wait3A_100 = arith.constant 0 : i32
        %dma_wait3A_101 = tpu.memref_slice %arg11[%mul3A_89, %dma_wait3A_100] : memref<50000x16xf32, #tpu.memory_space<vmem_shared>> -> memref<3128x16xf32, #tpu.memory_space<vmem_shared>>
        %dma_wait3A_102 = tpu.memref_slice %arg4[%mul3A_87, %mul3A_10] : memref<50000x64xf32, #tpu.memory_space<hbm>> -> memref<3128x16xf32, #tpu.memory_space<hbm>>
        tpu.wait_dma2 semaphore(%arg12 : memref<!tpu.dma_semaphore, #tpu.memory_space<semaphore_mem>>) src(%dma_wait3A_102 : memref<3128x16xf32, #tpu.memory_space<hbm>>) dst(%dma_wait3A_101 : memref<3128x16xf32, #tpu.memory_space<vmem_shared>>)
        %dma_wait3A_103 = arith.constant 0 : i32
        %dma_wait3A_104 = tpu.memref_slice %arg10[%mul3A_96, %dma_wait3A_103] : memref<51200x16xf32, #tpu.memory_space<vmem_shared>> -> memref<3200x16xf32, #tpu.memory_space<vmem_shared>>
        %dma_wait3A_105 = tpu.memref_slice %arg4[%mul3A_94, %mul3A_10] : memref<50000x64xf32, #tpu.memory_space<hbm>> -> memref<3200x16xf32, #tpu.memory_space<hbm>>
        tpu.wait_dma2 semaphore(%arg13 : memref<!tpu.dma_semaphore, #tpu.memory_space<semaphore_mem>>) src(%dma_wait3A_105 : memref<3200x16xf32, #tpu.memory_space<hbm>>) dst(%dma_wait3A_104 : memref<3200x16xf32, #tpu.memory_space<vmem_shared>>)
      } else {
      }
      %eq3A = arith.constant 15 : i32
      %eq3A_13 = arith.cmpi eq, %arg1, %eq3A : i32
      %convert_element_type3A_14 = arith.extui %eq3A_13 : i1 to i32
      %cond3A_15 = arith.constant 0 : i32
      %cond3A_16 = arith.cmpi ne, %convert_element_type3A_14, %cond3A_15 : i32
      scf.if %cond3A_16 {
        %dma_start3A_86 = arith.constant 46920 : i32
        %dma_start3A_87 = arith.constant 0 : i32
        %dma_start3A_88 = tpu.memref_slice %arg11[%dma_start3A_86, %dma_start3A_87] : memref<50000x16xf32, #tpu.memory_space<vmem_shared>> -> memref<3080x16xf32, #tpu.memory_space<vmem_shared>>
        %dma_start3A_89 = arith.constant 46920 : i32
        %dma_start3A_90 = tpu.memref_slice %arg4[%dma_start3A_89, %mul3A_10] : memref<50000x64xf32, #tpu.memory_space<hbm>> -> memref<3080x16xf32, #tpu.memory_space<hbm>>
        tpu.enqueue_dma source(%dma_start3A_90 : memref<3080x16xf32, #tpu.memory_space<hbm>>) target(%dma_start3A_88 : memref<3080x16xf32, #tpu.memory_space<vmem_shared>>) target_semaphore(%arg12 : memref<!tpu.dma_semaphore, #tpu.memory_space<semaphore_mem>>)
        %dma_start3A_91 = arith.constant 48000 : i32
        %dma_start3A_92 = arith.constant 0 : i32
        %dma_start3A_93 = tpu.memref_slice %arg10[%dma_start3A_91, %dma_start3A_92] : memref<51200x16xf32, #tpu.memory_space<vmem_shared>> -> memref<2000x16xf32, #tpu.memory_space<vmem_shared>>
        %dma_start3A_94 = arith.constant 48000 : i32
        %dma_start3A_95 = tpu.memref_slice %arg4[%dma_start3A_94, %mul3A_10] : memref<50000x64xf32, #tpu.memory_space<hbm>> -> memref<2000x16xf32, #tpu.memory_space<hbm>>
        tpu.enqueue_dma source(%dma_start3A_95 : memref<2000x16xf32, #tpu.memory_space<hbm>>) target(%dma_start3A_93 : memref<2000x16xf32, #tpu.memory_space<vmem_shared>>) target_semaphore(%arg13 : memref<!tpu.dma_semaphore, #tpu.memory_space<semaphore_mem>>)
        %scan3A_96 = arith.constant 0 : i32
        %scan3A_97 = arith.constant 0 : i32
        %scan3A_98 = arith.constant 3 : i32
        %scan3A_99 = arith.addi %scan3A_97, %scan3A_98 : i32
        %scan3A_100 = arith.constant 1 : i32
        scf.for %scan3A_112 = %scan3A_97 to %scan3A_99 step %scan3A_100  : i32 {
          %mul3A_113 = arith.constant 320 : i32
          %mul3A_114 = arith.muli %scan3A_112, %mul3A_113 : i32
          %add3A_115 = arith.constant 50000 : i32
          %add3A_116 = arith.addi %add3A_115, %mul3A_114 : i32
          "tpu.region"() ({
            %run_scoped3A_117 = tpu.sem_alloc : memref<!tpu.dma_semaphore, #tpu.memory_space<semaphore_mem>>
            %dma_start3A_118 = arith.constant 0 : i32
            %dma_start3A_119 = tpu.memref_slice %arg10[%add3A_116, %dma_start3A_118] : memref<51200x16xf32, #tpu.memory_space<vmem_shared>> -> memref<320x16xf32, #tpu.memory_space<vmem_shared>>
            %dma_start3A_120 = arith.constant 0 : i32
            %dma_start3A_121 = arith.constant 0 : i32
            %dma_start3A_122 = tpu.memref_slice %arg5[%dma_start3A_120, %dma_start3A_121] : memref<640x16xf32, #tpu.memory_space<hbm>> -> memref<320x16xf32, #tpu.memory_space<hbm>>
            tpu.enqueue_dma source(%dma_start3A_122 : memref<320x16xf32, #tpu.memory_space<hbm>>) target(%dma_start3A_119 : memref<320x16xf32, #tpu.memory_space<vmem_shared>>) target_semaphore(%run_scoped3A_117 : memref<!tpu.dma_semaphore, #tpu.memory_space<semaphore_mem>>)
            %dma_wait3A_123 = arith.constant 0 : i32
            %dma_wait3A_124 = tpu.memref_slice %arg10[%add3A_116, %dma_wait3A_123] : memref<51200x16xf32, #tpu.memory_space<vmem_shared>> -> memref<320x16xf32, #tpu.memory_space<vmem_shared>>
            %dma_wait3A_125 = arith.constant 0 : i32
            %dma_wait3A_126 = arith.constant 0 : i32
            %dma_wait3A_127 = tpu.memref_slice %arg5[%dma_wait3A_125, %dma_wait3A_126] : memref<640x16xf32, #tpu.memory_space<hbm>> -> memref<320x16xf32, #tpu.memory_space<hbm>>
            tpu.wait_dma2 semaphore(%run_scoped3A_117 : memref<!tpu.dma_semaphore, #tpu.memory_space<semaphore_mem>>) src(%dma_wait3A_127 : memref<320x16xf32, #tpu.memory_space<hbm>>) dst(%dma_wait3A_124 : memref<320x16xf32, #tpu.memory_space<vmem_shared>>)
            tpu.yield
          }) : () -> ()
        }
        %scan3A_101 = arith.constant 3 : i32
        %dma_wait3A_102 = arith.constant 46920 : i32
        %dma_wait3A_103 = arith.constant 0 : i32
        %dma_wait3A_104 = tpu.memref_slice %arg11[%dma_wait3A_102, %dma_wait3A_103] : memref<50000x16xf32, #tpu.memory_space<vmem_shared>> -> memref<3080x16xf32, #tpu.memory_space<vmem_shared>>
        %dma_wait3A_105 = arith.constant 46920 : i32
        %dma_wait3A_106 = tpu.memref_slice %arg4[%dma_wait3A_105, %mul3A_10] : memref<50000x64xf32, #tpu.memory_space<hbm>> -> memref<3080x16xf32, #tpu.memory_space<hbm>>
        tpu.wait_dma2 semaphore(%arg12 : memref<!tpu.dma_semaphore, #tpu.memory_space<semaphore_mem>>) src(%dma_wait3A_106 : memref<3080x16xf32, #tpu.memory_space<hbm>>) dst(%dma_wait3A_104 : memref<3080x16xf32, #tpu.memory_space<vmem_shared>>)
        %dma_wait3A_107 = arith.constant 48000 : i32
        %dma_wait3A_108 = arith.constant 0 : i32
        %dma_wait3A_109 = tpu.memref_slice %arg10[%dma_wait3A_107, %dma_wait3A_108] : memref<51200x16xf32, #tpu.memory_space<vmem_shared>> -> memref<2000x16xf32, #tpu.memory_space<vmem_shared>>
        %dma_wait3A_110 = arith.constant 48000 : i32
        %dma_wait3A_111 = tpu.memref_slice %arg4[%dma_wait3A_110, %mul3A_10] : memref<50000x64xf32, #tpu.memory_space<hbm>> -> memref<2000x16xf32, #tpu.memory_space<hbm>>
        tpu.wait_dma2 semaphore(%arg13 : memref<!tpu.dma_semaphore, #tpu.memory_space<semaphore_mem>>) src(%dma_wait3A_111 : memref<2000x16xf32, #tpu.memory_space<hbm>>) dst(%dma_wait3A_109 : memref<2000x16xf32, #tpu.memory_space<vmem_shared>>)
      } else {
      }
      %barrier3A = arith.constant 0 : index
      tpu.barrier barrier_id(%barrier3A)
      %run_scoped3A = arith.constant 0 : i32
      "tpu.region"() ({
        %run_scoped3A_86 = tpu.sem_alloc : memref<!tpu.dma_semaphore, #tpu.memory_space<semaphore_mem>>
        %dma_start3A_87 = arith.constant 0 : i32
        %dma_start3A_88 = arith.constant 0 : i32
        %dma_start3A_89 = tpu.memref_slice %arg7[%run_scoped3A, %dma_start3A_87, %dma_start3A_88] : memref<2x8x256xi32, #tpu.memory_space<vmem>> -> memref<1x8x256xi32, #tpu.memory_space<vmem>>
        %dma_start3A_90 = tpu.memref_squeeze %dma_start3A_89 : memref<1x8x256xi32, #tpu.memory_space<vmem>> -> memref<8x256xi32, #tpu.memory_space<vmem>>
        %dma_start3A_91 = arith.constant 0 : i32
        %dma_start3A_92 = tpu.memref_slice %arg2[%mul3A_0, %dma_start3A_91] : memref<3328x256xi32, #tpu.memory_space<hbm>> -> memref<8x256xi32, #tpu.memory_space<hbm>>
        %dma_start3A_93 = arith.constant 0 : i32
        %dma_start3A_94 = arith.constant 0 : i32
        %dma_start3A_95 = tpu.memref_slice %arg7[%run_scoped3A, %dma_start3A_93, %dma_start3A_94] : memref<2x8x256xi32, #tpu.memory_space<vmem>> -> memref<1x8x256xi32, #tpu.memory_space<vmem>>
        %dma_start3A_96 = tpu.memref_squeeze %dma_start3A_95 : memref<1x8x256xi32, #tpu.memory_space<vmem>> -> memref<8x256xi32, #tpu.memory_space<vmem>>
        %dma_start3A_97 = arith.constant 0 : i32
        %dma_start3A_98 = tpu.memref_slice %arg2[%mul3A_0, %dma_start3A_97] : memref<3328x256xi32, #tpu.memory_space<hbm>> -> memref<8x256xi32, #tpu.memory_space<hbm>>
        tpu.enqueue_dma source(%dma_start3A_98 : memref<8x256xi32, #tpu.memory_space<hbm>>) target(%dma_start3A_96 : memref<8x256xi32, #tpu.memory_space<vmem>>) target_semaphore(%run_scoped3A_86 : memref<!tpu.dma_semaphore, #tpu.memory_space<semaphore_mem>>)
        %dma_wait3A_99 = arith.constant 0 : i32
        %dma_wait3A_100 = arith.constant 0 : i32
        %dma_wait3A_101 = tpu.memref_slice %arg7[%run_scoped3A, %dma_wait3A_99, %dma_wait3A_100] : memref<2x8x256xi32, #tpu.memory_space<vmem>> -> memref<1x8x256xi32, #tpu.memory_space<vmem>>
        %dma_wait3A_102 = tpu.memref_squeeze %dma_wait3A_101 : memref<1x8x256xi32, #tpu.memory_space<vmem>> -> memref<8x256xi32, #tpu.memory_space<vmem>>
        %dma_wait3A_103 = arith.constant 0 : i32
        %dma_wait3A_104 = tpu.memref_slice %arg2[%mul3A_0, %dma_wait3A_103] : memref<3328x256xi32, #tpu.memory_space<hbm>> -> memref<8x256xi32, #tpu.memory_space<hbm>>
        %dma_wait3A_105 = arith.constant 0 : i32
        %dma_wait3A_106 = arith.constant 0 : i32
        %dma_wait3A_107 = tpu.memref_slice %arg7[%run_scoped3A, %dma_wait3A_105, %dma_wait3A_106] : memref<2x8x256xi32, #tpu.memory_space<vmem>> -> memref<1x8x256xi32, #tpu.memory_space<vmem>>
        %dma_wait3A_108 = tpu.memref_squeeze %dma_wait3A_107 : memref<1x8x256xi32, #tpu.memory_space<vmem>> -> memref<8x256xi32, #tpu.memory_space<vmem>>
        %dma_wait3A_109 = arith.constant 0 : i32
        %dma_wait3A_110 = tpu.memref_slice %arg2[%mul3A_0, %dma_wait3A_109] : memref<3328x256xi32, #tpu.memory_space<hbm>> -> memref<8x256xi32, #tpu.memory_space<hbm>>
        tpu.wait_dma2 semaphore(%run_scoped3A_86 : memref<!tpu.dma_semaphore, #tpu.memory_space<semaphore_mem>>) src(%dma_wait3A_110 : memref<8x256xi32, #tpu.memory_space<hbm>>) dst(%dma_wait3A_108 : memref<8x256xi32, #tpu.memory_space<vmem>>)
        tpu.yield
      }) : () -> ()
      %run_scoped3A_17 = arith.constant 0 : i32
      "tpu.region"() ({
        %run_scoped3A_86 = tpu.sem_alloc : memref<!tpu.dma_semaphore, #tpu.memory_space<semaphore_mem>>
        %dma_start3A_87 = arith.constant 0 : i32
        %dma_start3A_88 = arith.constant 0 : i32
        %dma_start3A_89 = tpu.memref_slice %arg8[%run_scoped3A_17, %dma_start3A_87, %dma_start3A_88] : memref<2x8x256xi32, #tpu.memory_space<vmem>> -> memref<1x8x256xi32, #tpu.memory_space<vmem>>
        %dma_start3A_90 = tpu.memref_squeeze %dma_start3A_89 : memref<1x8x256xi32, #tpu.memory_space<vmem>> -> memref<8x256xi32, #tpu.memory_space<vmem>>
        %dma_start3A_91 = arith.constant 0 : i32
        %dma_start3A_92 = tpu.memref_slice %arg3[%mul3A_0, %dma_start3A_91] : memref<3328x256xi32, #tpu.memory_space<hbm>> -> memref<8x256xi32, #tpu.memory_space<hbm>>
        %dma_start3A_93 = arith.constant 0 : i32
        %dma_start3A_94 = arith.constant 0 : i32
        %dma_start3A_95 = tpu.memref_slice %arg8[%run_scoped3A_17, %dma_start3A_93, %dma_start3A_94] : memref<2x8x256xi32, #tpu.memory_space<vmem>> -> memref<1x8x256xi32, #tpu.memory_space<vmem>>
        %dma_start3A_96 = tpu.memref_squeeze %dma_start3A_95 : memref<1x8x256xi32, #tpu.memory_space<vmem>> -> memref<8x256xi32, #tpu.memory_space<vmem>>
        %dma_start3A_97 = arith.constant 0 : i32
        %dma_start3A_98 = tpu.memref_slice %arg3[%mul3A_0, %dma_start3A_97] : memref<3328x256xi32, #tpu.memory_space<hbm>> -> memref<8x256xi32, #tpu.memory_space<hbm>>
        tpu.enqueue_dma source(%dma_start3A_98 : memref<8x256xi32, #tpu.memory_space<hbm>>) target(%dma_start3A_96 : memref<8x256xi32, #tpu.memory_space<vmem>>) target_semaphore(%run_scoped3A_86 : memref<!tpu.dma_semaphore, #tpu.memory_space<semaphore_mem>>)
        %dma_wait3A_99 = arith.constant 0 : i32
        %dma_wait3A_100 = arith.constant 0 : i32
        %dma_wait3A_101 = tpu.memref_slice %arg8[%run_scoped3A_17, %dma_wait3A_99, %dma_wait3A_100] : memref<2x8x256xi32, #tpu.memory_space<vmem>> -> memref<1x8x256xi32, #tpu.memory_space<vmem>>
        %dma_wait3A_102 = tpu.memref_squeeze %dma_wait3A_101 : memref<1x8x256xi32, #tpu.memory_space<vmem>> -> memref<8x256xi32, #tpu.memory_space<vmem>>
        %dma_wait3A_103 = arith.constant 0 : i32
        %dma_wait3A_104 = tpu.memref_slice %arg3[%mul3A_0, %dma_wait3A_103] : memref<3328x256xi32, #tpu.memory_space<hbm>> -> memref<8x256xi32, #tpu.memory_space<hbm>>
        %dma_wait3A_105 = arith.constant 0 : i32
        %dma_wait3A_106 = arith.constant 0 : i32
        %dma_wait3A_107 = tpu.memref_slice %arg8[%run_scoped3A_17, %dma_wait3A_105, %dma_wait3A_106] : memref<2x8x256xi32, #tpu.memory_space<vmem>> -> memref<1x8x256xi32, #tpu.memory_space<vmem>>
        %dma_wait3A_108 = tpu.memref_squeeze %dma_wait3A_107 : memref<1x8x256xi32, #tpu.memory_space<vmem>> -> memref<8x256xi32, #tpu.memory_space<vmem>>
        %dma_wait3A_109 = arith.constant 0 : i32
        %dma_wait3A_110 = tpu.memref_slice %arg3[%mul3A_0, %dma_wait3A_109] : memref<3328x256xi32, #tpu.memory_space<hbm>> -> memref<8x256xi32, #tpu.memory_space<hbm>>
        tpu.wait_dma2 semaphore(%run_scoped3A_86 : memref<!tpu.dma_semaphore, #tpu.memory_space<semaphore_mem>>) src(%dma_wait3A_110 : memref<8x256xi32, #tpu.memory_space<hbm>>) dst(%dma_wait3A_108 : memref<8x256xi32, #tpu.memory_space<vmem>>)
        tpu.yield
      }) : () -> ()
      %dma_start3A = arith.constant 0 : i32
      %dma_start3A_18 = arith.constant 0 : i32
      %dma_start3A_19 = arith.constant 0 : i32
      %dma_start3A_20 = arith.constant 0 : i32
      %dma_start3A_21 = arith.constant 0 : i32
      %dma_start3A_22 = tpu.memref_slice %arg9[%dma_start3A_19, %dma_start3A_20, %dma_start3A_21] : memref<2x256x16xf32, #tpu.memory_space<vmem>> -> memref<1x256x16xf32, #tpu.memory_space<vmem>>
      %dma_start3A_23 = tpu.memref_squeeze %dma_start3A_22 : memref<1x256x16xf32, #tpu.memory_space<vmem>> -> memref<256x16xf32, #tpu.memory_space<vmem>>
      %dma_start3A_24 = arith.constant 0 : i32
      %dma_start3A_25 = tpu.memref_slice %arg7[%dma_start3A, %dma_start3A_18, %dma_start3A_24] : memref<2x8x256xi32, #tpu.memory_space<vmem>> -> memref<1x1x256xi32, #tpu.memory_space<vmem>>
      %dma_start3A_26 = tpu.memref_squeeze %dma_start3A_25 : memref<1x1x256xi32, #tpu.memory_space<vmem>> -> memref<256xi32, #tpu.memory_space<vmem>>
      %dma_start3A_27 = arith.constant 0 : i32
      %dma_start3A_28 = arith.constant 0 : i32
      %dma_start3A_29 = tpu.memref_slice %arg11[%dma_start3A_27, %dma_start3A_28] : memref<50000x16xf32, #tpu.memory_space<vmem_shared>> -> memref<50000x16xf32, #tpu.memory_space<vmem_shared>>
      tpu.enqueue_indirect_dma source(%dma_start3A_29 : memref<50000x16xf32, #tpu.memory_space<vmem_shared>>) target(%dma_start3A_23 : memref<256x16xf32, #tpu.memory_space<vmem>>) offsets(%dma_start3A_26 : memref<256xi32, #tpu.memory_space<vmem>>) semaphore(%arg12 : memref<!tpu.dma_semaphore, #tpu.memory_space<semaphore_mem>>)
      %dma_start3A_30 = arith.constant 1 : i32
      %dma_start3A_31 = arith.constant 0 : i32
      %dma_start3A_32 = arith.constant 0 : i32
      %dma_start3A_33 = tpu.memref_slice %arg9[%dma_start3A_30, %dma_start3A_31, %dma_start3A_32] : memref<2x256x16xf32, #tpu.memory_space<vmem>> -> memref<1x256x16xf32, #tpu.memory_space<vmem>>
      %dma_start3A_34 = tpu.memref_squeeze %dma_start3A_33 : memref<1x256x16xf32, #tpu.memory_space<vmem>> -> memref<256x16xf32, #tpu.memory_space<vmem>>
      %dma_start3A_35 = arith.constant 0 : i32
      %dma_start3A_36 = arith.constant 0 : i32
      %dma_start3A_37 = tpu.memref_slice %arg5[%dma_start3A_35, %dma_start3A_36] : memref<640x16xf32, #tpu.memory_space<hbm>> -> memref<256x16xf32, #tpu.memory_space<hbm>>
      %dma_start3A_38 = arith.constant 0 : i32
      %dma_start3A_39 = arith.constant 0 : i32
      %dma_start3A_40 = tpu.memref_slice %arg9[%dma_start3A_30, %dma_start3A_38, %dma_start3A_39] : memref<2x256x16xf32, #tpu.memory_space<vmem>> -> memref<1x256x16xf32, #tpu.memory_space<vmem>>
      %dma_start3A_41 = tpu.memref_squeeze %dma_start3A_40 : memref<1x256x16xf32, #tpu.memory_space<vmem>> -> memref<256x16xf32, #tpu.memory_space<vmem>>
      %dma_start3A_42 = arith.constant 0 : i32
      %dma_start3A_43 = arith.constant 0 : i32
      %dma_start3A_44 = tpu.memref_slice %arg5[%dma_start3A_42, %dma_start3A_43] : memref<640x16xf32, #tpu.memory_space<hbm>> -> memref<256x16xf32, #tpu.memory_space<hbm>>
      tpu.enqueue_dma source(%dma_start3A_44 : memref<256x16xf32, #tpu.memory_space<hbm>>) target(%dma_start3A_41 : memref<256x16xf32, #tpu.memory_space<vmem>>) target_semaphore(%arg13 : memref<!tpu.dma_semaphore, #tpu.memory_space<semaphore_mem>>)
      %scan3A_45 = arith.constant 0 : i32
      %scan3A_46 = arith.constant 0 : i32
      %scan3A_47 = arith.constant 26 : i32
      %scan3A_48 = arith.addi %scan3A_46, %scan3A_47 : i32
      %scan3A_49 = arith.constant 1 : i32
      scf.for %scan3A_86 = %scan3A_46 to %scan3A_48 step %scan3A_49  : i32 {
        %rem3A = arith.constant 2 : i32
        %rem3A_87 = arith.remsi %scan3A_86, %rem3A : i32
        %add3A_88 = arith.constant 1 : i32
        %add3A_89 = arith.addi %scan3A_86, %add3A_88 : i32
        %rem3A_90 = arith.constant 2 : i32
        %rem3A_91 = arith.remsi %add3A_89, %rem3A_90 : i32
        %dma_wait3A_92 = arith.constant 0 : i32
        %dma_wait3A_93 = arith.constant 0 : i32
        %dma_wait3A_94 = arith.constant 0 : i32
        %dma_wait3A_95 = tpu.memref_slice %arg9[%dma_wait3A_92, %dma_wait3A_93, %dma_wait3A_94] : memref<2x256x16xf32, #tpu.memory_space<vmem>> -> memref<1x256x16xf32, #tpu.memory_space<vmem>>
        %dma_wait3A_96 = tpu.memref_squeeze %dma_wait3A_95 : memref<1x256x16xf32, #tpu.memory_space<vmem>> -> memref<256x16xf32, #tpu.memory_space<vmem>>
        %dma_wait3A_97 = arith.constant 0 : i32
        %dma_wait3A_98 = arith.constant 0 : i32
        %dma_wait3A_99 = tpu.memref_slice %arg5[%dma_wait3A_97, %dma_wait3A_98] : memref<640x16xf32, #tpu.memory_space<hbm>> -> memref<256x16xf32, #tpu.memory_space<hbm>>
        %dma_wait3A_100 = arith.constant 0 : i32
        %dma_wait3A_101 = arith.constant 0 : i32
        %dma_wait3A_102 = tpu.memref_slice %arg9[%dma_wait3A_92, %dma_wait3A_100, %dma_wait3A_101] : memref<2x256x16xf32, #tpu.memory_space<vmem>> -> memref<1x256x16xf32, #tpu.memory_space<vmem>>
        %dma_wait3A_103 = tpu.memref_squeeze %dma_wait3A_102 : memref<1x256x16xf32, #tpu.memory_space<vmem>> -> memref<256x16xf32, #tpu.memory_space<vmem>>
        %dma_wait3A_104 = arith.constant 0 : i32
        %dma_wait3A_105 = arith.constant 0 : i32
        %dma_wait3A_106 = tpu.memref_slice %arg5[%dma_wait3A_104, %dma_wait3A_105] : memref<640x16xf32, #tpu.memory_space<hbm>> -> memref<256x16xf32, #tpu.memory_space<hbm>>
        tpu.wait_dma2 semaphore(%arg12 : memref<!tpu.dma_semaphore, #tpu.memory_space<semaphore_mem>>) src(%dma_wait3A_106 : memref<256x16xf32, #tpu.memory_space<hbm>>) dst(%dma_wait3A_103 : memref<256x16xf32, #tpu.memory_space<vmem>>)
        %dma_wait3A_107 = arith.constant 1 : i32
        %dma_wait3A_108 = arith.constant 0 : i32
        %dma_wait3A_109 = arith.constant 0 : i32
        %dma_wait3A_110 = tpu.memref_slice %arg9[%dma_wait3A_107, %dma_wait3A_108, %dma_wait3A_109] : memref<2x256x16xf32, #tpu.memory_space<vmem>> -> memref<1x256x16xf32, #tpu.memory_space<vmem>>
        %dma_wait3A_111 = tpu.memref_squeeze %dma_wait3A_110 : memref<1x256x16xf32, #tpu.memory_space<vmem>> -> memref<256x16xf32, #tpu.memory_space<vmem>>
        %dma_wait3A_112 = arith.constant 0 : i32
        %dma_wait3A_113 = arith.constant 0 : i32
        %dma_wait3A_114 = tpu.memref_slice %arg5[%dma_wait3A_112, %dma_wait3A_113] : memref<640x16xf32, #tpu.memory_space<hbm>> -> memref<256x16xf32, #tpu.memory_space<hbm>>
        %dma_wait3A_115 = arith.constant 0 : i32
        %dma_wait3A_116 = arith.constant 0 : i32
        %dma_wait3A_117 = tpu.memref_slice %arg9[%dma_wait3A_107, %dma_wait3A_115, %dma_wait3A_116] : memref<2x256x16xf32, #tpu.memory_space<vmem>> -> memref<1x256x16xf32, #tpu.memory_space<vmem>>
        %dma_wait3A_118 = tpu.memref_squeeze %dma_wait3A_117 : memref<1x256x16xf32, #tpu.memory_space<vmem>> -> memref<256x16xf32, #tpu.memory_space<vmem>>
        %dma_wait3A_119 = arith.constant 0 : i32
        %dma_wait3A_120 = arith.constant 0 : i32
        %dma_wait3A_121 = tpu.memref_slice %arg5[%dma_wait3A_119, %dma_wait3A_120] : memref<640x16xf32, #tpu.memory_space<hbm>> -> memref<256x16xf32, #tpu.memory_space<hbm>>
        tpu.wait_dma2 semaphore(%arg13 : memref<!tpu.dma_semaphore, #tpu.memory_space<semaphore_mem>>) src(%dma_wait3A_121 : memref<256x16xf32, #tpu.memory_space<hbm>>) dst(%dma_wait3A_118 : memref<256x16xf32, #tpu.memory_space<vmem>>)
        %add3A_122 = arith.constant 1 : i32
        %add3A_123 = arith.addi %scan3A_86, %add3A_122 : i32
        %min3A = arith.constant 25 : i32
        %min3A_124 = arith.minsi %add3A_123, %min3A : i32
        %mul3A_125 = arith.constant 8 : i32
        %mul3A_126 = arith.muli %min3A_124, %mul3A_125 : i32
        %add3A_127 = arith.addi %mul3A_0, %mul3A_126 : i32
        "tpu.region"() ({
          %run_scoped3A_530 = tpu.sem_alloc : memref<!tpu.dma_semaphore, #tpu.memory_space<semaphore_mem>>
          %dma_start3A_531 = arith.constant 0 : i32
          %dma_start3A_532 = arith.constant 0 : i32
          %dma_start3A_533 = tpu.memref_slice %arg7[%rem3A_91, %dma_start3A_531, %dma_start3A_532] : memref<2x8x256xi32, #tpu.memory_space<vmem>> -> memref<1x8x256xi32, #tpu.memory_space<vmem>>
          %dma_start3A_534 = tpu.memref_squeeze %dma_start3A_533 : memref<1x8x256xi32, #tpu.memory_space<vmem>> -> memref<8x256xi32, #tpu.memory_space<vmem>>
          %dma_start3A_535 = arith.constant 0 : i32
          %dma_start3A_536 = tpu.memref_slice %arg2[%add3A_127, %dma_start3A_535] : memref<3328x256xi32, #tpu.memory_space<hbm>> -> memref<8x256xi32, #tpu.memory_space<hbm>>
          %dma_start3A_537 = arith.constant 0 : i32
          %dma_start3A_538 = arith.constant 0 : i32
          %dma_start3A_539 = tpu.memref_slice %arg7[%rem3A_91, %dma_start3A_537, %dma_start3A_538] : memref<2x8x256xi32, #tpu.memory_space<vmem>> -> memref<1x8x256xi32, #tpu.memory_space<vmem>>
          %dma_start3A_540 = tpu.memref_squeeze %dma_start3A_539 : memref<1x8x256xi32, #tpu.memory_space<vmem>> -> memref<8x256xi32, #tpu.memory_space<vmem>>
          %dma_start3A_541 = arith.constant 0 : i32
          %dma_start3A_542 = tpu.memref_slice %arg2[%add3A_127, %dma_start3A_541] : memref<3328x256xi32, #tpu.memory_space<hbm>> -> memref<8x256xi32, #tpu.memory_space<hbm>>
          tpu.enqueue_dma source(%dma_start3A_542 : memref<8x256xi32, #tpu.memory_space<hbm>>) target(%dma_start3A_540 : memref<8x256xi32, #tpu.memory_space<vmem>>) target_semaphore(%run_scoped3A_530 : memref<!tpu.dma_semaphore, #tpu.memory_space<semaphore_mem>>)
          %dma_wait3A_543 = arith.constant 0 : i32
          %dma_wait3A_544 = arith.constant 0 : i32
          %dma_wait3A_545 = tpu.memref_slice %arg7[%rem3A_91, %dma_wait3A_543, %dma_wait3A_544] : memref<2x8x256xi32, #tpu.memory_space<vmem>> -> memref<1x8x256xi32, #tpu.memory_space<vmem>>
          %dma_wait3A_546 = tpu.memref_squeeze %dma_wait3A_545 : memref<1x8x256xi32, #tpu.memory_space<vmem>> -> memref<8x256xi32, #tpu.memory_space<vmem>>
          %dma_wait3A_547 = arith.constant 0 : i32
          %dma_wait3A_548 = tpu.memref_slice %arg2[%add3A_127, %dma_wait3A_547] : memref<3328x256xi32, #tpu.memory_space<hbm>> -> memref<8x256xi32, #tpu.memory_space<hbm>>
          %dma_wait3A_549 = arith.constant 0 : i32
          %dma_wait3A_550 = arith.constant 0 : i32
          %dma_wait3A_551 = tpu.memref_slice %arg7[%rem3A_91, %dma_wait3A_549, %dma_wait3A_550] : memref<2x8x256xi32, #tpu.memory_space<vmem>> -> memref<1x8x256xi32, #tpu.memory_space<vmem>>
          %dma_wait3A_552 = tpu.memref_squeeze %dma_wait3A_551 : memref<1x8x256xi32, #tpu.memory_space<vmem>> -> memref<8x256xi32, #tpu.memory_space<vmem>>
          %dma_wait3A_553 = arith.constant 0 : i32
          %dma_wait3A_554 = tpu.memref_slice %arg2[%add3A_127, %dma_wait3A_553] : memref<3328x256xi32, #tpu.memory_space<hbm>> -> memref<8x256xi32, #tpu.memory_space<hbm>>
          tpu.wait_dma2 semaphore(%run_scoped3A_530 : memref<!tpu.dma_semaphore, #tpu.memory_space<semaphore_mem>>) src(%dma_wait3A_554 : memref<8x256xi32, #tpu.memory_space<hbm>>) dst(%dma_wait3A_552 : memref<8x256xi32, #tpu.memory_space<vmem>>)
          tpu.yield
        }) : () -> ()
        "tpu.region"() ({
          %run_scoped3A_530 = tpu.sem_alloc : memref<!tpu.dma_semaphore, #tpu.memory_space<semaphore_mem>>
          %dma_start3A_531 = arith.constant 0 : i32
          %dma_start3A_532 = arith.constant 0 : i32
          %dma_start3A_533 = tpu.memref_slice %arg8[%rem3A_91, %dma_start3A_531, %dma_start3A_532] : memref<2x8x256xi32, #tpu.memory_space<vmem>> -> memref<1x8x256xi32, #tpu.memory_space<vmem>>
          %dma_start3A_534 = tpu.memref_squeeze %dma_start3A_533 : memref<1x8x256xi32, #tpu.memory_space<vmem>> -> memref<8x256xi32, #tpu.memory_space<vmem>>
          %dma_start3A_535 = arith.constant 0 : i32
          %dma_start3A_536 = tpu.memref_slice %arg3[%add3A_127, %dma_start3A_535] : memref<3328x256xi32, #tpu.memory_space<hbm>> -> memref<8x256xi32, #tpu.memory_space<hbm>>
          %dma_start3A_537 = arith.constant 0 : i32
          %dma_start3A_538 = arith.constant 0 : i32
          %dma_start3A_539 = tpu.memref_slice %arg8[%rem3A_91, %dma_start3A_537, %dma_start3A_538] : memref<2x8x256xi32, #tpu.memory_space<vmem>> -> memref<1x8x256xi32, #tpu.memory_space<vmem>>
          %dma_start3A_540 = tpu.memref_squeeze %dma_start3A_539 : memref<1x8x256xi32, #tpu.memory_space<vmem>> -> memref<8x256xi32, #tpu.memory_space<vmem>>
          %dma_start3A_541 = arith.constant 0 : i32
          %dma_start3A_542 = tpu.memref_slice %arg3[%add3A_127, %dma_start3A_541] : memref<3328x256xi32, #tpu.memory_space<hbm>> -> memref<8x256xi32, #tpu.memory_space<hbm>>
          tpu.enqueue_dma source(%dma_start3A_542 : memref<8x256xi32, #tpu.memory_space<hbm>>) target(%dma_start3A_540 : memref<8x256xi32, #tpu.memory_space<vmem>>) target_semaphore(%run_scoped3A_530 : memref<!tpu.dma_semaphore, #tpu.memory_space<semaphore_mem>>)
          %dma_wait3A_543 = arith.constant 0 : i32
          %dma_wait3A_544 = arith.constant 0 : i32
          %dma_wait3A_545 = tpu.memref_slice %arg8[%rem3A_91, %dma_wait3A_543, %dma_wait3A_544] : memref<2x8x256xi32, #tpu.memory_space<vmem>> -> memref<1x8x256xi32, #tpu.memory_space<vmem>>
          %dma_wait3A_546 = tpu.memref_squeeze %dma_wait3A_545 : memref<1x8x256xi32, #tpu.memory_space<vmem>> -> memref<8x256xi32, #tpu.memory_space<vmem>>
          %dma_wait3A_547 = arith.constant 0 : i32
          %dma_wait3A_548 = tpu.memref_slice %arg3[%add3A_127, %dma_wait3A_547] : memref<3328x256xi32, #tpu.memory_space<hbm>> -> memref<8x256xi32, #tpu.memory_space<hbm>>
          %dma_wait3A_549 = arith.constant 0 : i32
          %dma_wait3A_550 = arith.constant 0 : i32
          %dma_wait3A_551 = tpu.memref_slice %arg8[%rem3A_91, %dma_wait3A_549, %dma_wait3A_550] : memref<2x8x256xi32, #tpu.memory_space<vmem>> -> memref<1x8x256xi32, #tpu.memory_space<vmem>>
          %dma_wait3A_552 = tpu.memref_squeeze %dma_wait3A_551 : memref<1x8x256xi32, #tpu.memory_space<vmem>> -> memref<8x256xi32, #tpu.memory_space<vmem>>
          %dma_wait3A_553 = arith.constant 0 : i32
          %dma_wait3A_554 = tpu.memref_slice %arg3[%add3A_127, %dma_wait3A_553] : memref<3328x256xi32, #tpu.memory_space<hbm>> -> memref<8x256xi32, #tpu.memory_space<hbm>>
          tpu.wait_dma2 semaphore(%run_scoped3A_530 : memref<!tpu.dma_semaphore, #tpu.memory_space<semaphore_mem>>) src(%dma_wait3A_554 : memref<8x256xi32, #tpu.memory_space<hbm>>) dst(%dma_wait3A_552 : memref<8x256xi32, #tpu.memory_space<vmem>>)
          tpu.yield
        }) : () -> ()
        %dma_start3A_128 = arith.constant 0 : i32
        %dma_start3A_129 = arith.constant 0 : i32
        %dma_start3A_130 = arith.constant 0 : i32
        %dma_start3A_131 = arith.constant 0 : i32
        %dma_start3A_132 = tpu.memref_slice %arg9[%dma_start3A_128, %dma_start3A_130, %dma_start3A_131] : memref<2x256x16xf32, #tpu.memory_space<vmem>> -> memref<1x256x16xf32, #tpu.memory_space<vmem>>
        %dma_start3A_133 = tpu.memref_squeeze %dma_start3A_132 : memref<1x256x16xf32, #tpu.memory_space<vmem>> -> memref<256x16xf32, #tpu.memory_space<vmem>>
        %dma_start3A_134 = arith.constant 0 : i32
        %dma_start3A_135 = tpu.memref_slice %arg8[%rem3A_87, %dma_start3A_129, %dma_start3A_134] : memref<2x8x256xi32, #tpu.memory_space<vmem>> -> memref<1x1x256xi32, #tpu.memory_space<vmem>>
        %dma_start3A_136 = tpu.memref_squeeze %dma_start3A_135 : memref<1x1x256xi32, #tpu.memory_space<vmem>> -> memref<256xi32, #tpu.memory_space<vmem>>
        %dma_start3A_137 = arith.constant 0 : i32
        %dma_start3A_138 = arith.constant 0 : i32
        %dma_start3A_139 = tpu.memref_slice %arg10[%dma_start3A_137, %dma_start3A_138] : memref<51200x16xf32, #tpu.memory_space<vmem_shared>> -> memref<51200x16xf32, #tpu.memory_space<vmem_shared>>
        tpu.enqueue_indirect_dma source(%dma_start3A_133 : memref<256x16xf32, #tpu.memory_space<vmem>>) target(%dma_start3A_139 : memref<51200x16xf32, #tpu.memory_space<vmem_shared>>) offsets(%dma_start3A_136 : memref<256xi32, #tpu.memory_space<vmem>>) semaphore(%arg13 : memref<!tpu.dma_semaphore, #tpu.memory_space<semaphore_mem>>) {add = true}
        %dma_start3A_140 = arith.constant 1 : i32
        %dma_start3A_141 = arith.constant 1 : i32
        %dma_start3A_142 = arith.constant 0 : i32
        %dma_start3A_143 = arith.constant 0 : i32
        %dma_start3A_144 = tpu.memref_slice %arg9[%dma_start3A_141, %dma_start3A_142, %dma_start3A_143] : memref<2x256x16xf32, #tpu.memory_space<vmem>> -> memref<1x256x16xf32, #tpu.memory_space<vmem>>
        %dma_start3A_145 = tpu.memref_squeeze %dma_start3A_144 : memref<1x256x16xf32, #tpu.memory_space<vmem>> -> memref<256x16xf32, #tpu.memory_space<vmem>>
        %dma_start3A_146 = arith.constant 0 : i32
        %dma_start3A_147 = tpu.memref_slice %arg7[%rem3A_87, %dma_start3A_140, %dma_start3A_146] : memref<2x8x256xi32, #tpu.memory_space<vmem>> -> memref<1x1x256xi32, #tpu.memory_space<vmem>>
        %dma_start3A_148 = tpu.memref_squeeze %dma_start3A_147 : memref<1x1x256xi32, #tpu.memory_space<vmem>> -> memref<256xi32, #tpu.memory_space<vmem>>
        %dma_start3A_149 = arith.constant 0 : i32
        %dma_start3A_150 = arith.constant 0 : i32
        %dma_start3A_151 = tpu.memref_slice %arg11[%dma_start3A_149, %dma_start3A_150] : memref<50000x16xf32, #tpu.memory_space<vmem_shared>> -> memref<50000x16xf32, #tpu.memory_space<vmem_shared>>
        tpu.enqueue_indirect_dma source(%dma_start3A_151 : memref<50000x16xf32, #tpu.memory_space<vmem_shared>>) target(%dma_start3A_145 : memref<256x16xf32, #tpu.memory_space<vmem>>) offsets(%dma_start3A_148 : memref<256xi32, #tpu.memory_space<vmem>>) semaphore(%arg12 : memref<!tpu.dma_semaphore, #tpu.memory_space<semaphore_mem>>)
        %dma_wait3A_152 = arith.constant 1 : i32
        %dma_wait3A_153 = arith.constant 0 : i32
        %dma_wait3A_154 = arith.constant 0 : i32
        %dma_wait3A_155 = tpu.memref_slice %arg9[%dma_wait3A_152, %dma_wait3A_153, %dma_wait3A_154] : memref<2x256x16xf32, #tpu.memory_space<vmem>> -> memref<1x256x16xf32, #tpu.memory_space<vmem>>
        %dma_wait3A_156 = tpu.memref_squeeze %dma_wait3A_155 : memref<1x256x16xf32, #tpu.memory_space<vmem>> -> memref<256x16xf32, #tpu.memory_space<vmem>>
        %dma_wait3A_157 = arith.constant 0 : i32
        %dma_wait3A_158 = arith.constant 0 : i32
        %dma_wait3A_159 = tpu.memref_slice %arg5[%dma_wait3A_157, %dma_wait3A_158] : memref<640x16xf32, #tpu.memory_space<hbm>> -> memref<256x16xf32, #tpu.memory_space<hbm>>
        %dma_wait3A_160 = arith.constant 0 : i32
        %dma_wait3A_161 = arith.constant 0 : i32
        %dma_wait3A_162 = tpu.memref_slice %arg9[%dma_wait3A_152, %dma_wait3A_160, %dma_wait3A_161] : memref<2x256x16xf32, #tpu.memory_space<vmem>> -> memref<1x256x16xf32, #tpu.memory_space<vmem>>
        %dma_wait3A_163 = tpu.memref_squeeze %dma_wait3A_162 : memref<1x256x16xf32, #tpu.memory_space<vmem>> -> memref<256x16xf32, #tpu.memory_space<vmem>>
        %dma_wait3A_164 = arith.constant 0 : i32
        %dma_wait3A_165 = arith.constant 0 : i32
        %dma_wait3A_166 = tpu.memref_slice %arg5[%dma_wait3A_164, %dma_wait3A_165] : memref<640x16xf32, #tpu.memory_space<hbm>> -> memref<256x16xf32, #tpu.memory_space<hbm>>
        tpu.wait_dma2 semaphore(%arg12 : memref<!tpu.dma_semaphore, #tpu.memory_space<semaphore_mem>>) src(%dma_wait3A_166 : memref<256x16xf32, #tpu.memory_space<hbm>>) dst(%dma_wait3A_163 : memref<256x16xf32, #tpu.memory_space<vmem>>)
        %dma_wait3A_167 = arith.constant 0 : i32
        %dma_wait3A_168 = arith.constant 0 : i32
        %dma_wait3A_169 = arith.constant 0 : i32
        %dma_wait3A_170 = tpu.memref_slice %arg9[%dma_wait3A_167, %dma_wait3A_168, %dma_wait3A_169] : memref<2x256x16xf32, #tpu.memory_space<vmem>> -> memref<1x256x16xf32, #tpu.memory_space<vmem>>
        %dma_wait3A_171 = tpu.memref_squeeze %dma_wait3A_170 : memref<1x256x16xf32, #tpu.memory_space<vmem>> -> memref<256x16xf32, #tpu.memory_space<vmem>>
        %dma_wait3A_172 = arith.constant 0 : i32
        %dma_wait3A_173 = arith.constant 0 : i32
        %dma_wait3A_174 = tpu.memref_slice %arg5[%dma_wait3A_172, %dma_wait3A_173] : memref<640x16xf32, #tpu.memory_space<hbm>> -> memref<256x16xf32, #tpu.memory_space<hbm>>
        %dma_wait3A_175 = arith.constant 0 : i32
        %dma_wait3A_176 = arith.constant 0 : i32
        %dma_wait3A_177 = tpu.memref_slice %arg9[%dma_wait3A_167, %dma_wait3A_175, %dma_wait3A_176] : memref<2x256x16xf32, #tpu.memory_space<vmem>> -> memref<1x256x16xf32, #tpu.memory_space<vmem>>
        %dma_wait3A_178 = tpu.memref_squeeze %dma_wait3A_177 : memref<1x256x16xf32, #tpu.memory_space<vmem>> -> memref<256x16xf32, #tpu.memory_space<vmem>>
        %dma_wait3A_179 = arith.constant 0 : i32
        %dma_wait3A_180 = arith.constant 0 : i32
        %dma_wait3A_181 = tpu.memref_slice %arg5[%dma_wait3A_179, %dma_wait3A_180] : memref<640x16xf32, #tpu.memory_space<hbm>> -> memref<256x16xf32, #tpu.memory_space<hbm>>
        tpu.wait_dma2 semaphore(%arg13 : memref<!tpu.dma_semaphore, #tpu.memory_space<semaphore_mem>>) src(%dma_wait3A_181 : memref<256x16xf32, #tpu.memory_space<hbm>>) dst(%dma_wait3A_178 : memref<256x16xf32, #tpu.memory_space<vmem>>)
        %dma_start3A_182 = arith.constant 1 : i32
        %dma_start3A_183 = arith.constant 1 : i32
        %dma_start3A_184 = arith.constant 0 : i32
        %dma_start3A_185 = arith.constant 0 : i32
        %dma_start3A_186 = tpu.memref_slice %arg9[%dma_start3A_182, %dma_start3A_184, %dma_start3A_185] : memref<2x256x16xf32, #tpu.memory_space<vmem>> -> memref<1x256x16xf32, #tpu.memory_space<vmem>>
        %dma_start3A_187 = tpu.memref_squeeze %dma_start3A_186 : memref<1x256x16xf32, #tpu.memory_space<vmem>> -> memref<256x16xf32, #tpu.memory_space<vmem>>
        %dma_start3A_188 = arith.constant 0 : i32
        %dma_start3A_189 = tpu.memref_slice %arg8[%rem3A_87, %dma_start3A_183, %dma_start3A_188] : memref<2x8x256xi32, #tpu.memory_space<vmem>> -> memref<1x1x256xi32, #tpu.memory_space<vmem>>
        %dma_start3A_190 = tpu.memref_squeeze %dma_start3A_189 : memref<1x1x256xi32, #tpu.memory_space<vmem>> -> memref<256xi32, #tpu.memory_space<vmem>>
        %dma_start3A_191 = arith.constant 0 : i32
        %dma_start3A_192 = arith.constant 0 : i32
        %dma_start3A_193 = tpu.memref_slice %arg10[%dma_start3A_191, %dma_start3A_192] : memref<51200x16xf32, #tpu.memory_space<vmem_shared>> -> memref<51200x16xf32, #tpu.memory_space<vmem_shared>>
        tpu.enqueue_indirect_dma source(%dma_start3A_187 : memref<256x16xf32, #tpu.memory_space<vmem>>) target(%dma_start3A_193 : memref<51200x16xf32, #tpu.memory_space<vmem_shared>>) offsets(%dma_start3A_190 : memref<256xi32, #tpu.memory_space<vmem>>) semaphore(%arg13 : memref<!tpu.dma_semaphore, #tpu.memory_space<semaphore_mem>>) {add = true}
        %dma_start3A_194 = arith.constant 2 : i32
        %dma_start3A_195 = arith.constant 0 : i32
        %dma_start3A_196 = arith.constant 0 : i32
        %dma_start3A_197 = arith.constant 0 : i32
        %dma_start3A_198 = tpu.memref_slice %arg9[%dma_start3A_195, %dma_start3A_196, %dma_start3A_197] : memref<2x256x16xf32, #tpu.memory_space<vmem>> -> memref<1x256x16xf32, #tpu.memory_space<vmem>>
        %dma_start3A_199 = tpu.memref_squeeze %dma_start3A_198 : memref<1x256x16xf32, #tpu.memory_space<vmem>> -> memref<256x16xf32, #tpu.memory_space<vmem>>
        %dma_start3A_200 = arith.constant 0 : i32
        %dma_start3A_201 = tpu.memref_slice %arg7[%rem3A_87, %dma_start3A_194, %dma_start3A_200] : memref<2x8x256xi32, #tpu.memory_space<vmem>> -> memref<1x1x256xi32, #tpu.memory_space<vmem>>
        %dma_start3A_202 = tpu.memref_squeeze %dma_start3A_201 : memref<1x1x256xi32, #tpu.memory_space<vmem>> -> memref<256xi32, #tpu.memory_space<vmem>>
        %dma_start3A_203 = arith.constant 0 : i32
        %dma_start3A_204 = arith.constant 0 : i32
        %dma_start3A_205 = tpu.memref_slice %arg11[%dma_start3A_203, %dma_start3A_204] : memref<50000x16xf32, #tpu.memory_space<vmem_shared>> -> memref<50000x16xf32, #tpu.memory_space<vmem_shared>>
        tpu.enqueue_indirect_dma source(%dma_start3A_205 : memref<50000x16xf32, #tpu.memory_space<vmem_shared>>) target(%dma_start3A_199 : memref<256x16xf32, #tpu.memory_space<vmem>>) offsets(%dma_start3A_202 : memref<256xi32, #tpu.memory_space<vmem>>) semaphore(%arg12 : memref<!tpu.dma_semaphore, #tpu.memory_space<semaphore_mem>>)
        %dma_wait3A_206 = arith.constant 0 : i32
        %dma_wait3A_207 = arith.constant 0 : i32
        %dma_wait3A_208 = arith.constant 0 : i32
        %dma_wait3A_209 = tpu.memref_slice %arg9[%dma_wait3A_206, %dma_wait3A_207, %dma_wait3A_208] : memref<2x256x16xf32, #tpu.memory_space<vmem>> -> memref<1x256x16xf32, #tpu.memory_space<vmem>>
        %dma_wait3A_210 = tpu.memref_squeeze %dma_wait3A_209 : memref<1x256x16xf32, #tpu.memory_space<vmem>> -> memref<256x16xf32, #tpu.memory_space<vmem>>
        %dma_wait3A_211 = arith.constant 0 : i32
        %dma_wait3A_212 = arith.constant 0 : i32
        %dma_wait3A_213 = tpu.memref_slice %arg5[%dma_wait3A_211, %dma_wait3A_212] : memref<640x16xf32, #tpu.memory_space<hbm>> -> memref<256x16xf32, #tpu.memory_space<hbm>>
        %dma_wait3A_214 = arith.constant 0 : i32
        %dma_wait3A_215 = arith.constant 0 : i32
        %dma_wait3A_216 = tpu.memref_slice %arg9[%dma_wait3A_206, %dma_wait3A_214, %dma_wait3A_215] : memref<2x256x16xf32, #tpu.memory_space<vmem>> -> memref<1x256x16xf32, #tpu.memory_space<vmem>>
        %dma_wait3A_217 = tpu.memref_squeeze %dma_wait3A_216 : memref<1x256x16xf32, #tpu.memory_space<vmem>> -> memref<256x16xf32, #tpu.memory_space<vmem>>
        %dma_wait3A_218 = arith.constant 0 : i32
        %dma_wait3A_219 = arith.constant 0 : i32
        %dma_wait3A_220 = tpu.memref_slice %arg5[%dma_wait3A_218, %dma_wait3A_219] : memref<640x16xf32, #tpu.memory_space<hbm>> -> memref<256x16xf32, #tpu.memory_space<hbm>>
        tpu.wait_dma2 semaphore(%arg12 : memref<!tpu.dma_semaphore, #tpu.memory_space<semaphore_mem>>) src(%dma_wait3A_220 : memref<256x16xf32, #tpu.memory_space<hbm>>) dst(%dma_wait3A_217 : memref<256x16xf32, #tpu.memory_space<vmem>>)
        %dma_wait3A_221 = arith.constant 1 : i32
        %dma_wait3A_222 = arith.constant 0 : i32
        %dma_wait3A_223 = arith.constant 0 : i32
        %dma_wait3A_224 = tpu.memref_slice %arg9[%dma_wait3A_221, %dma_wait3A_222, %dma_wait3A_223] : memref<2x256x16xf32, #tpu.memory_space<vmem>> -> memref<1x256x16xf32, #tpu.memory_space<vmem>>
        %dma_wait3A_225 = tpu.memref_squeeze %dma_wait3A_224 : memref<1x256x16xf32, #tpu.memory_space<vmem>> -> memref<256x16xf32, #tpu.memory_space<vmem>>
        %dma_wait3A_226 = arith.constant 0 : i32
        %dma_wait3A_227 = arith.constant 0 : i32
        %dma_wait3A_228 = tpu.memref_slice %arg5[%dma_wait3A_226, %dma_wait3A_227] : memref<640x16xf32, #tpu.memory_space<hbm>> -> memref<256x16xf32, #tpu.memory_space<hbm>>
        %dma_wait3A_229 = arith.constant 0 : i32
        %dma_wait3A_230 = arith.constant 0 : i32
        %dma_wait3A_231 = tpu.memref_slice %arg9[%dma_wait3A_221, %dma_wait3A_229, %dma_wait3A_230] : memref<2x256x16xf32, #tpu.memory_space<vmem>> -> memref<1x256x16xf32, #tpu.memory_space<vmem>>
        %dma_wait3A_232 = tpu.memref_squeeze %dma_wait3A_231 : memref<1x256x16xf32, #tpu.memory_space<vmem>> -> memref<256x16xf32, #tpu.memory_space<vmem>>
        %dma_wait3A_233 = arith.constant 0 : i32
        %dma_wait3A_234 = arith.constant 0 : i32
        %dma_wait3A_235 = tpu.memref_slice %arg5[%dma_wait3A_233, %dma_wait3A_234] : memref<640x16xf32, #tpu.memory_space<hbm>> -> memref<256x16xf32, #tpu.memory_space<hbm>>
        tpu.wait_dma2 semaphore(%arg13 : memref<!tpu.dma_semaphore, #tpu.memory_space<semaphore_mem>>) src(%dma_wait3A_235 : memref<256x16xf32, #tpu.memory_space<hbm>>) dst(%dma_wait3A_232 : memref<256x16xf32, #tpu.memory_space<vmem>>)
        %dma_start3A_236 = arith.constant 0 : i32
        %dma_start3A_237 = arith.constant 2 : i32
        %dma_start3A_238 = arith.constant 0 : i32
        %dma_start3A_239 = arith.constant 0 : i32
        %dma_start3A_240 = tpu.memref_slice %arg9[%dma_start3A_236, %dma_start3A_238, %dma_start3A_239] : memref<2x256x16xf32, #tpu.memory_space<vmem>> -> memref<1x256x16xf32, #tpu.memory_space<vmem>>
        %dma_start3A_241 = tpu.memref_squeeze %dma_start3A_240 : memref<1x256x16xf32, #tpu.memory_space<vmem>> -> memref<256x16xf32, #tpu.memory_space<vmem>>
        %dma_start3A_242 = arith.constant 0 : i32
        %dma_start3A_243 = tpu.memref_slice %arg8[%rem3A_87, %dma_start3A_237, %dma_start3A_242] : memref<2x8x256xi32, #tpu.memory_space<vmem>> -> memref<1x1x256xi32, #tpu.memory_space<vmem>>
        %dma_start3A_244 = tpu.memref_squeeze %dma_start3A_243 : memref<1x1x256xi32, #tpu.memory_space<vmem>> -> memref<256xi32, #tpu.memory_space<vmem>>
        %dma_start3A_245 = arith.constant 0 : i32
        %dma_start3A_246 = arith.constant 0 : i32
        %dma_start3A_247 = tpu.memref_slice %arg10[%dma_start3A_245, %dma_start3A_246] : memref<51200x16xf32, #tpu.memory_space<vmem_shared>> -> memref<51200x16xf32, #tpu.memory_space<vmem_shared>>
        tpu.enqueue_indirect_dma source(%dma_start3A_241 : memref<256x16xf32, #tpu.memory_space<vmem>>) target(%dma_start3A_247 : memref<51200x16xf32, #tpu.memory_space<vmem_shared>>) offsets(%dma_start3A_244 : memref<256xi32, #tpu.memory_space<vmem>>) semaphore(%arg13 : memref<!tpu.dma_semaphore, #tpu.memory_space<semaphore_mem>>) {add = true}
        %dma_start3A_248 = arith.constant 3 : i32
        %dma_start3A_249 = arith.constant 1 : i32
        %dma_start3A_250 = arith.constant 0 : i32
        %dma_start3A_251 = arith.constant 0 : i32
        %dma_start3A_252 = tpu.memref_slice %arg9[%dma_start3A_249, %dma_start3A_250, %dma_start3A_251] : memref<2x256x16xf32, #tpu.memory_space<vmem>> -> memref<1x256x16xf32, #tpu.memory_space<vmem>>
        %dma_start3A_253 = tpu.memref_squeeze %dma_start3A_252 : memref<1x256x16xf32, #tpu.memory_space<vmem>> -> memref<256x16xf32, #tpu.memory_space<vmem>>
        %dma_start3A_254 = arith.constant 0 : i32
        %dma_start3A_255 = tpu.memref_slice %arg7[%rem3A_87, %dma_start3A_248, %dma_start3A_254] : memref<2x8x256xi32, #tpu.memory_space<vmem>> -> memref<1x1x256xi32, #tpu.memory_space<vmem>>
        %dma_start3A_256 = tpu.memref_squeeze %dma_start3A_255 : memref<1x1x256xi32, #tpu.memory_space<vmem>> -> memref<256xi32, #tpu.memory_space<vmem>>
        %dma_start3A_257 = arith.constant 0 : i32
        %dma_start3A_258 = arith.constant 0 : i32
        %dma_start3A_259 = tpu.memref_slice %arg11[%dma_start3A_257, %dma_start3A_258] : memref<50000x16xf32, #tpu.memory_space<vmem_shared>> -> memref<50000x16xf32, #tpu.memory_space<vmem_shared>>
        tpu.enqueue_indirect_dma source(%dma_start3A_259 : memref<50000x16xf32, #tpu.memory_space<vmem_shared>>) target(%dma_start3A_253 : memref<256x16xf32, #tpu.memory_space<vmem>>) offsets(%dma_start3A_256 : memref<256xi32, #tpu.memory_space<vmem>>) semaphore(%arg12 : memref<!tpu.dma_semaphore, #tpu.memory_space<semaphore_mem>>)
        %dma_wait3A_260 = arith.constant 1 : i32
        %dma_wait3A_261 = arith.constant 0 : i32
        %dma_wait3A_262 = arith.constant 0 : i32
        %dma_wait3A_263 = tpu.memref_slice %arg9[%dma_wait3A_260, %dma_wait3A_261, %dma_wait3A_262] : memref<2x256x16xf32, #tpu.memory_space<vmem>> -> memref<1x256x16xf32, #tpu.memory_space<vmem>>
        %dma_wait3A_264 = tpu.memref_squeeze %dma_wait3A_263 : memref<1x256x16xf32, #tpu.memory_space<vmem>> -> memref<256x16xf32, #tpu.memory_space<vmem>>
        %dma_wait3A_265 = arith.constant 0 : i32
        %dma_wait3A_266 = arith.constant 0 : i32
        %dma_wait3A_267 = tpu.memref_slice %arg5[%dma_wait3A_265, %dma_wait3A_266] : memref<640x16xf32, #tpu.memory_space<hbm>> -> memref<256x16xf32, #tpu.memory_space<hbm>>
        %dma_wait3A_268 = arith.constant 0 : i32
        %dma_wait3A_269 = arith.constant 0 : i32
        %dma_wait3A_270 = tpu.memref_slice %arg9[%dma_wait3A_260, %dma_wait3A_268, %dma_wait3A_269] : memref<2x256x16xf32, #tpu.memory_space<vmem>> -> memref<1x256x16xf32, #tpu.memory_space<vmem>>
        %dma_wait3A_271 = tpu.memref_squeeze %dma_wait3A_270 : memref<1x256x16xf32, #tpu.memory_space<vmem>> -> memref<256x16xf32, #tpu.memory_space<vmem>>
        %dma_wait3A_272 = arith.constant 0 : i32
        %dma_wait3A_273 = arith.constant 0 : i32
        %dma_wait3A_274 = tpu.memref_slice %arg5[%dma_wait3A_272, %dma_wait3A_273] : memref<640x16xf32, #tpu.memory_space<hbm>> -> memref<256x16xf32, #tpu.memory_space<hbm>>
        tpu.wait_dma2 semaphore(%arg12 : memref<!tpu.dma_semaphore, #tpu.memory_space<semaphore_mem>>) src(%dma_wait3A_274 : memref<256x16xf32, #tpu.memory_space<hbm>>) dst(%dma_wait3A_271 : memref<256x16xf32, #tpu.memory_space<vmem>>)
        %dma_wait3A_275 = arith.constant 0 : i32
        %dma_wait3A_276 = arith.constant 0 : i32
        %dma_wait3A_277 = arith.constant 0 : i32
        %dma_wait3A_278 = tpu.memref_slice %arg9[%dma_wait3A_275, %dma_wait3A_276, %dma_wait3A_277] : memref<2x256x16xf32, #tpu.memory_space<vmem>> -> memref<1x256x16xf32, #tpu.memory_space<vmem>>
        %dma_wait3A_279 = tpu.memref_squeeze %dma_wait3A_278 : memref<1x256x16xf32, #tpu.memory_space<vmem>> -> memref<256x16xf32, #tpu.memory_space<vmem>>
        %dma_wait3A_280 = arith.constant 0 : i32
        %dma_wait3A_281 = arith.constant 0 : i32
        %dma_wait3A_282 = tpu.memref_slice %arg5[%dma_wait3A_280, %dma_wait3A_281] : memref<640x16xf32, #tpu.memory_space<hbm>> -> memref<256x16xf32, #tpu.memory_space<hbm>>
        %dma_wait3A_283 = arith.constant 0 : i32
        %dma_wait3A_284 = arith.constant 0 : i32
        %dma_wait3A_285 = tpu.memref_slice %arg9[%dma_wait3A_275, %dma_wait3A_283, %dma_wait3A_284] : memref<2x256x16xf32, #tpu.memory_space<vmem>> -> memref<1x256x16xf32, #tpu.memory_space<vmem>>
        %dma_wait3A_286 = tpu.memref_squeeze %dma_wait3A_285 : memref<1x256x16xf32, #tpu.memory_space<vmem>> -> memref<256x16xf32, #tpu.memory_space<vmem>>
        %dma_wait3A_287 = arith.constant 0 : i32
        %dma_wait3A_288 = arith.constant 0 : i32
        %dma_wait3A_289 = tpu.memref_slice %arg5[%dma_wait3A_287, %dma_wait3A_288] : memref<640x16xf32, #tpu.memory_space<hbm>> -> memref<256x16xf32, #tpu.memory_space<hbm>>
        tpu.wait_dma2 semaphore(%arg13 : memref<!tpu.dma_semaphore, #tpu.memory_space<semaphore_mem>>) src(%dma_wait3A_289 : memref<256x16xf32, #tpu.memory_space<hbm>>) dst(%dma_wait3A_286 : memref<256x16xf32, #tpu.memory_space<vmem>>)
        %dma_start3A_290 = arith.constant 1 : i32
        %dma_start3A_291 = arith.constant 3 : i32
        %dma_start3A_292 = arith.constant 0 : i32
        %dma_start3A_293 = arith.constant 0 : i32
        %dma_start3A_294 = tpu.memref_slice %arg9[%dma_start3A_290, %dma_start3A_292, %dma_start3A_293] : memref<2x256x16xf32, #tpu.memory_space<vmem>> -> memref<1x256x16xf32, #tpu.memory_space<vmem>>
        %dma_start3A_295 = tpu.memref_squeeze %dma_start3A_294 : memref<1x256x16xf32, #tpu.memory_space<vmem>> -> memref<256x16xf32, #tpu.memory_space<vmem>>
        %dma_start3A_296 = arith.constant 0 : i32
        %dma_start3A_297 = tpu.memref_slice %arg8[%rem3A_87, %dma_start3A_291, %dma_start3A_296] : memref<2x8x256xi32, #tpu.memory_space<vmem>> -> memref<1x1x256xi32, #tpu.memory_space<vmem>>
        %dma_start3A_298 = tpu.memref_squeeze %dma_start3A_297 : memref<1x1x256xi32, #tpu.memory_space<vmem>> -> memref<256xi32, #tpu.memory_space<vmem>>
        %dma_start3A_299 = arith.constant 0 : i32
        %dma_start3A_300 = arith.constant 0 : i32
        %dma_start3A_301 = tpu.memref_slice %arg10[%dma_start3A_299, %dma_start3A_300] : memref<51200x16xf32, #tpu.memory_space<vmem_shared>> -> memref<51200x16xf32, #tpu.memory_space<vmem_shared>>
        tpu.enqueue_indirect_dma source(%dma_start3A_295 : memref<256x16xf32, #tpu.memory_space<vmem>>) target(%dma_start3A_301 : memref<51200x16xf32, #tpu.memory_space<vmem_shared>>) offsets(%dma_start3A_298 : memref<256xi32, #tpu.memory_space<vmem>>) semaphore(%arg13 : memref<!tpu.dma_semaphore, #tpu.memory_space<semaphore_mem>>) {add = true}
        %dma_start3A_302 = arith.constant 4 : i32
        %dma_start3A_303 = arith.constant 0 : i32
        %dma_start3A_304 = arith.constant 0 : i32
        %dma_start3A_305 = arith.constant 0 : i32
        %dma_start3A_306 = tpu.memref_slice %arg9[%dma_start3A_303, %dma_start3A_304, %dma_start3A_305] : memref<2x256x16xf32, #tpu.memory_space<vmem>> -> memref<1x256x16xf32, #tpu.memory_space<vmem>>
        %dma_start3A_307 = tpu.memref_squeeze %dma_start3A_306 : memref<1x256x16xf32, #tpu.memory_space<vmem>> -> memref<256x16xf32, #tpu.memory_space<vmem>>
        %dma_start3A_308 = arith.constant 0 : i32
        %dma_start3A_309 = tpu.memref_slice %arg7[%rem3A_87, %dma_start3A_302, %dma_start3A_308] : memref<2x8x256xi32, #tpu.memory_space<vmem>> -> memref<1x1x256xi32, #tpu.memory_space<vmem>>
        %dma_start3A_310 = tpu.memref_squeeze %dma_start3A_309 : memref<1x1x256xi32, #tpu.memory_space<vmem>> -> memref<256xi32, #tpu.memory_space<vmem>>
        %dma_start3A_311 = arith.constant 0 : i32
        %dma_start3A_312 = arith.constant 0 : i32
        %dma_start3A_313 = tpu.memref_slice %arg11[%dma_start3A_311, %dma_start3A_312] : memref<50000x16xf32, #tpu.memory_space<vmem_shared>> -> memref<50000x16xf32, #tpu.memory_space<vmem_shared>>
        tpu.enqueue_indirect_dma source(%dma_start3A_313 : memref<50000x16xf32, #tpu.memory_space<vmem_shared>>) target(%dma_start3A_307 : memref<256x16xf32, #tpu.memory_space<vmem>>) offsets(%dma_start3A_310 : memref<256xi32, #tpu.memory_space<vmem>>) semaphore(%arg12 : memref<!tpu.dma_semaphore, #tpu.memory_space<semaphore_mem>>)
        %dma_wait3A_314 = arith.constant 0 : i32
        %dma_wait3A_315 = arith.constant 0 : i32
        %dma_wait3A_316 = arith.constant 0 : i32
        %dma_wait3A_317 = tpu.memref_slice %arg9[%dma_wait3A_314, %dma_wait3A_315, %dma_wait3A_316] : memref<2x256x16xf32, #tpu.memory_space<vmem>> -> memref<1x256x16xf32, #tpu.memory_space<vmem>>
        %dma_wait3A_318 = tpu.memref_squeeze %dma_wait3A_317 : memref<1x256x16xf32, #tpu.memory_space<vmem>> -> memref<256x16xf32, #tpu.memory_space<vmem>>
        %dma_wait3A_319 = arith.constant 0 : i32
        %dma_wait3A_320 = arith.constant 0 : i32
        %dma_wait3A_321 = tpu.memref_slice %arg5[%dma_wait3A_319, %dma_wait3A_320] : memref<640x16xf32, #tpu.memory_space<hbm>> -> memref<256x16xf32, #tpu.memory_space<hbm>>
        %dma_wait3A_322 = arith.constant 0 : i32
        %dma_wait3A_323 = arith.constant 0 : i32
        %dma_wait3A_324 = tpu.memref_slice %arg9[%dma_wait3A_314, %dma_wait3A_322, %dma_wait3A_323] : memref<2x256x16xf32, #tpu.memory_space<vmem>> -> memref<1x256x16xf32, #tpu.memory_space<vmem>>
        %dma_wait3A_325 = tpu.memref_squeeze %dma_wait3A_324 : memref<1x256x16xf32, #tpu.memory_space<vmem>> -> memref<256x16xf32, #tpu.memory_space<vmem>>
        %dma_wait3A_326 = arith.constant 0 : i32
        %dma_wait3A_327 = arith.constant 0 : i32
        %dma_wait3A_328 = tpu.memref_slice %arg5[%dma_wait3A_326, %dma_wait3A_327] : memref<640x16xf32, #tpu.memory_space<hbm>> -> memref<256x16xf32, #tpu.memory_space<hbm>>
        tpu.wait_dma2 semaphore(%arg12 : memref<!tpu.dma_semaphore, #tpu.memory_space<semaphore_mem>>) src(%dma_wait3A_328 : memref<256x16xf32, #tpu.memory_space<hbm>>) dst(%dma_wait3A_325 : memref<256x16xf32, #tpu.memory_space<vmem>>)
        %dma_wait3A_329 = arith.constant 1 : i32
        %dma_wait3A_330 = arith.constant 0 : i32
        %dma_wait3A_331 = arith.constant 0 : i32
        %dma_wait3A_332 = tpu.memref_slice %arg9[%dma_wait3A_329, %dma_wait3A_330, %dma_wait3A_331] : memref<2x256x16xf32, #tpu.memory_space<vmem>> -> memref<1x256x16xf32, #tpu.memory_space<vmem>>
        %dma_wait3A_333 = tpu.memref_squeeze %dma_wait3A_332 : memref<1x256x16xf32, #tpu.memory_space<vmem>> -> memref<256x16xf32, #tpu.memory_space<vmem>>
        %dma_wait3A_334 = arith.constant 0 : i32
        %dma_wait3A_335 = arith.constant 0 : i32
        %dma_wait3A_336 = tpu.memref_slice %arg5[%dma_wait3A_334, %dma_wait3A_335] : memref<640x16xf32, #tpu.memory_space<hbm>> -> memref<256x16xf32, #tpu.memory_space<hbm>>
        %dma_wait3A_337 = arith.constant 0 : i32
        %dma_wait3A_338 = arith.constant 0 : i32
        %dma_wait3A_339 = tpu.memref_slice %arg9[%dma_wait3A_329, %dma_wait3A_337, %dma_wait3A_338] : memref<2x256x16xf32, #tpu.memory_space<vmem>> -> memref<1x256x16xf32, #tpu.memory_space<vmem>>
        %dma_wait3A_340 = tpu.memref_squeeze %dma_wait3A_339 : memref<1x256x16xf32, #tpu.memory_space<vmem>> -> memref<256x16xf32, #tpu.memory_space<vmem>>
        %dma_wait3A_341 = arith.constant 0 : i32
        %dma_wait3A_342 = arith.constant 0 : i32
        %dma_wait3A_343 = tpu.memref_slice %arg5[%dma_wait3A_341, %dma_wait3A_342] : memref<640x16xf32, #tpu.memory_space<hbm>> -> memref<256x16xf32, #tpu.memory_space<hbm>>
        tpu.wait_dma2 semaphore(%arg13 : memref<!tpu.dma_semaphore, #tpu.memory_space<semaphore_mem>>) src(%dma_wait3A_343 : memref<256x16xf32, #tpu.memory_space<hbm>>) dst(%dma_wait3A_340 : memref<256x16xf32, #tpu.memory_space<vmem>>)
        %dma_start3A_344 = arith.constant 0 : i32
        %dma_start3A_345 = arith.constant 4 : i32
        %dma_start3A_346 = arith.constant 0 : i32
        %dma_start3A_347 = arith.constant 0 : i32
        %dma_start3A_348 = tpu.memref_slice %arg9[%dma_start3A_344, %dma_start3A_346, %dma_start3A_347] : memref<2x256x16xf32, #tpu.memory_space<vmem>> -> memref<1x256x16xf32, #tpu.memory_space<vmem>>
        %dma_start3A_349 = tpu.memref_squeeze %dma_start3A_348 : memref<1x256x16xf32, #tpu.memory_space<vmem>> -> memref<256x16xf32, #tpu.memory_space<vmem>>
        %dma_start3A_350 = arith.constant 0 : i32
        %dma_start3A_351 = tpu.memref_slice %arg8[%rem3A_87, %dma_start3A_345, %dma_start3A_350] : memref<2x8x256xi32, #tpu.memory_space<vmem>> -> memref<1x1x256xi32, #tpu.memory_space<vmem>>
        %dma_start3A_352 = tpu.memref_squeeze %dma_start3A_351 : memref<1x1x256xi32, #tpu.memory_space<vmem>> -> memref<256xi32, #tpu.memory_space<vmem>>
        %dma_start3A_353 = arith.constant 0 : i32
        %dma_start3A_354 = arith.constant 0 : i32
        %dma_start3A_355 = tpu.memref_slice %arg10[%dma_start3A_353, %dma_start3A_354] : memref<51200x16xf32, #tpu.memory_space<vmem_shared>> -> memref<51200x16xf32, #tpu.memory_space<vmem_shared>>
        tpu.enqueue_indirect_dma source(%dma_start3A_349 : memref<256x16xf32, #tpu.memory_space<vmem>>) target(%dma_start3A_355 : memref<51200x16xf32, #tpu.memory_space<vmem_shared>>) offsets(%dma_start3A_352 : memref<256xi32, #tpu.memory_space<vmem>>) semaphore(%arg13 : memref<!tpu.dma_semaphore, #tpu.memory_space<semaphore_mem>>) {add = true}
        %dma_start3A_356 = arith.constant 5 : i32
        %dma_start3A_357 = arith.constant 1 : i32
        %dma_start3A_358 = arith.constant 0 : i32
        %dma_start3A_359 = arith.constant 0 : i32
        %dma_start3A_360 = tpu.memref_slice %arg9[%dma_start3A_357, %dma_start3A_358, %dma_start3A_359] : memref<2x256x16xf32, #tpu.memory_space<vmem>> -> memref<1x256x16xf32, #tpu.memory_space<vmem>>
        %dma_start3A_361 = tpu.memref_squeeze %dma_start3A_360 : memref<1x256x16xf32, #tpu.memory_space<vmem>> -> memref<256x16xf32, #tpu.memory_space<vmem>>
        %dma_start3A_362 = arith.constant 0 : i32
        %dma_start3A_363 = tpu.memref_slice %arg7[%rem3A_87, %dma_start3A_356, %dma_start3A_362] : memref<2x8x256xi32, #tpu.memory_space<vmem>> -> memref<1x1x256xi32, #tpu.memory_space<vmem>>
        %dma_start3A_364 = tpu.memref_squeeze %dma_start3A_363 : memref<1x1x256xi32, #tpu.memory_space<vmem>> -> memref<256xi32, #tpu.memory_space<vmem>>
        %dma_start3A_365 = arith.constant 0 : i32
        %dma_start3A_366 = arith.constant 0 : i32
        %dma_start3A_367 = tpu.memref_slice %arg11[%dma_start3A_365, %dma_start3A_366] : memref<50000x16xf32, #tpu.memory_space<vmem_shared>> -> memref<50000x16xf32, #tpu.memory_space<vmem_shared>>
        tpu.enqueue_indirect_dma source(%dma_start3A_367 : memref<50000x16xf32, #tpu.memory_space<vmem_shared>>) target(%dma_start3A_361 : memref<256x16xf32, #tpu.memory_space<vmem>>) offsets(%dma_start3A_364 : memref<256xi32, #tpu.memory_space<vmem>>) semaphore(%arg12 : memref<!tpu.dma_semaphore, #tpu.memory_space<semaphore_mem>>)
        %dma_wait3A_368 = arith.constant 1 : i32
        %dma_wait3A_369 = arith.constant 0 : i32
        %dma_wait3A_370 = arith.constant 0 : i32
        %dma_wait3A_371 = tpu.memref_slice %arg9[%dma_wait3A_368, %dma_wait3A_369, %dma_wait3A_370] : memref<2x256x16xf32, #tpu.memory_space<vmem>> -> memref<1x256x16xf32, #tpu.memory_space<vmem>>
        %dma_wait3A_372 = tpu.memref_squeeze %dma_wait3A_371 : memref<1x256x16xf32, #tpu.memory_space<vmem>> -> memref<256x16xf32, #tpu.memory_space<vmem>>
        %dma_wait3A_373 = arith.constant 0 : i32
        %dma_wait3A_374 = arith.constant 0 : i32
        %dma_wait3A_375 = tpu.memref_slice %arg5[%dma_wait3A_373, %dma_wait3A_374] : memref<640x16xf32, #tpu.memory_space<hbm>> -> memref<256x16xf32, #tpu.memory_space<hbm>>
        %dma_wait3A_376 = arith.constant 0 : i32
        %dma_wait3A_377 = arith.constant 0 : i32
        %dma_wait3A_378 = tpu.memref_slice %arg9[%dma_wait3A_368, %dma_wait3A_376, %dma_wait3A_377] : memref<2x256x16xf32, #tpu.memory_space<vmem>> -> memref<1x256x16xf32, #tpu.memory_space<vmem>>
        %dma_wait3A_379 = tpu.memref_squeeze %dma_wait3A_378 : memref<1x256x16xf32, #tpu.memory_space<vmem>> -> memref<256x16xf32, #tpu.memory_space<vmem>>
        %dma_wait3A_380 = arith.constant 0 : i32
        %dma_wait3A_381 = arith.constant 0 : i32
        %dma_wait3A_382 = tpu.memref_slice %arg5[%dma_wait3A_380, %dma_wait3A_381] : memref<640x16xf32, #tpu.memory_space<hbm>> -> memref<256x16xf32, #tpu.memory_space<hbm>>
        tpu.wait_dma2 semaphore(%arg12 : memref<!tpu.dma_semaphore, #tpu.memory_space<semaphore_mem>>) src(%dma_wait3A_382 : memref<256x16xf32, #tpu.memory_space<hbm>>) dst(%dma_wait3A_379 : memref<256x16xf32, #tpu.memory_space<vmem>>)
        %dma_wait3A_383 = arith.constant 0 : i32
        %dma_wait3A_384 = arith.constant 0 : i32
        %dma_wait3A_385 = arith.constant 0 : i32
        %dma_wait3A_386 = tpu.memref_slice %arg9[%dma_wait3A_383, %dma_wait3A_384, %dma_wait3A_385] : memref<2x256x16xf32, #tpu.memory_space<vmem>> -> memref<1x256x16xf32, #tpu.memory_space<vmem>>
        %dma_wait3A_387 = tpu.memref_squeeze %dma_wait3A_386 : memref<1x256x16xf32, #tpu.memory_space<vmem>> -> memref<256x16xf32, #tpu.memory_space<vmem>>
        %dma_wait3A_388 = arith.constant 0 : i32
        %dma_wait3A_389 = arith.constant 0 : i32
        %dma_wait3A_390 = tpu.memref_slice %arg5[%dma_wait3A_388, %dma_wait3A_389] : memref<640x16xf32, #tpu.memory_space<hbm>> -> memref<256x16xf32, #tpu.memory_space<hbm>>
        %dma_wait3A_391 = arith.constant 0 : i32
        %dma_wait3A_392 = arith.constant 0 : i32
        %dma_wait3A_393 = tpu.memref_slice %arg9[%dma_wait3A_383, %dma_wait3A_391, %dma_wait3A_392] : memref<2x256x16xf32, #tpu.memory_space<vmem>> -> memref<1x256x16xf32, #tpu.memory_space<vmem>>
        %dma_wait3A_394 = tpu.memref_squeeze %dma_wait3A_393 : memref<1x256x16xf32, #tpu.memory_space<vmem>> -> memref<256x16xf32, #tpu.memory_space<vmem>>
        %dma_wait3A_395 = arith.constant 0 : i32
        %dma_wait3A_396 = arith.constant 0 : i32
        %dma_wait3A_397 = tpu.memref_slice %arg5[%dma_wait3A_395, %dma_wait3A_396] : memref<640x16xf32, #tpu.memory_space<hbm>> -> memref<256x16xf32, #tpu.memory_space<hbm>>
        tpu.wait_dma2 semaphore(%arg13 : memref<!tpu.dma_semaphore, #tpu.memory_space<semaphore_mem>>) src(%dma_wait3A_397 : memref<256x16xf32, #tpu.memory_space<hbm>>) dst(%dma_wait3A_394 : memref<256x16xf32, #tpu.memory_space<vmem>>)
        %dma_start3A_398 = arith.constant 1 : i32
        %dma_start3A_399 = arith.constant 5 : i32
        %dma_start3A_400 = arith.constant 0 : i32
        %dma_start3A_401 = arith.constant 0 : i32
        %dma_start3A_402 = tpu.memref_slice %arg9[%dma_start3A_398, %dma_start3A_400, %dma_start3A_401] : memref<2x256x16xf32, #tpu.memory_space<vmem>> -> memref<1x256x16xf32, #tpu.memory_space<vmem>>
        %dma_start3A_403 = tpu.memref_squeeze %dma_start3A_402 : memref<1x256x16xf32, #tpu.memory_space<vmem>> -> memref<256x16xf32, #tpu.memory_space<vmem>>
        %dma_start3A_404 = arith.constant 0 : i32
        %dma_start3A_405 = tpu.memref_slice %arg8[%rem3A_87, %dma_start3A_399, %dma_start3A_404] : memref<2x8x256xi32, #tpu.memory_space<vmem>> -> memref<1x1x256xi32, #tpu.memory_space<vmem>>
        %dma_start3A_406 = tpu.memref_squeeze %dma_start3A_405 : memref<1x1x256xi32, #tpu.memory_space<vmem>> -> memref<256xi32, #tpu.memory_space<vmem>>
        %dma_start3A_407 = arith.constant 0 : i32
        %dma_start3A_408 = arith.constant 0 : i32
        %dma_start3A_409 = tpu.memref_slice %arg10[%dma_start3A_407, %dma_start3A_408] : memref<51200x16xf32, #tpu.memory_space<vmem_shared>> -> memref<51200x16xf32, #tpu.memory_space<vmem_shared>>
        tpu.enqueue_indirect_dma source(%dma_start3A_403 : memref<256x16xf32, #tpu.memory_space<vmem>>) target(%dma_start3A_409 : memref<51200x16xf32, #tpu.memory_space<vmem_shared>>) offsets(%dma_start3A_406 : memref<256xi32, #tpu.memory_space<vmem>>) semaphore(%arg13 : memref<!tpu.dma_semaphore, #tpu.memory_space<semaphore_mem>>) {add = true}
        %dma_start3A_410 = arith.constant 6 : i32
        %dma_start3A_411 = arith.constant 0 : i32
        %dma_start3A_412 = arith.constant 0 : i32
        %dma_start3A_413 = arith.constant 0 : i32
        %dma_start3A_414 = tpu.memref_slice %arg9[%dma_start3A_411, %dma_start3A_412, %dma_start3A_413] : memref<2x256x16xf32, #tpu.memory_space<vmem>> -> memref<1x256x16xf32, #tpu.memory_space<vmem>>
        %dma_start3A_415 = tpu.memref_squeeze %dma_start3A_414 : memref<1x256x16xf32, #tpu.memory_space<vmem>> -> memref<256x16xf32, #tpu.memory_space<vmem>>
        %dma_start3A_416 = arith.constant 0 : i32
        %dma_start3A_417 = tpu.memref_slice %arg7[%rem3A_87, %dma_start3A_410, %dma_start3A_416] : memref<2x8x256xi32, #tpu.memory_space<vmem>> -> memref<1x1x256xi32, #tpu.memory_space<vmem>>
        %dma_start3A_418 = tpu.memref_squeeze %dma_start3A_417 : memref<1x1x256xi32, #tpu.memory_space<vmem>> -> memref<256xi32, #tpu.memory_space<vmem>>
        %dma_start3A_419 = arith.constant 0 : i32
        %dma_start3A_420 = arith.constant 0 : i32
        %dma_start3A_421 = tpu.memref_slice %arg11[%dma_start3A_419, %dma_start3A_420] : memref<50000x16xf32, #tpu.memory_space<vmem_shared>> -> memref<50000x16xf32, #tpu.memory_space<vmem_shared>>
        tpu.enqueue_indirect_dma source(%dma_start3A_421 : memref<50000x16xf32, #tpu.memory_space<vmem_shared>>) target(%dma_start3A_415 : memref<256x16xf32, #tpu.memory_space<vmem>>) offsets(%dma_start3A_418 : memref<256xi32, #tpu.memory_space<vmem>>) semaphore(%arg12 : memref<!tpu.dma_semaphore, #tpu.memory_space<semaphore_mem>>)
        %dma_wait3A_422 = arith.constant 0 : i32
        %dma_wait3A_423 = arith.constant 0 : i32
        %dma_wait3A_424 = arith.constant 0 : i32
        %dma_wait3A_425 = tpu.memref_slice %arg9[%dma_wait3A_422, %dma_wait3A_423, %dma_wait3A_424] : memref<2x256x16xf32, #tpu.memory_space<vmem>> -> memref<1x256x16xf32, #tpu.memory_space<vmem>>
        %dma_wait3A_426 = tpu.memref_squeeze %dma_wait3A_425 : memref<1x256x16xf32, #tpu.memory_space<vmem>> -> memref<256x16xf32, #tpu.memory_space<vmem>>
        %dma_wait3A_427 = arith.constant 0 : i32
        %dma_wait3A_428 = arith.constant 0 : i32
        %dma_wait3A_429 = tpu.memref_slice %arg5[%dma_wait3A_427, %dma_wait3A_428] : memref<640x16xf32, #tpu.memory_space<hbm>> -> memref<256x16xf32, #tpu.memory_space<hbm>>
        %dma_wait3A_430 = arith.constant 0 : i32
        %dma_wait3A_431 = arith.constant 0 : i32
        %dma_wait3A_432 = tpu.memref_slice %arg9[%dma_wait3A_422, %dma_wait3A_430, %dma_wait3A_431] : memref<2x256x16xf32, #tpu.memory_space<vmem>> -> memref<1x256x16xf32, #tpu.memory_space<vmem>>
        %dma_wait3A_433 = tpu.memref_squeeze %dma_wait3A_432 : memref<1x256x16xf32, #tpu.memory_space<vmem>> -> memref<256x16xf32, #tpu.memory_space<vmem>>
        %dma_wait3A_434 = arith.constant 0 : i32
        %dma_wait3A_435 = arith.constant 0 : i32
        %dma_wait3A_436 = tpu.memref_slice %arg5[%dma_wait3A_434, %dma_wait3A_435] : memref<640x16xf32, #tpu.memory_space<hbm>> -> memref<256x16xf32, #tpu.memory_space<hbm>>
        tpu.wait_dma2 semaphore(%arg12 : memref<!tpu.dma_semaphore, #tpu.memory_space<semaphore_mem>>) src(%dma_wait3A_436 : memref<256x16xf32, #tpu.memory_space<hbm>>) dst(%dma_wait3A_433 : memref<256x16xf32, #tpu.memory_space<vmem>>)
        %dma_wait3A_437 = arith.constant 1 : i32
        %dma_wait3A_438 = arith.constant 0 : i32
        %dma_wait3A_439 = arith.constant 0 : i32
        %dma_wait3A_440 = tpu.memref_slice %arg9[%dma_wait3A_437, %dma_wait3A_438, %dma_wait3A_439] : memref<2x256x16xf32, #tpu.memory_space<vmem>> -> memref<1x256x16xf32, #tpu.memory_space<vmem>>
        %dma_wait3A_441 = tpu.memref_squeeze %dma_wait3A_440 : memref<1x256x16xf32, #tpu.memory_space<vmem>> -> memref<256x16xf32, #tpu.memory_space<vmem>>
        %dma_wait3A_442 = arith.constant 0 : i32
        %dma_wait3A_443 = arith.constant 0 : i32
        %dma_wait3A_444 = tpu.memref_slice %arg5[%dma_wait3A_442, %dma_wait3A_443] : memref<640x16xf32, #tpu.memory_space<hbm>> -> memref<256x16xf32, #tpu.memory_space<hbm>>
        %dma_wait3A_445 = arith.constant 0 : i32
        %dma_wait3A_446 = arith.constant 0 : i32
        %dma_wait3A_447 = tpu.memref_slice %arg9[%dma_wait3A_437, %dma_wait3A_445, %dma_wait3A_446] : memref<2x256x16xf32, #tpu.memory_space<vmem>> -> memref<1x256x16xf32, #tpu.memory_space<vmem>>
        %dma_wait3A_448 = tpu.memref_squeeze %dma_wait3A_447 : memref<1x256x16xf32, #tpu.memory_space<vmem>> -> memref<256x16xf32, #tpu.memory_space<vmem>>
        %dma_wait3A_449 = arith.constant 0 : i32
        %dma_wait3A_450 = arith.constant 0 : i32
        %dma_wait3A_451 = tpu.memref_slice %arg5[%dma_wait3A_449, %dma_wait3A_450] : memref<640x16xf32, #tpu.memory_space<hbm>> -> memref<256x16xf32, #tpu.memory_space<hbm>>
        tpu.wait_dma2 semaphore(%arg13 : memref<!tpu.dma_semaphore, #tpu.memory_space<semaphore_mem>>) src(%dma_wait3A_451 : memref<256x16xf32, #tpu.memory_space<hbm>>) dst(%dma_wait3A_448 : memref<256x16xf32, #tpu.memory_space<vmem>>)
        %dma_start3A_452 = arith.constant 0 : i32
        %dma_start3A_453 = arith.constant 6 : i32
        %dma_start3A_454 = arith.constant 0 : i32
        %dma_start3A_455 = arith.constant 0 : i32
        %dma_start3A_456 = tpu.memref_slice %arg9[%dma_start3A_452, %dma_start3A_454, %dma_start3A_455] : memref<2x256x16xf32, #tpu.memory_space<vmem>> -> memref<1x256x16xf32, #tpu.memory_space<vmem>>
        %dma_start3A_457 = tpu.memref_squeeze %dma_start3A_456 : memref<1x256x16xf32, #tpu.memory_space<vmem>> -> memref<256x16xf32, #tpu.memory_space<vmem>>
        %dma_start3A_458 = arith.constant 0 : i32
        %dma_start3A_459 = tpu.memref_slice %arg8[%rem3A_87, %dma_start3A_453, %dma_start3A_458] : memref<2x8x256xi32, #tpu.memory_space<vmem>> -> memref<1x1x256xi32, #tpu.memory_space<vmem>>
        %dma_start3A_460 = tpu.memref_squeeze %dma_start3A_459 : memref<1x1x256xi32, #tpu.memory_space<vmem>> -> memref<256xi32, #tpu.memory_space<vmem>>
        %dma_start3A_461 = arith.constant 0 : i32
        %dma_start3A_462 = arith.constant 0 : i32
        %dma_start3A_463 = tpu.memref_slice %arg10[%dma_start3A_461, %dma_start3A_462] : memref<51200x16xf32, #tpu.memory_space<vmem_shared>> -> memref<51200x16xf32, #tpu.memory_space<vmem_shared>>
        tpu.enqueue_indirect_dma source(%dma_start3A_457 : memref<256x16xf32, #tpu.memory_space<vmem>>) target(%dma_start3A_463 : memref<51200x16xf32, #tpu.memory_space<vmem_shared>>) offsets(%dma_start3A_460 : memref<256xi32, #tpu.memory_space<vmem>>) semaphore(%arg13 : memref<!tpu.dma_semaphore, #tpu.memory_space<semaphore_mem>>) {add = true}
        %dma_start3A_464 = arith.constant 7 : i32
        %dma_start3A_465 = arith.constant 1 : i32
        %dma_start3A_466 = arith.constant 0 : i32
        %dma_start3A_467 = arith.constant 0 : i32
        %dma_start3A_468 = tpu.memref_slice %arg9[%dma_start3A_465, %dma_start3A_466, %dma_start3A_467] : memref<2x256x16xf32, #tpu.memory_space<vmem>> -> memref<1x256x16xf32, #tpu.memory_space<vmem>>
        %dma_start3A_469 = tpu.memref_squeeze %dma_start3A_468 : memref<1x256x16xf32, #tpu.memory_space<vmem>> -> memref<256x16xf32, #tpu.memory_space<vmem>>
        %dma_start3A_470 = arith.constant 0 : i32
        %dma_start3A_471 = tpu.memref_slice %arg7[%rem3A_87, %dma_start3A_464, %dma_start3A_470] : memref<2x8x256xi32, #tpu.memory_space<vmem>> -> memref<1x1x256xi32, #tpu.memory_space<vmem>>
        %dma_start3A_472 = tpu.memref_squeeze %dma_start3A_471 : memref<1x1x256xi32, #tpu.memory_space<vmem>> -> memref<256xi32, #tpu.memory_space<vmem>>
        %dma_start3A_473 = arith.constant 0 : i32
        %dma_start3A_474 = arith.constant 0 : i32
        %dma_start3A_475 = tpu.memref_slice %arg11[%dma_start3A_473, %dma_start3A_474] : memref<50000x16xf32, #tpu.memory_space<vmem_shared>> -> memref<50000x16xf32, #tpu.memory_space<vmem_shared>>
        tpu.enqueue_indirect_dma source(%dma_start3A_475 : memref<50000x16xf32, #tpu.memory_space<vmem_shared>>) target(%dma_start3A_469 : memref<256x16xf32, #tpu.memory_space<vmem>>) offsets(%dma_start3A_472 : memref<256xi32, #tpu.memory_space<vmem>>) semaphore(%arg12 : memref<!tpu.dma_semaphore, #tpu.memory_space<semaphore_mem>>)
        %dma_wait3A_476 = arith.constant 1 : i32
        %dma_wait3A_477 = arith.constant 0 : i32
        %dma_wait3A_478 = arith.constant 0 : i32
        %dma_wait3A_479 = tpu.memref_slice %arg9[%dma_wait3A_476, %dma_wait3A_477, %dma_wait3A_478] : memref<2x256x16xf32, #tpu.memory_space<vmem>> -> memref<1x256x16xf32, #tpu.memory_space<vmem>>
        %dma_wait3A_480 = tpu.memref_squeeze %dma_wait3A_479 : memref<1x256x16xf32, #tpu.memory_space<vmem>> -> memref<256x16xf32, #tpu.memory_space<vmem>>
        %dma_wait3A_481 = arith.constant 0 : i32
        %dma_wait3A_482 = arith.constant 0 : i32
        %dma_wait3A_483 = tpu.memref_slice %arg5[%dma_wait3A_481, %dma_wait3A_482] : memref<640x16xf32, #tpu.memory_space<hbm>> -> memref<256x16xf32, #tpu.memory_space<hbm>>
        %dma_wait3A_484 = arith.constant 0 : i32
        %dma_wait3A_485 = arith.constant 0 : i32
        %dma_wait3A_486 = tpu.memref_slice %arg9[%dma_wait3A_476, %dma_wait3A_484, %dma_wait3A_485] : memref<2x256x16xf32, #tpu.memory_space<vmem>> -> memref<1x256x16xf32, #tpu.memory_space<vmem>>
        %dma_wait3A_487 = tpu.memref_squeeze %dma_wait3A_486 : memref<1x256x16xf32, #tpu.memory_space<vmem>> -> memref<256x16xf32, #tpu.memory_space<vmem>>
        %dma_wait3A_488 = arith.constant 0 : i32
        %dma_wait3A_489 = arith.constant 0 : i32
        %dma_wait3A_490 = tpu.memref_slice %arg5[%dma_wait3A_488, %dma_wait3A_489] : memref<640x16xf32, #tpu.memory_space<hbm>> -> memref<256x16xf32, #tpu.memory_space<hbm>>
        tpu.wait_dma2 semaphore(%arg12 : memref<!tpu.dma_semaphore, #tpu.memory_space<semaphore_mem>>) src(%dma_wait3A_490 : memref<256x16xf32, #tpu.memory_space<hbm>>) dst(%dma_wait3A_487 : memref<256x16xf32, #tpu.memory_space<vmem>>)
        %dma_wait3A_491 = arith.constant 0 : i32
        %dma_wait3A_492 = arith.constant 0 : i32
        %dma_wait3A_493 = arith.constant 0 : i32
        %dma_wait3A_494 = tpu.memref_slice %arg9[%dma_wait3A_491, %dma_wait3A_492, %dma_wait3A_493] : memref<2x256x16xf32, #tpu.memory_space<vmem>> -> memref<1x256x16xf32, #tpu.memory_space<vmem>>
        %dma_wait3A_495 = tpu.memref_squeeze %dma_wait3A_494 : memref<1x256x16xf32, #tpu.memory_space<vmem>> -> memref<256x16xf32, #tpu.memory_space<vmem>>
        %dma_wait3A_496 = arith.constant 0 : i32
        %dma_wait3A_497 = arith.constant 0 : i32
        %dma_wait3A_498 = tpu.memref_slice %arg5[%dma_wait3A_496, %dma_wait3A_497] : memref<640x16xf32, #tpu.memory_space<hbm>> -> memref<256x16xf32, #tpu.memory_space<hbm>>
        %dma_wait3A_499 = arith.constant 0 : i32
        %dma_wait3A_500 = arith.constant 0 : i32
        %dma_wait3A_501 = tpu.memref_slice %arg9[%dma_wait3A_491, %dma_wait3A_499, %dma_wait3A_500] : memref<2x256x16xf32, #tpu.memory_space<vmem>> -> memref<1x256x16xf32, #tpu.memory_space<vmem>>
        %dma_wait3A_502 = tpu.memref_squeeze %dma_wait3A_501 : memref<1x256x16xf32, #tpu.memory_space<vmem>> -> memref<256x16xf32, #tpu.memory_space<vmem>>
        %dma_wait3A_503 = arith.constant 0 : i32
        %dma_wait3A_504 = arith.constant 0 : i32
        %dma_wait3A_505 = tpu.memref_slice %arg5[%dma_wait3A_503, %dma_wait3A_504] : memref<640x16xf32, #tpu.memory_space<hbm>> -> memref<256x16xf32, #tpu.memory_space<hbm>>
        tpu.wait_dma2 semaphore(%arg13 : memref<!tpu.dma_semaphore, #tpu.memory_space<semaphore_mem>>) src(%dma_wait3A_505 : memref<256x16xf32, #tpu.memory_space<hbm>>) dst(%dma_wait3A_502 : memref<256x16xf32, #tpu.memory_space<vmem>>)
        %dma_start3A_506 = arith.constant 1 : i32
        %dma_start3A_507 = arith.constant 7 : i32
        %dma_start3A_508 = arith.constant 0 : i32
        %dma_start3A_509 = arith.constant 0 : i32
        %dma_start3A_510 = tpu.memref_slice %arg9[%dma_start3A_506, %dma_start3A_508, %dma_start3A_509] : memref<2x256x16xf32, #tpu.memory_space<vmem>> -> memref<1x256x16xf32, #tpu.memory_space<vmem>>
        %dma_start3A_511 = tpu.memref_squeeze %dma_start3A_510 : memref<1x256x16xf32, #tpu.memory_space<vmem>> -> memref<256x16xf32, #tpu.memory_space<vmem>>
        %dma_start3A_512 = arith.constant 0 : i32
        %dma_start3A_513 = tpu.memref_slice %arg8[%rem3A_87, %dma_start3A_507, %dma_start3A_512] : memref<2x8x256xi32, #tpu.memory_space<vmem>> -> memref<1x1x256xi32, #tpu.memory_space<vmem>>
        %dma_start3A_514 = tpu.memref_squeeze %dma_start3A_513 : memref<1x1x256xi32, #tpu.memory_space<vmem>> -> memref<256xi32, #tpu.memory_space<vmem>>
        %dma_start3A_515 = arith.constant 0 : i32
        %dma_start3A_516 = arith.constant 0 : i32
        %dma_start3A_517 = tpu.memref_slice %arg10[%dma_start3A_515, %dma_start3A_516] : memref<51200x16xf32, #tpu.memory_space<vmem_shared>> -> memref<51200x16xf32, #tpu.memory_space<vmem_shared>>
        tpu.enqueue_indirect_dma source(%dma_start3A_511 : memref<256x16xf32, #tpu.memory_space<vmem>>) target(%dma_start3A_517 : memref<51200x16xf32, #tpu.memory_space<vmem_shared>>) offsets(%dma_start3A_514 : memref<256xi32, #tpu.memory_space<vmem>>) semaphore(%arg13 : memref<!tpu.dma_semaphore, #tpu.memory_space<semaphore_mem>>) {add = true}
        %dma_start3A_518 = arith.constant 0 : i32
        %dma_start3A_519 = arith.constant 0 : i32
        %dma_start3A_520 = arith.constant 0 : i32
        %dma_start3A_521 = arith.constant 0 : i32
        %dma_start3A_522 = tpu.memref_slice %arg9[%dma_start3A_519, %dma_start3A_520, %dma_start3A_521] : memref<2x256x16xf32, #tpu.memory_space<vmem>> -> memref<1x256x16xf32, #tpu.memory_space<vmem>>
        %dma_start3A_523 = tpu.memref_squeeze %dma_start3A_522 : memref<1x256x16xf32, #tpu.memory_space<vmem>> -> memref<256x16xf32, #tpu.memory_space<vmem>>
        %dma_start3A_524 = arith.constant 0 : i32
        %dma_start3A_525 = tpu.memref_slice %arg7[%rem3A_91, %dma_start3A_518, %dma_start3A_524] : memref<2x8x256xi32, #tpu.memory_space<vmem>> -> memref<1x1x256xi32, #tpu.memory_space<vmem>>
        %dma_start3A_526 = tpu.memref_squeeze %dma_start3A_525 : memref<1x1x256xi32, #tpu.memory_space<vmem>> -> memref<256xi32, #tpu.memory_space<vmem>>
        %dma_start3A_527 = arith.constant 0 : i32
        %dma_start3A_528 = arith.constant 0 : i32
        %dma_start3A_529 = tpu.memref_slice %arg11[%dma_start3A_527, %dma_start3A_528] : memref<50000x16xf32, #tpu.memory_space<vmem_shared>> -> memref<50000x16xf32, #tpu.memory_space<vmem_shared>>
        tpu.enqueue_indirect_dma source(%dma_start3A_529 : memref<50000x16xf32, #tpu.memory_space<vmem_shared>>) target(%dma_start3A_523 : memref<256x16xf32, #tpu.memory_space<vmem>>) offsets(%dma_start3A_526 : memref<256xi32, #tpu.memory_space<vmem>>) semaphore(%arg12 : memref<!tpu.dma_semaphore, #tpu.memory_space<semaphore_mem>>)
      }
      %scan3A_50 = arith.constant 26 : i32
      %dma_wait3A = arith.constant 0 : i32
      %dma_wait3A_51 = arith.constant 0 : i32
      %dma_wait3A_52 = arith.constant 0 : i32
      %dma_wait3A_53 = tpu.memref_slice %arg9[%dma_wait3A, %dma_wait3A_51, %dma_wait3A_52] : memref<2x256x16xf32, #tpu.memory_space<vmem>> -> memref<1x256x16xf32, #tpu.memory_space<vmem>>
      %dma_wait3A_54 = tpu.memref_squeeze %dma_wait3A_53 : memref<1x256x16xf32, #tpu.memory_space<vmem>> -> memref<256x16xf32, #tpu.memory_space<vmem>>
      %dma_wait3A_55 = arith.constant 0 : i32
      %dma_wait3A_56 = arith.constant 0 : i32
      %dma_wait3A_57 = tpu.memref_slice %arg5[%dma_wait3A_55, %dma_wait3A_56] : memref<640x16xf32, #tpu.memory_space<hbm>> -> memref<256x16xf32, #tpu.memory_space<hbm>>
      %dma_wait3A_58 = arith.constant 0 : i32
      %dma_wait3A_59 = arith.constant 0 : i32
      %dma_wait3A_60 = tpu.memref_slice %arg9[%dma_wait3A, %dma_wait3A_58, %dma_wait3A_59] : memref<2x256x16xf32, #tpu.memory_space<vmem>> -> memref<1x256x16xf32, #tpu.memory_space<vmem>>
      %dma_wait3A_61 = tpu.memref_squeeze %dma_wait3A_60 : memref<1x256x16xf32, #tpu.memory_space<vmem>> -> memref<256x16xf32, #tpu.memory_space<vmem>>
      %dma_wait3A_62 = arith.constant 0 : i32
      %dma_wait3A_63 = arith.constant 0 : i32
      %dma_wait3A_64 = tpu.memref_slice %arg5[%dma_wait3A_62, %dma_wait3A_63] : memref<640x16xf32, #tpu.memory_space<hbm>> -> memref<256x16xf32, #tpu.memory_space<hbm>>
      tpu.wait_dma2 semaphore(%arg13 : memref<!tpu.dma_semaphore, #tpu.memory_space<semaphore_mem>>) src(%dma_wait3A_64 : memref<256x16xf32, #tpu.memory_space<hbm>>) dst(%dma_wait3A_61 : memref<256x16xf32, #tpu.memory_space<vmem>>)
      %dma_wait3A_65 = arith.constant 1 : i32
      %dma_wait3A_66 = arith.constant 0 : i32
      %dma_wait3A_67 = arith.constant 0 : i32
      %dma_wait3A_68 = tpu.memref_slice %arg9[%dma_wait3A_65, %dma_wait3A_66, %dma_wait3A_67] : memref<2x256x16xf32, #tpu.memory_space<vmem>> -> memref<1x256x16xf32, #tpu.memory_space<vmem>>
      %dma_wait3A_69 = tpu.memref_squeeze %dma_wait3A_68 : memref<1x256x16xf32, #tpu.memory_space<vmem>> -> memref<256x16xf32, #tpu.memory_space<vmem>>
      %dma_wait3A_70 = arith.constant 0 : i32
      %dma_wait3A_71 = arith.constant 0 : i32
      %dma_wait3A_72 = tpu.memref_slice %arg5[%dma_wait3A_70, %dma_wait3A_71] : memref<640x16xf32, #tpu.memory_space<hbm>> -> memref<256x16xf32, #tpu.memory_space<hbm>>
      %dma_wait3A_73 = arith.constant 0 : i32
      %dma_wait3A_74 = arith.constant 0 : i32
      %dma_wait3A_75 = tpu.memref_slice %arg9[%dma_wait3A_65, %dma_wait3A_73, %dma_wait3A_74] : memref<2x256x16xf32, #tpu.memory_space<vmem>> -> memref<1x256x16xf32, #tpu.memory_space<vmem>>
      %dma_wait3A_76 = tpu.memref_squeeze %dma_wait3A_75 : memref<1x256x16xf32, #tpu.memory_space<vmem>> -> memref<256x16xf32, #tpu.memory_space<vmem>>
      %dma_wait3A_77 = arith.constant 0 : i32
      %dma_wait3A_78 = arith.constant 0 : i32
      %dma_wait3A_79 = tpu.memref_slice %arg5[%dma_wait3A_77, %dma_wait3A_78] : memref<640x16xf32, #tpu.memory_space<hbm>> -> memref<256x16xf32, #tpu.memory_space<hbm>>
      tpu.wait_dma2 semaphore(%arg12 : memref<!tpu.dma_semaphore, #tpu.memory_space<semaphore_mem>>) src(%dma_wait3A_79 : memref<256x16xf32, #tpu.memory_space<hbm>>) dst(%dma_wait3A_76 : memref<256x16xf32, #tpu.memory_space<vmem>>)
      %barrier3A_80 = arith.constant 0 : index
      tpu.barrier barrier_id(%barrier3A_80)
      %mul3A_81 = arith.constant 3200 : i32
      %mul3A_82 = arith.muli %arg1, %mul3A_81 : i32
      %mul3A_83 = arith.constant 3200 : i32
      %mul3A_84 = arith.muli %arg1, %mul3A_83 : i32
      "tpu.region"() ({
        %run_scoped3A_86 = tpu.sem_alloc : memref<!tpu.dma_semaphore, #tpu.memory_space<semaphore_mem>>
        %dma_start3A_87 = tpu.memref_slice %arg6[%mul3A_84, %mul3A_10] : memref<51200x64xf32, #tpu.memory_space<hbm>> -> memref<3200x16xf32, #tpu.memory_space<hbm>>
        %dma_start3A_88 = arith.constant 0 : i32
        %dma_start3A_89 = tpu.memref_slice %arg10[%mul3A_82, %dma_start3A_88] : memref<51200x16xf32, #tpu.memory_space<vmem_shared>> -> memref<3200x16xf32, #tpu.memory_space<vmem_shared>>
        tpu.enqueue_dma source(%dma_start3A_89 : memref<3200x16xf32, #tpu.memory_space<vmem_shared>>) target(%dma_start3A_87 : memref<3200x16xf32, #tpu.memory_space<hbm>>) target_semaphore(%run_scoped3A_86 : memref<!tpu.dma_semaphore, #tpu.memory_space<semaphore_mem>>)
        %dma_wait3A_90 = tpu.memref_slice %arg6[%mul3A_84, %mul3A_10] : memref<51200x64xf32, #tpu.memory_space<hbm>> -> memref<3200x16xf32, #tpu.memory_space<hbm>>
        %dma_wait3A_91 = arith.constant 0 : i32
        %dma_wait3A_92 = tpu.memref_slice %arg10[%mul3A_82, %dma_wait3A_91] : memref<51200x16xf32, #tpu.memory_space<vmem_shared>> -> memref<3200x16xf32, #tpu.memory_space<vmem_shared>>
        tpu.wait_dma2 semaphore(%run_scoped3A_86 : memref<!tpu.dma_semaphore, #tpu.memory_space<semaphore_mem>>) src(%dma_wait3A_92 : memref<3200x16xf32, #tpu.memory_space<vmem_shared>>) dst(%dma_wait3A_90 : memref<3200x16xf32, #tpu.memory_space<hbm>>)
        tpu.yield
      }) : () -> ()
      %barrier3A_85 = arith.constant 0 : index
      tpu.barrier barrier_id(%barrier3A_85)
    }
    %scan3A_5 = arith.constant 2 : i32
    return
  }
}

#map = affine_map<(d0, d1) -> (0, 0)>
module attributes {stable_mosaic.version = 14 : i64} {
  func.func @deg_k(%arg0: i32, %arg1: i32, %arg2: memref<3328x256xi32, #tpu.memory_space<hbm>>, %arg3: memref<256x16xf32, #tpu.memory_space<hbm>>, %arg4: memref<640x16xf32, #tpu.memory_space<hbm>>, %arg5: memref<51200x16xf32, #tpu.memory_space<hbm>>, %arg6: memref<51200x16xf32, #tpu.memory_space<hbm>>, %arg7: memref<2x8x256xi32, #tpu.memory_space<vmem>>, %arg8: memref<256x16xf32, #tpu.memory_space<vmem>>, %arg9: memref<256x16xf32, #tpu.memory_space<vmem>>, %arg10: memref<51200x16xf32, #tpu.memory_space<vmem_shared>>, %arg11: memref<!tpu.dma_semaphore, #tpu.memory_space<semaphore_mem>>) attributes {dimension_semantics = [#tpu.dimension_semantics<core_parallel>, #tpu.dimension_semantics<subcore_parallel>], iteration_bounds = array<i64: 2, 16>, scalar_prefetch = 0 : i64, scratch_operands = 5 : i64, tpu.core_type = #tpu.core_type<sc_vector_subcore>, window_params = [{transform_indices = #map}, {transform_indices = #map}, {transform_indices = #map}, {transform_indices = #map}, {transform_indices = #map}]} {
    "tpu.region"() ({
      %run_scoped3A_32 = tpu.sem_alloc : memref<!tpu.dma_semaphore, #tpu.memory_space<semaphore_mem>>
      tpu.enqueue_dma source(%arg3 : memref<256x16xf32, #tpu.memory_space<hbm>>) target(%arg8 : memref<256x16xf32, #tpu.memory_space<vmem>>) target_semaphore(%run_scoped3A_32 : memref<!tpu.dma_semaphore, #tpu.memory_space<semaphore_mem>>)
      tpu.wait_dma2 semaphore(%run_scoped3A_32 : memref<!tpu.dma_semaphore, #tpu.memory_space<semaphore_mem>>) src(%arg3 : memref<256x16xf32, #tpu.memory_space<hbm>>) dst(%arg8 : memref<256x16xf32, #tpu.memory_space<vmem>>)
      tpu.yield
    }) : () -> ()
    %scan3A = arith.constant 0 : i32
    %scan3A_0 = arith.constant 0 : i32
    %scan3A_1 = arith.constant 5 : i32
    %scan3A_2 = arith.addi %scan3A_0, %scan3A_1 : i32
    %scan3A_3 = arith.constant 1 : i32
    scf.for %scan3A_32 = %scan3A_0 to %scan3A_2 step %scan3A_3  : i32 {
      %mul3A_33 = arith.constant 3200 : i32
      %mul3A_34 = arith.muli %arg1, %mul3A_33 : i32
      %mul3A_35 = arith.constant 640 : i32
      %mul3A_36 = arith.muli %scan3A_32, %mul3A_35 : i32
      %add3A_37 = arith.addi %mul3A_34, %mul3A_36 : i32
      "tpu.region"() ({
        %run_scoped3A_38 = tpu.sem_alloc : memref<!tpu.dma_semaphore, #tpu.memory_space<semaphore_mem>>
        %dma_start3A_39 = arith.constant 0 : i32
        %dma_start3A_40 = tpu.memref_slice %arg10[%add3A_37, %dma_start3A_39] : memref<51200x16xf32, #tpu.memory_space<vmem_shared>> -> memref<640x16xf32, #tpu.memory_space<vmem_shared>>
        tpu.enqueue_dma source(%arg4 : memref<640x16xf32, #tpu.memory_space<hbm>>) target(%dma_start3A_40 : memref<640x16xf32, #tpu.memory_space<vmem_shared>>) target_semaphore(%run_scoped3A_38 : memref<!tpu.dma_semaphore, #tpu.memory_space<semaphore_mem>>)
        %dma_wait3A_41 = arith.constant 0 : i32
        %dma_wait3A_42 = tpu.memref_slice %arg10[%add3A_37, %dma_wait3A_41] : memref<51200x16xf32, #tpu.memory_space<vmem_shared>> -> memref<640x16xf32, #tpu.memory_space<vmem_shared>>
        tpu.wait_dma2 semaphore(%run_scoped3A_38 : memref<!tpu.dma_semaphore, #tpu.memory_space<semaphore_mem>>) src(%arg4 : memref<640x16xf32, #tpu.memory_space<hbm>>) dst(%dma_wait3A_42 : memref<640x16xf32, #tpu.memory_space<vmem_shared>>)
        tpu.yield
      }) : () -> ()
    }
    %scan3A_4 = arith.constant 5 : i32
    %barrier3A = arith.constant 0 : index
    tpu.barrier barrier_id(%barrier3A)
    %mul3A = arith.constant 16 : i32
    %mul3A_5 = arith.muli %arg0, %mul3A : i32
    %add3A = arith.addi %mul3A_5, %arg1 : i32
    %mul3A_6 = arith.constant 104 : i32
    %mul3A_7 = arith.muli %add3A, %mul3A_6 : i32
    %run_scoped3A = arith.constant 0 : i32
    "tpu.region"() ({
      %run_scoped3A_32 = tpu.sem_alloc : memref<!tpu.dma_semaphore, #tpu.memory_space<semaphore_mem>>
      %dma_start3A_33 = arith.constant 0 : i32
      %dma_start3A_34 = arith.constant 0 : i32
      %dma_start3A_35 = tpu.memref_slice %arg7[%run_scoped3A, %dma_start3A_33, %dma_start3A_34] : memref<2x8x256xi32, #tpu.memory_space<vmem>> -> memref<1x8x256xi32, #tpu.memory_space<vmem>>
      %dma_start3A_36 = tpu.memref_squeeze %dma_start3A_35 : memref<1x8x256xi32, #tpu.memory_space<vmem>> -> memref<8x256xi32, #tpu.memory_space<vmem>>
      %dma_start3A_37 = arith.constant 0 : i32
      %dma_start3A_38 = tpu.memref_slice %arg2[%mul3A_7, %dma_start3A_37] : memref<3328x256xi32, #tpu.memory_space<hbm>> -> memref<8x256xi32, #tpu.memory_space<hbm>>
      %dma_start3A_39 = arith.constant 0 : i32
      %dma_start3A_40 = arith.constant 0 : i32
      %dma_start3A_41 = tpu.memref_slice %arg7[%run_scoped3A, %dma_start3A_39, %dma_start3A_40] : memref<2x8x256xi32, #tpu.memory_space<vmem>> -> memref<1x8x256xi32, #tpu.memory_space<vmem>>
      %dma_start3A_42 = tpu.memref_squeeze %dma_start3A_41 : memref<1x8x256xi32, #tpu.memory_space<vmem>> -> memref<8x256xi32, #tpu.memory_space<vmem>>
      %dma_start3A_43 = arith.constant 0 : i32
      %dma_start3A_44 = tpu.memref_slice %arg2[%mul3A_7, %dma_start3A_43] : memref<3328x256xi32, #tpu.memory_space<hbm>> -> memref<8x256xi32, #tpu.memory_space<hbm>>
      tpu.enqueue_dma source(%dma_start3A_44 : memref<8x256xi32, #tpu.memory_space<hbm>>) target(%dma_start3A_42 : memref<8x256xi32, #tpu.memory_space<vmem>>) target_semaphore(%run_scoped3A_32 : memref<!tpu.dma_semaphore, #tpu.memory_space<semaphore_mem>>)
      %dma_wait3A_45 = arith.constant 0 : i32
      %dma_wait3A_46 = arith.constant 0 : i32
      %dma_wait3A_47 = tpu.memref_slice %arg7[%run_scoped3A, %dma_wait3A_45, %dma_wait3A_46] : memref<2x8x256xi32, #tpu.memory_space<vmem>> -> memref<1x8x256xi32, #tpu.memory_space<vmem>>
      %dma_wait3A_48 = tpu.memref_squeeze %dma_wait3A_47 : memref<1x8x256xi32, #tpu.memory_space<vmem>> -> memref<8x256xi32, #tpu.memory_space<vmem>>
      %dma_wait3A_49 = arith.constant 0 : i32
      %dma_wait3A_50 = tpu.memref_slice %arg2[%mul3A_7, %dma_wait3A_49] : memref<3328x256xi32, #tpu.memory_space<hbm>> -> memref<8x256xi32, #tpu.memory_space<hbm>>
      %dma_wait3A_51 = arith.constant 0 : i32
      %dma_wait3A_52 = arith.constant 0 : i32
      %dma_wait3A_53 = tpu.memref_slice %arg7[%run_scoped3A, %dma_wait3A_51, %dma_wait3A_52] : memref<2x8x256xi32, #tpu.memory_space<vmem>> -> memref<1x8x256xi32, #tpu.memory_space<vmem>>
      %dma_wait3A_54 = tpu.memref_squeeze %dma_wait3A_53 : memref<1x8x256xi32, #tpu.memory_space<vmem>> -> memref<8x256xi32, #tpu.memory_space<vmem>>
      %dma_wait3A_55 = arith.constant 0 : i32
      %dma_wait3A_56 = tpu.memref_slice %arg2[%mul3A_7, %dma_wait3A_55] : memref<3328x256xi32, #tpu.memory_space<hbm>> -> memref<8x256xi32, #tpu.memory_space<hbm>>
      tpu.wait_dma2 semaphore(%run_scoped3A_32 : memref<!tpu.dma_semaphore, #tpu.memory_space<semaphore_mem>>) src(%dma_wait3A_56 : memref<8x256xi32, #tpu.memory_space<hbm>>) dst(%dma_wait3A_54 : memref<8x256xi32, #tpu.memory_space<vmem>>)
      tpu.yield
    }) : () -> ()
    %dma_start3A = arith.constant 0 : i32
    %dma_start3A_8 = arith.constant 0 : i32
    %dma_start3A_9 = tpu.memref_slice %arg4[%dma_start3A, %dma_start3A_8] : memref<640x16xf32, #tpu.memory_space<hbm>> -> memref<256x16xf32, #tpu.memory_space<hbm>>
    %dma_start3A_10 = arith.constant 0 : i32
    %dma_start3A_11 = arith.constant 0 : i32
    %dma_start3A_12 = tpu.memref_slice %arg4[%dma_start3A_10, %dma_start3A_11] : memref<640x16xf32, #tpu.memory_space<hbm>> -> memref<256x16xf32, #tpu.memory_space<hbm>>
    tpu.enqueue_dma source(%dma_start3A_12 : memref<256x16xf32, #tpu.memory_space<hbm>>) target(%arg9 : memref<256x16xf32, #tpu.memory_space<vmem>>) target_semaphore(%arg11 : memref<!tpu.dma_semaphore, #tpu.memory_space<semaphore_mem>>)
    %scan3A_13 = arith.constant 0 : i32
    %scan3A_14 = arith.constant 0 : i32
    %scan3A_15 = arith.constant 13 : i32
    %scan3A_16 = arith.addi %scan3A_14, %scan3A_15 : i32
    %scan3A_17 = arith.constant 1 : i32
    scf.for %scan3A_32 = %scan3A_14 to %scan3A_16 step %scan3A_17  : i32 {
      %rem3A = arith.constant 2 : i32
      %rem3A_33 = arith.remsi %scan3A_32, %rem3A : i32
      %add3A_34 = arith.constant 1 : i32
      %add3A_35 = arith.addi %scan3A_32, %add3A_34 : i32
      %rem3A_36 = arith.constant 2 : i32
      %rem3A_37 = arith.remsi %add3A_35, %rem3A_36 : i32
      %dma_wait3A_38 = arith.constant 0 : i32
      %dma_wait3A_39 = arith.constant 0 : i32
      %dma_wait3A_40 = tpu.memref_slice %arg4[%dma_wait3A_38, %dma_wait3A_39] : memref<640x16xf32, #tpu.memory_space<hbm>> -> memref<256x16xf32, #tpu.memory_space<hbm>>
      %dma_wait3A_41 = arith.constant 0 : i32
      %dma_wait3A_42 = arith.constant 0 : i32
      %dma_wait3A_43 = tpu.memref_slice %arg4[%dma_wait3A_41, %dma_wait3A_42] : memref<640x16xf32, #tpu.memory_space<hbm>> -> memref<256x16xf32, #tpu.memory_space<hbm>>
      tpu.wait_dma2 semaphore(%arg11 : memref<!tpu.dma_semaphore, #tpu.memory_space<semaphore_mem>>) src(%dma_wait3A_43 : memref<256x16xf32, #tpu.memory_space<hbm>>) dst(%arg9 : memref<256x16xf32, #tpu.memory_space<vmem>>)
      %add3A_44 = arith.constant 1 : i32
      %add3A_45 = arith.addi %scan3A_32, %add3A_44 : i32
      %min3A = arith.constant 12 : i32
      %min3A_46 = arith.minsi %add3A_45, %min3A : i32
      %mul3A_47 = arith.constant 8 : i32
      %mul3A_48 = arith.muli %min3A_46, %mul3A_47 : i32
      %add3A_49 = arith.addi %mul3A_7, %mul3A_48 : i32
      "tpu.region"() ({
        %run_scoped3A_148 = tpu.sem_alloc : memref<!tpu.dma_semaphore, #tpu.memory_space<semaphore_mem>>
        %dma_start3A_149 = arith.constant 0 : i32
        %dma_start3A_150 = arith.constant 0 : i32
        %dma_start3A_151 = tpu.memref_slice %arg7[%rem3A_37, %dma_start3A_149, %dma_start3A_150] : memref<2x8x256xi32, #tpu.memory_space<vmem>> -> memref<1x8x256xi32, #tpu.memory_space<vmem>>
        %dma_start3A_152 = tpu.memref_squeeze %dma_start3A_151 : memref<1x8x256xi32, #tpu.memory_space<vmem>> -> memref<8x256xi32, #tpu.memory_space<vmem>>
        %dma_start3A_153 = arith.constant 0 : i32
        %dma_start3A_154 = tpu.memref_slice %arg2[%add3A_49, %dma_start3A_153] : memref<3328x256xi32, #tpu.memory_space<hbm>> -> memref<8x256xi32, #tpu.memory_space<hbm>>
        %dma_start3A_155 = arith.constant 0 : i32
        %dma_start3A_156 = arith.constant 0 : i32
        %dma_start3A_157 = tpu.memref_slice %arg7[%rem3A_37, %dma_start3A_155, %dma_start3A_156] : memref<2x8x256xi32, #tpu.memory_space<vmem>> -> memref<1x8x256xi32, #tpu.memory_space<vmem>>
        %dma_start3A_158 = tpu.memref_squeeze %dma_start3A_157 : memref<1x8x256xi32, #tpu.memory_space<vmem>> -> memref<8x256xi32, #tpu.memory_space<vmem>>
        %dma_start3A_159 = arith.constant 0 : i32
        %dma_start3A_160 = tpu.memref_slice %arg2[%add3A_49, %dma_start3A_159] : memref<3328x256xi32, #tpu.memory_space<hbm>> -> memref<8x256xi32, #tpu.memory_space<hbm>>
        tpu.enqueue_dma source(%dma_start3A_160 : memref<8x256xi32, #tpu.memory_space<hbm>>) target(%dma_start3A_158 : memref<8x256xi32, #tpu.memory_space<vmem>>) target_semaphore(%run_scoped3A_148 : memref<!tpu.dma_semaphore, #tpu.memory_space<semaphore_mem>>)
        %dma_wait3A_161 = arith.constant 0 : i32
        %dma_wait3A_162 = arith.constant 0 : i32
        %dma_wait3A_163 = tpu.memref_slice %arg7[%rem3A_37, %dma_wait3A_161, %dma_wait3A_162] : memref<2x8x256xi32, #tpu.memory_space<vmem>> -> memref<1x8x256xi32, #tpu.memory_space<vmem>>
        %dma_wait3A_164 = tpu.memref_squeeze %dma_wait3A_163 : memref<1x8x256xi32, #tpu.memory_space<vmem>> -> memref<8x256xi32, #tpu.memory_space<vmem>>
        %dma_wait3A_165 = arith.constant 0 : i32
        %dma_wait3A_166 = tpu.memref_slice %arg2[%add3A_49, %dma_wait3A_165] : memref<3328x256xi32, #tpu.memory_space<hbm>> -> memref<8x256xi32, #tpu.memory_space<hbm>>
        %dma_wait3A_167 = arith.constant 0 : i32
        %dma_wait3A_168 = arith.constant 0 : i32
        %dma_wait3A_169 = tpu.memref_slice %arg7[%rem3A_37, %dma_wait3A_167, %dma_wait3A_168] : memref<2x8x256xi32, #tpu.memory_space<vmem>> -> memref<1x8x256xi32, #tpu.memory_space<vmem>>
        %dma_wait3A_170 = tpu.memref_squeeze %dma_wait3A_169 : memref<1x8x256xi32, #tpu.memory_space<vmem>> -> memref<8x256xi32, #tpu.memory_space<vmem>>
        %dma_wait3A_171 = arith.constant 0 : i32
        %dma_wait3A_172 = tpu.memref_slice %arg2[%add3A_49, %dma_wait3A_171] : memref<3328x256xi32, #tpu.memory_space<hbm>> -> memref<8x256xi32, #tpu.memory_space<hbm>>
        tpu.wait_dma2 semaphore(%run_scoped3A_148 : memref<!tpu.dma_semaphore, #tpu.memory_space<semaphore_mem>>) src(%dma_wait3A_172 : memref<8x256xi32, #tpu.memory_space<hbm>>) dst(%dma_wait3A_170 : memref<8x256xi32, #tpu.memory_space<vmem>>)
        tpu.yield
      }) : () -> ()
      %dma_start3A_50 = arith.constant 0 : i32
      %dma_start3A_51 = arith.constant 0 : i32
      %dma_start3A_52 = tpu.memref_slice %arg7[%rem3A_33, %dma_start3A_50, %dma_start3A_51] : memref<2x8x256xi32, #tpu.memory_space<vmem>> -> memref<1x1x256xi32, #tpu.memory_space<vmem>>
      %dma_start3A_53 = tpu.memref_squeeze %dma_start3A_52 : memref<1x1x256xi32, #tpu.memory_space<vmem>> -> memref<256xi32, #tpu.memory_space<vmem>>
      %dma_start3A_54 = arith.constant 0 : i32
      %dma_start3A_55 = arith.constant 0 : i32
      %dma_start3A_56 = tpu.memref_slice %arg10[%dma_start3A_54, %dma_start3A_55] : memref<51200x16xf32, #tpu.memory_space<vmem_shared>> -> memref<51200x16xf32, #tpu.memory_space<vmem_shared>>
      tpu.enqueue_indirect_dma source(%arg8 : memref<256x16xf32, #tpu.memory_space<vmem>>) target(%dma_start3A_56 : memref<51200x16xf32, #tpu.memory_space<vmem_shared>>) offsets(%dma_start3A_53 : memref<256xi32, #tpu.memory_space<vmem>>) semaphore(%arg11 : memref<!tpu.dma_semaphore, #tpu.memory_space<semaphore_mem>>) {add = true}
      %dma_wait3A_57 = arith.constant 0 : i32
      %dma_wait3A_58 = arith.constant 0 : i32
      %dma_wait3A_59 = tpu.memref_slice %arg4[%dma_wait3A_57, %dma_wait3A_58] : memref<640x16xf32, #tpu.memory_space<hbm>> -> memref<256x16xf32, #tpu.memory_space<hbm>>
      %dma_wait3A_60 = arith.constant 0 : i32
      %dma_wait3A_61 = arith.constant 0 : i32
      %dma_wait3A_62 = tpu.memref_slice %arg4[%dma_wait3A_60, %dma_wait3A_61] : memref<640x16xf32, #tpu.memory_space<hbm>> -> memref<256x16xf32, #tpu.memory_space<hbm>>
      tpu.wait_dma2 semaphore(%arg11 : memref<!tpu.dma_semaphore, #tpu.memory_space<semaphore_mem>>) src(%dma_wait3A_62 : memref<256x16xf32, #tpu.memory_space<hbm>>) dst(%arg9 : memref<256x16xf32, #tpu.memory_space<vmem>>)
      %dma_start3A_63 = arith.constant 1 : i32
      %dma_start3A_64 = arith.constant 0 : i32
      %dma_start3A_65 = tpu.memref_slice %arg7[%rem3A_33, %dma_start3A_63, %dma_start3A_64] : memref<2x8x256xi32, #tpu.memory_space<vmem>> -> memref<1x1x256xi32, #tpu.memory_space<vmem>>
      %dma_start3A_66 = tpu.memref_squeeze %dma_start3A_65 : memref<1x1x256xi32, #tpu.memory_space<vmem>> -> memref<256xi32, #tpu.memory_space<vmem>>
      %dma_start3A_67 = arith.constant 0 : i32
      %dma_start3A_68 = arith.constant 0 : i32
      %dma_start3A_69 = tpu.memref_slice %arg10[%dma_start3A_67, %dma_start3A_68] : memref<51200x16xf32, #tpu.memory_space<vmem_shared>> -> memref<51200x16xf32, #tpu.memory_space<vmem_shared>>
      tpu.enqueue_indirect_dma source(%arg8 : memref<256x16xf32, #tpu.memory_space<vmem>>) target(%dma_start3A_69 : memref<51200x16xf32, #tpu.memory_space<vmem_shared>>) offsets(%dma_start3A_66 : memref<256xi32, #tpu.memory_space<vmem>>) semaphore(%arg11 : memref<!tpu.dma_semaphore, #tpu.memory_space<semaphore_mem>>) {add = true}
      %dma_wait3A_70 = arith.constant 0 : i32
      %dma_wait3A_71 = arith.constant 0 : i32
      %dma_wait3A_72 = tpu.memref_slice %arg4[%dma_wait3A_70, %dma_wait3A_71] : memref<640x16xf32, #tpu.memory_space<hbm>> -> memref<256x16xf32, #tpu.memory_space<hbm>>
      %dma_wait3A_73 = arith.constant 0 : i32
      %dma_wait3A_74 = arith.constant 0 : i32
      %dma_wait3A_75 = tpu.memref_slice %arg4[%dma_wait3A_73, %dma_wait3A_74] : memref<640x16xf32, #tpu.memory_space<hbm>> -> memref<256x16xf32, #tpu.memory_space<hbm>>
      tpu.wait_dma2 semaphore(%arg11 : memref<!tpu.dma_semaphore, #tpu.memory_space<semaphore_mem>>) src(%dma_wait3A_75 : memref<256x16xf32, #tpu.memory_space<hbm>>) dst(%arg9 : memref<256x16xf32, #tpu.memory_space<vmem>>)
      %dma_start3A_76 = arith.constant 2 : i32
      %dma_start3A_77 = arith.constant 0 : i32
      %dma_start3A_78 = tpu.memref_slice %arg7[%rem3A_33, %dma_start3A_76, %dma_start3A_77] : memref<2x8x256xi32, #tpu.memory_space<vmem>> -> memref<1x1x256xi32, #tpu.memory_space<vmem>>
      %dma_start3A_79 = tpu.memref_squeeze %dma_start3A_78 : memref<1x1x256xi32, #tpu.memory_space<vmem>> -> memref<256xi32, #tpu.memory_space<vmem>>
      %dma_start3A_80 = arith.constant 0 : i32
      %dma_start3A_81 = arith.constant 0 : i32
      %dma_start3A_82 = tpu.memref_slice %arg10[%dma_start3A_80, %dma_start3A_81] : memref<51200x16xf32, #tpu.memory_space<vmem_shared>> -> memref<51200x16xf32, #tpu.memory_space<vmem_shared>>
      tpu.enqueue_indirect_dma source(%arg8 : memref<256x16xf32, #tpu.memory_space<vmem>>) target(%dma_start3A_82 : memref<51200x16xf32, #tpu.memory_space<vmem_shared>>) offsets(%dma_start3A_79 : memref<256xi32, #tpu.memory_space<vmem>>) semaphore(%arg11 : memref<!tpu.dma_semaphore, #tpu.memory_space<semaphore_mem>>) {add = true}
      %dma_wait3A_83 = arith.constant 0 : i32
      %dma_wait3A_84 = arith.constant 0 : i32
      %dma_wait3A_85 = tpu.memref_slice %arg4[%dma_wait3A_83, %dma_wait3A_84] : memref<640x16xf32, #tpu.memory_space<hbm>> -> memref<256x16xf32, #tpu.memory_space<hbm>>
      %dma_wait3A_86 = arith.constant 0 : i32
      %dma_wait3A_87 = arith.constant 0 : i32
      %dma_wait3A_88 = tpu.memref_slice %arg4[%dma_wait3A_86, %dma_wait3A_87] : memref<640x16xf32, #tpu.memory_space<hbm>> -> memref<256x16xf32, #tpu.memory_space<hbm>>
      tpu.wait_dma2 semaphore(%arg11 : memref<!tpu.dma_semaphore, #tpu.memory_space<semaphore_mem>>) src(%dma_wait3A_88 : memref<256x16xf32, #tpu.memory_space<hbm>>) dst(%arg9 : memref<256x16xf32, #tpu.memory_space<vmem>>)
      %dma_start3A_89 = arith.constant 3 : i32
      %dma_start3A_90 = arith.constant 0 : i32
      %dma_start3A_91 = tpu.memref_slice %arg7[%rem3A_33, %dma_start3A_89, %dma_start3A_90] : memref<2x8x256xi32, #tpu.memory_space<vmem>> -> memref<1x1x256xi32, #tpu.memory_space<vmem>>
      %dma_start3A_92 = tpu.memref_squeeze %dma_start3A_91 : memref<1x1x256xi32, #tpu.memory_space<vmem>> -> memref<256xi32, #tpu.memory_space<vmem>>
      %dma_start3A_93 = arith.constant 0 : i32
      %dma_start3A_94 = arith.constant 0 : i32
      %dma_start3A_95 = tpu.memref_slice %arg10[%dma_start3A_93, %dma_start3A_94] : memref<51200x16xf32, #tpu.memory_space<vmem_shared>> -> memref<51200x16xf32, #tpu.memory_space<vmem_shared>>
      tpu.enqueue_indirect_dma source(%arg8 : memref<256x16xf32, #tpu.memory_space<vmem>>) target(%dma_start3A_95 : memref<51200x16xf32, #tpu.memory_space<vmem_shared>>) offsets(%dma_start3A_92 : memref<256xi32, #tpu.memory_space<vmem>>) semaphore(%arg11 : memref<!tpu.dma_semaphore, #tpu.memory_space<semaphore_mem>>) {add = true}
      %dma_wait3A_96 = arith.constant 0 : i32
      %dma_wait3A_97 = arith.constant 0 : i32
      %dma_wait3A_98 = tpu.memref_slice %arg4[%dma_wait3A_96, %dma_wait3A_97] : memref<640x16xf32, #tpu.memory_space<hbm>> -> memref<256x16xf32, #tpu.memory_space<hbm>>
      %dma_wait3A_99 = arith.constant 0 : i32
      %dma_wait3A_100 = arith.constant 0 : i32
      %dma_wait3A_101 = tpu.memref_slice %arg4[%dma_wait3A_99, %dma_wait3A_100] : memref<640x16xf32, #tpu.memory_space<hbm>> -> memref<256x16xf32, #tpu.memory_space<hbm>>
      tpu.wait_dma2 semaphore(%arg11 : memref<!tpu.dma_semaphore, #tpu.memory_space<semaphore_mem>>) src(%dma_wait3A_101 : memref<256x16xf32, #tpu.memory_space<hbm>>) dst(%arg9 : memref<256x16xf32, #tpu.memory_space<vmem>>)
      %dma_start3A_102 = arith.constant 4 : i32
      %dma_start3A_103 = arith.constant 0 : i32
      %dma_start3A_104 = tpu.memref_slice %arg7[%rem3A_33, %dma_start3A_102, %dma_start3A_103] : memref<2x8x256xi32, #tpu.memory_space<vmem>> -> memref<1x1x256xi32, #tpu.memory_space<vmem>>
      %dma_start3A_105 = tpu.memref_squeeze %dma_start3A_104 : memref<1x1x256xi32, #tpu.memory_space<vmem>> -> memref<256xi32, #tpu.memory_space<vmem>>
      %dma_start3A_106 = arith.constant 0 : i32
      %dma_start3A_107 = arith.constant 0 : i32
      %dma_start3A_108 = tpu.memref_slice %arg10[%dma_start3A_106, %dma_start3A_107] : memref<51200x16xf32, #tpu.memory_space<vmem_shared>> -> memref<51200x16xf32, #tpu.memory_space<vmem_shared>>
      tpu.enqueue_indirect_dma source(%arg8 : memref<256x16xf32, #tpu.memory_space<vmem>>) target(%dma_start3A_108 : memref<51200x16xf32, #tpu.memory_space<vmem_shared>>) offsets(%dma_start3A_105 : memref<256xi32, #tpu.memory_space<vmem>>) semaphore(%arg11 : memref<!tpu.dma_semaphore, #tpu.memory_space<semaphore_mem>>) {add = true}
      %dma_wait3A_109 = arith.constant 0 : i32
      %dma_wait3A_110 = arith.constant 0 : i32
      %dma_wait3A_111 = tpu.memref_slice %arg4[%dma_wait3A_109, %dma_wait3A_110] : memref<640x16xf32, #tpu.memory_space<hbm>> -> memref<256x16xf32, #tpu.memory_space<hbm>>
      %dma_wait3A_112 = arith.constant 0 : i32
      %dma_wait3A_113 = arith.constant 0 : i32
      %dma_wait3A_114 = tpu.memref_slice %arg4[%dma_wait3A_112, %dma_wait3A_113] : memref<640x16xf32, #tpu.memory_space<hbm>> -> memref<256x16xf32, #tpu.memory_space<hbm>>
      tpu.wait_dma2 semaphore(%arg11 : memref<!tpu.dma_semaphore, #tpu.memory_space<semaphore_mem>>) src(%dma_wait3A_114 : memref<256x16xf32, #tpu.memory_space<hbm>>) dst(%arg9 : memref<256x16xf32, #tpu.memory_space<vmem>>)
      %dma_start3A_115 = arith.constant 5 : i32
      %dma_start3A_116 = arith.constant 0 : i32
      %dma_start3A_117 = tpu.memref_slice %arg7[%rem3A_33, %dma_start3A_115, %dma_start3A_116] : memref<2x8x256xi32, #tpu.memory_space<vmem>> -> memref<1x1x256xi32, #tpu.memory_space<vmem>>
      %dma_start3A_118 = tpu.memref_squeeze %dma_start3A_117 : memref<1x1x256xi32, #tpu.memory_space<vmem>> -> memref<256xi32, #tpu.memory_space<vmem>>
      %dma_start3A_119 = arith.constant 0 : i32
      %dma_start3A_120 = arith.constant 0 : i32
      %dma_start3A_121 = tpu.memref_slice %arg10[%dma_start3A_119, %dma_start3A_120] : memref<51200x16xf32, #tpu.memory_space<vmem_shared>> -> memref<51200x16xf32, #tpu.memory_space<vmem_shared>>
      tpu.enqueue_indirect_dma source(%arg8 : memref<256x16xf32, #tpu.memory_space<vmem>>) target(%dma_start3A_121 : memref<51200x16xf32, #tpu.memory_space<vmem_shared>>) offsets(%dma_start3A_118 : memref<256xi32, #tpu.memory_space<vmem>>) semaphore(%arg11 : memref<!tpu.dma_semaphore, #tpu.memory_space<semaphore_mem>>) {add = true}
      %dma_wait3A_122 = arith.constant 0 : i32
      %dma_wait3A_123 = arith.constant 0 : i32
      %dma_wait3A_124 = tpu.memref_slice %arg4[%dma_wait3A_122, %dma_wait3A_123] : memref<640x16xf32, #tpu.memory_space<hbm>> -> memref<256x16xf32, #tpu.memory_space<hbm>>
      %dma_wait3A_125 = arith.constant 0 : i32
      %dma_wait3A_126 = arith.constant 0 : i32
      %dma_wait3A_127 = tpu.memref_slice %arg4[%dma_wait3A_125, %dma_wait3A_126] : memref<640x16xf32, #tpu.memory_space<hbm>> -> memref<256x16xf32, #tpu.memory_space<hbm>>
      tpu.wait_dma2 semaphore(%arg11 : memref<!tpu.dma_semaphore, #tpu.memory_space<semaphore_mem>>) src(%dma_wait3A_127 : memref<256x16xf32, #tpu.memory_space<hbm>>) dst(%arg9 : memref<256x16xf32, #tpu.memory_space<vmem>>)
      %dma_start3A_128 = arith.constant 6 : i32
      %dma_start3A_129 = arith.constant 0 : i32
      %dma_start3A_130 = tpu.memref_slice %arg7[%rem3A_33, %dma_start3A_128, %dma_start3A_129] : memref<2x8x256xi32, #tpu.memory_space<vmem>> -> memref<1x1x256xi32, #tpu.memory_space<vmem>>
      %dma_start3A_131 = tpu.memref_squeeze %dma_start3A_130 : memref<1x1x256xi32, #tpu.memory_space<vmem>> -> memref<256xi32, #tpu.memory_space<vmem>>
      %dma_start3A_132 = arith.constant 0 : i32
      %dma_start3A_133 = arith.constant 0 : i32
      %dma_start3A_134 = tpu.memref_slice %arg10[%dma_start3A_132, %dma_start3A_133] : memref<51200x16xf32, #tpu.memory_space<vmem_shared>> -> memref<51200x16xf32, #tpu.memory_space<vmem_shared>>
      tpu.enqueue_indirect_dma source(%arg8 : memref<256x16xf32, #tpu.memory_space<vmem>>) target(%dma_start3A_134 : memref<51200x16xf32, #tpu.memory_space<vmem_shared>>) offsets(%dma_start3A_131 : memref<256xi32, #tpu.memory_space<vmem>>) semaphore(%arg11 : memref<!tpu.dma_semaphore, #tpu.memory_space<semaphore_mem>>) {add = true}
      %dma_wait3A_135 = arith.constant 0 : i32
      %dma_wait3A_136 = arith.constant 0 : i32
      %dma_wait3A_137 = tpu.memref_slice %arg4[%dma_wait3A_135, %dma_wait3A_136] : memref<640x16xf32, #tpu.memory_space<hbm>> -> memref<256x16xf32, #tpu.memory_space<hbm>>
      %dma_wait3A_138 = arith.constant 0 : i32
      %dma_wait3A_139 = arith.constant 0 : i32
      %dma_wait3A_140 = tpu.memref_slice %arg4[%dma_wait3A_138, %dma_wait3A_139] : memref<640x16xf32, #tpu.memory_space<hbm>> -> memref<256x16xf32, #tpu.memory_space<hbm>>
      tpu.wait_dma2 semaphore(%arg11 : memref<!tpu.dma_semaphore, #tpu.memory_space<semaphore_mem>>) src(%dma_wait3A_140 : memref<256x16xf32, #tpu.memory_space<hbm>>) dst(%arg9 : memref<256x16xf32, #tpu.memory_space<vmem>>)
      %dma_start3A_141 = arith.constant 7 : i32
      %dma_start3A_142 = arith.constant 0 : i32
      %dma_start3A_143 = tpu.memref_slice %arg7[%rem3A_33, %dma_start3A_141, %dma_start3A_142] : memref<2x8x256xi32, #tpu.memory_space<vmem>> -> memref<1x1x256xi32, #tpu.memory_space<vmem>>
      %dma_start3A_144 = tpu.memref_squeeze %dma_start3A_143 : memref<1x1x256xi32, #tpu.memory_space<vmem>> -> memref<256xi32, #tpu.memory_space<vmem>>
      %dma_start3A_145 = arith.constant 0 : i32
      %dma_start3A_146 = arith.constant 0 : i32
      %dma_start3A_147 = tpu.memref_slice %arg10[%dma_start3A_145, %dma_start3A_146] : memref<51200x16xf32, #tpu.memory_space<vmem_shared>> -> memref<51200x16xf32, #tpu.memory_space<vmem_shared>>
      tpu.enqueue_indirect_dma source(%arg8 : memref<256x16xf32, #tpu.memory_space<vmem>>) target(%dma_start3A_147 : memref<51200x16xf32, #tpu.memory_space<vmem_shared>>) offsets(%dma_start3A_144 : memref<256xi32, #tpu.memory_space<vmem>>) semaphore(%arg11 : memref<!tpu.dma_semaphore, #tpu.memory_space<semaphore_mem>>) {add = true}
    }
    %scan3A_18 = arith.constant 13 : i32
    %dma_wait3A = arith.constant 0 : i32
    %dma_wait3A_19 = arith.constant 0 : i32
    %dma_wait3A_20 = tpu.memref_slice %arg4[%dma_wait3A, %dma_wait3A_19] : memref<640x16xf32, #tpu.memory_space<hbm>> -> memref<256x16xf32, #tpu.memory_space<hbm>>
    %dma_wait3A_21 = arith.constant 0 : i32
    %dma_wait3A_22 = arith.constant 0 : i32
    %dma_wait3A_23 = tpu.memref_slice %arg4[%dma_wait3A_21, %dma_wait3A_22] : memref<640x16xf32, #tpu.memory_space<hbm>> -> memref<256x16xf32, #tpu.memory_space<hbm>>
    tpu.wait_dma2 semaphore(%arg11 : memref<!tpu.dma_semaphore, #tpu.memory_space<semaphore_mem>>) src(%dma_wait3A_23 : memref<256x16xf32, #tpu.memory_space<hbm>>) dst(%arg9 : memref<256x16xf32, #tpu.memory_space<vmem>>)
    %barrier3A_24 = arith.constant 0 : index
    tpu.barrier barrier_id(%barrier3A_24)
    %eq3A = arith.constant 0 : i32
    %eq3A_25 = arith.cmpi eq, %arg0, %eq3A : i32
    %convert_element_type3A = arith.extui %eq3A_25 : i1 to i32
    %cond3A = arith.constant 0 : i32
    %cond3A_26 = arith.cmpi ne, %convert_element_type3A, %cond3A : i32
    scf.if %cond3A_26 {
      %mul3A_32 = arith.constant 3200 : i32
      %mul3A_33 = arith.muli %arg1, %mul3A_32 : i32
      %mul3A_34 = arith.constant 3200 : i32
      %mul3A_35 = arith.muli %arg1, %mul3A_34 : i32
      "tpu.region"() ({
        %run_scoped3A_36 = tpu.sem_alloc : memref<!tpu.dma_semaphore, #tpu.memory_space<semaphore_mem>>
        %dma_start3A_37 = arith.constant 0 : i32
        %dma_start3A_38 = tpu.memref_slice %arg5[%mul3A_35, %dma_start3A_37] : memref<51200x16xf32, #tpu.memory_space<hbm>> -> memref<3200x16xf32, #tpu.memory_space<hbm>>
        %dma_start3A_39 = arith.constant 0 : i32
        %dma_start3A_40 = tpu.memref_slice %arg10[%mul3A_33, %dma_start3A_39] : memref<51200x16xf32, #tpu.memory_space<vmem_shared>> -> memref<3200x16xf32, #tpu.memory_space<vmem_shared>>
        tpu.enqueue_dma source(%dma_start3A_40 : memref<3200x16xf32, #tpu.memory_space<vmem_shared>>) target(%dma_start3A_38 : memref<3200x16xf32, #tpu.memory_space<hbm>>) target_semaphore(%run_scoped3A_36 : memref<!tpu.dma_semaphore, #tpu.memory_space<semaphore_mem>>)
        %dma_wait3A_41 = arith.constant 0 : i32
        %dma_wait3A_42 = tpu.memref_slice %arg5[%mul3A_35, %dma_wait3A_41] : memref<51200x16xf32, #tpu.memory_space<hbm>> -> memref<3200x16xf32, #tpu.memory_space<hbm>>
        %dma_wait3A_43 = arith.constant 0 : i32
        %dma_wait3A_44 = tpu.memref_slice %arg10[%mul3A_33, %dma_wait3A_43] : memref<51200x16xf32, #tpu.memory_space<vmem_shared>> -> memref<3200x16xf32, #tpu.memory_space<vmem_shared>>
        tpu.wait_dma2 semaphore(%run_scoped3A_36 : memref<!tpu.dma_semaphore, #tpu.memory_space<semaphore_mem>>) src(%dma_wait3A_44 : memref<3200x16xf32, #tpu.memory_space<vmem_shared>>) dst(%dma_wait3A_42 : memref<3200x16xf32, #tpu.memory_space<hbm>>)
        tpu.yield
      }) : () -> ()
    } else {
    }
    %eq3A_27 = arith.constant 1 : i32
    %eq3A_28 = arith.cmpi eq, %arg0, %eq3A_27 : i32
    %convert_element_type3A_29 = arith.extui %eq3A_28 : i1 to i32
    %cond3A_30 = arith.constant 0 : i32
    %cond3A_31 = arith.cmpi ne, %convert_element_type3A_29, %cond3A_30 : i32
    scf.if %cond3A_31 {
      %mul3A_32 = arith.constant 3200 : i32
      %mul3A_33 = arith.muli %arg1, %mul3A_32 : i32
      %mul3A_34 = arith.constant 3200 : i32
      %mul3A_35 = arith.muli %arg1, %mul3A_34 : i32
      "tpu.region"() ({
        %run_scoped3A_36 = tpu.sem_alloc : memref<!tpu.dma_semaphore, #tpu.memory_space<semaphore_mem>>
        %dma_start3A_37 = arith.constant 0 : i32
        %dma_start3A_38 = tpu.memref_slice %arg6[%mul3A_35, %dma_start3A_37] : memref<51200x16xf32, #tpu.memory_space<hbm>> -> memref<3200x16xf32, #tpu.memory_space<hbm>>
        %dma_start3A_39 = arith.constant 0 : i32
        %dma_start3A_40 = tpu.memref_slice %arg10[%mul3A_33, %dma_start3A_39] : memref<51200x16xf32, #tpu.memory_space<vmem_shared>> -> memref<3200x16xf32, #tpu.memory_space<vmem_shared>>
        tpu.enqueue_dma source(%dma_start3A_40 : memref<3200x16xf32, #tpu.memory_space<vmem_shared>>) target(%dma_start3A_38 : memref<3200x16xf32, #tpu.memory_space<hbm>>) target_semaphore(%run_scoped3A_36 : memref<!tpu.dma_semaphore, #tpu.memory_space<semaphore_mem>>)
        %dma_wait3A_41 = arith.constant 0 : i32
        %dma_wait3A_42 = tpu.memref_slice %arg6[%mul3A_35, %dma_wait3A_41] : memref<51200x16xf32, #tpu.memory_space<hbm>> -> memref<3200x16xf32, #tpu.memory_space<hbm>>
        %dma_wait3A_43 = arith.constant 0 : i32
        %dma_wait3A_44 = tpu.memref_slice %arg10[%mul3A_33, %dma_wait3A_43] : memref<51200x16xf32, #tpu.memory_space<vmem_shared>> -> memref<3200x16xf32, #tpu.memory_space<vmem_shared>>
        tpu.wait_dma2 semaphore(%run_scoped3A_36 : memref<!tpu.dma_semaphore, #tpu.memory_space<semaphore_mem>>) src(%dma_wait3A_44 : memref<3200x16xf32, #tpu.memory_space<vmem_shared>>) dst(%dma_wait3A_42 : memref<3200x16xf32, #tpu.memory_space<hbm>>)
        tpu.yield
      }) : () -> ()
    } else {
    }
    return
  }
}

#map = affine_map<(d0, d1) -> (0, 0)>
module attributes {stable_mosaic.version = 14 : i64} {
  func.func @prop_k(%arg0: i32, %arg1: i32, %arg2: memref<3328x256xi32, #tpu.memory_space<hbm>>, %arg3: memref<3328x256xi32, #tpu.memory_space<hbm>>, %arg4: memref<50000x64xf32, #tpu.memory_space<hbm>>, %arg5: memref<640x16xf32, #tpu.memory_space<hbm>>, %arg6: memref<51200x64xf32, #tpu.memory_space<hbm>>, %arg7: memref<2x8x256xi32, #tpu.memory_space<vmem>>, %arg8: memref<2x8x256xi32, #tpu.memory_space<vmem>>, %arg9: memref<2x256x16xf32, #tpu.memory_space<vmem>>, %arg10: memref<51200x16xf32, #tpu.memory_space<vmem_shared>>, %arg11: memref<50000x16xf32, #tpu.memory_space<vmem_shared>>, %arg12: memref<!tpu.dma_semaphore, #tpu.memory_space<semaphore_mem>>, %arg13: memref<!tpu.dma_semaphore, #tpu.memory_space<semaphore_mem>>) attributes {dimension_semantics = [#tpu.dimension_semantics<core_parallel>, #tpu.dimension_semantics<subcore_parallel>], iteration_bounds = array<i64: 2, 16>, scalar_prefetch = 0 : i64, scratch_operands = 7 : i64, tpu.core_type = #tpu.core_type<sc_vector_subcore>, window_params = [{transform_indices = #map}, {transform_indices = #map}, {transform_indices = #map}, {transform_indices = #map}, {transform_indices = #map}]} {
    %mul3A = arith.constant 208 : i32
    %mul3A_0 = arith.muli %arg1, %mul3A : i32
    %scan3A = arith.constant 0 : i32
    %scan3A_1 = arith.constant 0 : i32
    %scan3A_2 = arith.constant 2 : i32
    %scan3A_3 = arith.addi %scan3A_1, %scan3A_2 : i32
    %scan3A_4 = arith.constant 1 : i32
    scf.for %scan3A_6 = %scan3A_1 to %scan3A_3 step %scan3A_4  : i32 {
      %mul3A_7 = arith.constant 2 : i32
      %mul3A_8 = arith.muli %mul3A_7, %arg0 : i32
      %add3A = arith.addi %mul3A_8, %scan3A_6 : i32
      %mul3A_9 = arith.constant 16 : i32
      %mul3A_10 = arith.muli %add3A, %mul3A_9 : i32
      %lt3A = arith.constant 15 : i32
      %lt3A_11 = arith.cmpi slt, %arg1, %lt3A : i32
      %convert_element_type3A = arith.extui %lt3A_11 : i1 to i32
      %cond3A = arith.constant 0 : i32
      %cond3A_12 = arith.cmpi ne, %convert_element_type3A, %cond3A : i32
      scf.if %cond3A_12 {
        %mul3A_86 = arith.constant 3128 : i32
        %mul3A_87 = arith.muli %arg1, %mul3A_86 : i32
        %mul3A_88 = arith.constant 3128 : i32
        %mul3A_89 = arith.muli %arg1, %mul3A_88 : i32
        %dma_start3A_90 = arith.constant 0 : i32
        %dma_start3A_91 = tpu.memref_slice %arg11[%mul3A_89, %dma_start3A_90] : memref<50000x16xf32, #tpu.memory_space<vmem_shared>> -> memref<3128x16xf32, #tpu.memory_space<vmem_shared>>
        %dma_start3A_92 = tpu.memref_slice %arg4[%mul3A_87, %mul3A_10] : memref<50000x64xf32, #tpu.memory_space<hbm>> -> memref<3128x16xf32, #tpu.memory_space<hbm>>
        tpu.enqueue_dma source(%dma_start3A_92 : memref<3128x16xf32, #tpu.memory_space<hbm>>) target(%dma_start3A_91 : memref<3128x16xf32, #tpu.memory_space<vmem_shared>>) target_semaphore(%arg12 : memref<!tpu.dma_semaphore, #tpu.memory_space<semaphore_mem>>)
        %mul3A_93 = arith.constant 3200 : i32
        %mul3A_94 = arith.muli %arg1, %mul3A_93 : i32
        %mul3A_95 = arith.constant 3200 : i32
        %mul3A_96 = arith.muli %arg1, %mul3A_95 : i32
        %dma_start3A_97 = arith.constant 0 : i32
        %dma_start3A_98 = tpu.memref_slice %arg10[%mul3A_96, %dma_start3A_97] : memref<51200x16xf32, #tpu.memory_space<vmem_shared>> -> memref<3200x16xf32, #tpu.memory_space<vmem_shared>>
        %dma_start3A_99 = tpu.memref_slice %arg4[%mul3A_94, %mul3A_10] : memref<50000x64xf32, #tpu.memory_space<hbm>> -> memref<3200x16xf32, #tpu.memory_space<hbm>>
        tpu.enqueue_dma source(%dma_start3A_99 : memref<3200x16xf32, #tpu.memory_space<hbm>>) target(%dma_start3A_98 : memref<3200x16xf32, #tpu.memory_space<vmem_shared>>) target_semaphore(%arg13 : memref<!tpu.dma_semaphore, #tpu.memory_space<semaphore_mem>>)
        %dma_wait3A_100 = arith.constant 0 : i32
        %dma_wait3A_101 = tpu.memref_slice %arg11[%mul3A_89, %dma_wait3A_100] : memref<50000x16xf32, #tpu.memory_space<vmem_shared>> -> memref<3128x16xf32, #tpu.memory_space<vmem_shared>>
        %dma_wait3A_102 = tpu.memref_slice %arg4[%mul3A_87, %mul3A_10] : memref<50000x64xf32, #tpu.memory_space<hbm>> -> memref<3128x16xf32, #tpu.memory_space<hbm>>
        tpu.wait_dma2 semaphore(%arg12 : memref<!tpu.dma_semaphore, #tpu.memory_space<semaphore_mem>>) src(%dma_wait3A_102 : memref<3128x16xf32, #tpu.memory_space<hbm>>) dst(%dma_wait3A_101 : memref<3128x16xf32, #tpu.memory_space<vmem_shared>>)
        %dma_wait3A_103 = arith.constant 0 : i32
        %dma_wait3A_104 = tpu.memref_slice %arg10[%mul3A_96, %dma_wait3A_103] : memref<51200x16xf32, #tpu.memory_space<vmem_shared>> -> memref<3200x16xf32, #tpu.memory_space<vmem_shared>>
        %dma_wait3A_105 = tpu.memref_slice %arg4[%mul3A_94, %mul3A_10] : memref<50000x64xf32, #tpu.memory_space<hbm>> -> memref<3200x16xf32, #tpu.memory_space<hbm>>
        tpu.wait_dma2 semaphore(%arg13 : memref<!tpu.dma_semaphore, #tpu.memory_space<semaphore_mem>>) src(%dma_wait3A_105 : memref<3200x16xf32, #tpu.memory_space<hbm>>) dst(%dma_wait3A_104 : memref<3200x16xf32, #tpu.memory_space<vmem_shared>>)
      } else {
      }
      %eq3A = arith.constant 15 : i32
      %eq3A_13 = arith.cmpi eq, %arg1, %eq3A : i32
      %convert_element_type3A_14 = arith.extui %eq3A_13 : i1 to i32
      %cond3A_15 = arith.constant 0 : i32
      %cond3A_16 = arith.cmpi ne, %convert_element_type3A_14, %cond3A_15 : i32
      scf.if %cond3A_16 {
        %dma_start3A_86 = arith.constant 46920 : i32
        %dma_start3A_87 = arith.constant 0 : i32
        %dma_start3A_88 = tpu.memref_slice %arg11[%dma_start3A_86, %dma_start3A_87] : memref<50000x16xf32, #tpu.memory_space<vmem_shared>> -> memref<3080x16xf32, #tpu.memory_space<vmem_shared>>
        %dma_start3A_89 = arith.constant 46920 : i32
        %dma_start3A_90 = tpu.memref_slice %arg4[%dma_start3A_89, %mul3A_10] : memref<50000x64xf32, #tpu.memory_space<hbm>> -> memref<3080x16xf32, #tpu.memory_space<hbm>>
        tpu.enqueue_dma source(%dma_start3A_90 : memref<3080x16xf32, #tpu.memory_space<hbm>>) target(%dma_start3A_88 : memref<3080x16xf32, #tpu.memory_space<vmem_shared>>) target_semaphore(%arg12 : memref<!tpu.dma_semaphore, #tpu.memory_space<semaphore_mem>>)
        %dma_start3A_91 = arith.constant 48000 : i32
        %dma_start3A_92 = arith.constant 0 : i32
        %dma_start3A_93 = tpu.memref_slice %arg10[%dma_start3A_91, %dma_start3A_92] : memref<51200x16xf32, #tpu.memory_space<vmem_shared>> -> memref<2000x16xf32, #tpu.memory_space<vmem_shared>>
        %dma_start3A_94 = arith.constant 48000 : i32
        %dma_start3A_95 = tpu.memref_slice %arg4[%dma_start3A_94, %mul3A_10] : memref<50000x64xf32, #tpu.memory_space<hbm>> -> memref<2000x16xf32, #tpu.memory_space<hbm>>
        tpu.enqueue_dma source(%dma_start3A_95 : memref<2000x16xf32, #tpu.memory_space<hbm>>) target(%dma_start3A_93 : memref<2000x16xf32, #tpu.memory_space<vmem_shared>>) target_semaphore(%arg13 : memref<!tpu.dma_semaphore, #tpu.memory_space<semaphore_mem>>)
        %scan3A_96 = arith.constant 0 : i32
        %scan3A_97 = arith.constant 0 : i32
        %scan3A_98 = arith.constant 3 : i32
        %scan3A_99 = arith.addi %scan3A_97, %scan3A_98 : i32
        %scan3A_100 = arith.constant 1 : i32
        scf.for %scan3A_112 = %scan3A_97 to %scan3A_99 step %scan3A_100  : i32 {
          %mul3A_113 = arith.constant 320 : i32
          %mul3A_114 = arith.muli %scan3A_112, %mul3A_113 : i32
          %add3A_115 = arith.constant 50000 : i32
          %add3A_116 = arith.addi %add3A_115, %mul3A_114 : i32
          "tpu.region"() ({
            %run_scoped3A_117 = tpu.sem_alloc : memref<!tpu.dma_semaphore, #tpu.memory_space<semaphore_mem>>
            %dma_start3A_118 = arith.constant 0 : i32
            %dma_start3A_119 = tpu.memref_slice %arg10[%add3A_116, %dma_start3A_118] : memref<51200x16xf32, #tpu.memory_space<vmem_shared>> -> memref<320x16xf32, #tpu.memory_space<vmem_shared>>
            %dma_start3A_120 = arith.constant 0 : i32
            %dma_start3A_121 = arith.constant 0 : i32
            %dma_start3A_122 = tpu.memref_slice %arg5[%dma_start3A_120, %dma_start3A_121] : memref<640x16xf32, #tpu.memory_space<hbm>> -> memref<320x16xf32, #tpu.memory_space<hbm>>
            tpu.enqueue_dma source(%dma_start3A_122 : memref<320x16xf32, #tpu.memory_space<hbm>>) target(%dma_start3A_119 : memref<320x16xf32, #tpu.memory_space<vmem_shared>>) target_semaphore(%run_scoped3A_117 : memref<!tpu.dma_semaphore, #tpu.memory_space<semaphore_mem>>)
            %dma_wait3A_123 = arith.constant 0 : i32
            %dma_wait3A_124 = tpu.memref_slice %arg10[%add3A_116, %dma_wait3A_123] : memref<51200x16xf32, #tpu.memory_space<vmem_shared>> -> memref<320x16xf32, #tpu.memory_space<vmem_shared>>
            %dma_wait3A_125 = arith.constant 0 : i32
            %dma_wait3A_126 = arith.constant 0 : i32
            %dma_wait3A_127 = tpu.memref_slice %arg5[%dma_wait3A_125, %dma_wait3A_126] : memref<640x16xf32, #tpu.memory_space<hbm>> -> memref<320x16xf32, #tpu.memory_space<hbm>>
            tpu.wait_dma2 semaphore(%run_scoped3A_117 : memref<!tpu.dma_semaphore, #tpu.memory_space<semaphore_mem>>) src(%dma_wait3A_127 : memref<320x16xf32, #tpu.memory_space<hbm>>) dst(%dma_wait3A_124 : memref<320x16xf32, #tpu.memory_space<vmem_shared>>)
            tpu.yield
          }) : () -> ()
        }
        %scan3A_101 = arith.constant 3 : i32
        %dma_wait3A_102 = arith.constant 46920 : i32
        %dma_wait3A_103 = arith.constant 0 : i32
        %dma_wait3A_104 = tpu.memref_slice %arg11[%dma_wait3A_102, %dma_wait3A_103] : memref<50000x16xf32, #tpu.memory_space<vmem_shared>> -> memref<3080x16xf32, #tpu.memory_space<vmem_shared>>
        %dma_wait3A_105 = arith.constant 46920 : i32
        %dma_wait3A_106 = tpu.memref_slice %arg4[%dma_wait3A_105, %mul3A_10] : memref<50000x64xf32, #tpu.memory_space<hbm>> -> memref<3080x16xf32, #tpu.memory_space<hbm>>
        tpu.wait_dma2 semaphore(%arg12 : memref<!tpu.dma_semaphore, #tpu.memory_space<semaphore_mem>>) src(%dma_wait3A_106 : memref<3080x16xf32, #tpu.memory_space<hbm>>) dst(%dma_wait3A_104 : memref<3080x16xf32, #tpu.memory_space<vmem_shared>>)
        %dma_wait3A_107 = arith.constant 48000 : i32
        %dma_wait3A_108 = arith.constant 0 : i32
        %dma_wait3A_109 = tpu.memref_slice %arg10[%dma_wait3A_107, %dma_wait3A_108] : memref<51200x16xf32, #tpu.memory_space<vmem_shared>> -> memref<2000x16xf32, #tpu.memory_space<vmem_shared>>
        %dma_wait3A_110 = arith.constant 48000 : i32
        %dma_wait3A_111 = tpu.memref_slice %arg4[%dma_wait3A_110, %mul3A_10] : memref<50000x64xf32, #tpu.memory_space<hbm>> -> memref<2000x16xf32, #tpu.memory_space<hbm>>
        tpu.wait_dma2 semaphore(%arg13 : memref<!tpu.dma_semaphore, #tpu.memory_space<semaphore_mem>>) src(%dma_wait3A_111 : memref<2000x16xf32, #tpu.memory_space<hbm>>) dst(%dma_wait3A_109 : memref<2000x16xf32, #tpu.memory_space<vmem_shared>>)
      } else {
      }
      %barrier3A = arith.constant 0 : index
      tpu.barrier barrier_id(%barrier3A)
      %run_scoped3A = arith.constant 0 : i32
      "tpu.region"() ({
        %run_scoped3A_86 = tpu.sem_alloc : memref<!tpu.dma_semaphore, #tpu.memory_space<semaphore_mem>>
        %dma_start3A_87 = arith.constant 0 : i32
        %dma_start3A_88 = arith.constant 0 : i32
        %dma_start3A_89 = tpu.memref_slice %arg7[%run_scoped3A, %dma_start3A_87, %dma_start3A_88] : memref<2x8x256xi32, #tpu.memory_space<vmem>> -> memref<1x8x256xi32, #tpu.memory_space<vmem>>
        %dma_start3A_90 = tpu.memref_squeeze %dma_start3A_89 : memref<1x8x256xi32, #tpu.memory_space<vmem>> -> memref<8x256xi32, #tpu.memory_space<vmem>>
        %dma_start3A_91 = arith.constant 0 : i32
        %dma_start3A_92 = tpu.memref_slice %arg2[%mul3A_0, %dma_start3A_91] : memref<3328x256xi32, #tpu.memory_space<hbm>> -> memref<8x256xi32, #tpu.memory_space<hbm>>
        %dma_start3A_93 = arith.constant 0 : i32
        %dma_start3A_94 = arith.constant 0 : i32
        %dma_start3A_95 = tpu.memref_slice %arg7[%run_scoped3A, %dma_start3A_93, %dma_start3A_94] : memref<2x8x256xi32, #tpu.memory_space<vmem>> -> memref<1x8x256xi32, #tpu.memory_space<vmem>>
        %dma_start3A_96 = tpu.memref_squeeze %dma_start3A_95 : memref<1x8x256xi32, #tpu.memory_space<vmem>> -> memref<8x256xi32, #tpu.memory_space<vmem>>
        %dma_start3A_97 = arith.constant 0 : i32
        %dma_start3A_98 = tpu.memref_slice %arg2[%mul3A_0, %dma_start3A_97] : memref<3328x256xi32, #tpu.memory_space<hbm>> -> memref<8x256xi32, #tpu.memory_space<hbm>>
        tpu.enqueue_dma source(%dma_start3A_98 : memref<8x256xi32, #tpu.memory_space<hbm>>) target(%dma_start3A_96 : memref<8x256xi32, #tpu.memory_space<vmem>>) target_semaphore(%run_scoped3A_86 : memref<!tpu.dma_semaphore, #tpu.memory_space<semaphore_mem>>)
        %dma_wait3A_99 = arith.constant 0 : i32
        %dma_wait3A_100 = arith.constant 0 : i32
        %dma_wait3A_101 = tpu.memref_slice %arg7[%run_scoped3A, %dma_wait3A_99, %dma_wait3A_100] : memref<2x8x256xi32, #tpu.memory_space<vmem>> -> memref<1x8x256xi32, #tpu.memory_space<vmem>>
        %dma_wait3A_102 = tpu.memref_squeeze %dma_wait3A_101 : memref<1x8x256xi32, #tpu.memory_space<vmem>> -> memref<8x256xi32, #tpu.memory_space<vmem>>
        %dma_wait3A_103 = arith.constant 0 : i32
        %dma_wait3A_104 = tpu.memref_slice %arg2[%mul3A_0, %dma_wait3A_103] : memref<3328x256xi32, #tpu.memory_space<hbm>> -> memref<8x256xi32, #tpu.memory_space<hbm>>
        %dma_wait3A_105 = arith.constant 0 : i32
        %dma_wait3A_106 = arith.constant 0 : i32
        %dma_wait3A_107 = tpu.memref_slice %arg7[%run_scoped3A, %dma_wait3A_105, %dma_wait3A_106] : memref<2x8x256xi32, #tpu.memory_space<vmem>> -> memref<1x8x256xi32, #tpu.memory_space<vmem>>
        %dma_wait3A_108 = tpu.memref_squeeze %dma_wait3A_107 : memref<1x8x256xi32, #tpu.memory_space<vmem>> -> memref<8x256xi32, #tpu.memory_space<vmem>>
        %dma_wait3A_109 = arith.constant 0 : i32
        %dma_wait3A_110 = tpu.memref_slice %arg2[%mul3A_0, %dma_wait3A_109] : memref<3328x256xi32, #tpu.memory_space<hbm>> -> memref<8x256xi32, #tpu.memory_space<hbm>>
        tpu.wait_dma2 semaphore(%run_scoped3A_86 : memref<!tpu.dma_semaphore, #tpu.memory_space<semaphore_mem>>) src(%dma_wait3A_110 : memref<8x256xi32, #tpu.memory_space<hbm>>) dst(%dma_wait3A_108 : memref<8x256xi32, #tpu.memory_space<vmem>>)
        tpu.yield
      }) : () -> ()
      %run_scoped3A_17 = arith.constant 0 : i32
      "tpu.region"() ({
        %run_scoped3A_86 = tpu.sem_alloc : memref<!tpu.dma_semaphore, #tpu.memory_space<semaphore_mem>>
        %dma_start3A_87 = arith.constant 0 : i32
        %dma_start3A_88 = arith.constant 0 : i32
        %dma_start3A_89 = tpu.memref_slice %arg8[%run_scoped3A_17, %dma_start3A_87, %dma_start3A_88] : memref<2x8x256xi32, #tpu.memory_space<vmem>> -> memref<1x8x256xi32, #tpu.memory_space<vmem>>
        %dma_start3A_90 = tpu.memref_squeeze %dma_start3A_89 : memref<1x8x256xi32, #tpu.memory_space<vmem>> -> memref<8x256xi32, #tpu.memory_space<vmem>>
        %dma_start3A_91 = arith.constant 0 : i32
        %dma_start3A_92 = tpu.memref_slice %arg3[%mul3A_0, %dma_start3A_91] : memref<3328x256xi32, #tpu.memory_space<hbm>> -> memref<8x256xi32, #tpu.memory_space<hbm>>
        %dma_start3A_93 = arith.constant 0 : i32
        %dma_start3A_94 = arith.constant 0 : i32
        %dma_start3A_95 = tpu.memref_slice %arg8[%run_scoped3A_17, %dma_start3A_93, %dma_start3A_94] : memref<2x8x256xi32, #tpu.memory_space<vmem>> -> memref<1x8x256xi32, #tpu.memory_space<vmem>>
        %dma_start3A_96 = tpu.memref_squeeze %dma_start3A_95 : memref<1x8x256xi32, #tpu.memory_space<vmem>> -> memref<8x256xi32, #tpu.memory_space<vmem>>
        %dma_start3A_97 = arith.constant 0 : i32
        %dma_start3A_98 = tpu.memref_slice %arg3[%mul3A_0, %dma_start3A_97] : memref<3328x256xi32, #tpu.memory_space<hbm>> -> memref<8x256xi32, #tpu.memory_space<hbm>>
        tpu.enqueue_dma source(%dma_start3A_98 : memref<8x256xi32, #tpu.memory_space<hbm>>) target(%dma_start3A_96 : memref<8x256xi32, #tpu.memory_space<vmem>>) target_semaphore(%run_scoped3A_86 : memref<!tpu.dma_semaphore, #tpu.memory_space<semaphore_mem>>)
        %dma_wait3A_99 = arith.constant 0 : i32
        %dma_wait3A_100 = arith.constant 0 : i32
        %dma_wait3A_101 = tpu.memref_slice %arg8[%run_scoped3A_17, %dma_wait3A_99, %dma_wait3A_100] : memref<2x8x256xi32, #tpu.memory_space<vmem>> -> memref<1x8x256xi32, #tpu.memory_space<vmem>>
        %dma_wait3A_102 = tpu.memref_squeeze %dma_wait3A_101 : memref<1x8x256xi32, #tpu.memory_space<vmem>> -> memref<8x256xi32, #tpu.memory_space<vmem>>
        %dma_wait3A_103 = arith.constant 0 : i32
        %dma_wait3A_104 = tpu.memref_slice %arg3[%mul3A_0, %dma_wait3A_103] : memref<3328x256xi32, #tpu.memory_space<hbm>> -> memref<8x256xi32, #tpu.memory_space<hbm>>
        %dma_wait3A_105 = arith.constant 0 : i32
        %dma_wait3A_106 = arith.constant 0 : i32
        %dma_wait3A_107 = tpu.memref_slice %arg8[%run_scoped3A_17, %dma_wait3A_105, %dma_wait3A_106] : memref<2x8x256xi32, #tpu.memory_space<vmem>> -> memref<1x8x256xi32, #tpu.memory_space<vmem>>
        %dma_wait3A_108 = tpu.memref_squeeze %dma_wait3A_107 : memref<1x8x256xi32, #tpu.memory_space<vmem>> -> memref<8x256xi32, #tpu.memory_space<vmem>>
        %dma_wait3A_109 = arith.constant 0 : i32
        %dma_wait3A_110 = tpu.memref_slice %arg3[%mul3A_0, %dma_wait3A_109] : memref<3328x256xi32, #tpu.memory_space<hbm>> -> memref<8x256xi32, #tpu.memory_space<hbm>>
        tpu.wait_dma2 semaphore(%run_scoped3A_86 : memref<!tpu.dma_semaphore, #tpu.memory_space<semaphore_mem>>) src(%dma_wait3A_110 : memref<8x256xi32, #tpu.memory_space<hbm>>) dst(%dma_wait3A_108 : memref<8x256xi32, #tpu.memory_space<vmem>>)
        tpu.yield
      }) : () -> ()
      %dma_start3A = arith.constant 0 : i32
      %dma_start3A_18 = arith.constant 0 : i32
      %dma_start3A_19 = arith.constant 0 : i32
      %dma_start3A_20 = arith.constant 0 : i32
      %dma_start3A_21 = arith.constant 0 : i32
      %dma_start3A_22 = tpu.memref_slice %arg9[%dma_start3A_19, %dma_start3A_20, %dma_start3A_21] : memref<2x256x16xf32, #tpu.memory_space<vmem>> -> memref<1x256x16xf32, #tpu.memory_space<vmem>>
      %dma_start3A_23 = tpu.memref_squeeze %dma_start3A_22 : memref<1x256x16xf32, #tpu.memory_space<vmem>> -> memref<256x16xf32, #tpu.memory_space<vmem>>
      %dma_start3A_24 = arith.constant 0 : i32
      %dma_start3A_25 = tpu.memref_slice %arg7[%dma_start3A, %dma_start3A_18, %dma_start3A_24] : memref<2x8x256xi32, #tpu.memory_space<vmem>> -> memref<1x1x256xi32, #tpu.memory_space<vmem>>
      %dma_start3A_26 = tpu.memref_squeeze %dma_start3A_25 : memref<1x1x256xi32, #tpu.memory_space<vmem>> -> memref<256xi32, #tpu.memory_space<vmem>>
      %dma_start3A_27 = arith.constant 0 : i32
      %dma_start3A_28 = arith.constant 0 : i32
      %dma_start3A_29 = tpu.memref_slice %arg11[%dma_start3A_27, %dma_start3A_28] : memref<50000x16xf32, #tpu.memory_space<vmem_shared>> -> memref<50000x16xf32, #tpu.memory_space<vmem_shared>>
      tpu.enqueue_indirect_dma source(%dma_start3A_29 : memref<50000x16xf32, #tpu.memory_space<vmem_shared>>) target(%dma_start3A_23 : memref<256x16xf32, #tpu.memory_space<vmem>>) offsets(%dma_start3A_26 : memref<256xi32, #tpu.memory_space<vmem>>) semaphore(%arg12 : memref<!tpu.dma_semaphore, #tpu.memory_space<semaphore_mem>>)
      %dma_start3A_30 = arith.constant 1 : i32
      %dma_start3A_31 = arith.constant 0 : i32
      %dma_start3A_32 = arith.constant 0 : i32
      %dma_start3A_33 = tpu.memref_slice %arg9[%dma_start3A_30, %dma_start3A_31, %dma_start3A_32] : memref<2x256x16xf32, #tpu.memory_space<vmem>> -> memref<1x256x16xf32, #tpu.memory_space<vmem>>
      %dma_start3A_34 = tpu.memref_squeeze %dma_start3A_33 : memref<1x256x16xf32, #tpu.memory_space<vmem>> -> memref<256x16xf32, #tpu.memory_space<vmem>>
      %dma_start3A_35 = arith.constant 0 : i32
      %dma_start3A_36 = arith.constant 0 : i32
      %dma_start3A_37 = tpu.memref_slice %arg5[%dma_start3A_35, %dma_start3A_36] : memref<640x16xf32, #tpu.memory_space<hbm>> -> memref<256x16xf32, #tpu.memory_space<hbm>>
      %dma_start3A_38 = arith.constant 0 : i32
      %dma_start3A_39 = arith.constant 0 : i32
      %dma_start3A_40 = tpu.memref_slice %arg9[%dma_start3A_30, %dma_start3A_38, %dma_start3A_39] : memref<2x256x16xf32, #tpu.memory_space<vmem>> -> memref<1x256x16xf32, #tpu.memory_space<vmem>>
      %dma_start3A_41 = tpu.memref_squeeze %dma_start3A_40 : memref<1x256x16xf32, #tpu.memory_space<vmem>> -> memref<256x16xf32, #tpu.memory_space<vmem>>
      %dma_start3A_42 = arith.constant 0 : i32
      %dma_start3A_43 = arith.constant 0 : i32
      %dma_start3A_44 = tpu.memref_slice %arg5[%dma_start3A_42, %dma_start3A_43] : memref<640x16xf32, #tpu.memory_space<hbm>> -> memref<256x16xf32, #tpu.memory_space<hbm>>
      tpu.enqueue_dma source(%dma_start3A_44 : memref<256x16xf32, #tpu.memory_space<hbm>>) target(%dma_start3A_41 : memref<256x16xf32, #tpu.memory_space<vmem>>) target_semaphore(%arg13 : memref<!tpu.dma_semaphore, #tpu.memory_space<semaphore_mem>>)
      %scan3A_45 = arith.constant 0 : i32
      %scan3A_46 = arith.constant 0 : i32
      %scan3A_47 = arith.constant 26 : i32
      %scan3A_48 = arith.addi %scan3A_46, %scan3A_47 : i32
      %scan3A_49 = arith.constant 1 : i32
      scf.for %scan3A_86 = %scan3A_46 to %scan3A_48 step %scan3A_49  : i32 {
        %rem3A = arith.constant 2 : i32
        %rem3A_87 = arith.remsi %scan3A_86, %rem3A : i32
        %add3A_88 = arith.constant 1 : i32
        %add3A_89 = arith.addi %scan3A_86, %add3A_88 : i32
        %rem3A_90 = arith.constant 2 : i32
        %rem3A_91 = arith.remsi %add3A_89, %rem3A_90 : i32
        %dma_wait3A_92 = arith.constant 0 : i32
        %dma_wait3A_93 = arith.constant 0 : i32
        %dma_wait3A_94 = arith.constant 0 : i32
        %dma_wait3A_95 = tpu.memref_slice %arg9[%dma_wait3A_92, %dma_wait3A_93, %dma_wait3A_94] : memref<2x256x16xf32, #tpu.memory_space<vmem>> -> memref<1x256x16xf32, #tpu.memory_space<vmem>>
        %dma_wait3A_96 = tpu.memref_squeeze %dma_wait3A_95 : memref<1x256x16xf32, #tpu.memory_space<vmem>> -> memref<256x16xf32, #tpu.memory_space<vmem>>
        %dma_wait3A_97 = arith.constant 0 : i32
        %dma_wait3A_98 = arith.constant 0 : i32
        %dma_wait3A_99 = tpu.memref_slice %arg5[%dma_wait3A_97, %dma_wait3A_98] : memref<640x16xf32, #tpu.memory_space<hbm>> -> memref<256x16xf32, #tpu.memory_space<hbm>>
        %dma_wait3A_100 = arith.constant 0 : i32
        %dma_wait3A_101 = arith.constant 0 : i32
        %dma_wait3A_102 = tpu.memref_slice %arg9[%dma_wait3A_92, %dma_wait3A_100, %dma_wait3A_101] : memref<2x256x16xf32, #tpu.memory_space<vmem>> -> memref<1x256x16xf32, #tpu.memory_space<vmem>>
        %dma_wait3A_103 = tpu.memref_squeeze %dma_wait3A_102 : memref<1x256x16xf32, #tpu.memory_space<vmem>> -> memref<256x16xf32, #tpu.memory_space<vmem>>
        %dma_wait3A_104 = arith.constant 0 : i32
        %dma_wait3A_105 = arith.constant 0 : i32
        %dma_wait3A_106 = tpu.memref_slice %arg5[%dma_wait3A_104, %dma_wait3A_105] : memref<640x16xf32, #tpu.memory_space<hbm>> -> memref<256x16xf32, #tpu.memory_space<hbm>>
        tpu.wait_dma2 semaphore(%arg12 : memref<!tpu.dma_semaphore, #tpu.memory_space<semaphore_mem>>) src(%dma_wait3A_106 : memref<256x16xf32, #tpu.memory_space<hbm>>) dst(%dma_wait3A_103 : memref<256x16xf32, #tpu.memory_space<vmem>>)
        %dma_wait3A_107 = arith.constant 1 : i32
        %dma_wait3A_108 = arith.constant 0 : i32
        %dma_wait3A_109 = arith.constant 0 : i32
        %dma_wait3A_110 = tpu.memref_slice %arg9[%dma_wait3A_107, %dma_wait3A_108, %dma_wait3A_109] : memref<2x256x16xf32, #tpu.memory_space<vmem>> -> memref<1x256x16xf32, #tpu.memory_space<vmem>>
        %dma_wait3A_111 = tpu.memref_squeeze %dma_wait3A_110 : memref<1x256x16xf32, #tpu.memory_space<vmem>> -> memref<256x16xf32, #tpu.memory_space<vmem>>
        %dma_wait3A_112 = arith.constant 0 : i32
        %dma_wait3A_113 = arith.constant 0 : i32
        %dma_wait3A_114 = tpu.memref_slice %arg5[%dma_wait3A_112, %dma_wait3A_113] : memref<640x16xf32, #tpu.memory_space<hbm>> -> memref<256x16xf32, #tpu.memory_space<hbm>>
        %dma_wait3A_115 = arith.constant 0 : i32
        %dma_wait3A_116 = arith.constant 0 : i32
        %dma_wait3A_117 = tpu.memref_slice %arg9[%dma_wait3A_107, %dma_wait3A_115, %dma_wait3A_116] : memref<2x256x16xf32, #tpu.memory_space<vmem>> -> memref<1x256x16xf32, #tpu.memory_space<vmem>>
        %dma_wait3A_118 = tpu.memref_squeeze %dma_wait3A_117 : memref<1x256x16xf32, #tpu.memory_space<vmem>> -> memref<256x16xf32, #tpu.memory_space<vmem>>
        %dma_wait3A_119 = arith.constant 0 : i32
        %dma_wait3A_120 = arith.constant 0 : i32
        %dma_wait3A_121 = tpu.memref_slice %arg5[%dma_wait3A_119, %dma_wait3A_120] : memref<640x16xf32, #tpu.memory_space<hbm>> -> memref<256x16xf32, #tpu.memory_space<hbm>>
        tpu.wait_dma2 semaphore(%arg13 : memref<!tpu.dma_semaphore, #tpu.memory_space<semaphore_mem>>) src(%dma_wait3A_121 : memref<256x16xf32, #tpu.memory_space<hbm>>) dst(%dma_wait3A_118 : memref<256x16xf32, #tpu.memory_space<vmem>>)
        %add3A_122 = arith.constant 1 : i32
        %add3A_123 = arith.addi %scan3A_86, %add3A_122 : i32
        %min3A = arith.constant 25 : i32
        %min3A_124 = arith.minsi %add3A_123, %min3A : i32
        %mul3A_125 = arith.constant 8 : i32
        %mul3A_126 = arith.muli %min3A_124, %mul3A_125 : i32
        %add3A_127 = arith.addi %mul3A_0, %mul3A_126 : i32
        "tpu.region"() ({
          %run_scoped3A_530 = tpu.sem_alloc : memref<!tpu.dma_semaphore, #tpu.memory_space<semaphore_mem>>
          %dma_start3A_531 = arith.constant 0 : i32
          %dma_start3A_532 = arith.constant 0 : i32
          %dma_start3A_533 = tpu.memref_slice %arg7[%rem3A_91, %dma_start3A_531, %dma_start3A_532] : memref<2x8x256xi32, #tpu.memory_space<vmem>> -> memref<1x8x256xi32, #tpu.memory_space<vmem>>
          %dma_start3A_534 = tpu.memref_squeeze %dma_start3A_533 : memref<1x8x256xi32, #tpu.memory_space<vmem>> -> memref<8x256xi32, #tpu.memory_space<vmem>>
          %dma_start3A_535 = arith.constant 0 : i32
          %dma_start3A_536 = tpu.memref_slice %arg2[%add3A_127, %dma_start3A_535] : memref<3328x256xi32, #tpu.memory_space<hbm>> -> memref<8x256xi32, #tpu.memory_space<hbm>>
          %dma_start3A_537 = arith.constant 0 : i32
          %dma_start3A_538 = arith.constant 0 : i32
          %dma_start3A_539 = tpu.memref_slice %arg7[%rem3A_91, %dma_start3A_537, %dma_start3A_538] : memref<2x8x256xi32, #tpu.memory_space<vmem>> -> memref<1x8x256xi32, #tpu.memory_space<vmem>>
          %dma_start3A_540 = tpu.memref_squeeze %dma_start3A_539 : memref<1x8x256xi32, #tpu.memory_space<vmem>> -> memref<8x256xi32, #tpu.memory_space<vmem>>
          %dma_start3A_541 = arith.constant 0 : i32
          %dma_start3A_542 = tpu.memref_slice %arg2[%add3A_127, %dma_start3A_541] : memref<3328x256xi32, #tpu.memory_space<hbm>> -> memref<8x256xi32, #tpu.memory_space<hbm>>
          tpu.enqueue_dma source(%dma_start3A_542 : memref<8x256xi32, #tpu.memory_space<hbm>>) target(%dma_start3A_540 : memref<8x256xi32, #tpu.memory_space<vmem>>) target_semaphore(%run_scoped3A_530 : memref<!tpu.dma_semaphore, #tpu.memory_space<semaphore_mem>>)
          %dma_wait3A_543 = arith.constant 0 : i32
          %dma_wait3A_544 = arith.constant 0 : i32
          %dma_wait3A_545 = tpu.memref_slice %arg7[%rem3A_91, %dma_wait3A_543, %dma_wait3A_544] : memref<2x8x256xi32, #tpu.memory_space<vmem>> -> memref<1x8x256xi32, #tpu.memory_space<vmem>>
          %dma_wait3A_546 = tpu.memref_squeeze %dma_wait3A_545 : memref<1x8x256xi32, #tpu.memory_space<vmem>> -> memref<8x256xi32, #tpu.memory_space<vmem>>
          %dma_wait3A_547 = arith.constant 0 : i32
          %dma_wait3A_548 = tpu.memref_slice %arg2[%add3A_127, %dma_wait3A_547] : memref<3328x256xi32, #tpu.memory_space<hbm>> -> memref<8x256xi32, #tpu.memory_space<hbm>>
          %dma_wait3A_549 = arith.constant 0 : i32
          %dma_wait3A_550 = arith.constant 0 : i32
          %dma_wait3A_551 = tpu.memref_slice %arg7[%rem3A_91, %dma_wait3A_549, %dma_wait3A_550] : memref<2x8x256xi32, #tpu.memory_space<vmem>> -> memref<1x8x256xi32, #tpu.memory_space<vmem>>
          %dma_wait3A_552 = tpu.memref_squeeze %dma_wait3A_551 : memref<1x8x256xi32, #tpu.memory_space<vmem>> -> memref<8x256xi32, #tpu.memory_space<vmem>>
          %dma_wait3A_553 = arith.constant 0 : i32
          %dma_wait3A_554 = tpu.memref_slice %arg2[%add3A_127, %dma_wait3A_553] : memref<3328x256xi32, #tpu.memory_space<hbm>> -> memref<8x256xi32, #tpu.memory_space<hbm>>
          tpu.wait_dma2 semaphore(%run_scoped3A_530 : memref<!tpu.dma_semaphore, #tpu.memory_space<semaphore_mem>>) src(%dma_wait3A_554 : memref<8x256xi32, #tpu.memory_space<hbm>>) dst(%dma_wait3A_552 : memref<8x256xi32, #tpu.memory_space<vmem>>)
          tpu.yield
        }) : () -> ()
        "tpu.region"() ({
          %run_scoped3A_530 = tpu.sem_alloc : memref<!tpu.dma_semaphore, #tpu.memory_space<semaphore_mem>>
          %dma_start3A_531 = arith.constant 0 : i32
          %dma_start3A_532 = arith.constant 0 : i32
          %dma_start3A_533 = tpu.memref_slice %arg8[%rem3A_91, %dma_start3A_531, %dma_start3A_532] : memref<2x8x256xi32, #tpu.memory_space<vmem>> -> memref<1x8x256xi32, #tpu.memory_space<vmem>>
          %dma_start3A_534 = tpu.memref_squeeze %dma_start3A_533 : memref<1x8x256xi32, #tpu.memory_space<vmem>> -> memref<8x256xi32, #tpu.memory_space<vmem>>
          %dma_start3A_535 = arith.constant 0 : i32
          %dma_start3A_536 = tpu.memref_slice %arg3[%add3A_127, %dma_start3A_535] : memref<3328x256xi32, #tpu.memory_space<hbm>> -> memref<8x256xi32, #tpu.memory_space<hbm>>
          %dma_start3A_537 = arith.constant 0 : i32
          %dma_start3A_538 = arith.constant 0 : i32
          %dma_start3A_539 = tpu.memref_slice %arg8[%rem3A_91, %dma_start3A_537, %dma_start3A_538] : memref<2x8x256xi32, #tpu.memory_space<vmem>> -> memref<1x8x256xi32, #tpu.memory_space<vmem>>
          %dma_start3A_540 = tpu.memref_squeeze %dma_start3A_539 : memref<1x8x256xi32, #tpu.memory_space<vmem>> -> memref<8x256xi32, #tpu.memory_space<vmem>>
          %dma_start3A_541 = arith.constant 0 : i32
          %dma_start3A_542 = tpu.memref_slice %arg3[%add3A_127, %dma_start3A_541] : memref<3328x256xi32, #tpu.memory_space<hbm>> -> memref<8x256xi32, #tpu.memory_space<hbm>>
          tpu.enqueue_dma source(%dma_start3A_542 : memref<8x256xi32, #tpu.memory_space<hbm>>) target(%dma_start3A_540 : memref<8x256xi32, #tpu.memory_space<vmem>>) target_semaphore(%run_scoped3A_530 : memref<!tpu.dma_semaphore, #tpu.memory_space<semaphore_mem>>)
          %dma_wait3A_543 = arith.constant 0 : i32
          %dma_wait3A_544 = arith.constant 0 : i32
          %dma_wait3A_545 = tpu.memref_slice %arg8[%rem3A_91, %dma_wait3A_543, %dma_wait3A_544] : memref<2x8x256xi32, #tpu.memory_space<vmem>> -> memref<1x8x256xi32, #tpu.memory_space<vmem>>
          %dma_wait3A_546 = tpu.memref_squeeze %dma_wait3A_545 : memref<1x8x256xi32, #tpu.memory_space<vmem>> -> memref<8x256xi32, #tpu.memory_space<vmem>>
          %dma_wait3A_547 = arith.constant 0 : i32
          %dma_wait3A_548 = tpu.memref_slice %arg3[%add3A_127, %dma_wait3A_547] : memref<3328x256xi32, #tpu.memory_space<hbm>> -> memref<8x256xi32, #tpu.memory_space<hbm>>
          %dma_wait3A_549 = arith.constant 0 : i32
          %dma_wait3A_550 = arith.constant 0 : i32
          %dma_wait3A_551 = tpu.memref_slice %arg8[%rem3A_91, %dma_wait3A_549, %dma_wait3A_550] : memref<2x8x256xi32, #tpu.memory_space<vmem>> -> memref<1x8x256xi32, #tpu.memory_space<vmem>>
          %dma_wait3A_552 = tpu.memref_squeeze %dma_wait3A_551 : memref<1x8x256xi32, #tpu.memory_space<vmem>> -> memref<8x256xi32, #tpu.memory_space<vmem>>
          %dma_wait3A_553 = arith.constant 0 : i32
          %dma_wait3A_554 = tpu.memref_slice %arg3[%add3A_127, %dma_wait3A_553] : memref<3328x256xi32, #tpu.memory_space<hbm>> -> memref<8x256xi32, #tpu.memory_space<hbm>>
          tpu.wait_dma2 semaphore(%run_scoped3A_530 : memref<!tpu.dma_semaphore, #tpu.memory_space<semaphore_mem>>) src(%dma_wait3A_554 : memref<8x256xi32, #tpu.memory_space<hbm>>) dst(%dma_wait3A_552 : memref<8x256xi32, #tpu.memory_space<vmem>>)
          tpu.yield
        }) : () -> ()
        %dma_start3A_128 = arith.constant 0 : i32
        %dma_start3A_129 = arith.constant 0 : i32
        %dma_start3A_130 = arith.constant 0 : i32
        %dma_start3A_131 = arith.constant 0 : i32
        %dma_start3A_132 = tpu.memref_slice %arg9[%dma_start3A_128, %dma_start3A_130, %dma_start3A_131] : memref<2x256x16xf32, #tpu.memory_space<vmem>> -> memref<1x256x16xf32, #tpu.memory_space<vmem>>
        %dma_start3A_133 = tpu.memref_squeeze %dma_start3A_132 : memref<1x256x16xf32, #tpu.memory_space<vmem>> -> memref<256x16xf32, #tpu.memory_space<vmem>>
        %dma_start3A_134 = arith.constant 0 : i32
        %dma_start3A_135 = tpu.memref_slice %arg8[%rem3A_87, %dma_start3A_129, %dma_start3A_134] : memref<2x8x256xi32, #tpu.memory_space<vmem>> -> memref<1x1x256xi32, #tpu.memory_space<vmem>>
        %dma_start3A_136 = tpu.memref_squeeze %dma_start3A_135 : memref<1x1x256xi32, #tpu.memory_space<vmem>> -> memref<256xi32, #tpu.memory_space<vmem>>
        %dma_start3A_137 = arith.constant 0 : i32
        %dma_start3A_138 = arith.constant 0 : i32
        %dma_start3A_139 = tpu.memref_slice %arg10[%dma_start3A_137, %dma_start3A_138] : memref<51200x16xf32, #tpu.memory_space<vmem_shared>> -> memref<51200x16xf32, #tpu.memory_space<vmem_shared>>
        tpu.enqueue_indirect_dma source(%dma_start3A_133 : memref<256x16xf32, #tpu.memory_space<vmem>>) target(%dma_start3A_139 : memref<51200x16xf32, #tpu.memory_space<vmem_shared>>) offsets(%dma_start3A_136 : memref<256xi32, #tpu.memory_space<vmem>>) semaphore(%arg13 : memref<!tpu.dma_semaphore, #tpu.memory_space<semaphore_mem>>) {add = true}
        %dma_start3A_140 = arith.constant 1 : i32
        %dma_start3A_141 = arith.constant 1 : i32
        %dma_start3A_142 = arith.constant 0 : i32
        %dma_start3A_143 = arith.constant 0 : i32
        %dma_start3A_144 = tpu.memref_slice %arg9[%dma_start3A_141, %dma_start3A_142, %dma_start3A_143] : memref<2x256x16xf32, #tpu.memory_space<vmem>> -> memref<1x256x16xf32, #tpu.memory_space<vmem>>
        %dma_start3A_145 = tpu.memref_squeeze %dma_start3A_144 : memref<1x256x16xf32, #tpu.memory_space<vmem>> -> memref<256x16xf32, #tpu.memory_space<vmem>>
        %dma_start3A_146 = arith.constant 0 : i32
        %dma_start3A_147 = tpu.memref_slice %arg7[%rem3A_87, %dma_start3A_140, %dma_start3A_146] : memref<2x8x256xi32, #tpu.memory_space<vmem>> -> memref<1x1x256xi32, #tpu.memory_space<vmem>>
        %dma_start3A_148 = tpu.memref_squeeze %dma_start3A_147 : memref<1x1x256xi32, #tpu.memory_space<vmem>> -> memref<256xi32, #tpu.memory_space<vmem>>
        %dma_start3A_149 = arith.constant 0 : i32
        %dma_start3A_150 = arith.constant 0 : i32
        %dma_start3A_151 = tpu.memref_slice %arg11[%dma_start3A_149, %dma_start3A_150] : memref<50000x16xf32, #tpu.memory_space<vmem_shared>> -> memref<50000x16xf32, #tpu.memory_space<vmem_shared>>
        tpu.enqueue_indirect_dma source(%dma_start3A_151 : memref<50000x16xf32, #tpu.memory_space<vmem_shared>>) target(%dma_start3A_145 : memref<256x16xf32, #tpu.memory_space<vmem>>) offsets(%dma_start3A_148 : memref<256xi32, #tpu.memory_space<vmem>>) semaphore(%arg12 : memref<!tpu.dma_semaphore, #tpu.memory_space<semaphore_mem>>)
        %dma_wait3A_152 = arith.constant 1 : i32
        %dma_wait3A_153 = arith.constant 0 : i32
        %dma_wait3A_154 = arith.constant 0 : i32
        %dma_wait3A_155 = tpu.memref_slice %arg9[%dma_wait3A_152, %dma_wait3A_153, %dma_wait3A_154] : memref<2x256x16xf32, #tpu.memory_space<vmem>> -> memref<1x256x16xf32, #tpu.memory_space<vmem>>
        %dma_wait3A_156 = tpu.memref_squeeze %dma_wait3A_155 : memref<1x256x16xf32, #tpu.memory_space<vmem>> -> memref<256x16xf32, #tpu.memory_space<vmem>>
        %dma_wait3A_157 = arith.constant 0 : i32
        %dma_wait3A_158 = arith.constant 0 : i32
        %dma_wait3A_159 = tpu.memref_slice %arg5[%dma_wait3A_157, %dma_wait3A_158] : memref<640x16xf32, #tpu.memory_space<hbm>> -> memref<256x16xf32, #tpu.memory_space<hbm>>
        %dma_wait3A_160 = arith.constant 0 : i32
        %dma_wait3A_161 = arith.constant 0 : i32
        %dma_wait3A_162 = tpu.memref_slice %arg9[%dma_wait3A_152, %dma_wait3A_160, %dma_wait3A_161] : memref<2x256x16xf32, #tpu.memory_space<vmem>> -> memref<1x256x16xf32, #tpu.memory_space<vmem>>
        %dma_wait3A_163 = tpu.memref_squeeze %dma_wait3A_162 : memref<1x256x16xf32, #tpu.memory_space<vmem>> -> memref<256x16xf32, #tpu.memory_space<vmem>>
        %dma_wait3A_164 = arith.constant 0 : i32
        %dma_wait3A_165 = arith.constant 0 : i32
        %dma_wait3A_166 = tpu.memref_slice %arg5[%dma_wait3A_164, %dma_wait3A_165] : memref<640x16xf32, #tpu.memory_space<hbm>> -> memref<256x16xf32, #tpu.memory_space<hbm>>
        tpu.wait_dma2 semaphore(%arg12 : memref<!tpu.dma_semaphore, #tpu.memory_space<semaphore_mem>>) src(%dma_wait3A_166 : memref<256x16xf32, #tpu.memory_space<hbm>>) dst(%dma_wait3A_163 : memref<256x16xf32, #tpu.memory_space<vmem>>)
        %dma_wait3A_167 = arith.constant 0 : i32
        %dma_wait3A_168 = arith.constant 0 : i32
        %dma_wait3A_169 = arith.constant 0 : i32
        %dma_wait3A_170 = tpu.memref_slice %arg9[%dma_wait3A_167, %dma_wait3A_168, %dma_wait3A_169] : memref<2x256x16xf32, #tpu.memory_space<vmem>> -> memref<1x256x16xf32, #tpu.memory_space<vmem>>
        %dma_wait3A_171 = tpu.memref_squeeze %dma_wait3A_170 : memref<1x256x16xf32, #tpu.memory_space<vmem>> -> memref<256x16xf32, #tpu.memory_space<vmem>>
        %dma_wait3A_172 = arith.constant 0 : i32
        %dma_wait3A_173 = arith.constant 0 : i32
        %dma_wait3A_174 = tpu.memref_slice %arg5[%dma_wait3A_172, %dma_wait3A_173] : memref<640x16xf32, #tpu.memory_space<hbm>> -> memref<256x16xf32, #tpu.memory_space<hbm>>
        %dma_wait3A_175 = arith.constant 0 : i32
        %dma_wait3A_176 = arith.constant 0 : i32
        %dma_wait3A_177 = tpu.memref_slice %arg9[%dma_wait3A_167, %dma_wait3A_175, %dma_wait3A_176] : memref<2x256x16xf32, #tpu.memory_space<vmem>> -> memref<1x256x16xf32, #tpu.memory_space<vmem>>
        %dma_wait3A_178 = tpu.memref_squeeze %dma_wait3A_177 : memref<1x256x16xf32, #tpu.memory_space<vmem>> -> memref<256x16xf32, #tpu.memory_space<vmem>>
        %dma_wait3A_179 = arith.constant 0 : i32
        %dma_wait3A_180 = arith.constant 0 : i32
        %dma_wait3A_181 = tpu.memref_slice %arg5[%dma_wait3A_179, %dma_wait3A_180] : memref<640x16xf32, #tpu.memory_space<hbm>> -> memref<256x16xf32, #tpu.memory_space<hbm>>
        tpu.wait_dma2 semaphore(%arg13 : memref<!tpu.dma_semaphore, #tpu.memory_space<semaphore_mem>>) src(%dma_wait3A_181 : memref<256x16xf32, #tpu.memory_space<hbm>>) dst(%dma_wait3A_178 : memref<256x16xf32, #tpu.memory_space<vmem>>)
        %dma_start3A_182 = arith.constant 1 : i32
        %dma_start3A_183 = arith.constant 1 : i32
        %dma_start3A_184 = arith.constant 0 : i32
        %dma_start3A_185 = arith.constant 0 : i32
        %dma_start3A_186 = tpu.memref_slice %arg9[%dma_start3A_182, %dma_start3A_184, %dma_start3A_185] : memref<2x256x16xf32, #tpu.memory_space<vmem>> -> memref<1x256x16xf32, #tpu.memory_space<vmem>>
        %dma_start3A_187 = tpu.memref_squeeze %dma_start3A_186 : memref<1x256x16xf32, #tpu.memory_space<vmem>> -> memref<256x16xf32, #tpu.memory_space<vmem>>
        %dma_start3A_188 = arith.constant 0 : i32
        %dma_start3A_189 = tpu.memref_slice %arg8[%rem3A_87, %dma_start3A_183, %dma_start3A_188] : memref<2x8x256xi32, #tpu.memory_space<vmem>> -> memref<1x1x256xi32, #tpu.memory_space<vmem>>
        %dma_start3A_190 = tpu.memref_squeeze %dma_start3A_189 : memref<1x1x256xi32, #tpu.memory_space<vmem>> -> memref<256xi32, #tpu.memory_space<vmem>>
        %dma_start3A_191 = arith.constant 0 : i32
        %dma_start3A_192 = arith.constant 0 : i32
        %dma_start3A_193 = tpu.memref_slice %arg10[%dma_start3A_191, %dma_start3A_192] : memref<51200x16xf32, #tpu.memory_space<vmem_shared>> -> memref<51200x16xf32, #tpu.memory_space<vmem_shared>>
        tpu.enqueue_indirect_dma source(%dma_start3A_187 : memref<256x16xf32, #tpu.memory_space<vmem>>) target(%dma_start3A_193 : memref<51200x16xf32, #tpu.memory_space<vmem_shared>>) offsets(%dma_start3A_190 : memref<256xi32, #tpu.memory_space<vmem>>) semaphore(%arg13 : memref<!tpu.dma_semaphore, #tpu.memory_space<semaphore_mem>>) {add = true}
        %dma_start3A_194 = arith.constant 2 : i32
        %dma_start3A_195 = arith.constant 0 : i32
        %dma_start3A_196 = arith.constant 0 : i32
        %dma_start3A_197 = arith.constant 0 : i32
        %dma_start3A_198 = tpu.memref_slice %arg9[%dma_start3A_195, %dma_start3A_196, %dma_start3A_197] : memref<2x256x16xf32, #tpu.memory_space<vmem>> -> memref<1x256x16xf32, #tpu.memory_space<vmem>>
        %dma_start3A_199 = tpu.memref_squeeze %dma_start3A_198 : memref<1x256x16xf32, #tpu.memory_space<vmem>> -> memref<256x16xf32, #tpu.memory_space<vmem>>
        %dma_start3A_200 = arith.constant 0 : i32
        %dma_start3A_201 = tpu.memref_slice %arg7[%rem3A_87, %dma_start3A_194, %dma_start3A_200] : memref<2x8x256xi32, #tpu.memory_space<vmem>> -> memref<1x1x256xi32, #tpu.memory_space<vmem>>
        %dma_start3A_202 = tpu.memref_squeeze %dma_start3A_201 : memref<1x1x256xi32, #tpu.memory_space<vmem>> -> memref<256xi32, #tpu.memory_space<vmem>>
        %dma_start3A_203 = arith.constant 0 : i32
        %dma_start3A_204 = arith.constant 0 : i32
        %dma_start3A_205 = tpu.memref_slice %arg11[%dma_start3A_203, %dma_start3A_204] : memref<50000x16xf32, #tpu.memory_space<vmem_shared>> -> memref<50000x16xf32, #tpu.memory_space<vmem_shared>>
        tpu.enqueue_indirect_dma source(%dma_start3A_205 : memref<50000x16xf32, #tpu.memory_space<vmem_shared>>) target(%dma_start3A_199 : memref<256x16xf32, #tpu.memory_space<vmem>>) offsets(%dma_start3A_202 : memref<256xi32, #tpu.memory_space<vmem>>) semaphore(%arg12 : memref<!tpu.dma_semaphore, #tpu.memory_space<semaphore_mem>>)
        %dma_wait3A_206 = arith.constant 0 : i32
        %dma_wait3A_207 = arith.constant 0 : i32
        %dma_wait3A_208 = arith.constant 0 : i32
        %dma_wait3A_209 = tpu.memref_slice %arg9[%dma_wait3A_206, %dma_wait3A_207, %dma_wait3A_208] : memref<2x256x16xf32, #tpu.memory_space<vmem>> -> memref<1x256x16xf32, #tpu.memory_space<vmem>>
        %dma_wait3A_210 = tpu.memref_squeeze %dma_wait3A_209 : memref<1x256x16xf32, #tpu.memory_space<vmem>> -> memref<256x16xf32, #tpu.memory_space<vmem>>
        %dma_wait3A_211 = arith.constant 0 : i32
        %dma_wait3A_212 = arith.constant 0 : i32
        %dma_wait3A_213 = tpu.memref_slice %arg5[%dma_wait3A_211, %dma_wait3A_212] : memref<640x16xf32, #tpu.memory_space<hbm>> -> memref<256x16xf32, #tpu.memory_space<hbm>>
        %dma_wait3A_214 = arith.constant 0 : i32
        %dma_wait3A_215 = arith.constant 0 : i32
        %dma_wait3A_216 = tpu.memref_slice %arg9[%dma_wait3A_206, %dma_wait3A_214, %dma_wait3A_215] : memref<2x256x16xf32, #tpu.memory_space<vmem>> -> memref<1x256x16xf32, #tpu.memory_space<vmem>>
        %dma_wait3A_217 = tpu.memref_squeeze %dma_wait3A_216 : memref<1x256x16xf32, #tpu.memory_space<vmem>> -> memref<256x16xf32, #tpu.memory_space<vmem>>
        %dma_wait3A_218 = arith.constant 0 : i32
        %dma_wait3A_219 = arith.constant 0 : i32
        %dma_wait3A_220 = tpu.memref_slice %arg5[%dma_wait3A_218, %dma_wait3A_219] : memref<640x16xf32, #tpu.memory_space<hbm>> -> memref<256x16xf32, #tpu.memory_space<hbm>>
        tpu.wait_dma2 semaphore(%arg12 : memref<!tpu.dma_semaphore, #tpu.memory_space<semaphore_mem>>) src(%dma_wait3A_220 : memref<256x16xf32, #tpu.memory_space<hbm>>) dst(%dma_wait3A_217 : memref<256x16xf32, #tpu.memory_space<vmem>>)
        %dma_wait3A_221 = arith.constant 1 : i32
        %dma_wait3A_222 = arith.constant 0 : i32
        %dma_wait3A_223 = arith.constant 0 : i32
        %dma_wait3A_224 = tpu.memref_slice %arg9[%dma_wait3A_221, %dma_wait3A_222, %dma_wait3A_223] : memref<2x256x16xf32, #tpu.memory_space<vmem>> -> memref<1x256x16xf32, #tpu.memory_space<vmem>>
        %dma_wait3A_225 = tpu.memref_squeeze %dma_wait3A_224 : memref<1x256x16xf32, #tpu.memory_space<vmem>> -> memref<256x16xf32, #tpu.memory_space<vmem>>
        %dma_wait3A_226 = arith.constant 0 : i32
        %dma_wait3A_227 = arith.constant 0 : i32
        %dma_wait3A_228 = tpu.memref_slice %arg5[%dma_wait3A_226, %dma_wait3A_227] : memref<640x16xf32, #tpu.memory_space<hbm>> -> memref<256x16xf32, #tpu.memory_space<hbm>>
        %dma_wait3A_229 = arith.constant 0 : i32
        %dma_wait3A_230 = arith.constant 0 : i32
        %dma_wait3A_231 = tpu.memref_slice %arg9[%dma_wait3A_221, %dma_wait3A_229, %dma_wait3A_230] : memref<2x256x16xf32, #tpu.memory_space<vmem>> -> memref<1x256x16xf32, #tpu.memory_space<vmem>>
        %dma_wait3A_232 = tpu.memref_squeeze %dma_wait3A_231 : memref<1x256x16xf32, #tpu.memory_space<vmem>> -> memref<256x16xf32, #tpu.memory_space<vmem>>
        %dma_wait3A_233 = arith.constant 0 : i32
        %dma_wait3A_234 = arith.constant 0 : i32
        %dma_wait3A_235 = tpu.memref_slice %arg5[%dma_wait3A_233, %dma_wait3A_234] : memref<640x16xf32, #tpu.memory_space<hbm>> -> memref<256x16xf32, #tpu.memory_space<hbm>>
        tpu.wait_dma2 semaphore(%arg13 : memref<!tpu.dma_semaphore, #tpu.memory_space<semaphore_mem>>) src(%dma_wait3A_235 : memref<256x16xf32, #tpu.memory_space<hbm>>) dst(%dma_wait3A_232 : memref<256x16xf32, #tpu.memory_space<vmem>>)
        %dma_start3A_236 = arith.constant 0 : i32
        %dma_start3A_237 = arith.constant 2 : i32
        %dma_start3A_238 = arith.constant 0 : i32
        %dma_start3A_239 = arith.constant 0 : i32
        %dma_start3A_240 = tpu.memref_slice %arg9[%dma_start3A_236, %dma_start3A_238, %dma_start3A_239] : memref<2x256x16xf32, #tpu.memory_space<vmem>> -> memref<1x256x16xf32, #tpu.memory_space<vmem>>
        %dma_start3A_241 = tpu.memref_squeeze %dma_start3A_240 : memref<1x256x16xf32, #tpu.memory_space<vmem>> -> memref<256x16xf32, #tpu.memory_space<vmem>>
        %dma_start3A_242 = arith.constant 0 : i32
        %dma_start3A_243 = tpu.memref_slice %arg8[%rem3A_87, %dma_start3A_237, %dma_start3A_242] : memref<2x8x256xi32, #tpu.memory_space<vmem>> -> memref<1x1x256xi32, #tpu.memory_space<vmem>>
        %dma_start3A_244 = tpu.memref_squeeze %dma_start3A_243 : memref<1x1x256xi32, #tpu.memory_space<vmem>> -> memref<256xi32, #tpu.memory_space<vmem>>
        %dma_start3A_245 = arith.constant 0 : i32
        %dma_start3A_246 = arith.constant 0 : i32
        %dma_start3A_247 = tpu.memref_slice %arg10[%dma_start3A_245, %dma_start3A_246] : memref<51200x16xf32, #tpu.memory_space<vmem_shared>> -> memref<51200x16xf32, #tpu.memory_space<vmem_shared>>
        tpu.enqueue_indirect_dma source(%dma_start3A_241 : memref<256x16xf32, #tpu.memory_space<vmem>>) target(%dma_start3A_247 : memref<51200x16xf32, #tpu.memory_space<vmem_shared>>) offsets(%dma_start3A_244 : memref<256xi32, #tpu.memory_space<vmem>>) semaphore(%arg13 : memref<!tpu.dma_semaphore, #tpu.memory_space<semaphore_mem>>) {add = true}
        %dma_start3A_248 = arith.constant 3 : i32
        %dma_start3A_249 = arith.constant 1 : i32
        %dma_start3A_250 = arith.constant 0 : i32
        %dma_start3A_251 = arith.constant 0 : i32
        %dma_start3A_252 = tpu.memref_slice %arg9[%dma_start3A_249, %dma_start3A_250, %dma_start3A_251] : memref<2x256x16xf32, #tpu.memory_space<vmem>> -> memref<1x256x16xf32, #tpu.memory_space<vmem>>
        %dma_start3A_253 = tpu.memref_squeeze %dma_start3A_252 : memref<1x256x16xf32, #tpu.memory_space<vmem>> -> memref<256x16xf32, #tpu.memory_space<vmem>>
        %dma_start3A_254 = arith.constant 0 : i32
        %dma_start3A_255 = tpu.memref_slice %arg7[%rem3A_87, %dma_start3A_248, %dma_start3A_254] : memref<2x8x256xi32, #tpu.memory_space<vmem>> -> memref<1x1x256xi32, #tpu.memory_space<vmem>>
        %dma_start3A_256 = tpu.memref_squeeze %dma_start3A_255 : memref<1x1x256xi32, #tpu.memory_space<vmem>> -> memref<256xi32, #tpu.memory_space<vmem>>
        %dma_start3A_257 = arith.constant 0 : i32
        %dma_start3A_258 = arith.constant 0 : i32
        %dma_start3A_259 = tpu.memref_slice %arg11[%dma_start3A_257, %dma_start3A_258] : memref<50000x16xf32, #tpu.memory_space<vmem_shared>> -> memref<50000x16xf32, #tpu.memory_space<vmem_shared>>
        tpu.enqueue_indirect_dma source(%dma_start3A_259 : memref<50000x16xf32, #tpu.memory_space<vmem_shared>>) target(%dma_start3A_253 : memref<256x16xf32, #tpu.memory_space<vmem>>) offsets(%dma_start3A_256 : memref<256xi32, #tpu.memory_space<vmem>>) semaphore(%arg12 : memref<!tpu.dma_semaphore, #tpu.memory_space<semaphore_mem>>)
        %dma_wait3A_260 = arith.constant 1 : i32
        %dma_wait3A_261 = arith.constant 0 : i32
        %dma_wait3A_262 = arith.constant 0 : i32
        %dma_wait3A_263 = tpu.memref_slice %arg9[%dma_wait3A_260, %dma_wait3A_261, %dma_wait3A_262] : memref<2x256x16xf32, #tpu.memory_space<vmem>> -> memref<1x256x16xf32, #tpu.memory_space<vmem>>
        %dma_wait3A_264 = tpu.memref_squeeze %dma_wait3A_263 : memref<1x256x16xf32, #tpu.memory_space<vmem>> -> memref<256x16xf32, #tpu.memory_space<vmem>>
        %dma_wait3A_265 = arith.constant 0 : i32
        %dma_wait3A_266 = arith.constant 0 : i32
        %dma_wait3A_267 = tpu.memref_slice %arg5[%dma_wait3A_265, %dma_wait3A_266] : memref<640x16xf32, #tpu.memory_space<hbm>> -> memref<256x16xf32, #tpu.memory_space<hbm>>
        %dma_wait3A_268 = arith.constant 0 : i32
        %dma_wait3A_269 = arith.constant 0 : i32
        %dma_wait3A_270 = tpu.memref_slice %arg9[%dma_wait3A_260, %dma_wait3A_268, %dma_wait3A_269] : memref<2x256x16xf32, #tpu.memory_space<vmem>> -> memref<1x256x16xf32, #tpu.memory_space<vmem>>
        %dma_wait3A_271 = tpu.memref_squeeze %dma_wait3A_270 : memref<1x256x16xf32, #tpu.memory_space<vmem>> -> memref<256x16xf32, #tpu.memory_space<vmem>>
        %dma_wait3A_272 = arith.constant 0 : i32
        %dma_wait3A_273 = arith.constant 0 : i32
        %dma_wait3A_274 = tpu.memref_slice %arg5[%dma_wait3A_272, %dma_wait3A_273] : memref<640x16xf32, #tpu.memory_space<hbm>> -> memref<256x16xf32, #tpu.memory_space<hbm>>
        tpu.wait_dma2 semaphore(%arg12 : memref<!tpu.dma_semaphore, #tpu.memory_space<semaphore_mem>>) src(%dma_wait3A_274 : memref<256x16xf32, #tpu.memory_space<hbm>>) dst(%dma_wait3A_271 : memref<256x16xf32, #tpu.memory_space<vmem>>)
        %dma_wait3A_275 = arith.constant 0 : i32
        %dma_wait3A_276 = arith.constant 0 : i32
        %dma_wait3A_277 = arith.constant 0 : i32
        %dma_wait3A_278 = tpu.memref_slice %arg9[%dma_wait3A_275, %dma_wait3A_276, %dma_wait3A_277] : memref<2x256x16xf32, #tpu.memory_space<vmem>> -> memref<1x256x16xf32, #tpu.memory_space<vmem>>
        %dma_wait3A_279 = tpu.memref_squeeze %dma_wait3A_278 : memref<1x256x16xf32, #tpu.memory_space<vmem>> -> memref<256x16xf32, #tpu.memory_space<vmem>>
        %dma_wait3A_280 = arith.constant 0 : i32
        %dma_wait3A_281 = arith.constant 0 : i32
        %dma_wait3A_282 = tpu.memref_slice %arg5[%dma_wait3A_280, %dma_wait3A_281] : memref<640x16xf32, #tpu.memory_space<hbm>> -> memref<256x16xf32, #tpu.memory_space<hbm>>
        %dma_wait3A_283 = arith.constant 0 : i32
        %dma_wait3A_284 = arith.constant 0 : i32
        %dma_wait3A_285 = tpu.memref_slice %arg9[%dma_wait3A_275, %dma_wait3A_283, %dma_wait3A_284] : memref<2x256x16xf32, #tpu.memory_space<vmem>> -> memref<1x256x16xf32, #tpu.memory_space<vmem>>
        %dma_wait3A_286 = tpu.memref_squeeze %dma_wait3A_285 : memref<1x256x16xf32, #tpu.memory_space<vmem>> -> memref<256x16xf32, #tpu.memory_space<vmem>>
        %dma_wait3A_287 = arith.constant 0 : i32
        %dma_wait3A_288 = arith.constant 0 : i32
        %dma_wait3A_289 = tpu.memref_slice %arg5[%dma_wait3A_287, %dma_wait3A_288] : memref<640x16xf32, #tpu.memory_space<hbm>> -> memref<256x16xf32, #tpu.memory_space<hbm>>
        tpu.wait_dma2 semaphore(%arg13 : memref<!tpu.dma_semaphore, #tpu.memory_space<semaphore_mem>>) src(%dma_wait3A_289 : memref<256x16xf32, #tpu.memory_space<hbm>>) dst(%dma_wait3A_286 : memref<256x16xf32, #tpu.memory_space<vmem>>)
        %dma_start3A_290 = arith.constant 1 : i32
        %dma_start3A_291 = arith.constant 3 : i32
        %dma_start3A_292 = arith.constant 0 : i32
        %dma_start3A_293 = arith.constant 0 : i32
        %dma_start3A_294 = tpu.memref_slice %arg9[%dma_start3A_290, %dma_start3A_292, %dma_start3A_293] : memref<2x256x16xf32, #tpu.memory_space<vmem>> -> memref<1x256x16xf32, #tpu.memory_space<vmem>>
        %dma_start3A_295 = tpu.memref_squeeze %dma_start3A_294 : memref<1x256x16xf32, #tpu.memory_space<vmem>> -> memref<256x16xf32, #tpu.memory_space<vmem>>
        %dma_start3A_296 = arith.constant 0 : i32
        %dma_start3A_297 = tpu.memref_slice %arg8[%rem3A_87, %dma_start3A_291, %dma_start3A_296] : memref<2x8x256xi32, #tpu.memory_space<vmem>> -> memref<1x1x256xi32, #tpu.memory_space<vmem>>
        %dma_start3A_298 = tpu.memref_squeeze %dma_start3A_297 : memref<1x1x256xi32, #tpu.memory_space<vmem>> -> memref<256xi32, #tpu.memory_space<vmem>>
        %dma_start3A_299 = arith.constant 0 : i32
        %dma_start3A_300 = arith.constant 0 : i32
        %dma_start3A_301 = tpu.memref_slice %arg10[%dma_start3A_299, %dma_start3A_300] : memref<51200x16xf32, #tpu.memory_space<vmem_shared>> -> memref<51200x16xf32, #tpu.memory_space<vmem_shared>>
        tpu.enqueue_indirect_dma source(%dma_start3A_295 : memref<256x16xf32, #tpu.memory_space<vmem>>) target(%dma_start3A_301 : memref<51200x16xf32, #tpu.memory_space<vmem_shared>>) offsets(%dma_start3A_298 : memref<256xi32, #tpu.memory_space<vmem>>) semaphore(%arg13 : memref<!tpu.dma_semaphore, #tpu.memory_space<semaphore_mem>>) {add = true}
        %dma_start3A_302 = arith.constant 4 : i32
        %dma_start3A_303 = arith.constant 0 : i32
        %dma_start3A_304 = arith.constant 0 : i32
        %dma_start3A_305 = arith.constant 0 : i32
        %dma_start3A_306 = tpu.memref_slice %arg9[%dma_start3A_303, %dma_start3A_304, %dma_start3A_305] : memref<2x256x16xf32, #tpu.memory_space<vmem>> -> memref<1x256x16xf32, #tpu.memory_space<vmem>>
        %dma_start3A_307 = tpu.memref_squeeze %dma_start3A_306 : memref<1x256x16xf32, #tpu.memory_space<vmem>> -> memref<256x16xf32, #tpu.memory_space<vmem>>
        %dma_start3A_308 = arith.constant 0 : i32
        %dma_start3A_309 = tpu.memref_slice %arg7[%rem3A_87, %dma_start3A_302, %dma_start3A_308] : memref<2x8x256xi32, #tpu.memory_space<vmem>> -> memref<1x1x256xi32, #tpu.memory_space<vmem>>
        %dma_start3A_310 = tpu.memref_squeeze %dma_start3A_309 : memref<1x1x256xi32, #tpu.memory_space<vmem>> -> memref<256xi32, #tpu.memory_space<vmem>>
        %dma_start3A_311 = arith.constant 0 : i32
        %dma_start3A_312 = arith.constant 0 : i32
        %dma_start3A_313 = tpu.memref_slice %arg11[%dma_start3A_311, %dma_start3A_312] : memref<50000x16xf32, #tpu.memory_space<vmem_shared>> -> memref<50000x16xf32, #tpu.memory_space<vmem_shared>>
        tpu.enqueue_indirect_dma source(%dma_start3A_313 : memref<50000x16xf32, #tpu.memory_space<vmem_shared>>) target(%dma_start3A_307 : memref<256x16xf32, #tpu.memory_space<vmem>>) offsets(%dma_start3A_310 : memref<256xi32, #tpu.memory_space<vmem>>) semaphore(%arg12 : memref<!tpu.dma_semaphore, #tpu.memory_space<semaphore_mem>>)
        %dma_wait3A_314 = arith.constant 0 : i32
        %dma_wait3A_315 = arith.constant 0 : i32
        %dma_wait3A_316 = arith.constant 0 : i32
        %dma_wait3A_317 = tpu.memref_slice %arg9[%dma_wait3A_314, %dma_wait3A_315, %dma_wait3A_316] : memref<2x256x16xf32, #tpu.memory_space<vmem>> -> memref<1x256x16xf32, #tpu.memory_space<vmem>>
        %dma_wait3A_318 = tpu.memref_squeeze %dma_wait3A_317 : memref<1x256x16xf32, #tpu.memory_space<vmem>> -> memref<256x16xf32, #tpu.memory_space<vmem>>
        %dma_wait3A_319 = arith.constant 0 : i32
        %dma_wait3A_320 = arith.constant 0 : i32
        %dma_wait3A_321 = tpu.memref_slice %arg5[%dma_wait3A_319, %dma_wait3A_320] : memref<640x16xf32, #tpu.memory_space<hbm>> -> memref<256x16xf32, #tpu.memory_space<hbm>>
        %dma_wait3A_322 = arith.constant 0 : i32
        %dma_wait3A_323 = arith.constant 0 : i32
        %dma_wait3A_324 = tpu.memref_slice %arg9[%dma_wait3A_314, %dma_wait3A_322, %dma_wait3A_323] : memref<2x256x16xf32, #tpu.memory_space<vmem>> -> memref<1x256x16xf32, #tpu.memory_space<vmem>>
        %dma_wait3A_325 = tpu.memref_squeeze %dma_wait3A_324 : memref<1x256x16xf32, #tpu.memory_space<vmem>> -> memref<256x16xf32, #tpu.memory_space<vmem>>
        %dma_wait3A_326 = arith.constant 0 : i32
        %dma_wait3A_327 = arith.constant 0 : i32
        %dma_wait3A_328 = tpu.memref_slice %arg5[%dma_wait3A_326, %dma_wait3A_327] : memref<640x16xf32, #tpu.memory_space<hbm>> -> memref<256x16xf32, #tpu.memory_space<hbm>>
        tpu.wait_dma2 semaphore(%arg12 : memref<!tpu.dma_semaphore, #tpu.memory_space<semaphore_mem>>) src(%dma_wait3A_328 : memref<256x16xf32, #tpu.memory_space<hbm>>) dst(%dma_wait3A_325 : memref<256x16xf32, #tpu.memory_space<vmem>>)
        %dma_wait3A_329 = arith.constant 1 : i32
        %dma_wait3A_330 = arith.constant 0 : i32
        %dma_wait3A_331 = arith.constant 0 : i32
        %dma_wait3A_332 = tpu.memref_slice %arg9[%dma_wait3A_329, %dma_wait3A_330, %dma_wait3A_331] : memref<2x256x16xf32, #tpu.memory_space<vmem>> -> memref<1x256x16xf32, #tpu.memory_space<vmem>>
        %dma_wait3A_333 = tpu.memref_squeeze %dma_wait3A_332 : memref<1x256x16xf32, #tpu.memory_space<vmem>> -> memref<256x16xf32, #tpu.memory_space<vmem>>
        %dma_wait3A_334 = arith.constant 0 : i32
        %dma_wait3A_335 = arith.constant 0 : i32
        %dma_wait3A_336 = tpu.memref_slice %arg5[%dma_wait3A_334, %dma_wait3A_335] : memref<640x16xf32, #tpu.memory_space<hbm>> -> memref<256x16xf32, #tpu.memory_space<hbm>>
        %dma_wait3A_337 = arith.constant 0 : i32
        %dma_wait3A_338 = arith.constant 0 : i32
        %dma_wait3A_339 = tpu.memref_slice %arg9[%dma_wait3A_329, %dma_wait3A_337, %dma_wait3A_338] : memref<2x256x16xf32, #tpu.memory_space<vmem>> -> memref<1x256x16xf32, #tpu.memory_space<vmem>>
        %dma_wait3A_340 = tpu.memref_squeeze %dma_wait3A_339 : memref<1x256x16xf32, #tpu.memory_space<vmem>> -> memref<256x16xf32, #tpu.memory_space<vmem>>
        %dma_wait3A_341 = arith.constant 0 : i32
        %dma_wait3A_342 = arith.constant 0 : i32
        %dma_wait3A_343 = tpu.memref_slice %arg5[%dma_wait3A_341, %dma_wait3A_342] : memref<640x16xf32, #tpu.memory_space<hbm>> -> memref<256x16xf32, #tpu.memory_space<hbm>>
        tpu.wait_dma2 semaphore(%arg13 : memref<!tpu.dma_semaphore, #tpu.memory_space<semaphore_mem>>) src(%dma_wait3A_343 : memref<256x16xf32, #tpu.memory_space<hbm>>) dst(%dma_wait3A_340 : memref<256x16xf32, #tpu.memory_space<vmem>>)
        %dma_start3A_344 = arith.constant 0 : i32
        %dma_start3A_345 = arith.constant 4 : i32
        %dma_start3A_346 = arith.constant 0 : i32
        %dma_start3A_347 = arith.constant 0 : i32
        %dma_start3A_348 = tpu.memref_slice %arg9[%dma_start3A_344, %dma_start3A_346, %dma_start3A_347] : memref<2x256x16xf32, #tpu.memory_space<vmem>> -> memref<1x256x16xf32, #tpu.memory_space<vmem>>
        %dma_start3A_349 = tpu.memref_squeeze %dma_start3A_348 : memref<1x256x16xf32, #tpu.memory_space<vmem>> -> memref<256x16xf32, #tpu.memory_space<vmem>>
        %dma_start3A_350 = arith.constant 0 : i32
        %dma_start3A_351 = tpu.memref_slice %arg8[%rem3A_87, %dma_start3A_345, %dma_start3A_350] : memref<2x8x256xi32, #tpu.memory_space<vmem>> -> memref<1x1x256xi32, #tpu.memory_space<vmem>>
        %dma_start3A_352 = tpu.memref_squeeze %dma_start3A_351 : memref<1x1x256xi32, #tpu.memory_space<vmem>> -> memref<256xi32, #tpu.memory_space<vmem>>
        %dma_start3A_353 = arith.constant 0 : i32
        %dma_start3A_354 = arith.constant 0 : i32
        %dma_start3A_355 = tpu.memref_slice %arg10[%dma_start3A_353, %dma_start3A_354] : memref<51200x16xf32, #tpu.memory_space<vmem_shared>> -> memref<51200x16xf32, #tpu.memory_space<vmem_shared>>
        tpu.enqueue_indirect_dma source(%dma_start3A_349 : memref<256x16xf32, #tpu.memory_space<vmem>>) target(%dma_start3A_355 : memref<51200x16xf32, #tpu.memory_space<vmem_shared>>) offsets(%dma_start3A_352 : memref<256xi32, #tpu.memory_space<vmem>>) semaphore(%arg13 : memref<!tpu.dma_semaphore, #tpu.memory_space<semaphore_mem>>) {add = true}
        %dma_start3A_356 = arith.constant 5 : i32
        %dma_start3A_357 = arith.constant 1 : i32
        %dma_start3A_358 = arith.constant 0 : i32
        %dma_start3A_359 = arith.constant 0 : i32
        %dma_start3A_360 = tpu.memref_slice %arg9[%dma_start3A_357, %dma_start3A_358, %dma_start3A_359] : memref<2x256x16xf32, #tpu.memory_space<vmem>> -> memref<1x256x16xf32, #tpu.memory_space<vmem>>
        %dma_start3A_361 = tpu.memref_squeeze %dma_start3A_360 : memref<1x256x16xf32, #tpu.memory_space<vmem>> -> memref<256x16xf32, #tpu.memory_space<vmem>>
        %dma_start3A_362 = arith.constant 0 : i32
        %dma_start3A_363 = tpu.memref_slice %arg7[%rem3A_87, %dma_start3A_356, %dma_start3A_362] : memref<2x8x256xi32, #tpu.memory_space<vmem>> -> memref<1x1x256xi32, #tpu.memory_space<vmem>>
        %dma_start3A_364 = tpu.memref_squeeze %dma_start3A_363 : memref<1x1x256xi32, #tpu.memory_space<vmem>> -> memref<256xi32, #tpu.memory_space<vmem>>
        %dma_start3A_365 = arith.constant 0 : i32
        %dma_start3A_366 = arith.constant 0 : i32
        %dma_start3A_367 = tpu.memref_slice %arg11[%dma_start3A_365, %dma_start3A_366] : memref<50000x16xf32, #tpu.memory_space<vmem_shared>> -> memref<50000x16xf32, #tpu.memory_space<vmem_shared>>
        tpu.enqueue_indirect_dma source(%dma_start3A_367 : memref<50000x16xf32, #tpu.memory_space<vmem_shared>>) target(%dma_start3A_361 : memref<256x16xf32, #tpu.memory_space<vmem>>) offsets(%dma_start3A_364 : memref<256xi32, #tpu.memory_space<vmem>>) semaphore(%arg12 : memref<!tpu.dma_semaphore, #tpu.memory_space<semaphore_mem>>)
        %dma_wait3A_368 = arith.constant 1 : i32
        %dma_wait3A_369 = arith.constant 0 : i32
        %dma_wait3A_370 = arith.constant 0 : i32
        %dma_wait3A_371 = tpu.memref_slice %arg9[%dma_wait3A_368, %dma_wait3A_369, %dma_wait3A_370] : memref<2x256x16xf32, #tpu.memory_space<vmem>> -> memref<1x256x16xf32, #tpu.memory_space<vmem>>
        %dma_wait3A_372 = tpu.memref_squeeze %dma_wait3A_371 : memref<1x256x16xf32, #tpu.memory_space<vmem>> -> memref<256x16xf32, #tpu.memory_space<vmem>>
        %dma_wait3A_373 = arith.constant 0 : i32
        %dma_wait3A_374 = arith.constant 0 : i32
        %dma_wait3A_375 = tpu.memref_slice %arg5[%dma_wait3A_373, %dma_wait3A_374] : memref<640x16xf32, #tpu.memory_space<hbm>> -> memref<256x16xf32, #tpu.memory_space<hbm>>
        %dma_wait3A_376 = arith.constant 0 : i32
        %dma_wait3A_377 = arith.constant 0 : i32
        %dma_wait3A_378 = tpu.memref_slice %arg9[%dma_wait3A_368, %dma_wait3A_376, %dma_wait3A_377] : memref<2x256x16xf32, #tpu.memory_space<vmem>> -> memref<1x256x16xf32, #tpu.memory_space<vmem>>
        %dma_wait3A_379 = tpu.memref_squeeze %dma_wait3A_378 : memref<1x256x16xf32, #tpu.memory_space<vmem>> -> memref<256x16xf32, #tpu.memory_space<vmem>>
        %dma_wait3A_380 = arith.constant 0 : i32
        %dma_wait3A_381 = arith.constant 0 : i32
        %dma_wait3A_382 = tpu.memref_slice %arg5[%dma_wait3A_380, %dma_wait3A_381] : memref<640x16xf32, #tpu.memory_space<hbm>> -> memref<256x16xf32, #tpu.memory_space<hbm>>
        tpu.wait_dma2 semaphore(%arg12 : memref<!tpu.dma_semaphore, #tpu.memory_space<semaphore_mem>>) src(%dma_wait3A_382 : memref<256x16xf32, #tpu.memory_space<hbm>>) dst(%dma_wait3A_379 : memref<256x16xf32, #tpu.memory_space<vmem>>)
        %dma_wait3A_383 = arith.constant 0 : i32
        %dma_wait3A_384 = arith.constant 0 : i32
        %dma_wait3A_385 = arith.constant 0 : i32
        %dma_wait3A_386 = tpu.memref_slice %arg9[%dma_wait3A_383, %dma_wait3A_384, %dma_wait3A_385] : memref<2x256x16xf32, #tpu.memory_space<vmem>> -> memref<1x256x16xf32, #tpu.memory_space<vmem>>
        %dma_wait3A_387 = tpu.memref_squeeze %dma_wait3A_386 : memref<1x256x16xf32, #tpu.memory_space<vmem>> -> memref<256x16xf32, #tpu.memory_space<vmem>>
        %dma_wait3A_388 = arith.constant 0 : i32
        %dma_wait3A_389 = arith.constant 0 : i32
        %dma_wait3A_390 = tpu.memref_slice %arg5[%dma_wait3A_388, %dma_wait3A_389] : memref<640x16xf32, #tpu.memory_space<hbm>> -> memref<256x16xf32, #tpu.memory_space<hbm>>
        %dma_wait3A_391 = arith.constant 0 : i32
        %dma_wait3A_392 = arith.constant 0 : i32
        %dma_wait3A_393 = tpu.memref_slice %arg9[%dma_wait3A_383, %dma_wait3A_391, %dma_wait3A_392] : memref<2x256x16xf32, #tpu.memory_space<vmem>> -> memref<1x256x16xf32, #tpu.memory_space<vmem>>
        %dma_wait3A_394 = tpu.memref_squeeze %dma_wait3A_393 : memref<1x256x16xf32, #tpu.memory_space<vmem>> -> memref<256x16xf32, #tpu.memory_space<vmem>>
        %dma_wait3A_395 = arith.constant 0 : i32
        %dma_wait3A_396 = arith.constant 0 : i32
        %dma_wait3A_397 = tpu.memref_slice %arg5[%dma_wait3A_395, %dma_wait3A_396] : memref<640x16xf32, #tpu.memory_space<hbm>> -> memref<256x16xf32, #tpu.memory_space<hbm>>
        tpu.wait_dma2 semaphore(%arg13 : memref<!tpu.dma_semaphore, #tpu.memory_space<semaphore_mem>>) src(%dma_wait3A_397 : memref<256x16xf32, #tpu.memory_space<hbm>>) dst(%dma_wait3A_394 : memref<256x16xf32, #tpu.memory_space<vmem>>)
        %dma_start3A_398 = arith.constant 1 : i32
        %dma_start3A_399 = arith.constant 5 : i32
        %dma_start3A_400 = arith.constant 0 : i32
        %dma_start3A_401 = arith.constant 0 : i32
        %dma_start3A_402 = tpu.memref_slice %arg9[%dma_start3A_398, %dma_start3A_400, %dma_start3A_401] : memref<2x256x16xf32, #tpu.memory_space<vmem>> -> memref<1x256x16xf32, #tpu.memory_space<vmem>>
        %dma_start3A_403 = tpu.memref_squeeze %dma_start3A_402 : memref<1x256x16xf32, #tpu.memory_space<vmem>> -> memref<256x16xf32, #tpu.memory_space<vmem>>
        %dma_start3A_404 = arith.constant 0 : i32
        %dma_start3A_405 = tpu.memref_slice %arg8[%rem3A_87, %dma_start3A_399, %dma_start3A_404] : memref<2x8x256xi32, #tpu.memory_space<vmem>> -> memref<1x1x256xi32, #tpu.memory_space<vmem>>
        %dma_start3A_406 = tpu.memref_squeeze %dma_start3A_405 : memref<1x1x256xi32, #tpu.memory_space<vmem>> -> memref<256xi32, #tpu.memory_space<vmem>>
        %dma_start3A_407 = arith.constant 0 : i32
        %dma_start3A_408 = arith.constant 0 : i32
        %dma_start3A_409 = tpu.memref_slice %arg10[%dma_start3A_407, %dma_start3A_408] : memref<51200x16xf32, #tpu.memory_space<vmem_shared>> -> memref<51200x16xf32, #tpu.memory_space<vmem_shared>>
        tpu.enqueue_indirect_dma source(%dma_start3A_403 : memref<256x16xf32, #tpu.memory_space<vmem>>) target(%dma_start3A_409 : memref<51200x16xf32, #tpu.memory_space<vmem_shared>>) offsets(%dma_start3A_406 : memref<256xi32, #tpu.memory_space<vmem>>) semaphore(%arg13 : memref<!tpu.dma_semaphore, #tpu.memory_space<semaphore_mem>>) {add = true}
        %dma_start3A_410 = arith.constant 6 : i32
        %dma_start3A_411 = arith.constant 0 : i32
        %dma_start3A_412 = arith.constant 0 : i32
        %dma_start3A_413 = arith.constant 0 : i32
        %dma_start3A_414 = tpu.memref_slice %arg9[%dma_start3A_411, %dma_start3A_412, %dma_start3A_413] : memref<2x256x16xf32, #tpu.memory_space<vmem>> -> memref<1x256x16xf32, #tpu.memory_space<vmem>>
        %dma_start3A_415 = tpu.memref_squeeze %dma_start3A_414 : memref<1x256x16xf32, #tpu.memory_space<vmem>> -> memref<256x16xf32, #tpu.memory_space<vmem>>
        %dma_start3A_416 = arith.constant 0 : i32
        %dma_start3A_417 = tpu.memref_slice %arg7[%rem3A_87, %dma_start3A_410, %dma_start3A_416] : memref<2x8x256xi32, #tpu.memory_space<vmem>> -> memref<1x1x256xi32, #tpu.memory_space<vmem>>
        %dma_start3A_418 = tpu.memref_squeeze %dma_start3A_417 : memref<1x1x256xi32, #tpu.memory_space<vmem>> -> memref<256xi32, #tpu.memory_space<vmem>>
        %dma_start3A_419 = arith.constant 0 : i32
        %dma_start3A_420 = arith.constant 0 : i32
        %dma_start3A_421 = tpu.memref_slice %arg11[%dma_start3A_419, %dma_start3A_420] : memref<50000x16xf32, #tpu.memory_space<vmem_shared>> -> memref<50000x16xf32, #tpu.memory_space<vmem_shared>>
        tpu.enqueue_indirect_dma source(%dma_start3A_421 : memref<50000x16xf32, #tpu.memory_space<vmem_shared>>) target(%dma_start3A_415 : memref<256x16xf32, #tpu.memory_space<vmem>>) offsets(%dma_start3A_418 : memref<256xi32, #tpu.memory_space<vmem>>) semaphore(%arg12 : memref<!tpu.dma_semaphore, #tpu.memory_space<semaphore_mem>>)
        %dma_wait3A_422 = arith.constant 0 : i32
        %dma_wait3A_423 = arith.constant 0 : i32
        %dma_wait3A_424 = arith.constant 0 : i32
        %dma_wait3A_425 = tpu.memref_slice %arg9[%dma_wait3A_422, %dma_wait3A_423, %dma_wait3A_424] : memref<2x256x16xf32, #tpu.memory_space<vmem>> -> memref<1x256x16xf32, #tpu.memory_space<vmem>>
        %dma_wait3A_426 = tpu.memref_squeeze %dma_wait3A_425 : memref<1x256x16xf32, #tpu.memory_space<vmem>> -> memref<256x16xf32, #tpu.memory_space<vmem>>
        %dma_wait3A_427 = arith.constant 0 : i32
        %dma_wait3A_428 = arith.constant 0 : i32
        %dma_wait3A_429 = tpu.memref_slice %arg5[%dma_wait3A_427, %dma_wait3A_428] : memref<640x16xf32, #tpu.memory_space<hbm>> -> memref<256x16xf32, #tpu.memory_space<hbm>>
        %dma_wait3A_430 = arith.constant 0 : i32
        %dma_wait3A_431 = arith.constant 0 : i32
        %dma_wait3A_432 = tpu.memref_slice %arg9[%dma_wait3A_422, %dma_wait3A_430, %dma_wait3A_431] : memref<2x256x16xf32, #tpu.memory_space<vmem>> -> memref<1x256x16xf32, #tpu.memory_space<vmem>>
        %dma_wait3A_433 = tpu.memref_squeeze %dma_wait3A_432 : memref<1x256x16xf32, #tpu.memory_space<vmem>> -> memref<256x16xf32, #tpu.memory_space<vmem>>
        %dma_wait3A_434 = arith.constant 0 : i32
        %dma_wait3A_435 = arith.constant 0 : i32
        %dma_wait3A_436 = tpu.memref_slice %arg5[%dma_wait3A_434, %dma_wait3A_435] : memref<640x16xf32, #tpu.memory_space<hbm>> -> memref<256x16xf32, #tpu.memory_space<hbm>>
        tpu.wait_dma2 semaphore(%arg12 : memref<!tpu.dma_semaphore, #tpu.memory_space<semaphore_mem>>) src(%dma_wait3A_436 : memref<256x16xf32, #tpu.memory_space<hbm>>) dst(%dma_wait3A_433 : memref<256x16xf32, #tpu.memory_space<vmem>>)
        %dma_wait3A_437 = arith.constant 1 : i32
        %dma_wait3A_438 = arith.constant 0 : i32
        %dma_wait3A_439 = arith.constant 0 : i32
        %dma_wait3A_440 = tpu.memref_slice %arg9[%dma_wait3A_437, %dma_wait3A_438, %dma_wait3A_439] : memref<2x256x16xf32, #tpu.memory_space<vmem>> -> memref<1x256x16xf32, #tpu.memory_space<vmem>>
        %dma_wait3A_441 = tpu.memref_squeeze %dma_wait3A_440 : memref<1x256x16xf32, #tpu.memory_space<vmem>> -> memref<256x16xf32, #tpu.memory_space<vmem>>
        %dma_wait3A_442 = arith.constant 0 : i32
        %dma_wait3A_443 = arith.constant 0 : i32
        %dma_wait3A_444 = tpu.memref_slice %arg5[%dma_wait3A_442, %dma_wait3A_443] : memref<640x16xf32, #tpu.memory_space<hbm>> -> memref<256x16xf32, #tpu.memory_space<hbm>>
        %dma_wait3A_445 = arith.constant 0 : i32
        %dma_wait3A_446 = arith.constant 0 : i32
        %dma_wait3A_447 = tpu.memref_slice %arg9[%dma_wait3A_437, %dma_wait3A_445, %dma_wait3A_446] : memref<2x256x16xf32, #tpu.memory_space<vmem>> -> memref<1x256x16xf32, #tpu.memory_space<vmem>>
        %dma_wait3A_448 = tpu.memref_squeeze %dma_wait3A_447 : memref<1x256x16xf32, #tpu.memory_space<vmem>> -> memref<256x16xf32, #tpu.memory_space<vmem>>
        %dma_wait3A_449 = arith.constant 0 : i32
        %dma_wait3A_450 = arith.constant 0 : i32
        %dma_wait3A_451 = tpu.memref_slice %arg5[%dma_wait3A_449, %dma_wait3A_450] : memref<640x16xf32, #tpu.memory_space<hbm>> -> memref<256x16xf32, #tpu.memory_space<hbm>>
        tpu.wait_dma2 semaphore(%arg13 : memref<!tpu.dma_semaphore, #tpu.memory_space<semaphore_mem>>) src(%dma_wait3A_451 : memref<256x16xf32, #tpu.memory_space<hbm>>) dst(%dma_wait3A_448 : memref<256x16xf32, #tpu.memory_space<vmem>>)
        %dma_start3A_452 = arith.constant 0 : i32
        %dma_start3A_453 = arith.constant 6 : i32
        %dma_start3A_454 = arith.constant 0 : i32
        %dma_start3A_455 = arith.constant 0 : i32
        %dma_start3A_456 = tpu.memref_slice %arg9[%dma_start3A_452, %dma_start3A_454, %dma_start3A_455] : memref<2x256x16xf32, #tpu.memory_space<vmem>> -> memref<1x256x16xf32, #tpu.memory_space<vmem>>
        %dma_start3A_457 = tpu.memref_squeeze %dma_start3A_456 : memref<1x256x16xf32, #tpu.memory_space<vmem>> -> memref<256x16xf32, #tpu.memory_space<vmem>>
        %dma_start3A_458 = arith.constant 0 : i32
        %dma_start3A_459 = tpu.memref_slice %arg8[%rem3A_87, %dma_start3A_453, %dma_start3A_458] : memref<2x8x256xi32, #tpu.memory_space<vmem>> -> memref<1x1x256xi32, #tpu.memory_space<vmem>>
        %dma_start3A_460 = tpu.memref_squeeze %dma_start3A_459 : memref<1x1x256xi32, #tpu.memory_space<vmem>> -> memref<256xi32, #tpu.memory_space<vmem>>
        %dma_start3A_461 = arith.constant 0 : i32
        %dma_start3A_462 = arith.constant 0 : i32
        %dma_start3A_463 = tpu.memref_slice %arg10[%dma_start3A_461, %dma_start3A_462] : memref<51200x16xf32, #tpu.memory_space<vmem_shared>> -> memref<51200x16xf32, #tpu.memory_space<vmem_shared>>
        tpu.enqueue_indirect_dma source(%dma_start3A_457 : memref<256x16xf32, #tpu.memory_space<vmem>>) target(%dma_start3A_463 : memref<51200x16xf32, #tpu.memory_space<vmem_shared>>) offsets(%dma_start3A_460 : memref<256xi32, #tpu.memory_space<vmem>>) semaphore(%arg13 : memref<!tpu.dma_semaphore, #tpu.memory_space<semaphore_mem>>) {add = true}
        %dma_start3A_464 = arith.constant 7 : i32
        %dma_start3A_465 = arith.constant 1 : i32
        %dma_start3A_466 = arith.constant 0 : i32
        %dma_start3A_467 = arith.constant 0 : i32
        %dma_start3A_468 = tpu.memref_slice %arg9[%dma_start3A_465, %dma_start3A_466, %dma_start3A_467] : memref<2x256x16xf32, #tpu.memory_space<vmem>> -> memref<1x256x16xf32, #tpu.memory_space<vmem>>
        %dma_start3A_469 = tpu.memref_squeeze %dma_start3A_468 : memref<1x256x16xf32, #tpu.memory_space<vmem>> -> memref<256x16xf32, #tpu.memory_space<vmem>>
        %dma_start3A_470 = arith.constant 0 : i32
        %dma_start3A_471 = tpu.memref_slice %arg7[%rem3A_87, %dma_start3A_464, %dma_start3A_470] : memref<2x8x256xi32, #tpu.memory_space<vmem>> -> memref<1x1x256xi32, #tpu.memory_space<vmem>>
        %dma_start3A_472 = tpu.memref_squeeze %dma_start3A_471 : memref<1x1x256xi32, #tpu.memory_space<vmem>> -> memref<256xi32, #tpu.memory_space<vmem>>
        %dma_start3A_473 = arith.constant 0 : i32
        %dma_start3A_474 = arith.constant 0 : i32
        %dma_start3A_475 = tpu.memref_slice %arg11[%dma_start3A_473, %dma_start3A_474] : memref<50000x16xf32, #tpu.memory_space<vmem_shared>> -> memref<50000x16xf32, #tpu.memory_space<vmem_shared>>
        tpu.enqueue_indirect_dma source(%dma_start3A_475 : memref<50000x16xf32, #tpu.memory_space<vmem_shared>>) target(%dma_start3A_469 : memref<256x16xf32, #tpu.memory_space<vmem>>) offsets(%dma_start3A_472 : memref<256xi32, #tpu.memory_space<vmem>>) semaphore(%arg12 : memref<!tpu.dma_semaphore, #tpu.memory_space<semaphore_mem>>)
        %dma_wait3A_476 = arith.constant 1 : i32
        %dma_wait3A_477 = arith.constant 0 : i32
        %dma_wait3A_478 = arith.constant 0 : i32
        %dma_wait3A_479 = tpu.memref_slice %arg9[%dma_wait3A_476, %dma_wait3A_477, %dma_wait3A_478] : memref<2x256x16xf32, #tpu.memory_space<vmem>> -> memref<1x256x16xf32, #tpu.memory_space<vmem>>
        %dma_wait3A_480 = tpu.memref_squeeze %dma_wait3A_479 : memref<1x256x16xf32, #tpu.memory_space<vmem>> -> memref<256x16xf32, #tpu.memory_space<vmem>>
        %dma_wait3A_481 = arith.constant 0 : i32
        %dma_wait3A_482 = arith.constant 0 : i32
        %dma_wait3A_483 = tpu.memref_slice %arg5[%dma_wait3A_481, %dma_wait3A_482] : memref<640x16xf32, #tpu.memory_space<hbm>> -> memref<256x16xf32, #tpu.memory_space<hbm>>
        %dma_wait3A_484 = arith.constant 0 : i32
        %dma_wait3A_485 = arith.constant 0 : i32
        %dma_wait3A_486 = tpu.memref_slice %arg9[%dma_wait3A_476, %dma_wait3A_484, %dma_wait3A_485] : memref<2x256x16xf32, #tpu.memory_space<vmem>> -> memref<1x256x16xf32, #tpu.memory_space<vmem>>
        %dma_wait3A_487 = tpu.memref_squeeze %dma_wait3A_486 : memref<1x256x16xf32, #tpu.memory_space<vmem>> -> memref<256x16xf32, #tpu.memory_space<vmem>>
        %dma_wait3A_488 = arith.constant 0 : i32
        %dma_wait3A_489 = arith.constant 0 : i32
        %dma_wait3A_490 = tpu.memref_slice %arg5[%dma_wait3A_488, %dma_wait3A_489] : memref<640x16xf32, #tpu.memory_space<hbm>> -> memref<256x16xf32, #tpu.memory_space<hbm>>
        tpu.wait_dma2 semaphore(%arg12 : memref<!tpu.dma_semaphore, #tpu.memory_space<semaphore_mem>>) src(%dma_wait3A_490 : memref<256x16xf32, #tpu.memory_space<hbm>>) dst(%dma_wait3A_487 : memref<256x16xf32, #tpu.memory_space<vmem>>)
        %dma_wait3A_491 = arith.constant 0 : i32
        %dma_wait3A_492 = arith.constant 0 : i32
        %dma_wait3A_493 = arith.constant 0 : i32
        %dma_wait3A_494 = tpu.memref_slice %arg9[%dma_wait3A_491, %dma_wait3A_492, %dma_wait3A_493] : memref<2x256x16xf32, #tpu.memory_space<vmem>> -> memref<1x256x16xf32, #tpu.memory_space<vmem>>
        %dma_wait3A_495 = tpu.memref_squeeze %dma_wait3A_494 : memref<1x256x16xf32, #tpu.memory_space<vmem>> -> memref<256x16xf32, #tpu.memory_space<vmem>>
        %dma_wait3A_496 = arith.constant 0 : i32
        %dma_wait3A_497 = arith.constant 0 : i32
        %dma_wait3A_498 = tpu.memref_slice %arg5[%dma_wait3A_496, %dma_wait3A_497] : memref<640x16xf32, #tpu.memory_space<hbm>> -> memref<256x16xf32, #tpu.memory_space<hbm>>
        %dma_wait3A_499 = arith.constant 0 : i32
        %dma_wait3A_500 = arith.constant 0 : i32
        %dma_wait3A_501 = tpu.memref_slice %arg9[%dma_wait3A_491, %dma_wait3A_499, %dma_wait3A_500] : memref<2x256x16xf32, #tpu.memory_space<vmem>> -> memref<1x256x16xf32, #tpu.memory_space<vmem>>
        %dma_wait3A_502 = tpu.memref_squeeze %dma_wait3A_501 : memref<1x256x16xf32, #tpu.memory_space<vmem>> -> memref<256x16xf32, #tpu.memory_space<vmem>>
        %dma_wait3A_503 = arith.constant 0 : i32
        %dma_wait3A_504 = arith.constant 0 : i32
        %dma_wait3A_505 = tpu.memref_slice %arg5[%dma_wait3A_503, %dma_wait3A_504] : memref<640x16xf32, #tpu.memory_space<hbm>> -> memref<256x16xf32, #tpu.memory_space<hbm>>
        tpu.wait_dma2 semaphore(%arg13 : memref<!tpu.dma_semaphore, #tpu.memory_space<semaphore_mem>>) src(%dma_wait3A_505 : memref<256x16xf32, #tpu.memory_space<hbm>>) dst(%dma_wait3A_502 : memref<256x16xf32, #tpu.memory_space<vmem>>)
        %dma_start3A_506 = arith.constant 1 : i32
        %dma_start3A_507 = arith.constant 7 : i32
        %dma_start3A_508 = arith.constant 0 : i32
        %dma_start3A_509 = arith.constant 0 : i32
        %dma_start3A_510 = tpu.memref_slice %arg9[%dma_start3A_506, %dma_start3A_508, %dma_start3A_509] : memref<2x256x16xf32, #tpu.memory_space<vmem>> -> memref<1x256x16xf32, #tpu.memory_space<vmem>>
        %dma_start3A_511 = tpu.memref_squeeze %dma_start3A_510 : memref<1x256x16xf32, #tpu.memory_space<vmem>> -> memref<256x16xf32, #tpu.memory_space<vmem>>
        %dma_start3A_512 = arith.constant 0 : i32
        %dma_start3A_513 = tpu.memref_slice %arg8[%rem3A_87, %dma_start3A_507, %dma_start3A_512] : memref<2x8x256xi32, #tpu.memory_space<vmem>> -> memref<1x1x256xi32, #tpu.memory_space<vmem>>
        %dma_start3A_514 = tpu.memref_squeeze %dma_start3A_513 : memref<1x1x256xi32, #tpu.memory_space<vmem>> -> memref<256xi32, #tpu.memory_space<vmem>>
        %dma_start3A_515 = arith.constant 0 : i32
        %dma_start3A_516 = arith.constant 0 : i32
        %dma_start3A_517 = tpu.memref_slice %arg10[%dma_start3A_515, %dma_start3A_516] : memref<51200x16xf32, #tpu.memory_space<vmem_shared>> -> memref<51200x16xf32, #tpu.memory_space<vmem_shared>>
        tpu.enqueue_indirect_dma source(%dma_start3A_511 : memref<256x16xf32, #tpu.memory_space<vmem>>) target(%dma_start3A_517 : memref<51200x16xf32, #tpu.memory_space<vmem_shared>>) offsets(%dma_start3A_514 : memref<256xi32, #tpu.memory_space<vmem>>) semaphore(%arg13 : memref<!tpu.dma_semaphore, #tpu.memory_space<semaphore_mem>>) {add = true}
        %dma_start3A_518 = arith.constant 0 : i32
        %dma_start3A_519 = arith.constant 0 : i32
        %dma_start3A_520 = arith.constant 0 : i32
        %dma_start3A_521 = arith.constant 0 : i32
        %dma_start3A_522 = tpu.memref_slice %arg9[%dma_start3A_519, %dma_start3A_520, %dma_start3A_521] : memref<2x256x16xf32, #tpu.memory_space<vmem>> -> memref<1x256x16xf32, #tpu.memory_space<vmem>>
        %dma_start3A_523 = tpu.memref_squeeze %dma_start3A_522 : memref<1x256x16xf32, #tpu.memory_space<vmem>> -> memref<256x16xf32, #tpu.memory_space<vmem>>
        %dma_start3A_524 = arith.constant 0 : i32
        %dma_start3A_525 = tpu.memref_slice %arg7[%rem3A_91, %dma_start3A_518, %dma_start3A_524] : memref<2x8x256xi32, #tpu.memory_space<vmem>> -> memref<1x1x256xi32, #tpu.memory_space<vmem>>
        %dma_start3A_526 = tpu.memref_squeeze %dma_start3A_525 : memref<1x1x256xi32, #tpu.memory_space<vmem>> -> memref<256xi32, #tpu.memory_space<vmem>>
        %dma_start3A_527 = arith.constant 0 : i32
        %dma_start3A_528 = arith.constant 0 : i32
        %dma_start3A_529 = tpu.memref_slice %arg11[%dma_start3A_527, %dma_start3A_528] : memref<50000x16xf32, #tpu.memory_space<vmem_shared>> -> memref<50000x16xf32, #tpu.memory_space<vmem_shared>>
        tpu.enqueue_indirect_dma source(%dma_start3A_529 : memref<50000x16xf32, #tpu.memory_space<vmem_shared>>) target(%dma_start3A_523 : memref<256x16xf32, #tpu.memory_space<vmem>>) offsets(%dma_start3A_526 : memref<256xi32, #tpu.memory_space<vmem>>) semaphore(%arg12 : memref<!tpu.dma_semaphore, #tpu.memory_space<semaphore_mem>>)
      }
      %scan3A_50 = arith.constant 26 : i32
      %dma_wait3A = arith.constant 0 : i32
      %dma_wait3A_51 = arith.constant 0 : i32
      %dma_wait3A_52 = arith.constant 0 : i32
      %dma_wait3A_53 = tpu.memref_slice %arg9[%dma_wait3A, %dma_wait3A_51, %dma_wait3A_52] : memref<2x256x16xf32, #tpu.memory_space<vmem>> -> memref<1x256x16xf32, #tpu.memory_space<vmem>>
      %dma_wait3A_54 = tpu.memref_squeeze %dma_wait3A_53 : memref<1x256x16xf32, #tpu.memory_space<vmem>> -> memref<256x16xf32, #tpu.memory_space<vmem>>
      %dma_wait3A_55 = arith.constant 0 : i32
      %dma_wait3A_56 = arith.constant 0 : i32
      %dma_wait3A_57 = tpu.memref_slice %arg5[%dma_wait3A_55, %dma_wait3A_56] : memref<640x16xf32, #tpu.memory_space<hbm>> -> memref<256x16xf32, #tpu.memory_space<hbm>>
      %dma_wait3A_58 = arith.constant 0 : i32
      %dma_wait3A_59 = arith.constant 0 : i32
      %dma_wait3A_60 = tpu.memref_slice %arg9[%dma_wait3A, %dma_wait3A_58, %dma_wait3A_59] : memref<2x256x16xf32, #tpu.memory_space<vmem>> -> memref<1x256x16xf32, #tpu.memory_space<vmem>>
      %dma_wait3A_61 = tpu.memref_squeeze %dma_wait3A_60 : memref<1x256x16xf32, #tpu.memory_space<vmem>> -> memref<256x16xf32, #tpu.memory_space<vmem>>
      %dma_wait3A_62 = arith.constant 0 : i32
      %dma_wait3A_63 = arith.constant 0 : i32
      %dma_wait3A_64 = tpu.memref_slice %arg5[%dma_wait3A_62, %dma_wait3A_63] : memref<640x16xf32, #tpu.memory_space<hbm>> -> memref<256x16xf32, #tpu.memory_space<hbm>>
      tpu.wait_dma2 semaphore(%arg13 : memref<!tpu.dma_semaphore, #tpu.memory_space<semaphore_mem>>) src(%dma_wait3A_64 : memref<256x16xf32, #tpu.memory_space<hbm>>) dst(%dma_wait3A_61 : memref<256x16xf32, #tpu.memory_space<vmem>>)
      %dma_wait3A_65 = arith.constant 1 : i32
      %dma_wait3A_66 = arith.constant 0 : i32
      %dma_wait3A_67 = arith.constant 0 : i32
      %dma_wait3A_68 = tpu.memref_slice %arg9[%dma_wait3A_65, %dma_wait3A_66, %dma_wait3A_67] : memref<2x256x16xf32, #tpu.memory_space<vmem>> -> memref<1x256x16xf32, #tpu.memory_space<vmem>>
      %dma_wait3A_69 = tpu.memref_squeeze %dma_wait3A_68 : memref<1x256x16xf32, #tpu.memory_space<vmem>> -> memref<256x16xf32, #tpu.memory_space<vmem>>
      %dma_wait3A_70 = arith.constant 0 : i32
      %dma_wait3A_71 = arith.constant 0 : i32
      %dma_wait3A_72 = tpu.memref_slice %arg5[%dma_wait3A_70, %dma_wait3A_71] : memref<640x16xf32, #tpu.memory_space<hbm>> -> memref<256x16xf32, #tpu.memory_space<hbm>>
      %dma_wait3A_73 = arith.constant 0 : i32
      %dma_wait3A_74 = arith.constant 0 : i32
      %dma_wait3A_75 = tpu.memref_slice %arg9[%dma_wait3A_65, %dma_wait3A_73, %dma_wait3A_74] : memref<2x256x16xf32, #tpu.memory_space<vmem>> -> memref<1x256x16xf32, #tpu.memory_space<vmem>>
      %dma_wait3A_76 = tpu.memref_squeeze %dma_wait3A_75 : memref<1x256x16xf32, #tpu.memory_space<vmem>> -> memref<256x16xf32, #tpu.memory_space<vmem>>
      %dma_wait3A_77 = arith.constant 0 : i32
      %dma_wait3A_78 = arith.constant 0 : i32
      %dma_wait3A_79 = tpu.memref_slice %arg5[%dma_wait3A_77, %dma_wait3A_78] : memref<640x16xf32, #tpu.memory_space<hbm>> -> memref<256x16xf32, #tpu.memory_space<hbm>>
      tpu.wait_dma2 semaphore(%arg12 : memref<!tpu.dma_semaphore, #tpu.memory_space<semaphore_mem>>) src(%dma_wait3A_79 : memref<256x16xf32, #tpu.memory_space<hbm>>) dst(%dma_wait3A_76 : memref<256x16xf32, #tpu.memory_space<vmem>>)
      %barrier3A_80 = arith.constant 0 : index
      tpu.barrier barrier_id(%barrier3A_80)
      %mul3A_81 = arith.constant 3200 : i32
      %mul3A_82 = arith.muli %arg1, %mul3A_81 : i32
      %mul3A_83 = arith.constant 3200 : i32
      %mul3A_84 = arith.muli %arg1, %mul3A_83 : i32
      "tpu.region"() ({
        %run_scoped3A_86 = tpu.sem_alloc : memref<!tpu.dma_semaphore, #tpu.memory_space<semaphore_mem>>
        %dma_start3A_87 = tpu.memref_slice %arg6[%mul3A_84, %mul3A_10] : memref<51200x64xf32, #tpu.memory_space<hbm>> -> memref<3200x16xf32, #tpu.memory_space<hbm>>
        %dma_start3A_88 = arith.constant 0 : i32
        %dma_start3A_89 = tpu.memref_slice %arg10[%mul3A_82, %dma_start3A_88] : memref<51200x16xf32, #tpu.memory_space<vmem_shared>> -> memref<3200x16xf32, #tpu.memory_space<vmem_shared>>
        tpu.enqueue_dma source(%dma_start3A_89 : memref<3200x16xf32, #tpu.memory_space<vmem_shared>>) target(%dma_start3A_87 : memref<3200x16xf32, #tpu.memory_space<hbm>>) target_semaphore(%run_scoped3A_86 : memref<!tpu.dma_semaphore, #tpu.memory_space<semaphore_mem>>)
        %dma_wait3A_90 = tpu.memref_slice %arg6[%mul3A_84, %mul3A_10] : memref<51200x64xf32, #tpu.memory_space<hbm>> -> memref<3200x16xf32, #tpu.memory_space<hbm>>
        %dma_wait3A_91 = arith.constant 0 : i32
        %dma_wait3A_92 = tpu.memref_slice %arg10[%mul3A_82, %dma_wait3A_91] : memref<51200x16xf32, #tpu.memory_space<vmem_shared>> -> memref<3200x16xf32, #tpu.memory_space<vmem_shared>>
        tpu.wait_dma2 semaphore(%run_scoped3A_86 : memref<!tpu.dma_semaphore, #tpu.memory_space<semaphore_mem>>) src(%dma_wait3A_92 : memref<3200x16xf32, #tpu.memory_space<vmem_shared>>) dst(%dma_wait3A_90 : memref<3200x16xf32, #tpu.memory_space<hbm>>)
        tpu.yield
      }) : () -> ()
      %barrier3A_85 = arith.constant 0 : index
      tpu.barrier barrier_id(%barrier3A_85)
    }
    %scan3A_5 = arith.constant 2 : i32
    return
  }
}

module attributes {stable_mosaic.version = 14 : i64} {
  func.func @body(%arg0: i32, %arg1: memref<2000x16xf32, #tpu.memory_space<vmem>>, %arg2: memref<2000x16xf32, #tpu.memory_space<vmem>>, %arg3: memref<2000x5xf32, #tpu.memory_space<vmem>>, %arg4: memref<2000x16xf32, #tpu.memory_space<vmem>>, %arg5: memref<2000x1xf32, #tpu.memory_space<vmem>>) attributes {dimension_semantics = [#tpu.dimension_semantics<arbitrary>], iteration_bounds = array<i64: 25>, scalar_prefetch = 0 : i64, scratch_operands = 0 : i64, tpu.core_type = #tpu.core_type<tc>, window_params = [{transform_indices = @transform_0, window_bounds = array<i64: 2000, 16>}, {transform_indices = @transform_1, window_bounds = array<i64: 2000, 16>}, {transform_indices = @transform_2, window_bounds = array<i64: 2000, 5>}, {transform_indices = @transform_3, window_bounds = array<i64: 2000, 16>}, {transform_indices = @transform_4, window_bounds = array<i64: 2000, 1>}]} {
    %get3A = arith.constant 0 : index
    %get3A_0 = arith.constant 0 : index
    %get3A_1 = vector.load %arg1[%get3A, %get3A_0] : memref<2000x16xf32, #tpu.memory_space<vmem>>, vector<2000x1xf32>
    %get3A_2 = arith.constant 0 : index
    %get3A_3 = arith.constant 0 : index
    %get3A_4 = vector.load %arg2[%get3A_2, %get3A_3] : memref<2000x16xf32, #tpu.memory_space<vmem>>, vector<2000x1xf32>
    %add3A = arith.addf %get3A_1, %get3A_4 : vector<2000x1xf32>
    %add3A_5 = arith.constant 1.000000e+00 : f32
    %add3A_6 = vector.broadcast %add3A_5 : f32 to vector<2000x1xf32>
    %add3A_7 = arith.addf %add3A, %add3A_6 : vector<2000x1xf32>
    %rsqrt3A = math.rsqrt %add3A_7 : vector<2000x1xf32>
    %swap3A = arith.constant 0 : index
    %swap3A_8 = arith.constant 0 : index
    %swap3A_9 = vector.load %arg5[%swap3A, %swap3A_8] : memref<2000x1xf32, #tpu.memory_space<vmem>>, vector<2000x1xf32>
    tpu.vector_store %arg5[%swap3A, %swap3A_8], %rsqrt3A {strides = array<i32>} : memref<2000x1xf32, #tpu.memory_space<vmem>>, vector<2000x1xf32>,
    %get3A_10 = arith.constant 0 : index
    %get3A_11 = arith.constant 0 : index
    %get3A_12 = vector.load %arg3[%get3A_10, %get3A_11] : memref<2000x5xf32, #tpu.memory_space<vmem>>, vector<2000x5xf32>
    %mul3A = vector.broadcast %rsqrt3A : vector<2000x1xf32> to vector<2000x5xf32>
    %mul3A_13 = arith.mulf %get3A_12, %mul3A : vector<2000x5xf32>
    %jit3A = arith.constant 0 : i32
    %convert_element_type3A = arith.sitofp %jit3A : i32 to f32
    %pad3A = vector.broadcast %convert_element_type3A : f32 to vector<2000x11xf32>
    %pad3A_14 = tpu.concatenate %mul3A_13, %pad3A in 1 : vector<2000x5xf32>, vector<2000x11xf32> -> vector<2000x16xf32>
    %swap3A_15 = arith.constant 0 : index
    %swap3A_16 = arith.constant 0 : index
    %swap3A_17 = vector.load %arg4[%swap3A_15, %swap3A_16] : memref<2000x16xf32, #tpu.memory_space<vmem>>, vector<2000x16xf32>
    tpu.vector_store %arg4[%swap3A_15, %swap3A_16], %pad3A_14 {strides = array<i32>} : memref<2000x16xf32, #tpu.memory_space<vmem>>, vector<2000x16xf32>,
    return
  }
  func.func @transform_0(%arg0: i32) -> (i32, i32) {
    %c0_i32 = arith.constant 0 : i32
    %c0_i32_0 = arith.constant 0 : i32
    return %arg0, %c0_i32 : i32, i32
  }
  func.func @transform_1(%arg0: i32) -> (i32, i32) {
    %c0_i32 = arith.constant 0 : i32
    %c0_i32_0 = arith.constant 0 : i32
    return %arg0, %c0_i32 : i32, i32
  }
  func.func @transform_2(%arg0: i32) -> (i32, i32) {
    %c0_i32 = arith.constant 0 : i32
    %c0_i32_0 = arith.constant 0 : i32
    return %arg0, %c0_i32 : i32, i32
  }
  func.func @transform_3(%arg0: i32) -> (i32, i32) {
    %c0_i32 = arith.constant 0 : i32
    %c0_i32_0 = arith.constant 0 : i32
    return %arg0, %c0_i32 : i32, i32
  }
  func.func @transform_4(%arg0: i32) -> (i32, i32) {
    %c0_i32 = arith.constant 0 : i32
    %c0_i32_0 = arith.constant 0 : i32
    return %arg0, %c0_i32 : i32, i32
  }
}

module attributes {stable_mosaic.version = 14 : i64} {
  func.func @body(%arg0: i32, %arg1: memref<2000x16xf32, #tpu.memory_space<vmem>>, %arg2: memref<2000x16xf32, #tpu.memory_space<vmem>>, %arg3: memref<2000x1xf32, #tpu.memory_space<vmem>>, %arg4: memref<16x64xf32, #tpu.memory_space<vmem>>, %arg5: memref<1x64xf32, #tpu.memory_space<vmem>>, %arg6: memref<64x64xf32, #tpu.memory_space<vmem>>, %arg7: memref<2000x64xf32, #tpu.memory_space<vmem>>) attributes {dimension_semantics = [#tpu.dimension_semantics<arbitrary>], iteration_bounds = array<i64: 25>, scalar_prefetch = 0 : i64, scratch_operands = 0 : i64, tpu.core_type = #tpu.core_type<tc>, window_params = [{transform_indices = @transform_0, window_bounds = array<i64: 2000, 16>}, {transform_indices = @transform_1, window_bounds = array<i64: 2000, 16>}, {transform_indices = @transform_2, window_bounds = array<i64: 2000, 1>}, {pipeline_mode = #tpu.pipeline_mode<synchronous>, transform_indices = @transform_3, window_bounds = array<i64: 16, 64>}, {pipeline_mode = #tpu.pipeline_mode<synchronous>, transform_indices = @transform_4, window_bounds = array<i64: 1, 64>}, {pipeline_mode = #tpu.pipeline_mode<synchronous>, transform_indices = @transform_5, window_bounds = array<i64: 64, 64>}, {transform_indices = @transform_6, window_bounds = array<i64: 2000, 64>}]} {
    %get3A = arith.constant 0 : index
    %get3A_0 = arith.constant 0 : index
    %get3A_1 = vector.load %arg3[%get3A, %get3A_0] : memref<2000x1xf32, #tpu.memory_space<vmem>>, vector<2000x1xf32>
    %get3A_2 = arith.constant 0 : index
    %get3A_3 = arith.constant 0 : index
    %get3A_4 = vector.load %arg1[%get3A_2, %get3A_3] : memref<2000x16xf32, #tpu.memory_space<vmem>>, vector<2000x16xf32>
    %get3A_5 = arith.constant 0 : index
    %get3A_6 = arith.constant 0 : index
    %get3A_7 = vector.load %arg2[%get3A_5, %get3A_6] : memref<2000x16xf32, #tpu.memory_space<vmem>>, vector<2000x16xf32>
    %add3A = arith.addf %get3A_4, %get3A_7 : vector<2000x16xf32>
    %mul3A = vector.broadcast %get3A_1 : vector<2000x1xf32> to vector<2000x16xf32>
    %mul3A_8 = arith.mulf %mul3A, %add3A : vector<2000x16xf32>
    %get3A_9 = arith.constant 0 : index
    %get3A_10 = arith.constant 0 : index
    %get3A_11 = vector.load %arg4[%get3A_9, %get3A_10] : memref<16x64xf32, #tpu.memory_space<vmem>>, vector<16x64xf32>
    %dot_general3A = arith.constant dense<0.000000e+00> : vector<2000x64xf32>
    %dot_general3A_12 = tpu.matmul %mul3A_8, %get3A_11, %dot_general3A {dimension_numbers = #tpu.dot_dimension_numbers<[1], [0], [0], [1], [0, 0, 1, 1], [], []>, transpose_lhs_hint = false} : vector<2000x16xf32>, vector<16x64xf32>, vector<2000x64xf32> -> vector<2000x64xf32>
    %get3A_13 = arith.constant 0 : index
    %get3A_14 = arith.constant 0 : index
    %get3A_15 = vector.load %arg5[%get3A_13, %get3A_14] : memref<1x64xf32, #tpu.memory_space<vmem>>, vector<1x64xf32>
    %add3A_16 = vector.broadcast %get3A_15 : vector<1x64xf32> to vector<2000x64xf32>
    %add3A_17 = arith.addf %dot_general3A_12, %add3A_16 : vector<2000x64xf32>
    %max3A = arith.constant 0.000000e+00 : f32
    %max3A_18 = vector.broadcast %max3A : f32 to vector<2000x64xf32>
    %max3A_19 = arith.maximumf %add3A_17, %max3A_18 : vector<2000x64xf32>
    %get3A_20 = arith.constant 0 : index
    %get3A_21 = arith.constant 0 : index
    %get3A_22 = vector.load %arg6[%get3A_20, %get3A_21] : memref<64x64xf32, #tpu.memory_space<vmem>>, vector<64x64xf32>
    %dot_general3A_23 = arith.constant dense<0.000000e+00> : vector<2000x64xf32>
    %dot_general3A_24 = tpu.matmul %max3A_19, %get3A_22, %dot_general3A_23 {dimension_numbers = #tpu.dot_dimension_numbers<[1], [0], [0], [1], [0, 0, 1, 1], [], []>, transpose_lhs_hint = false} : vector<2000x64xf32>, vector<64x64xf32>, vector<2000x64xf32> -> vector<2000x64xf32>
    %mul3A_25 = vector.broadcast %get3A_1 : vector<2000x1xf32> to vector<2000x64xf32>
    %mul3A_26 = arith.mulf %mul3A_25, %dot_general3A_24 : vector<2000x64xf32>
    %swap3A = arith.constant 0 : index
    %swap3A_27 = arith.constant 0 : index
    %swap3A_28 = vector.load %arg7[%swap3A, %swap3A_27] : memref<2000x64xf32, #tpu.memory_space<vmem>>, vector<2000x64xf32>
    tpu.vector_store %arg7[%swap3A, %swap3A_27], %mul3A_26 {strides = array<i32>} : memref<2000x64xf32, #tpu.memory_space<vmem>>, vector<2000x64xf32>,
    return
  }
  func.func @transform_0(%arg0: i32) -> (i32, i32) {
    %c0_i32 = arith.constant 0 : i32
    %c0_i32_0 = arith.constant 0 : i32
    return %arg0, %c0_i32 : i32, i32
  }
  func.func @transform_1(%arg0: i32) -> (i32, i32) {
    %c0_i32 = arith.constant 0 : i32
    %c0_i32_0 = arith.constant 0 : i32
    return %arg0, %c0_i32 : i32, i32
  }
  func.func @transform_2(%arg0: i32) -> (i32, i32) {
    %c0_i32 = arith.constant 0 : i32
    %c0_i32_0 = arith.constant 0 : i32
    return %arg0, %c0_i32 : i32, i32
  }
  func.func @transform_3(%arg0: i32) -> (i32, i32) {
    %c0_i32 = arith.constant 0 : i32
    %c0_i32_0 = arith.constant 0 : i32
    %c0_i32_1 = arith.constant 0 : i32
    return %c0_i32, %c0_i32_0 : i32, i32
  }
  func.func @transform_4(%arg0: i32) -> (i32, i32) {
    %c0_i32 = arith.constant 0 : i32
    %c0_i32_0 = arith.constant 0 : i32
    %c0_i32_1 = arith.constant 0 : i32
    return %c0_i32, %c0_i32_0 : i32, i32
  }
  func.func @transform_5(%arg0: i32) -> (i32, i32) {
    %c0_i32 = arith.constant 0 : i32
    %c0_i32_0 = arith.constant 0 : i32
    %c0_i32_1 = arith.constant 0 : i32
    return %c0_i32, %c0_i32_0 : i32, i32
  }
  func.func @transform_6(%arg0: i32) -> (i32, i32) {
    %c0_i32 = arith.constant 0 : i32
    %c0_i32_0 = arith.constant 0 : i32
    return %arg0, %c0_i32 : i32, i32
  }
}

module attributes {stable_mosaic.version = 14 : i64} {
  func.func @body(%arg0: i32, %arg1: memref<2000x64xf32, #tpu.memory_space<vmem>>, %arg2: memref<2000x1xf32, #tpu.memory_space<vmem>>, %arg3: memref<1x64xf32, #tpu.memory_space<vmem>>, %arg4: memref<64x64xf32, #tpu.memory_space<vmem>>, %arg5: memref<2000x64xf32, #tpu.memory_space<vmem>>) attributes {dimension_semantics = [#tpu.dimension_semantics<arbitrary>], iteration_bounds = array<i64: 25>, scalar_prefetch = 0 : i64, scratch_operands = 0 : i64, tpu.core_type = #tpu.core_type<tc>, window_params = [{transform_indices = @transform_0, window_bounds = array<i64: 2000, 64>}, {transform_indices = @transform_1, window_bounds = array<i64: 2000, 1>}, {pipeline_mode = #tpu.pipeline_mode<synchronous>, transform_indices = @transform_2, window_bounds = array<i64: 1, 64>}, {pipeline_mode = #tpu.pipeline_mode<synchronous>, transform_indices = @transform_3, window_bounds = array<i64: 64, 64>}, {transform_indices = @transform_4, window_bounds = array<i64: 2000, 64>}]} {
    %get3A = arith.constant 0 : index
    %get3A_0 = arith.constant 0 : index
    %get3A_1 = vector.load %arg2[%get3A, %get3A_0] : memref<2000x1xf32, #tpu.memory_space<vmem>>, vector<2000x1xf32>
    %get3A_2 = arith.constant 0 : index
    %get3A_3 = arith.constant 0 : index
    %get3A_4 = vector.load %arg1[%get3A_2, %get3A_3] : memref<2000x64xf32, #tpu.memory_space<vmem>>, vector<2000x64xf32>
    %mul3A = vector.broadcast %get3A_1 : vector<2000x1xf32> to vector<2000x64xf32>
    %mul3A_5 = arith.mulf %mul3A, %get3A_4 : vector<2000x64xf32>
    %get3A_6 = arith.constant 0 : index
    %get3A_7 = arith.constant 0 : index
    %get3A_8 = vector.load %arg3[%get3A_6, %get3A_7] : memref<1x64xf32, #tpu.memory_space<vmem>>, vector<1x64xf32>
    %add3A = vector.broadcast %get3A_8 : vector<1x64xf32> to vector<2000x64xf32>
    %add3A_9 = arith.addf %mul3A_5, %add3A : vector<2000x64xf32>
    %max3A = arith.constant 0.000000e+00 : f32
    %max3A_10 = vector.broadcast %max3A : f32 to vector<2000x64xf32>
    %max3A_11 = arith.maximumf %add3A_9, %max3A_10 : vector<2000x64xf32>
    %get3A_12 = arith.constant 0 : index
    %get3A_13 = arith.constant 0 : index
    %get3A_14 = vector.load %arg4[%get3A_12, %get3A_13] : memref<64x64xf32, #tpu.memory_space<vmem>>, vector<64x64xf32>
    %dot_general3A = arith.constant dense<0.000000e+00> : vector<2000x64xf32>
    %dot_general3A_15 = tpu.matmul %max3A_11, %get3A_14, %dot_general3A {dimension_numbers = #tpu.dot_dimension_numbers<[1], [0], [0], [1], [0, 0, 1, 1], [], []>, transpose_lhs_hint = false} : vector<2000x64xf32>, vector<64x64xf32>, vector<2000x64xf32> -> vector<2000x64xf32>
    %mul3A_16 = vector.broadcast %get3A_1 : vector<2000x1xf32> to vector<2000x64xf32>
    %mul3A_17 = arith.mulf %mul3A_16, %dot_general3A_15 : vector<2000x64xf32>
    %swap3A = arith.constant 0 : index
    %swap3A_18 = arith.constant 0 : index
    %swap3A_19 = vector.load %arg5[%swap3A, %swap3A_18] : memref<2000x64xf32, #tpu.memory_space<vmem>>, vector<2000x64xf32>
    tpu.vector_store %arg5[%swap3A, %swap3A_18], %mul3A_17 {strides = array<i32>} : memref<2000x64xf32, #tpu.memory_space<vmem>>, vector<2000x64xf32>,
    return
  }
  func.func @transform_0(%arg0: i32) -> (i32, i32) {
    %c0_i32 = arith.constant 0 : i32
    %c0_i32_0 = arith.constant 0 : i32
    return %arg0, %c0_i32 : i32, i32
  }
  func.func @transform_1(%arg0: i32) -> (i32, i32) {
    %c0_i32 = arith.constant 0 : i32
    %c0_i32_0 = arith.constant 0 : i32
    return %arg0, %c0_i32 : i32, i32
  }
  func.func @transform_2(%arg0: i32) -> (i32, i32) {
    %c0_i32 = arith.constant 0 : i32
    %c0_i32_0 = arith.constant 0 : i32
    %c0_i32_1 = arith.constant 0 : i32
    return %c0_i32, %c0_i32_0 : i32, i32
  }
  func.func @transform_3(%arg0: i32) -> (i32, i32) {
    %c0_i32 = arith.constant 0 : i32
    %c0_i32_0 = arith.constant 0 : i32
    %c0_i32_1 = arith.constant 0 : i32
    return %c0_i32, %c0_i32_0 : i32, i32
  }
  func.func @transform_4(%arg0: i32) -> (i32, i32) {
    %c0_i32 = arith.constant 0 : i32
    %c0_i32_0 = arith.constant 0 : i32
    return %arg0, %c0_i32 : i32, i32
  }
}

module attributes {stable_mosaic.version = 14 : i64} {
  func.func @body(%arg0: i32, %arg1: memref<2000x64xf32, #tpu.memory_space<vmem>>, %arg2: memref<2000x1xf32, #tpu.memory_space<vmem>>, %arg3: memref<1x64xf32, #tpu.memory_space<vmem>>, %arg4: memref<2000x5xf32, #tpu.memory_space<vmem>>, %arg5: memref<72x64xf32, #tpu.memory_space<vmem>>, %arg6: memref<1x64xf32, #tpu.memory_space<vmem>>, %arg7: memref<64x32xf32, #tpu.memory_space<vmem>>, %arg8: memref<1x32xf32, #tpu.memory_space<vmem>>, %arg9: memref<32x16xf32, #tpu.memory_space<vmem>>, %arg10: memref<1x16xf32, #tpu.memory_space<vmem>>, %arg11: memref<1x16xf32, #tpu.memory_space<vmem>>, %arg12: memref<1x64xf32, #tpu.memory_space<vmem>>, %arg13: memref<1x8xf32, #tpu.memory_space<vmem>>) attributes {dimension_semantics = [#tpu.dimension_semantics<arbitrary>], iteration_bounds = array<i64: 25>, scalar_prefetch = 0 : i64, scratch_operands = 2 : i64, tpu.core_type = #tpu.core_type<tc>, window_params = [{transform_indices = @transform_0, window_bounds = array<i64: 2000, 64>}, {transform_indices = @transform_1, window_bounds = array<i64: 2000, 1>}, {pipeline_mode = #tpu.pipeline_mode<synchronous>, transform_indices = @transform_2, window_bounds = array<i64: 1, 64>}, {transform_indices = @transform_3, window_bounds = array<i64: 2000, 5>}, {pipeline_mode = #tpu.pipeline_mode<synchronous>, transform_indices = @transform_4, window_bounds = array<i64: 72, 64>}, {pipeline_mode = #tpu.pipeline_mode<synchronous>, transform_indices = @transform_5, window_bounds = array<i64: 1, 64>}, {pipeline_mode = #tpu.pipeline_mode<synchronous>, transform_indices = @transform_6, window_bounds = array<i64: 64, 32>}, {pipeline_mode = #tpu.pipeline_mode<synchronous>, transform_indices = @transform_7, window_bounds = array<i64: 1, 32>}, {pipeline_mode = #tpu.pipeline_mode<synchronous>, transform_indices = @transform_8, window_bounds = array<i64: 32, 16>}, {pipeline_mode = #tpu.pipeline_mode<synchronous>, transform_indices = @transform_9, window_bounds = array<i64: 1, 16>}, {pipeline_mode = #tpu.pipeline_mode<synchronous>, transform_indices = @transform_10, window_bounds = array<i64: 1, 16>}]} {
    %eq3A = arith.constant 0 : i32
    %eq3A_0 = arith.cmpi eq, %arg0, %eq3A : i32
    %convert_element_type3A = arith.extui %eq3A_0 : i1 to i32
    %cond3A = arith.constant 0 : i32
    %cond3A_1 = arith.cmpi ne, %convert_element_type3A, %cond3A : i32
    scf.if %cond3A_1 {
      %broadcast_in_dim3A_51 = arith.constant 0.000000e+00 : f32
      %broadcast_in_dim3A_52 = vector.broadcast %broadcast_in_dim3A_51 : f32 to vector<1x64xf32>
      %swap3A_53 = arith.constant 0 : index
      %swap3A_54 = arith.constant 0 : index
      %swap3A_55 = vector.load %arg12[%swap3A_53, %swap3A_54] : memref<1x64xf32, #tpu.memory_space<vmem>>, vector<1x64xf32>
      tpu.vector_store %arg12[%swap3A_53, %swap3A_54], %broadcast_in_dim3A_52 {strides = array<i32>} : memref<1x64xf32, #tpu.memory_space<vmem>>, vector<1x64xf32>,
      %broadcast_in_dim3A_56 = arith.constant 0.000000e+00 : f32
      %broadcast_in_dim3A_57 = vector.broadcast %broadcast_in_dim3A_56 : f32 to vector<1x8xf32>
      %swap3A_58 = arith.constant 0 : index
      %swap3A_59 = arith.constant 0 : index
      %swap3A_60 = vector.load %arg13[%swap3A_58, %swap3A_59] : memref<1x8xf32, #tpu.memory_space<vmem>>, vector<1x8xf32>
      tpu.vector_store %arg13[%swap3A_58, %swap3A_59], %broadcast_in_dim3A_57 {strides = array<i32>} : memref<1x8xf32, #tpu.memory_space<vmem>>, vector<1x8xf32>,
    } else {
    }
    %get3A = arith.constant 0 : index
    %get3A_2 = arith.constant 0 : index
    %get3A_3 = vector.load %arg2[%get3A, %get3A_2] : memref<2000x1xf32, #tpu.memory_space<vmem>>, vector<2000x1xf32>
    %get3A_4 = arith.constant 0 : index
    %get3A_5 = arith.constant 0 : index
    %get3A_6 = vector.load %arg1[%get3A_4, %get3A_5] : memref<2000x64xf32, #tpu.memory_space<vmem>>, vector<2000x64xf32>
    %mul3A = vector.broadcast %get3A_3 : vector<2000x1xf32> to vector<2000x64xf32>
    %mul3A_7 = arith.mulf %mul3A, %get3A_6 : vector<2000x64xf32>
    %get3A_8 = arith.constant 0 : index
    %get3A_9 = arith.constant 0 : index
    %get3A_10 = vector.load %arg3[%get3A_8, %get3A_9] : memref<1x64xf32, #tpu.memory_space<vmem>>, vector<1x64xf32>
    %add3A = vector.broadcast %get3A_10 : vector<1x64xf32> to vector<2000x64xf32>
    %add3A_11 = arith.addf %mul3A_7, %add3A : vector<2000x64xf32>
    %max3A = arith.constant 0.000000e+00 : f32
    %max3A_12 = vector.broadcast %max3A : f32 to vector<2000x64xf32>
    %max3A_13 = arith.maximumf %add3A_11, %max3A_12 : vector<2000x64xf32>
    %broadcast_in_dim3A = arith.constant 1.000000e+00 : f32
    %broadcast_in_dim3A_14 = vector.broadcast %broadcast_in_dim3A : f32 to vector<1x2000xf32>
    %get3A_15 = arith.constant 0 : index
    %get3A_16 = arith.constant 0 : index
    %get3A_17 = vector.load %arg12[%get3A_15, %get3A_16] : memref<1x64xf32, #tpu.memory_space<vmem>>, vector<1x64xf32>
    %dot_general3A = arith.constant dense<0.000000e+00> : vector<1x64xf32>
    %dot_general3A_18 = tpu.matmul %broadcast_in_dim3A_14, %max3A_13, %dot_general3A {dimension_numbers = #tpu.dot_dimension_numbers<[1], [0], [0], [1], [0, 0, 1, 1], [], []>, precision = #tpu.contract_precision<fp32>, transpose_lhs_hint = false} : vector<1x2000xf32>, vector<2000x64xf32>, vector<1x64xf32> -> vector<1x64xf32>
    %add3A_19 = arith.addf %get3A_17, %dot_general3A_18 : vector<1x64xf32>
    %swap3A = arith.constant 0 : index
    %swap3A_20 = arith.constant 0 : index
    %swap3A_21 = vector.load %arg12[%swap3A, %swap3A_20] : memref<1x64xf32, #tpu.memory_space<vmem>>, vector<1x64xf32>
    tpu.vector_store %arg12[%swap3A, %swap3A_20], %add3A_19 {strides = array<i32>} : memref<1x64xf32, #tpu.memory_space<vmem>>, vector<1x64xf32>,
    %get3A_22 = arith.constant 0 : index
    %get3A_23 = arith.constant 0 : index
    %get3A_24 = vector.load %arg4[%get3A_22, %get3A_23] : memref<2000x5xf32, #tpu.memory_space<vmem>>, vector<2000x5xf32>
    %slice3A = vector.extract_strided_slice %get3A_24 {offsets = [0, 2], sizes = [2000, 1], strides = [1, 1]} : vector<2000x5xf32> to vector<2000x1xf32>
    %eq3A_25 = arith.constant 1.000000e+00 : f32
    %eq3A_26 = vector.broadcast %eq3A_25 : f32 to vector<2000x1xf32>
    %eq3A_27 = arith.cmpf oeq, %slice3A, %eq3A_26 : vector<2000x1xf32>
    %convert_element_type3A_28 = arith.extui %eq3A_27 : vector<2000x1xi1> to vector<2000x1xi32>
    %convert_element_type3A_29 = arith.sitofp %convert_element_type3A_28 : vector<2000x1xi32> to vector<2000x1xf32>
    %slice3A_30 = vector.extract_strided_slice %get3A_24 {offsets = [0, 2], sizes = [2000, 3], strides = [1, 1]} : vector<2000x5xf32> to vector<2000x3xf32>
    %slice3A_31 = vector.extract_strided_slice %get3A_24 {offsets = [0, 0], sizes = [2000, 2], strides = [1, 1]} : vector<2000x5xf32> to vector<2000x2xf32>
    %jit3A = arith.constant 0.000000e+00 : f32
    %broadcast_in_dim3A_32 = vector.shape_cast %eq3A_27 : vector<2000x1xi1> to vector<2000x1xi1>
    %broadcast_in_dim3A_33 = vector.broadcast %broadcast_in_dim3A_32 : vector<2000x1xi1> to vector<2000x2xi1>
    %broadcast_in_dim3A_34 = vector.broadcast %jit3A : f32 to vector<2000x2xf32>
    %select_n3A = arith.select %broadcast_in_dim3A_33, %slice3A_31, %broadcast_in_dim3A_34 : vector<2000x2xi1>, vector<2000x2xf32>
    %broadcast_in_dim3A_35 = arith.constant 0.000000e+00 : f32
    %broadcast_in_dim3A_36 = vector.broadcast %broadcast_in_dim3A_35 : f32 to vector<2000x2xf32>
    %concatenate3A = tpu.concatenate %slice3A_30, %convert_element_type3A_29, %select_n3A, %broadcast_in_dim3A_36 in 1 : vector<2000x3xf32>, vector<2000x1xf32>, vector<2000x2xf32>, vector<2000x2xf32> -> vector<2000x8xf32>
    %get3A_37 = arith.constant 0 : index
    %get3A_38 = arith.constant 0 : index
    %get3A_39 = vector.load %arg13[%get3A_37, %get3A_38] : memref<1x8xf32, #tpu.memory_space<vmem>>, vector<1x8xf32>
    %dot_general3A_40 = arith.constant dense<0.000000e+00> : vector<1x8xf32>
    %dot_general3A_41 = tpu.matmul %broadcast_in_dim3A_14, %concatenate3A, %dot_general3A_40 {dimension_numbers = #tpu.dot_dimension_numbers<[1], [0], [0], [1], [0, 0, 1, 1], [], []>, precision = #tpu.contract_precision<fp32>, transpose_lhs_hint = false} : vector<1x2000xf32>, vector<2000x8xf32>, vector<1x8xf32> -> vector<1x8xf32>
    %add3A_42 = arith.addf %get3A_39, %dot_general3A_41 : vector<1x8xf32>
    %swap3A_43 = arith.constant 0 : index
    %swap3A_44 = arith.constant 0 : index
    %swap3A_45 = vector.load %arg13[%swap3A_43, %swap3A_44] : memref<1x8xf32, #tpu.memory_space<vmem>>, vector<1x8xf32>
    tpu.vector_store %arg13[%swap3A_43, %swap3A_44], %add3A_42 {strides = array<i32>} : memref<1x8xf32, #tpu.memory_space<vmem>>, vector<1x8xf32>,
    %eq3A_46 = arith.constant 24 : i32
    %eq3A_47 = arith.cmpi eq, %arg0, %eq3A_46 : i32
    %convert_element_type3A_48 = arith.extui %eq3A_47 : i1 to i32
    %cond3A_49 = arith.constant 0 : i32
    %cond3A_50 = arith.cmpi ne, %convert_element_type3A_48, %cond3A_49 : i32
    scf.if %cond3A_50 {
      %get3A_51 = arith.constant 0 : index
      %get3A_52 = arith.constant 0 : index
      %get3A_53 = vector.load %arg12[%get3A_51, %get3A_52] : memref<1x64xf32, #tpu.memory_space<vmem>>, vector<1x64xf32>
      %mul3A_54 = arith.constant 2.000000e-05 : f32
      %mul3A_55 = vector.broadcast %mul3A_54 : f32 to vector<1x64xf32>
      %mul3A_56 = arith.mulf %get3A_53, %mul3A_55 : vector<1x64xf32>
      %get3A_57 = arith.constant 0 : index
      %get3A_58 = arith.constant 0 : index
      %get3A_59 = vector.load %arg13[%get3A_57, %get3A_58] : memref<1x8xf32, #tpu.memory_space<vmem>>, vector<1x1xf32>
      %get3A_60 = vector.extract %get3A_59[0, 0] : f32 from vector<1x1xf32>
      %get3A_61 = arith.constant 0 : index
      %get3A_62 = arith.constant 1 : index
      %get3A_63 = vector.load %arg13[%get3A_61, %get3A_62] : memref<1x8xf32, #tpu.memory_space<vmem>>, vector<1x1xf32>
      %get3A_64 = vector.extract %get3A_63[0, 0] : f32 from vector<1x1xf32>
      %get3A_65 = arith.constant 0 : index
      %get3A_66 = arith.constant 2 : index
      %get3A_67 = vector.load %arg13[%get3A_65, %get3A_66] : memref<1x8xf32, #tpu.memory_space<vmem>>, vector<1x1xf32>
      %get3A_68 = vector.extract %get3A_67[0, 0] : f32 from vector<1x1xf32>
      %get3A_69 = arith.constant 0 : index
      %get3A_70 = arith.constant 3 : index
      %get3A_71 = vector.load %arg13[%get3A_69, %get3A_70] : memref<1x8xf32, #tpu.memory_space<vmem>>, vector<1x1xf32>
      %get3A_72 = vector.extract %get3A_71[0, 0] : f32 from vector<1x1xf32>
      %get3A_73 = arith.constant 0 : index
      %get3A_74 = arith.constant 4 : index
      %get3A_75 = vector.load %arg13[%get3A_73, %get3A_74] : memref<1x8xf32, #tpu.memory_space<vmem>>, vector<1x1xf32>
      %get3A_76 = vector.extract %get3A_75[0, 0] : f32 from vector<1x1xf32>
      %get3A_77 = arith.constant 0 : index
      %get3A_78 = arith.constant 5 : index
      %get3A_79 = vector.load %arg13[%get3A_77, %get3A_78] : memref<1x8xf32, #tpu.memory_space<vmem>>, vector<1x1xf32>
      %get3A_80 = vector.extract %get3A_79[0, 0] : f32 from vector<1x1xf32>
      %gt3A = arith.constant 0.000000e+00 : f32
      %gt3A_81 = arith.cmpf ogt, %get3A_72, %gt3A : f32
      %max3A_82 = arith.constant 1.000000e+00 : f32
      %max3A_83 = arith.maximumf %get3A_72, %max3A_82 : f32
      %div3A = arith.divf %get3A_76, %max3A_83 : f32
      %jit3A_84 = arith.constant 0.000000e+00 : f32
      %select_n3A_85 = arith.select %gt3A_81, %div3A, %jit3A_84 : f32
      %gt3A_86 = arith.constant 0.000000e+00 : f32
      %gt3A_87 = arith.cmpf ogt, %get3A_72, %gt3A_86 : f32
      %max3A_88 = arith.constant 1.000000e+00 : f32
      %max3A_89 = arith.maximumf %get3A_72, %max3A_88 : f32
      %div3A_90 = arith.divf %get3A_80, %max3A_89 : f32
      %jit3A_91 = arith.constant 0.000000e+00 : f32
      %select_n3A_92 = arith.select %gt3A_87, %div3A_90, %jit3A_91 : f32
      %iota3A = tpu.iota {dimensions = array<i32: 1>} : vector<1x8xi32>
      %broadcast_in_dim3A_93 = arith.constant 0.000000e+00 : f32
      %broadcast_in_dim3A_94 = vector.broadcast %broadcast_in_dim3A_93 : f32 to vector<1x8xf32>
      %eq3A_95 = arith.constant 0 : i32
      %eq3A_96 = vector.broadcast %eq3A_95 : i32 to vector<1x8xi32>
      %eq3A_97 = arith.cmpi eq, %iota3A, %eq3A_96 : vector<1x8xi32>
      %broadcast_in_dim3A_98 = vector.broadcast %get3A_60 : f32 to vector<1x8xf32>
      %select_n3A_99 = arith.select %eq3A_97, %broadcast_in_dim3A_98, %broadcast_in_dim3A_94 : vector<1x8xi1>, vector<1x8xf32>
      %eq3A_100 = arith.constant 1 : i32
      %eq3A_101 = vector.broadcast %eq3A_100 : i32 to vector<1x8xi32>
      %eq3A_102 = arith.cmpi eq, %iota3A, %eq3A_101 : vector<1x8xi32>
      %broadcast_in_dim3A_103 = vector.broadcast %get3A_64 : f32 to vector<1x8xf32>
      %select_n3A_104 = arith.select %eq3A_102, %broadcast_in_dim3A_103, %broadcast_in_dim3A_94 : vector<1x8xi1>, vector<1x8xf32>
      %add3A_105 = arith.addf %select_n3A_99, %select_n3A_104 : vector<1x8xf32>
      %eq3A_106 = arith.constant 2 : i32
      %eq3A_107 = vector.broadcast %eq3A_106 : i32 to vector<1x8xi32>
      %eq3A_108 = arith.cmpi eq, %iota3A, %eq3A_107 : vector<1x8xi32>
      %broadcast_in_dim3A_109 = vector.broadcast %get3A_68 : f32 to vector<1x8xf32>
      %select_n3A_110 = arith.select %eq3A_108, %broadcast_in_dim3A_109, %broadcast_in_dim3A_94 : vector<1x8xi1>, vector<1x8xf32>
      %add3A_111 = arith.addf %add3A_105, %select_n3A_110 : vector<1x8xf32>
      %eq3A_112 = arith.constant 3 : i32
      %eq3A_113 = vector.broadcast %eq3A_112 : i32 to vector<1x8xi32>
      %eq3A_114 = arith.cmpi eq, %iota3A, %eq3A_113 : vector<1x8xi32>
      %add3A_115 = arith.addf %get3A_64, %get3A_68 : f32
      %broadcast_in_dim3A_116 = vector.broadcast %add3A_115 : f32 to vector<1x8xf32>
      %select_n3A_117 = arith.select %eq3A_114, %broadcast_in_dim3A_116, %broadcast_in_dim3A_94 : vector<1x8xi1>, vector<1x8xf32>
      %add3A_118 = arith.addf %add3A_111, %select_n3A_117 : vector<1x8xf32>
      %eq3A_119 = arith.constant 4 : i32
      %eq3A_120 = vector.broadcast %eq3A_119 : i32 to vector<1x8xi32>
      %eq3A_121 = arith.cmpi eq, %iota3A, %eq3A_120 : vector<1x8xi32>
      %broadcast_in_dim3A_122 = vector.broadcast %select_n3A_85 : f32 to vector<1x8xf32>
      %select_n3A_123 = arith.select %eq3A_121, %broadcast_in_dim3A_122, %broadcast_in_dim3A_94 : vector<1x8xi1>, vector<1x8xf32>
      %add3A_124 = arith.addf %add3A_118, %select_n3A_123 : vector<1x8xf32>
      %eq3A_125 = arith.constant 5 : i32
      %eq3A_126 = vector.broadcast %eq3A_125 : i32 to vector<1x8xi32>
      %eq3A_127 = arith.cmpi eq, %iota3A, %eq3A_126 : vector<1x8xi32>
      %broadcast_in_dim3A_128 = vector.broadcast %select_n3A_92 : f32 to vector<1x8xf32>
      %select_n3A_129 = arith.select %eq3A_127, %broadcast_in_dim3A_128, %broadcast_in_dim3A_94 : vector<1x8xi1>, vector<1x8xf32>
      %add3A_130 = arith.addf %add3A_124, %select_n3A_129 : vector<1x8xf32>
      %eq3A_131 = arith.constant 6 : i32
      %eq3A_132 = vector.broadcast %eq3A_131 : i32 to vector<1x8xi32>
      %eq3A_133 = arith.cmpi eq, %iota3A, %eq3A_132 : vector<1x8xi32>
      %jit3A_134 = arith.constant 2.000000e-01 : f32
      %broadcast_in_dim3A_135 = vector.broadcast %jit3A_134 : f32 to vector<1x8xf32>
      %select_n3A_136 = arith.select %eq3A_133, %broadcast_in_dim3A_135, %broadcast_in_dim3A_94 : vector<1x8xi1>, vector<1x8xf32>
      %add3A_137 = arith.addf %add3A_130, %select_n3A_136 : vector<1x8xf32>
      %get3A_138 = arith.constant 0 : index
      %get3A_139 = arith.constant 0 : index
      %get3A_140 = vector.load %arg5[%get3A_138, %get3A_139] : memref<72x64xf32, #tpu.memory_space<vmem>>, vector<64x64xf32>
      %dot_general3A_141 = arith.constant dense<0.000000e+00> : vector<1x64xf32>
      %dot_general3A_142 = tpu.matmul %mul3A_56, %get3A_140, %dot_general3A_141 {dimension_numbers = #tpu.dot_dimension_numbers<[1], [0], [0], [1], [0, 0, 1, 1], [], []>, transpose_lhs_hint = false} : vector<1x64xf32>, vector<64x64xf32>, vector<1x64xf32> -> vector<1x64xf32>
      %get3A_143 = arith.constant 64 : index
      %get3A_144 = arith.constant 0 : index
      %get3A_145 = vector.load %arg5[%get3A_143, %get3A_144] : memref<72x64xf32, #tpu.memory_space<vmem>>, vector<8x64xf32>
      %dot_general3A_146 = arith.constant dense<0.000000e+00> : vector<1x64xf32>
      %dot_general3A_147 = tpu.matmul %add3A_137, %get3A_145, %dot_general3A_146 {dimension_numbers = #tpu.dot_dimension_numbers<[1], [0], [0], [1], [0, 0, 1, 1], [], []>, transpose_lhs_hint = false} : vector<1x8xf32>, vector<8x64xf32>, vector<1x64xf32> -> vector<1x64xf32>
      %add3A_148 = arith.addf %dot_general3A_142, %dot_general3A_147 : vector<1x64xf32>
      %get3A_149 = arith.constant 0 : index
      %get3A_150 = arith.constant 0 : index
      %get3A_151 = vector.load %arg6[%get3A_149, %get3A_150] : memref<1x64xf32, #tpu.memory_space<vmem>>, vector<1x64xf32>
      %add3A_152 = arith.addf %add3A_148, %get3A_151 : vector<1x64xf32>
      %max3A_153 = arith.constant 0.000000e+00 : f32
      %max3A_154 = vector.broadcast %max3A_153 : f32 to vector<1x64xf32>
      %max3A_155 = arith.maximumf %add3A_152, %max3A_154 : vector<1x64xf32>
      %get3A_156 = arith.constant 0 : index
      %get3A_157 = arith.constant 0 : index
      %get3A_158 = vector.load %arg7[%get3A_156, %get3A_157] : memref<64x32xf32, #tpu.memory_space<vmem>>, vector<64x32xf32>
      %dot_general3A_159 = arith.constant dense<0.000000e+00> : vector<1x32xf32>
      %dot_general3A_160 = tpu.matmul %max3A_155, %get3A_158, %dot_general3A_159 {dimension_numbers = #tpu.dot_dimension_numbers<[1], [0], [0], [1], [0, 0, 1, 1], [], []>, transpose_lhs_hint = false} : vector<1x64xf32>, vector<64x32xf32>, vector<1x32xf32> -> vector<1x32xf32>
      %get3A_161 = arith.constant 0 : index
      %get3A_162 = arith.constant 0 : index
      %get3A_163 = vector.load %arg8[%get3A_161, %get3A_162] : memref<1x32xf32, #tpu.memory_space<vmem>>, vector<1x32xf32>
      %add3A_164 = arith.addf %dot_general3A_160, %get3A_163 : vector<1x32xf32>
      %max3A_165 = arith.constant 0.000000e+00 : f32
      %max3A_166 = vector.broadcast %max3A_165 : f32 to vector<1x32xf32>
      %max3A_167 = arith.maximumf %add3A_164, %max3A_166 : vector<1x32xf32>
      %get3A_168 = arith.constant 0 : index
      %get3A_169 = arith.constant 0 : index
      %get3A_170 = vector.load %arg9[%get3A_168, %get3A_169] : memref<32x16xf32, #tpu.memory_space<vmem>>, vector<32x16xf32>
      %dot_general3A_171 = arith.constant dense<0.000000e+00> : vector<1x16xf32>
      %dot_general3A_172 = tpu.matmul %max3A_167, %get3A_170, %dot_general3A_171 {dimension_numbers = #tpu.dot_dimension_numbers<[1], [0], [0], [1], [0, 0, 1, 1], [], []>, transpose_lhs_hint = false} : vector<1x32xf32>, vector<32x16xf32>, vector<1x16xf32> -> vector<1x16xf32>
      %get3A_173 = arith.constant 0 : index
      %get3A_174 = arith.constant 0 : index
      %get3A_175 = vector.load %arg10[%get3A_173, %get3A_174] : memref<1x16xf32, #tpu.memory_space<vmem>>, vector<1x16xf32>
      %add3A_176 = arith.addf %dot_general3A_172, %get3A_175 : vector<1x16xf32>
      %swap3A_177 = arith.constant 0 : index
      %swap3A_178 = arith.constant 0 : index
      %swap3A_179 = vector.load %arg11[%swap3A_177, %swap3A_178] : memref<1x16xf32, #tpu.memory_space<vmem>>, vector<1x16xf32>
      tpu.vector_store %arg11[%swap3A_177, %swap3A_178], %add3A_176 {strides = array<i32>} : memref<1x16xf32, #tpu.memory_space<vmem>>, vector<1x16xf32>,
    } else {
    }
    return
  }
  func.func @transform_0(%arg0: i32) -> (i32, i32) {
    %c0_i32 = arith.constant 0 : i32
    %c0_i32_0 = arith.constant 0 : i32
    return %arg0, %c0_i32 : i32, i32
  }
  func.func @transform_1(%arg0: i32) -> (i32, i32) {
    %c0_i32 = arith.constant 0 : i32
    %c0_i32_0 = arith.constant 0 : i32
    return %arg0, %c0_i32 : i32, i32
  }
  func.func @transform_2(%arg0: i32) -> (i32, i32) {
    %c0_i32 = arith.constant 0 : i32
    %c0_i32_0 = arith.constant 0 : i32
    %c0_i32_1 = arith.constant 0 : i32
    return %c0_i32, %c0_i32_0 : i32, i32
  }
  func.func @transform_3(%arg0: i32) -> (i32, i32) {
    %c0_i32 = arith.constant 0 : i32
    %c0_i32_0 = arith.constant 0 : i32
    return %arg0, %c0_i32 : i32, i32
  }
  func.func @transform_4(%arg0: i32) -> (i32, i32) {
    %c0_i32 = arith.constant 0 : i32
    %c0_i32_0 = arith.constant 0 : i32
    %c0_i32_1 = arith.constant 0 : i32
    return %c0_i32, %c0_i32_0 : i32, i32
  }
  func.func @transform_5(%arg0: i32) -> (i32, i32) {
    %c0_i32 = arith.constant 0 : i32
    %c0_i32_0 = arith.constant 0 : i32
    %c0_i32_1 = arith.constant 0 : i32
    return %c0_i32, %c0_i32_0 : i32, i32
  }
  func.func @transform_6(%arg0: i32) -> (i32, i32) {
    %c0_i32 = arith.constant 0 : i32
    %c0_i32_0 = arith.constant 0 : i32
    %c0_i32_1 = arith.constant 0 : i32
    return %c0_i32, %c0_i32_0 : i32, i32
  }
  func.func @transform_7(%arg0: i32) -> (i32, i32) {
    %c0_i32 = arith.constant 0 : i32
    %c0_i32_0 = arith.constant 0 : i32
    %c0_i32_1 = arith.constant 0 : i32
    return %c0_i32, %c0_i32_0 : i32, i32
  }
  func.func @transform_8(%arg0: i32) -> (i32, i32) {
    %c0_i32 = arith.constant 0 : i32
    %c0_i32_0 = arith.constant 0 : i32
    %c0_i32_1 = arith.constant 0 : i32
    return %c0_i32, %c0_i32_0 : i32, i32
  }
  func.func @transform_9(%arg0: i32) -> (i32, i32) {
    %c0_i32 = arith.constant 0 : i32
    %c0_i32_0 = arith.constant 0 : i32
    %c0_i32_1 = arith.constant 0 : i32
    return %c0_i32, %c0_i32_0 : i32, i32
  }
  func.func @transform_10(%arg0: i32) -> (i32, i32) {
    %c0_i32 = arith.constant 0 : i32
    %c0_i32_0 = arith.constant 0 : i32
    %c0_i32_1 = arith.constant 0 : i32
    return %c0_i32, %c0_i32_0 : i32, i32
  }
}

</mosaic_0001>

<sc_bundles>
// kernel: kernel.10.cloned.1.call-start
scs
__scs_entry_jumppad:
0x0: {  	(pc) =	sbr.rel $0x88, $3  }
0x1: {  	(tag) =	ssettag $0x0;
	lr =	simm.s32 $0x1  }
0x2: {  	[smem:$0x3F91] =	sst lr;
	_ =	strace $0xD0000000  }
0x3: {  	_ = 	snop  }
0x4: {  	_ = 	snop  }
0x5: {  	_ = 	snop  }
0x6: {  	_ = 	snop  }
0x7: {  	_ = 	snop  }
__scs_overlays_trampoline_lowered:
0x8: {  	[smem:$0x3FA0] =	sst s0  }
0x9: {  	[smem:$0x3FA1] =	sst s1  }
0xa: {  	[smem:$0x3FA2] =	sst s2  }
0xb: {  	[smem:$0x3FA3] =	sst s3  }
0xc: {  	[smem:$0x3FA4] =	sst s4  }
0xd: {  	[smem:$0x3FA5] =	sst s5  }
0xe: {  	[smem:$0x3FA6] =	sst s6  }
0xf: {  	[smem:$0x3FA7] =	sst s7  }
0x10: {  	[smem:$0x3FA8] =	sst s8  }
0x11: {  	[smem:$0x3FA9] =	sst s9;
	s0 =	simm.s32 @!p0 $0x0  }
0x12: {  	s1 =	sld [smem:$0x3F8F];
	s0 =	simm.s32 @p0 $0x1  }
0x13: {  	[smem:$0x3FAA] =	sst s0;
	s0 =	simm.s32 @!p1 $0x0  }
0x14: {  	s2 =	sld [smem:$0x3F8E];
	s0 =	simm.s32 @p1 $0x1  }
0x15: {  	[smem:$0x3FAB] =	sst s0;
	s0 =	simm.s32 @!p2 $0x0  }
0x16: {  	s3 =	sld [smem:$0x3FDB];
	s0 =	simm.s32 @p2 $0x1  }
0x17: {  	s4 =	simm.s32 $0x1BF5;
	[smem:$0x3FAD] =	sst s0  }
0x18: {  	s0 =	sld [smem:$0x3F90];
	_ =	swait.ge [sflag:s4], $0x0  }
0x19: {  	s7 =	sld [smem:$0x3F91]  }
0x1a: {  	s8 =	sadd.s32 $0xFFFFE003, lr  }
0x1b: {  	s9 =	sadd.s32 $0xFFFFFEF7, lr;
	s5 =	simm.s32 $0xFFFFFFFF;
	p2 =	slt.u32 s8, $0xFFFFF086  }
0x1c: {  	p1 =	slt.u32 s9, $0xF7A;
	s5 =	simm.s32 @!p2 $0x0  }
0x1d: {  	s5 =	simm.s32 @p1 $0x1;
	p0 =	seq.s32 s7, s2  }
0x1e: {  	s7 =	smul.u32 @!p0 $0xF7A, s2;
	p2 =	seq.s32 @!p0 s5, $0x0  }
0x1f: {  	s9 =	smul.u32 $0xF7A, s1;
	s8 =	simm.s32 @!p0 $0x1BF5;
	p2 =	por !p2, p0  }
0x20: {  	[sflag:s8] =	ssyncset.s32 @!p0 $0xFFFFF086;
	s6 =	sadd.s32 @!p0 s3, s7;
	s7 =	simm.s32 @!p0 $0x108  }
0x21: {  	s3 =	sadd.s32 s3, s9;
	s6 =	sadd.s32 @!p0 $0x88, s6;
	s7 =	simm.s32 @p2 $0x1082  }
0x22: {  	[simem:s7], [sflag:s8] =	dma.local @!p0 [hbm:s6], $0xF7A  }
0x23: {  	s9 =	sor.u32 $0xD0000000, s2;
	s6 =	simm.s32 $0x108;
	_ =	swait.ge @!p0 [sflag:s8], $0x0  }
0x24: {  	s3 =	sadd.s32 $0x88, s3;
	s6 =	simm.s32 @!p1 $0x1082;
	[sflag:s4] =	ssyncset.s32 $0xFFFFF086  }
0x25: {  	[simem:s6], [sflag:s4] =	dma.local [hbm:s3], $0xF7A  }
0x26: {  	[smem:$0x3F91] =	sst s1;
	(tag) =	ssettag s2;
	_ =	strace s9  }
0x27: {  	s1 =	sld [smem:$0x3FA1]  }
0x28: {  	s2 =	sld [smem:$0x3FA2]  }
0x29: {  	s4 =	sld [smem:$0x3FA4]  }
0x2a: {  	p0 =	seq.s32 s5, $0x0;
	s5 =	sld [smem:$0x3FA5]  }
0x2b: {  	s6 =	sld [smem:$0x3FA6]  }
0x2c: {  	s7 =	sld [smem:$0x3FA7]  }
0x2d: {  	s3 =	simm.s32 $0x108;
	s8 =	sld [smem:$0x3FA8]  }
0x2e: {  	s3 =	simm.s32 @!p0 $0x1082;
	s9 =	sld [smem:$0x3FA9]  }
0x2f: {  	lr =	sadd.s32 s0, s3;
	s0 =	sld [smem:$0x3FA0]  }
0x30: {  	s3 =	sld [smem:$0x3FA3]  }
0x31: {  	[smem:$0x3FAC] =	sst s10  }
0x32: {  	s10 =	sld [smem:$0x3FAA];
	_ =	sdelay $0x3  }
0x33: {  	p0 =	seq.s32 s10, $0x1;
	s10 =	sld [smem:$0x3FAC];
	_ =	sdelay $0x3  }
0x34: {  	[smem:$0x3FAC] =	sst s10  }
0x35: {  	s10 =	sld [smem:$0x3FAB];
	_ =	sdelay $0x3  }
0x36: {  	p1 =	seq.s32 s10, $0x1;
	s10 =	sld [smem:$0x3FAC];
	_ =	sdelay $0x3  }
0x37: {  	[smem:$0x3FAC] =	sst s10  }
0x38: {  	s10 =	sld [smem:$0x3FAD]  }
0x39: {  	_ = 	snop;
	(pc) =	sbr.ind lr, $3  }
0x3a: {  	_ = 	snop  }
0x3b: {  	_ = 	snop  }
0x3c: {  	p2 =	seq.s32 s10, $0x1;
	s10 =	sld [smem:$0x3FAC]  }
0x3d: {  	_ =	shalt  }
0x3e: {  	_ =	shalt  }
0x3f: {  	_ =	shalt  }
0x40: {  	_ =	shalt  }
0x41: {  	_ =	shalt  }
0x42: {  	_ =	shalt  }
0x43: {  	_ =	shalt  }
0x44: {  	_ =	shalt  }
0x45: {  	_ =	shalt  }
0x46: {  	_ =	shalt  }
0x47: {  	_ =	shalt  }
0x48: {  	_ =	shalt  }
0x49: {  	_ =	shalt  }
0x4a: {  	_ =	shalt  }
0x4b: {  	_ =	shalt  }
0x4c: {  	_ =	shalt  }
0x4d: {  	_ =	shalt  }
0x4e: {  	_ =	shalt  }
0x4f: {  	_ =	shalt  }
0x50: {  	_ =	shalt  }
0x51: {  	_ =	shalt  }
0x52: {  	_ =	shalt  }
0x53: {  	_ =	shalt  }
0x54: {  	_ =	shalt  }
0x55: {  	_ =	shalt  }
0x56: {  	_ =	shalt  }
0x57: {  	_ =	shalt  }
0x58: {  	_ =	shalt  }
0x59: {  	_ =	shalt  }
0x5a: {  	_ =	shalt  }
0x5b: {  	_ =	shalt  }
0x5c: {  	_ =	shalt  }
0x5d: {  	_ =	shalt  }
0x5e: {  	_ =	shalt  }
0x5f: {  	_ =	shalt  }
0x60: {  	_ =	shalt  }
0x61: {  	_ =	shalt  }
0x62: {  	_ =	shalt  }
0x63: {  	_ =	shalt  }
0x64: {  	_ =	shalt  }
0x65: {  	_ =	shalt  }
0x66: {  	_ =	shalt  }
0x67: {  	_ =	shalt  }
0x68: {  	_ =	shalt  }
0x69: {  	_ =	shalt  }
0x6a: {  	_ =	shalt  }
0x6b: {  	_ =	shalt  }
0x6c: {  	_ =	shalt  }
0x6d: {  	_ =	shalt  }
0x6e: {  	_ =	shalt  }
0x6f: {  	_ =	shalt  }
0x70: {  	_ =	shalt  }
0x71: {  	_ =	shalt  }
0x72: {  	_ =	shalt  }
0x73: {  	_ =	shalt  }
0x74: {  	_ =	shalt  }
0x75: {  	_ =	shalt  }
0x76: {  	_ =	shalt  }
0x77: {  	_ =	shalt  }
0x78: {  	_ =	shalt  }
0x79: {  	_ =	shalt  }
0x7a: {  	_ =	shalt  }
0x7b: {  	_ =	shalt  }
0x7c: {  	_ =	shalt  }
0x7d: {  	_ =	shalt  }
0x7e: {  	_ =	shalt  }
0x7f: {  	_ =	shalt  }
0x80: {  	_ =	shalt  }
0x81: {  	_ =	shalt  }
0x82: {  	_ =	shalt  }
0x83: {  	_ =	shalt  }
0x84: {  	_ =	shalt  }
0x85: {  	_ =	shalt  }
0x86: {  	_ =	shalt  }
0x87: {  	_ =	shalt  }
.Lfunc_end0:
.L_simem_size_0:
called_computation_lowered:
.L_overlay_start_0:
0x88: {  	s2 =	sld [smem:$0x3FD9]  }
0x89: {  	s3 =	sld [smem:$0x3FFE];
	_ =	sdelay $0x1  }
0x8a: {  	s1 =	srdreg.scid  }
0x8b: {  	s0 =	sand.u32 $0x1, s1  }
0x8c: {  	s16 =	sshll.u32 s0, $0xA;
	s2 =	sadd.s32 s3, s2  }
0x8d: {  	s2 =	sadd.s32 s2, s16  }
0x8e: {  	[smem:$0x3FB8] =	sst s2  }
0x8f: {  	_ = 	snop  }
0x90: {  	(tm) =	ssettm $0x1  }
0x91: {  	s17 =	sld [smem:$0x3FFB];
	_ =	sdelay $0x3  }
0x92: {  	_ =	strace s17  }
0x93: {  	s2 =	sld [smem:$0x3FFC];
	_ =	sdelay $0x3  }
0x94: {  	_ =	strace s2  }
0x95: {  	s2 =	sld [smem:$0x3FFD];
	_ =	sdelay $0x3  }
0x96: {  	_ =	strace s2  }
0x97: {  	_ =	strace $0x8FFFFFFF  }
0x98: {  	s18 =	sld [smem:$0x3FDB];
	_ =	sdelay $0x1  }
0x99: {  	s19 =	simm.s32 $_scs_section_size  }
0x9a: {  	s4 =	simm.s32 $_size__tile_overlayer_lowered;
	s5 =	simm.s32 $_tile_overlayer_lowered  }
0x9b: {  	s22 =	simm.s32 $0x1BFF;
	s21 =	sshll.u32 s5, $0x1;
	s2 =	sadd.s32 s19, s18  }
0x9c: {  	s6 =	simm.s32 $0x0;
	s20 =	sshll.u32 s4, $0x1;
	s4 =	sadd.s32 s21, s2  }
0x9d: {  	[timem:s6], [sflag:s22] =	dma.local [hbm:s4], s20  }
0x9e: {  	_ =	swait.ge [sflag:s22], s20  }
0x9f: {  	s3 =	ssub.s32 $0x0, s20;
	[sflag:s22] =	ssyncset.done $0x0  }
0xa0: {  	[sflag:s22] =	ssyncadd.s32 s3;
	_ =	sdelay $0x1  }
0xa1: {  	s23 =	simm.s32 $0x1B8B  }
0xa2: {  	_ =	swait.ge [sflag:s23], $0x1  }
0xa3: {  	[sflag:s23] =	ssyncset.done $0x0  }
0xa4: {  	s25 =	simm.s32 $0x1B8E;
	s24 =	sld [smem:$0x3FFE];
	[sflag:s23] =	ssyncadd.s32 $0xFFFFFFFF  }
0xa5: {  	s26 =	simm.s32 $execute0_lowered;
	[smem:$0x3FD2] =	sst s25  }
0xa6: {  	s4 =	sshll.u32 s26, $0x1;
	_ =	strace $0x80000046;
	[dreg:$0x1] =	wrdreg $0xFFFFFFFF  }
0xa7: {  	s28 =	simm.s32 $_size_execute0_lowered;
	s2 =	sadd.s32 s2, s4;
	[dreg:$0x0] =	wrdreg $0x0  }
0xa8: {  	s4 =	sshll.u32 s28, $0x1;
	[dreg:$0x2] =	wrdreg s2  }
0xa9: {  	[dreg:$0x3] =	wrdreg s4  }
0xaa: {  	[dreg:$0x4] =	wrdreg $0xC0  }
0xab: {  	_ =	task [dreg:s6], $0x5FFFF  }
0xac: {  	[dreg:$0x1] =	wrdreg $0xFFFFFFFF  }
0xad: {  	[dreg:$0x0] =	wrdreg $0x60  }
0xae: {  	[dreg:$0x2] =	wrdreg s24  }
0xaf: {  	[dreg:$0x3] =	wrdreg $0x30000  }
0xb0: {  	[dreg:$0x4] =	wrdreg $0x9  }
0xb1: {  	_ =	task.clear_ibuf [dreg:s6], $0x5FFFF;
	_ =	strace $0x90000046  }
0xb2: {  	s29 =	simm.s32 $0x9;
	_ =	strace $0x80000048  }
0xb3: {  	_ =	swait.ge [sflag:s29], $0x1  }
0xb4: {  	[sflag:s29] =	ssyncadd.s32 $0xFFFFFFFF  }
0xb5: {  	_ =	strace $0x90000048  }
0xb6: {  	_ =	sfence  }
0xb7: {  	s30 =	sld [smem:$0x0];
	_ =	sdelay $0x2  }
0xb8: {  	s31 =	sshll.u32 s1, $0xD;
	s1 =	sshrl.u32 s1, $0x2  }
0xb9: {  	s3 =	sand.u32 $0x4000, s31;
	s1 =	sadd.s32 s1, s30  }
0xba: {  	s0 =	sor.u32 s3, s0;
	s1 =	sshll.u32 s1, $0x11  }
0xbb: {  	s0 =	sor.u32 s1, s0  }
0xbc: {  	s0 =	sadd.s32 $0x8F2B, s0  }
0xbd: {  	[sflag:s0] =	ssyncadd.remote.s32 $0x1  }
0xbe: {  	_ =	sfence.sel $0xFFFF  }
0xbf: {  	[dreg:$0x0] =	wrdreg $0xFFFFFFFF;
	(pc) =	sbr.abs _section_cstart, $3  }
0xc0: {  	[dreg:$0x1] =	wrdreg $0xFFFFFFFF  }
0xc1: {  	_ =	task.clear_ibuf [dreg:s6], $0x2FFFF;
	_ =	strace $0x9FFFFFFF  }
0xc2: {  	(tm) =	ssettm $0x7FFFFFFF  }
0xc3: {  	_ =	shalt  }
tec
execute0_lowered:
.L_overlay_start_1:
0x0: {  	(tag) =	ssettag $0x1  }
0x1: {  	s10 =	rddreg [dreg:$0x0]  }
0x2: {  	s1 =	rddreg [dreg:$0x1]  }
0x3: {  	s2 =	srdreg.scid;
	s0 =	rddreg [dreg:$0x2]  }
0x4: {  	s3 =	simm.s32 $0x0;
	s19 =	simm.s32 $0x1;
	s20 =	simm.s32 $0x100  }
0x5: {  	s22 =	simm.s32 $0x0;
	s9 =	sand.u32 $0x1, s2;
	s2 =	stileid.u32  }
0x6: {  	[smem:$0x7FF] =	sst s3;
	s5 =	sadd.s32 $0x1E800, s10;
	s6 =	sadd.s32 $0x1E200, s10  }
0x7: {  	s4 =	sshll.u32 s9, $0x4;
	_ =	strace $0x80000047;
	s12 =	smul.u32 $0xC800, s2  }
0x8: {  	s11 =	ssub.s32 $0x2, s9;
	s14 =	smul.u32 $0x32000, s2;
	p0 =	seq.s32 s9, $0x1  }
0x9: {  	s31 =	sshll.u32 s2, $0x6;
	s8 =	sor.u32 s2, s4;
	s13 =	sshrl.u32 s11, $0x1  }
0xa: {  	s4 =	sadd.s32 $0x4200, s10;
	s7 =	smul.u32 $0xD00, s8;
	s11 =	ssub.s32 s11, s13  }
0xb: {  	s8 =	smul.u32 $0x6800, s8;
	s29 =	sshrl.u32 s12, $0x3;
	s30 =	sshrl.u32 s14, $0x2  }
0xc: {  	s21 =	sadd.s32 s12, s1;
	s12 =	simm.s32 $0x1EA00;
	s13 =	sor.u32 $0x1C02, s31  }
0xd: {  	s14 =	sadd.s32 s30, s1;
	s9 =	smax.u32 s11, $0x1;
	s12 =	simm.s32 @!p0 $0x37A00  }
0xe: {  	s11 =	simm.s32 $0x1000;
	s21 =	sshrl.u32 s21, $0x3;
	s7 =	sadd.s32 s4, s7  }
0xf: {  	s15 =	sadd.s32 $0x2800, s14;
	s16 =	sadd.s32 $0x5000, s14;
	s17 =	sadd.s32 $0x7800, s14  }
0x10: {  	s10 =	sadd.s32 s12, s10;
	s18 =	sadd.s32 $0xA000, s14;
	s12 =	simm.s32 $0x2  }
0x11: {  	s14 =	sshrl.u32 s14, $0x3;
	s10 =	sadd.s32 s10, s29;
	s15 =	sshrl.u32 s15, $0x3  }
0x12: {  	s16 =	sshrl.u32 s16, $0x3;
	s17 =	sshrl.u32 s17, $0x3;
	s18 =	sshrl.u32 s18, $0x3  }
.LBB2_1:
0x13: {  	[tilespmem:s11], [sflag:$0x2] =	stream.linear.gather [hbm4b:s5+s3], $0x1000, $0x38;
	[tilespmem:$0xF800] =	vst v63  }
0x14: {  	_ =	swait.ge [sflag:s12], $0x1000  }
0x15: {  	[sflag:s12] =	ssyncset.done $0x0  }
0x16: {  	[sflag:s12] =	ssyncadd.s32 $0xFFFFF000  }
0x17: {  	[spmem:s14], [sflag:s13] =	dma.local [hbm:s6], $0x500  }
0x18: {  	_ =	swait.ge [sflag:s12], $0x500  }
0x19: {  	[sflag:s12] =	ssyncset.done $0x0  }
0x1a: {  	[sflag:s12] =	ssyncadd.s32 $0xFFFFFB00  }
0x1b: {  	[spmem:s15], [sflag:s13] =	dma.local [hbm:s6], $0x500  }
0x1c: {  	_ =	swait.ge [sflag:s12], $0x500  }
0x1d: {  	[sflag:s12] =	ssyncset.done $0x0  }
0x1e: {  	[sflag:s12] =	ssyncadd.s32 $0xFFFFFB00  }
0x1f: {  	[spmem:s16], [sflag:s13] =	dma.local [hbm:s6], $0x500  }
0x20: {  	_ =	swait.ge [sflag:s12], $0x500  }
0x21: {  	[sflag:s12] =	ssyncset.done $0x0  }
0x22: {  	[sflag:s12] =	ssyncadd.s32 $0xFFFFFB00  }
0x23: {  	[spmem:s17], [sflag:s13] =	dma.local [hbm:s6], $0x500  }
0x24: {  	_ =	swait.ge [sflag:s12], $0x500  }
0x25: {  	[sflag:s12] =	ssyncset.done $0x0  }
0x26: {  	[sflag:s12] =	ssyncadd.s32 $0xFFFFFB00  }
0x27: {  	[spmem:s18], [sflag:s13] =	dma.local [hbm:s6], $0x500  }
0x28: {  	_ =	swait.ge [sflag:s12], $0x500  }
0x29: {  	[sflag:s12] =	ssyncset.done $0x0  }
0x2a: {  	[sflag:s12] =	ssyncadd.s32 $0xFFFFFB00  }
0x2b: {  	[bflag:$0x0] =	sbarrier.arrive $0xFFFF  }
0x2c: {  	[tilespmem:s3], [sflag:$0x2] =	stream.linear.gather [hbm4b:s7+s3], $0x800, $0x38;
	[tilespmem:$0xF800] =	vst v63  }
0x2d: {  	_ =	swait.ge [sflag:s12], $0x800  }
0x2e: {  	s24 =	smin.u32 s19, $0xC;
	[sflag:s12] =	ssyncset.done $0x0  }
0x2f: {  	s23 =	simm.s32 $0x2000;
	s24 =	sshll.u32 s24, $0xB;
	[sflag:s12] =	ssyncadd.s32 $0xFFFFF800  }
0x30: {  	[tilespmem:s23], [sflag:$0x1] =	stream.linear.gather [hbm4b:s6+s3], $0x1000, $0x38;
	[tilespmem:$0xF800] =	vst v63  }
0x31: {  	s24 =	sadd.s32 s8, s24;
	_ =	swait.ge [sflag:s19], $0x1000  }
0x32: {  	s24 =	sshrl.u32 s24, $0x3;
	s23 =	sand.u32 $0x2000, s23;
	[sflag:s19] =	ssyncset.done $0x0  }
0x33: {  	s24 =	sadd.s32 s4, s24;
	s23 =	sshrl.u32 s23, $0x2;
	[sflag:s19] =	ssyncadd.s32 $0xFFFFF000  }
0x34: {  	[tilespmem:s23], [sflag:$0x2] =	stream.linear.gather [hbm4b:s24+s3], $0x800, $0x38;
	[tilespmem:$0xF800] =	vst v63  }
0x35: {  	_ =	swait.ge [sflag:s12], $0x800  }
0x36: {  	[sflag:s12] =	ssyncset.done $0x0  }
0x37: {  	s29 =	sand.u32 $0x800, s3;
	[sflag:s12] =	ssyncadd.s32 $0xFFFFF800  }
0x38: {  	[spmem:s1] =	stream.indirect.scatter.add.f32 [tilespmem:s11], [sflag:$0x1], $0x10, s29, s20, $0xb8;
	[tilespmem:$0xF800] =	vst v63  }
0x39: {  	_ =	swait.ge [sflag:s19], $0x1000  }
0x3a: {  	[sflag:s19] =	ssyncset.done $0x0  }
0x3b: {  	s30 =	sor.u32 $0x100, s29;
	[sflag:s19] =	ssyncadd.s32 $0xFFFFF000  }
0x3c: {  	[spmem:s1] =	stream.indirect.scatter.add.f32 [tilespmem:s11], [sflag:$0x1], $0x10, s30, s20, $0xb8;
	[tilespmem:$0xF800] =	vst v63  }
0x3d: {  	_ =	swait.ge [sflag:s19], $0x1000  }
0x3e: {  	[sflag:s19] =	ssyncset.done $0x0  }
0x3f: {  	s31 =	sor.u32 $0x200, s29;
	[sflag:s19] =	ssyncadd.s32 $0xFFFFF000  }
0x40: {  	[spmem:s1] =	stream.indirect.scatter.add.f32 [tilespmem:s11], [sflag:$0x1], $0x10, s31, s20, $0xb8;
	[tilespmem:$0xF800] =	vst v63  }
0x41: {  	_ =	swait.ge [sflag:s19], $0x1000  }
0x42: {  	[sflag:s19] =	ssyncset.done $0x0  }
0x43: {  	s24 =	sor.u32 $0x300, s29;
	[sflag:s19] =	ssyncadd.s32 $0xFFFFF000  }
0x44: {  	[spmem:s1] =	stream.indirect.scatter.add.f32 [tilespmem:s11], [sflag:$0x1], $0x10, s24, s20, $0xb8;
	[tilespmem:$0xF800] =	vst v63  }
0x45: {  	_ =	swait.ge [sflag:s19], $0x1000  }
0x46: {  	[sflag:s19] =	ssyncset.done $0x0  }
0x47: {  	s25 =	sor.u32 $0x400, s29;
	[sflag:s19] =	ssyncadd.s32 $0xFFFFF000  }
0x48: {  	[spmem:s1] =	stream.indirect.scatter.add.f32 [tilespmem:s11], [sflag:$0x1], $0x10, s25, s20, $0xb8;
	[tilespmem:$0xF800] =	vst v63  }
0x49: {  	_ =	swait.ge [sflag:s19], $0x1000  }
0x4a: {  	[sflag:s19] =	ssyncset.done $0x0  }
0x4b: {  	s26 =	sor.u32 $0x500, s29;
	[sflag:s19] =	ssyncadd.s32 $0xFFFFF000  }
0x4c: {  	[spmem:s1] =	stream.indirect.scatter.add.f32 [tilespmem:s11], [sflag:$0x1], $0x10, s26, s20, $0xb8;
	[tilespmem:$0xF800] =	vst v63  }
0x4d: {  	_ =	swait.ge [sflag:s19], $0x1000  }
0x4e: {  	[sflag:s19] =	ssyncset.done $0x0  }
0x4f: {  	s28 =	simm.s32 $0x3;
	s31 =	sor.u32 $0x600, s29;
	[sflag:s19] =	ssyncadd.s32 $0xFFFFF000  }
0x50: {  	[spmem:s1] =	stream.indirect.scatter.add.f32 [tilespmem:s11], [sflag:$0x1], $0x10, s31, s20, $0xb8;
	[tilespmem:$0xF800] =	vst v63  }
0x51: {  	s23 =	simm.s32 $0x800;
	s30 =	simm.s32 $0x2;
	_ =	swait.ge [sflag:s19], $0x1000  }
0x52: {  	s29 =	sor.u32 $0x700, s29;
	s24 =	smin.u32 s30, $0xC;
	[sflag:s19] =	ssyncset.done $0x0  }
0x53: {  	s25 =	simm.s32 $0x6000;
	s26 =	simm.s32 $0x4000;
	[sflag:s19] =	ssyncadd.s32 $0xFFFFF000  }
.LBB2_2:
0x54: {  	[spmem:s1] =	stream.indirect.scatter.add.f32 [tilespmem:s11], [sflag:$0x1], $0x10, s29, s20, $0xb8;
	[tilespmem:$0xF800] =	vst v63  }
0x55: {  	s29 =	smov.u32 s25  }
0x56: {  	p0 =	sne.s32 s25, $0x1A000;
	s30 =	sshll.u32 s24, $0xB;
	s24 =	smin.u32 s28, $0xC  }
0x57: {  	s25 =	sadd.s32 $0x2000, s25;
	s30 =	sadd.s32 s8, s30;
	_ =	swait.ge [sflag:s19], $0x1000  }
0x58: {  	s26 =	sand.u32 $0x2000, s26;
	s30 =	sshrl.u32 s30, $0x3;
	[sflag:s19] =	ssyncset.done $0x0  }
0x59: {  	s26 =	sshrl.u32 s26, $0x2;
	s30 =	sadd.s32 s4, s30;
	[sflag:s19] =	ssyncadd.s32 $0xFFFFF000  }
0x5a: {  	[tilespmem:s26], [sflag:$0x2] =	stream.linear.gather [hbm4b:s30+s3], $0x800, $0x38;
	[tilespmem:$0xF800] =	vst v63  }
0x5b: {  	s26 =	smov.u32 s29;
	_ =	swait.ge [sflag:s12], $0x800  }
0x5c: {  	[sflag:s12] =	ssyncset.done $0x0  }
0x5d: {  	s29 =	sand.u32 $0x800, s23;
	[sflag:s12] =	ssyncadd.s32 $0xFFFFF800  }
0x5e: {  	[spmem:s1] =	stream.indirect.scatter.add.f32 [tilespmem:s11], [sflag:$0x1], $0x10, s29, s20, $0xb8;
	[tilespmem:$0xF800] =	vst v63  }
0x5f: {  	_ =	swait.ge [sflag:s19], $0x1000  }
0x60: {  	[sflag:s19] =	ssyncset.done $0x0  }
0x61: {  	s30 =	sor.u32 $0x100, s29;
	[sflag:s19] =	ssyncadd.s32 $0xFFFFF000  }
0x62: {  	[spmem:s1] =	stream.indirect.scatter.add.f32 [tilespmem:s11], [sflag:$0x1], $0x10, s30, s20, $0xb8;
	[tilespmem:$0xF800] =	vst v63  }
0x63: {  	_ =	swait.ge [sflag:s19], $0x1000  }
0x64: {  	[sflag:s19] =	ssyncset.done $0x0  }
0x65: {  	s30 =	sor.u32 $0x200, s29;
	[sflag:s19] =	ssyncadd.s32 $0xFFFFF000  }
0x66: {  	[spmem:s1] =	stream.indirect.scatter.add.f32 [tilespmem:s11], [sflag:$0x1], $0x10, s30, s20, $0xb8;
	[tilespmem:$0xF800] =	vst v63  }
0x67: {  	_ =	swait.ge [sflag:s19], $0x1000  }
0x68: {  	[sflag:s19] =	ssyncset.done $0x0  }
0x69: {  	s30 =	sor.u32 $0x300, s29;
	[sflag:s19] =	ssyncadd.s32 $0xFFFFF000  }
0x6a: {  	[spmem:s1] =	stream.indirect.scatter.add.f32 [tilespmem:s11], [sflag:$0x1], $0x10, s30, s20, $0xb8;
	[tilespmem:$0xF800] =	vst v63  }
0x6b: {  	_ =	swait.ge [sflag:s19], $0x1000  }
0x6c: {  	[sflag:s19] =	ssyncset.done $0x0  }
0x6d: {  	s30 =	sor.u32 $0x400, s29;
	[sflag:s19] =	ssyncadd.s32 $0xFFFFF000  }
0x6e: {  	[spmem:s1] =	stream.indirect.scatter.add.f32 [tilespmem:s11], [sflag:$0x1], $0x10, s30, s20, $0xb8;
	[tilespmem:$0xF800] =	vst v63  }
0x6f: {  	_ =	swait.ge [sflag:s19], $0x1000  }
0x70: {  	[sflag:s19] =	ssyncset.done $0x0  }
0x71: {  	s30 =	sor.u32 $0x500, s29;
	[sflag:s19] =	ssyncadd.s32 $0xFFFFF000  }
0x72: {  	[spmem:s1] =	stream.indirect.scatter.add.f32 [tilespmem:s11], [sflag:$0x1], $0x10, s30, s20, $0xb8;
	[tilespmem:$0xF800] =	vst v63  }
0x73: {  	_ =	swait.ge [sflag:s19], $0x1000  }
0x74: {  	[sflag:s19] =	ssyncset.done $0x0  }
.Ltmp0:
0x75: {  	s30 =	sor.u32 $0x600, s29;
	[sflag:s19] =	ssyncadd.s32 $0xFFFFF000;
	(pc) =	sbr.rel @p0 .LBB2_2-.Ltmp0, $4  }
0x76: {  	[spmem:s1] =	stream.indirect.scatter.add.f32 [tilespmem:s11], [sflag:$0x1], $0x10, s30, s20, $0xb8;
	[tilespmem:$0xF800] =	vst v63  }
0x77: {  	_ =	swait.ge [sflag:s19], $0x1000  }
0x78: {  	s23 =	sadd.s32 $0x800, s23;
	[sflag:s19] =	ssyncset.done $0x0  }
0x79: {  	s28 =	sadd.s32 $0x1, s28;
	s29 =	sor.u32 $0x700, s29;
	[sflag:s19] =	ssyncadd.s32 $0xFFFFF000  }
0x7a: {  	[spmem:s1] =	stream.indirect.scatter.add.f32 [tilespmem:s11], [sflag:$0x1], $0x10, s29, s20, $0xb8;
	[tilespmem:$0xF800] =	vst v63  }
0x7b: {  	s24 =	sshll.u32 s24, $0xB  }
0x7c: {  	_ =	swait.ge [sflag:s19], $0x1000;
	s24 =	sadd.s32 s8, s24  }
0x7d: {  	s25 =	sand.u32 $0x2000, s26;
	[sflag:s19] =	ssyncset.done $0x0;
	s24 =	sshrl.u32 s24, $0x3  }
0x7e: {  	s25 =	sshrl.u32 s25, $0x2;
	[sflag:s19] =	ssyncadd.s32 $0xFFFFF000;
	s24 =	sadd.s32 s4, s24  }
0x7f: {  	[tilespmem:s25], [sflag:$0x2] =	stream.linear.gather [hbm4b:s24+s3], $0x800, $0x38;
	[tilespmem:$0xF800] =	vst v63  }
0x80: {  	_ =	swait.ge [sflag:s12], $0x800  }
0x81: {  	[sflag:s12] =	ssyncset.done $0x0  }
0x82: {  	s23 =	sand.u32 $0x800, s23;
	[sflag:s12] =	ssyncadd.s32 $0xFFFFF800  }
0x83: {  	[spmem:s1] =	stream.indirect.scatter.add.f32 [tilespmem:s11], [sflag:$0x1], $0x10, s23, s20, $0xb8;
	[tilespmem:$0xF800] =	vst v63  }
0x84: {  	_ =	swait.ge [sflag:s19], $0x1000  }
0x85: {  	[sflag:s19] =	ssyncset.done $0x0  }
0x86: {  	s25 =	sor.u32 $0x100, s23;
	[sflag:s19] =	ssyncadd.s32 $0xFFFFF000  }
0x87: {  	[spmem:s1] =	stream.indirect.scatter.add.f32 [tilespmem:s11], [sflag:$0x1], $0x10, s25, s20, $0xb8;
	[tilespmem:$0xF800] =	vst v63  }
0x88: {  	_ =	swait.ge [sflag:s19], $0x1000  }
0x89: {  	[sflag:s19] =	ssyncset.done $0x0  }
0x8a: {  	s26 =	sor.u32 $0x200, s23;
	[sflag:s19] =	ssyncadd.s32 $0xFFFFF000  }
0x8b: {  	[spmem:s1] =	stream.indirect.scatter.add.f32 [tilespmem:s11], [sflag:$0x1], $0x10, s26, s20, $0xb8;
	[tilespmem:$0xF800] =	vst v63  }
0x8c: {  	_ =	swait.ge [sflag:s19], $0x1000  }
0x8d: {  	[sflag:s19] =	ssyncset.done $0x0  }
0x8e: {  	s28 =	sor.u32 $0x300, s23;
	[sflag:s19] =	ssyncadd.s32 $0xFFFFF000  }
0x8f: {  	[spmem:s1] =	stream.indirect.scatter.add.f32 [tilespmem:s11], [sflag:$0x1], $0x10, s28, s20, $0xb8;
	[tilespmem:$0xF800] =	vst v63  }
0x90: {  	_ =	swait.ge [sflag:s19], $0x1000  }
0x91: {  	[sflag:s19] =	ssyncset.done $0x0  }
0x92: {  	s29 =	sor.u32 $0x400, s23;
	[sflag:s19] =	ssyncadd.s32 $0xFFFFF000  }
0x93: {  	[spmem:s1] =	stream.indirect.scatter.add.f32 [tilespmem:s11], [sflag:$0x1], $0x10, s29, s20, $0xb8;
	[tilespmem:$0xF800] =	vst v63  }
0x94: {  	_ =	swait.ge [sflag:s19], $0x1000  }
0x95: {  	[sflag:s19] =	ssyncset.done $0x0  }
0x96: {  	s30 =	sor.u32 $0x500, s23;
	[sflag:s19] =	ssyncadd.s32 $0xFFFFF000  }
0x97: {  	[spmem:s1] =	stream.indirect.scatter.add.f32 [tilespmem:s11], [sflag:$0x1], $0x10, s30, s20, $0xb8;
	[tilespmem:$0xF800] =	vst v63  }
0x98: {  	_ =	swait.ge [sflag:s19], $0x1000  }
0x99: {  	[sflag:s19] =	ssyncset.done $0x0  }
0x9a: {  	s31 =	sor.u32 $0x600, s23;
	[sflag:s19] =	ssyncadd.s32 $0xFFFFF000  }
0x9b: {  	[spmem:s1] =	stream.indirect.scatter.add.f32 [tilespmem:s11], [sflag:$0x1], $0x10, s31, s20, $0xb8;
	[tilespmem:$0xF800] =	vst v63  }
0x9c: {  	_ =	swait.ge [sflag:s19], $0x1000  }
0x9d: {  	[sflag:s19] =	ssyncset.done $0x0  }
0x9e: {  	s23 =	sor.u32 $0x700, s23;
	[sflag:s19] =	ssyncadd.s32 $0xFFFFF000  }
0x9f: {  	[spmem:s1] =	stream.indirect.scatter.add.f32 [tilespmem:s11], [sflag:$0x1], $0x10, s23, s20, $0xb8;
	[tilespmem:$0xF800] =	vst v63  }
0xa0: {  	_ =	swait.ge [sflag:s19], $0x1000  }
0xa1: {  	s22 =	sadd.s32 $0x1, s22;
	[sflag:s19] =	ssyncset.done $0x0  }
0xa2: {  	p0 =	sne.s32 s22, s9;
	[sflag:s19] =	ssyncadd.s32 $0xFFFFF000  }
.Ltmp1:
0xa3: {  	[bflag:$0x0] =	sbarrier.arrive $0xFFFF;
	(pc) =	sbr.rel @p0 .LBB2_1-.Ltmp1, $4  }
0xa4: {  	[hbm:s10], [sflag:s13] =	dma.local [spmem:s21], $0x1900  }
0xa5: {  	_ =	swait.ge [sflag:s12], $0x1900  }
0xa6: {  	[sflag:s12] =	ssyncset.done $0x0  }
0xa7: {  	[sflag:s12] =	ssyncadd.s32 $0xFFFFE700  }
0xa8: {  	_ =	sfence.sel $0x180000  }
0xa9: {  	[bflag:$0x0] =	sbarrier.arrive $0xFFFF  }
0xaa: {  	p0 =	sne.s32 s2, $0x0;
	_ =	strace $0x90000047  }
0xab: {  	s0 =	sadd.s32 @!p0 $0x100000, s0;
	[bflag:$0x2] =	sbarrier.arrive $0xFFFF  }
0xac: {  	[sflag:s0] =	ssyncadd.tile.s32 @!p0 $0x1;
	_ =	shalt  }
.Lfunc_end2:
_tile_overlayer_lowered:
.L_overlay_start_2:
0xad: {  	(tag) =	ssettag $0x2  }
0xae: {  	s0 =	rddreg [dreg:$0x0];
	s2 =	stileid.u32  }
0xaf: {  	s1 =	rddreg [dreg:$0x1];
	p0 =	sne.s32 s2, $0x0  }
0xb0: {  	s3 =	rddreg [dreg:$0x2];
	[bflag:$0x3] =	sbarrier.arrive $0xFFFF;
	s2 =	simm.s32 @!p0 $0x1C02  }
0xb1: {  	[timem:s3], [sflag:s2] =	dma.local @!p0 [hbm:s0], s1  }
0xb2: {  	s0 =	simm.s32 @!p0 $0x2  }
0xb3: {  	_ =	swait.ge @!p0 [sflag:s0], s1  }
0xb4: {  	s1 =	ssub.s32 @!p0 $0x0, s1;
	[sflag:s0] =	ssyncset.done @!p0 $0x0  }
0xb5: {  	[sflag:s0] =	ssyncadd.s32 @!p0 s1  }
0xb6: {  	[bflag:$0x3] =	sbarrier.arrive $0xFFFF  }
0xb7: {  	_ =	shalt  }

// kernel: kernel.13.cloned.1.call-start
scs
__scs_entry_jumppad:
0x0: {  	(pc) =	sbr.rel $0x88, $3  }
0x1: {  	(tag) =	ssettag $0x0;
	lr =	simm.s32 $0x1  }
0x2: {  	[smem:$0x3F91] =	sst lr;
	_ =	strace $0xD0000000  }
0x3: {  	_ = 	snop  }
0x4: {  	_ = 	snop  }
0x5: {  	_ = 	snop  }
0x6: {  	_ = 	snop  }
0x7: {  	_ = 	snop  }
__scs_overlays_trampoline_lowered:
0x8: {  	[smem:$0x3FA0] =	sst s0  }
0x9: {  	[smem:$0x3FA1] =	sst s1  }
0xa: {  	[smem:$0x3FA2] =	sst s2  }
0xb: {  	[smem:$0x3FA3] =	sst s3  }
0xc: {  	[smem:$0x3FA4] =	sst s4  }
0xd: {  	[smem:$0x3FA5] =	sst s5  }
0xe: {  	[smem:$0x3FA6] =	sst s6  }
0xf: {  	[smem:$0x3FA7] =	sst s7  }
0x10: {  	[smem:$0x3FA8] =	sst s8  }
0x11: {  	[smem:$0x3FA9] =	sst s9;
	s0 =	simm.s32 @!p0 $0x0  }
0x12: {  	s1 =	sld [smem:$0x3F8F];
	s0 =	simm.s32 @p0 $0x1  }
0x13: {  	[smem:$0x3FAA] =	sst s0;
	s0 =	simm.s32 @!p1 $0x0  }
0x14: {  	s2 =	sld [smem:$0x3F8E];
	s0 =	simm.s32 @p1 $0x1  }
0x15: {  	[smem:$0x3FAB] =	sst s0;
	s0 =	simm.s32 @!p2 $0x0  }
0x16: {  	s3 =	sld [smem:$0x3FDB];
	s0 =	simm.s32 @p2 $0x1  }
0x17: {  	s4 =	simm.s32 $0x1BF5;
	[smem:$0x3FAD] =	sst s0  }
0x18: {  	s0 =	sld [smem:$0x3F90];
	_ =	swait.ge [sflag:s4], $0x0  }
0x19: {  	s7 =	sld [smem:$0x3F91]  }
0x1a: {  	s8 =	sadd.s32 $0xFFFFE003, lr  }
0x1b: {  	s9 =	sadd.s32 $0xFFFFFEF7, lr;
	s5 =	simm.s32 $0xFFFFFFFF;
	p2 =	slt.u32 s8, $0xFFFFF086  }
0x1c: {  	p1 =	slt.u32 s9, $0xF7A;
	s5 =	simm.s32 @!p2 $0x0  }
0x1d: {  	s5 =	simm.s32 @p1 $0x1;
	p0 =	seq.s32 s7, s2  }
0x1e: {  	s7 =	smul.u32 @!p0 $0xF7A, s2;
	p2 =	seq.s32 @!p0 s5, $0x0  }
0x1f: {  	s9 =	smul.u32 $0xF7A, s1;
	s8 =	simm.s32 @!p0 $0x1BF5;
	p2 =	por !p2, p0  }
0x20: {  	[sflag:s8] =	ssyncset.s32 @!p0 $0xFFFFF086;
	s6 =	sadd.s32 @!p0 s3, s7;
	s7 =	simm.s32 @!p0 $0x108  }
0x21: {  	s3 =	sadd.s32 s3, s9;
	s6 =	sadd.s32 @!p0 $0x88, s6;
	s7 =	simm.s32 @p2 $0x1082  }
0x22: {  	[simem:s7], [sflag:s8] =	dma.local @!p0 [hbm:s6], $0xF7A  }
0x23: {  	s9 =	sor.u32 $0xD0000000, s2;
	s6 =	simm.s32 $0x108;
	_ =	swait.ge @!p0 [sflag:s8], $0x0  }
0x24: {  	s3 =	sadd.s32 $0x88, s3;
	s6 =	simm.s32 @!p1 $0x1082;
	[sflag:s4] =	ssyncset.s32 $0xFFFFF086  }
0x25: {  	[simem:s6], [sflag:s4] =	dma.local [hbm:s3], $0xF7A  }
0x26: {  	[smem:$0x3F91] =	sst s1;
	(tag) =	ssettag s2;
	_ =	strace s9  }
0x27: {  	s1 =	sld [smem:$0x3FA1]  }
0x28: {  	s2 =	sld [smem:$0x3FA2]  }
0x29: {  	s4 =	sld [smem:$0x3FA4]  }
0x2a: {  	p0 =	seq.s32 s5, $0x0;
	s5 =	sld [smem:$0x3FA5]  }
0x2b: {  	s6 =	sld [smem:$0x3FA6]  }
0x2c: {  	s7 =	sld [smem:$0x3FA7]  }
0x2d: {  	s3 =	simm.s32 $0x108;
	s8 =	sld [smem:$0x3FA8]  }
0x2e: {  	s3 =	simm.s32 @!p0 $0x1082;
	s9 =	sld [smem:$0x3FA9]  }
0x2f: {  	lr =	sadd.s32 s0, s3;
	s0 =	sld [smem:$0x3FA0]  }
0x30: {  	s3 =	sld [smem:$0x3FA3]  }
0x31: {  	[smem:$0x3FAC] =	sst s10  }
0x32: {  	s10 =	sld [smem:$0x3FAA];
	_ =	sdelay $0x3  }
0x33: {  	p0 =	seq.s32 s10, $0x1;
	s10 =	sld [smem:$0x3FAC];
	_ =	sdelay $0x3  }
0x34: {  	[smem:$0x3FAC] =	sst s10  }
0x35: {  	s10 =	sld [smem:$0x3FAB];
	_ =	sdelay $0x3  }
0x36: {  	p1 =	seq.s32 s10, $0x1;
	s10 =	sld [smem:$0x3FAC];
	_ =	sdelay $0x3  }
0x37: {  	[smem:$0x3FAC] =	sst s10  }
0x38: {  	s10 =	sld [smem:$0x3FAD]  }
0x39: {  	_ = 	snop;
	(pc) =	sbr.ind lr, $3  }
0x3a: {  	_ = 	snop  }
0x3b: {  	_ = 	snop  }
0x3c: {  	p2 =	seq.s32 s10, $0x1;
	s10 =	sld [smem:$0x3FAC]  }
0x3d: {  	_ =	shalt  }
0x3e: {  	_ =	shalt  }
0x3f: {  	_ =	shalt  }
0x40: {  	_ =	shalt  }
0x41: {  	_ =	shalt  }
0x42: {  	_ =	shalt  }
0x43: {  	_ =	shalt  }
0x44: {  	_ =	shalt  }
0x45: {  	_ =	shalt  }
0x46: {  	_ =	shalt  }
0x47: {  	_ =	shalt  }
0x48: {  	_ =	shalt  }
0x49: {  	_ =	shalt  }
0x4a: {  	_ =	shalt  }
0x4b: {  	_ =	shalt  }
0x4c: {  	_ =	shalt  }
0x4d: {  	_ =	shalt  }
0x4e: {  	_ =	shalt  }
0x4f: {  	_ =	shalt  }
0x50: {  	_ =	shalt  }
0x51: {  	_ =	shalt  }
0x52: {  	_ =	shalt  }
0x53: {  	_ =	shalt  }
0x54: {  	_ =	shalt  }
0x55: {  	_ =	shalt  }
0x56: {  	_ =	shalt  }
0x57: {  	_ =	shalt  }
0x58: {  	_ =	shalt  }
0x59: {  	_ =	shalt  }
0x5a: {  	_ =	shalt  }
0x5b: {  	_ =	shalt  }
0x5c: {  	_ =	shalt  }
0x5d: {  	_ =	shalt  }
0x5e: {  	_ =	shalt  }
0x5f: {  	_ =	shalt  }
0x60: {  	_ =	shalt  }
0x61: {  	_ =	shalt  }
0x62: {  	_ =	shalt  }
0x63: {  	_ =	shalt  }
0x64: {  	_ =	shalt  }
0x65: {  	_ =	shalt  }
0x66: {  	_ =	shalt  }
0x67: {  	_ =	shalt  }
0x68: {  	_ =	shalt  }
0x69: {  	_ =	shalt  }
0x6a: {  	_ =	shalt  }
0x6b: {  	_ =	shalt  }
0x6c: {  	_ =	shalt  }
0x6d: {  	_ =	shalt  }
0x6e: {  	_ =	shalt  }
0x6f: {  	_ =	shalt  }
0x70: {  	_ =	shalt  }
0x71: {  	_ =	shalt  }
0x72: {  	_ =	shalt  }
0x73: {  	_ =	shalt  }
0x74: {  	_ =	shalt  }
0x75: {  	_ =	shalt  }
0x76: {  	_ =	shalt  }
0x77: {  	_ =	shalt  }
0x78: {  	_ =	shalt  }
0x79: {  	_ =	shalt  }
0x7a: {  	_ =	shalt  }
0x7b: {  	_ =	shalt  }
0x7c: {  	_ =	shalt  }
0x7d: {  	_ =	shalt  }
0x7e: {  	_ =	shalt  }
0x7f: {  	_ =	shalt  }
0x80: {  	_ =	shalt  }
0x81: {  	_ =	shalt  }
0x82: {  	_ =	shalt  }
0x83: {  	_ =	shalt  }
0x84: {  	_ =	shalt  }
0x85: {  	_ =	shalt  }
0x86: {  	_ =	shalt  }
0x87: {  	_ =	shalt  }
.Lfunc_end0:
.L_simem_size_0:
called_computation.1_lowered:
.L_overlay_start_0:
0x88: {  	s2 =	sld [smem:$0x3FD9]  }
0x89: {  	s3 =	sld [smem:$0x3FFE];
	_ =	sdelay $0x1  }
0x8a: {  	s1 =	srdreg.scid  }
0x8b: {  	s0 =	sand.u32 $0x1, s1  }
0x8c: {  	s16 =	sshll.u32 s0, $0xA;
	s2 =	sadd.s32 s3, s2  }
0x8d: {  	s2 =	sadd.s32 s2, s16  }
0x8e: {  	[smem:$0x3FB8] =	sst s2  }
0x8f: {  	_ = 	snop  }
0x90: {  	(tm) =	ssettm $0x1  }
0x91: {  	s17 =	sld [smem:$0x3FFB];
	_ =	sdelay $0x3  }
0x92: {  	_ =	strace s17  }
0x93: {  	s2 =	sld [smem:$0x3FFC];
	_ =	sdelay $0x3  }
0x94: {  	_ =	strace s2  }
0x95: {  	s2 =	sld [smem:$0x3FFD];
	_ =	sdelay $0x3  }
0x96: {  	_ =	strace s2  }
0x97: {  	_ =	strace $0x8FFFFFFF  }
0x98: {  	s18 =	sld [smem:$0x3FDB];
	_ =	sdelay $0x1  }
0x99: {  	s19 =	simm.s32 $_scs_section_size  }
0x9a: {  	s4 =	simm.s32 $_size__tile_overlayer_lowered;
	s5 =	simm.s32 $_tile_overlayer_lowered  }
0x9b: {  	s22 =	simm.s32 $0x1BFF;
	s21 =	sshll.u32 s5, $0x1;
	s2 =	sadd.s32 s19, s18  }
0x9c: {  	s6 =	simm.s32 $0x0;
	s20 =	sshll.u32 s4, $0x1;
	s4 =	sadd.s32 s21, s2  }
0x9d: {  	[timem:s6], [sflag:s22] =	dma.local [hbm:s4], s20  }
0x9e: {  	_ =	swait.ge [sflag:s22], s20  }
0x9f: {  	s3 =	ssub.s32 $0x0, s20;
	[sflag:s22] =	ssyncset.done $0x0  }
0xa0: {  	[sflag:s22] =	ssyncadd.s32 s3;
	_ =	sdelay $0x1  }
0xa1: {  	s23 =	simm.s32 $0x1B8B  }
0xa2: {  	_ =	swait.ge [sflag:s23], $0x1  }
0xa3: {  	[sflag:s23] =	ssyncset.done $0x0  }
0xa4: {  	s25 =	simm.s32 $0x1B8E;
	s24 =	sld [smem:$0x3FFE];
	[sflag:s23] =	ssyncadd.s32 $0xFFFFFFFF  }
0xa5: {  	s26 =	simm.s32 $execute0_lowered;
	[smem:$0x3FD2] =	sst s25  }
0xa6: {  	s4 =	sshll.u32 s26, $0x1;
	_ =	strace $0x80000049;
	[dreg:$0x1] =	wrdreg $0xFFFFFFFF  }
0xa7: {  	s28 =	simm.s32 $_size_execute0_lowered;
	s2 =	sadd.s32 s2, s4;
	[dreg:$0x0] =	wrdreg $0x0  }
0xa8: {  	s4 =	sshll.u32 s28, $0x1;
	[dreg:$0x2] =	wrdreg s2  }
0xa9: {  	[dreg:$0x3] =	wrdreg s4  }
0xaa: {  	[dreg:$0x4] =	wrdreg $0xC0  }
0xab: {  	_ =	task [dreg:s6], $0x5FFFF  }
0xac: {  	[dreg:$0x1] =	wrdreg $0xFFFFFFFF  }
0xad: {  	[dreg:$0x0] =	wrdreg $0x60  }
0xae: {  	[dreg:$0x2] =	wrdreg s24  }
0xaf: {  	[dreg:$0x3] =	wrdreg $0x108000  }
0xb0: {  	[dreg:$0x4] =	wrdreg $0x40000  }
0xb1: {  	[dreg:$0x5] =	wrdreg $0x9  }
0xb2: {  	_ =	task.clear_ibuf [dreg:s6], $0x6FFFF;
	_ =	strace $0x90000049  }
0xb3: {  	s29 =	simm.s32 $0x9;
	_ =	strace $0x8000004B  }
0xb4: {  	_ =	swait.ge [sflag:s29], $0x1  }
0xb5: {  	[sflag:s29] =	ssyncadd.s32 $0xFFFFFFFF  }
0xb6: {  	_ =	strace $0x9000004B  }
0xb7: {  	_ =	sfence  }
0xb8: {  	s30 =	sld [smem:$0x0];
	_ =	sdelay $0x2  }
0xb9: {  	s31 =	sshll.u32 s1, $0xD;
	s1 =	sshrl.u32 s1, $0x2  }
0xba: {  	s3 =	sand.u32 $0x4000, s31;
	s1 =	sadd.s32 s1, s30  }
0xbb: {  	s0 =	sor.u32 s3, s0;
	s1 =	sshll.u32 s1, $0x11  }
0xbc: {  	s0 =	sor.u32 s1, s0  }
0xbd: {  	s0 =	sadd.s32 $0x8F2B, s0  }
0xbe: {  	[sflag:s0] =	ssyncadd.remote.s32 $0x1  }
0xbf: {  	_ =	sfence.sel $0xFFFF  }
0xc0: {  	[dreg:$0x0] =	wrdreg $0xFFFFFFFF;
	(pc) =	sbr.abs _section_cstart, $3  }
0xc1: {  	[dreg:$0x1] =	wrdreg $0xFFFFFFFF  }
0xc2: {  	_ =	task.clear_ibuf [dreg:s6], $0x2FFFF;
	_ =	strace $0x9FFFFFFF  }
0xc3: {  	(tm) =	ssettm $0x7FFFFFFF  }
tec
execute0_lowered:
.L_overlay_start_1:
0x0: {  	(tag) =	ssettag $0x1  }
0x1: {  	s0 =	rddreg [dreg:$0x0]  }
0x2: {  	s1 =	rddreg [dreg:$0x1]  }
0x3: {  	s2 =	rddreg [dreg:$0x2];
	s3 =	simm.s32 $0x0  }
0x4: {  	s4 =	srdreg.scid;
	s31 =	simm.s32 $0x1FC3;
	[smem:$0x7FF] =	sst s3  }
0x5: {  	s5 =	sadd.s32 $0x114000, s0;
	s6 =	sadd.s32 $0x4200, s0;
	s8 =	sand.u32 $0x1, s4  }
0x6: {  	s9 =	sadd.s32 $0x1E800, s0;
	s4 =	stileid.u32;
	s7 =	sadd.s32 $0x1E200, s0  }
0x7: {  	s13 =	sadd.s32 $0x12E000, s0;
	s21 =	sadd.s32 $0x37000, s0;
	s25 =	sadd.s32 $0xB7480, s1  }
0x8: {  	s16 =	sadd.s32 $0x35690, s0;
	s20 =	sadd.s32 $0xBB800, s2;
	s0 =	sadd.s32 $0x35F00, s0  }
0x9: {  	_ =	strace $0x8000004A;
	s12 =	smul.u32 $0xC380, s4;
	[dreg:$0x5] =	wrdreg s13  }
0xa: {  	s10 =	ssub.s32 $0x2, s8;
	[dreg:$0x6] =	wrdreg s21;
	s23 =	smul.u32 $0xC800, s4  }
0xb: {  	s14 =	sshll.u32 s8, $0x4;
	s17 =	smul.u32 $0x32000, s4;
	[dreg:$0x9] =	wrdreg s16  }
0xc: {  	[dreg:$0xa] =	wrdreg s0;
	s13 =	sadd.s32 $0xC3500, s2;
	p0 =	seq.s32 s8, $0x0  }
0xd: {  	p1 =	sne.s32 s8, $0x0;
	p2 =	sne.s32 s4, $0xF;
	s21 =	sshrl.u32 s20, $0x3  }
0xe: {  	s11 =	sshrl.u32 s10, $0x1;
	s14 =	sor.u32 s4, s14;
	[dreg:$0xc] =	wrdreg s21  }
0xf: {  	s21 =	simm.s32 $0x2000;
	s10 =	ssub.s32 s10, s11;
	s22 =	sshrl.u32 s12, $0x3  }
0x10: {  	s15 =	sadd.s32 s12, s1;
	s12 =	sshrl.u32 s23, $0x3;
	s24 =	smul.u32 $0xD00, s14  }
0x11: {  	s14 =	smul.u32 $0x6800, s14;
	s26 =	sshrl.u32 s17, $0x2;
	s11 =	sadd.s32 s9, s22  }
0x12: {  	s9 =	sadd.s32 s9, s12;
	s18 =	sadd.s32 s26, s2;
	s19 =	smax.u32 s10, $0x1  }
0x13: {  	s22 =	sshrl.u32 s13, $0x3;
	s30 =	sshrl.u32 s15, $0x3;
	[dreg:$0x7] =	wrdreg s11  }
0x14: {  	s15 =	simm.s32 $0x100;
	s11 =	sadd.s32 s23, s2;
	[dreg:$0x8] =	wrdreg s9  }
0x15: {  	s16 =	sadd.s32 s5, s24;
	s17 =	sadd.s32 s6, s24;
	[dreg:$0x4] =	wrdreg s14  }
0x16: {  	s0 =	sadd.s32 $0x2800, s18;
	s14 =	sadd.s32 $0xC4900, s2;
	s9 =	sshrl.u32 s25, $0x3  }
0x17: {  	[dreg:$0xd] =	wrdreg s22;
	s23 =	sadd.s32 $0xC5D00, s2;
	s24 =	sadd.s32 $0x5000, s18  }
0x18: {  	s25 =	sadd.s32 $0x7800, s18;
	s26 =	sadd.s32 $0xA000, s18;
	s22 =	simm.s32 $0x3000  }
0x19: {  	[dreg:$0xb] =	wrdreg s9;
	s8 =	sshrl.u32 s14, $0x3;
	s0 =	sshrl.u32 s0, $0x3  }
0x1a: {  	s28 =	sshrl.u32 s25, $0x3;
	s29 =	sshrl.u32 s26, $0x3;
	[dreg:$0xe] =	wrdreg s8  }
0x1b: {  	s8 =	sshrl.u32 s23, $0x3;
	[dreg:$0x10] =	wrdreg s0;
	s0 =	sshrl.u32 s24, $0x3  }
0x1c: {  	s23 =	simm.s32 $0x1;
	s24 =	simm.s32 $0x2;
	[dreg:$0xf] =	wrdreg s8  }
0x1d: {  	[dreg:$0x11] =	wrdreg s0;
	s0 =	simm.s32 $0x3;
	s8 =	simm.s32 $0x0  }
.LBB2_1:
.Ltmp0:
0x1e: {  	(pc) =	sbr.rel @p2 .LBB2_4-.Ltmp0, $1  }
0x1f: {  	_ =	sdelay $0x3  }
0x20: {  	s9 =	rddreg [dreg:$0x9]  }
.Ltmp1:
0x21: {  	s10 =	rddreg [dreg:$0xb];
	(pc) =	sbr.rel @!p0 .LBB2_6-.Ltmp1, $4  }
0x22: {  	[spmem:s10], [sflag:s31] =	dma.local [hbm:s9], $0x1810  }
0x23: {  	_ =	swait.ge [sflag:s0], $0x1810  }
0x24: {  	[sflag:s0] =	ssyncset.done $0x0  }
0x25: {  	[sflag:s0] =	ssyncadd.s32 $0xFFFFE7F0  }
0x26: {  	s9 =	rddreg [dreg:$0xa]  }
0x27: {  	s10 =	rddreg [dreg:$0xc]  }
0x28: {  	[spmem:s10], [sflag:s31] =	dma.local [hbm:s9], $0xFA0  }
0x29: {  	_ =	swait.ge [sflag:s0], $0xFA0  }
0x2a: {  	[sflag:s0] =	ssyncset.done $0x0  }
0x2b: {  	s20 =	rddreg [dreg:$0xd];
	[sflag:s0] =	ssyncadd.s32 $0xFFFFF060  }
0x2c: {  	[spmem:s20], [sflag:s31] =	dma.local [hbm:s7], $0x280  }
0x2d: {  	_ =	swait.ge [sflag:s0], $0x280  }
0x2e: {  	[sflag:s0] =	ssyncset.done $0x0  }
0x2f: {  	s25 =	rddreg [dreg:$0xe];
	[sflag:s0] =	ssyncadd.s32 $0xFFFFFD80  }
0x30: {  	[spmem:s25], [sflag:s31] =	dma.local [hbm:s7], $0x280  }
0x31: {  	_ =	swait.ge [sflag:s0], $0x280  }
0x32: {  	[sflag:s0] =	ssyncset.done $0x0  }
.Ltmp2:
0x33: {  	s26 =	rddreg [dreg:$0xf];
	[sflag:s0] =	ssyncadd.s32 $0xFFFFFD80;
	(pc) =	sbr.rel .LBB2_7-.Ltmp2, $4  }
0x34: {  	[spmem:s26], [sflag:s31] =	dma.local [hbm:s7], $0x280  }
0x35: {  	_ =	swait.ge [sflag:s0], $0x280  }
0x36: {  	[sflag:s0] =	ssyncset.done $0x0  }
0x37: {  	s9 =	rddreg [dreg:$0x5];
	[sflag:s0] =	ssyncadd.s32 $0xFFFFFD80  }
.LBB2_4:
0x38: {  	s9 =	sshll.u32 s4, $0x6  }
.Ltmp3:
0x39: {  	s10 =	rddreg [dreg:$0x7];
	s9 =	sor.u32 $0x1C03, s9;
	(pc) =	sbr.rel @p1 .LBB2_6-.Ltmp3, $4  }
0x3a: {  	[spmem:s30], [sflag:s9] =	dma.local [hbm:s10], $0x1870  }
0x3b: {  	_ =	swait.ge [sflag:s0], $0x1870  }
0x3c: {  	[sflag:s0] =	ssyncset.done $0x0  }
0x3d: {  	[sflag:s0] =	ssyncadd.s32 $0xFFFFE790  }
.Ltmp4:
0x3e: {  	s10 =	sshrl.u32 s11, $0x3;
	s13 =	rddreg [dreg:$0x8];
	(pc) =	sbr.rel .LBB2_7-.Ltmp4, $4  }
0x3f: {  	[spmem:s10], [sflag:s9] =	dma.local [hbm:s13], $0x1900  }
0x40: {  	_ =	swait.ge [sflag:s0], $0x1900  }
0x41: {  	[sflag:s0] =	ssyncset.done $0x0  }
0x42: {  	s9 =	rddreg [dreg:$0x5];
	[sflag:s0] =	ssyncadd.s32 $0xFFFFE700  }
.LBB2_6:
0x43: {  	s9 =	sshll.u32 s4, $0x6  }
0x44: {  	s10 =	sshrl.u32 s18, $0x3;
	s9 =	sor.u32 $0x1C03, s9  }
0x45: {  	[spmem:s10], [sflag:s9] =	dma.local [hbm:s7], $0x500  }
0x46: {  	_ =	swait.ge [sflag:s0], $0x500  }
0x47: {  	[sflag:s0] =	ssyncset.done $0x0  }
0x48: {  	s25 =	rddreg [dreg:$0x10];
	[sflag:s0] =	ssyncadd.s32 $0xFFFFFB00  }
0x49: {  	[spmem:s25], [sflag:s9] =	dma.local [hbm:s7], $0x500  }
0x4a: {  	_ =	swait.ge [sflag:s0], $0x500  }
0x4b: {  	[sflag:s0] =	ssyncset.done $0x0  }
0x4c: {  	s26 =	rddreg [dreg:$0x11];
	[sflag:s0] =	ssyncadd.s32 $0xFFFFFB00  }
0x4d: {  	[spmem:s26], [sflag:s9] =	dma.local [hbm:s7], $0x500  }
0x4e: {  	_ =	swait.ge [sflag:s0], $0x500  }
0x4f: {  	[sflag:s0] =	ssyncset.done $0x0  }
0x50: {  	[sflag:s0] =	ssyncadd.s32 $0xFFFFFB00  }
0x51: {  	[spmem:s28], [sflag:s9] =	dma.local [hbm:s7], $0x500  }
0x52: {  	_ =	swait.ge [sflag:s0], $0x500  }
0x53: {  	[sflag:s0] =	ssyncset.done $0x0  }
0x54: {  	[sflag:s0] =	ssyncadd.s32 $0xFFFFFB00  }
0x55: {  	[spmem:s29], [sflag:s9] =	dma.local [hbm:s7], $0x500  }
0x56: {  	_ =	swait.ge [sflag:s0], $0x500  }
0x57: {  	[sflag:s0] =	ssyncset.done $0x0  }
0x58: {  	s9 =	rddreg [dreg:$0x6];
	[sflag:s0] =	ssyncadd.s32 $0xFFFFFB00  }
.LBB2_7:
0x59: {  	[bflag:$0x0] =	sbarrier.arrive $0xFFFF;
	s13 =	simm.s32 $0x0  }
0x5a: {  	[tilespmem:s13], [sflag:$0x3] =	stream.linear.gather [hbm4b:s16+s13], $0x800, $0x38;
	[tilespmem:$0x1CB50] =	vst v63  }
0x5b: {  	_ =	swait.ge [sflag:s0], $0x800  }
0x5c: {  	[sflag:s0] =	ssyncset.done $0x0  }
0x5d: {  	s10 =	simm.s32 $0x1000;
	[sflag:s0] =	ssyncadd.s32 $0xFFFFF800  }
0x5e: {  	[tilespmem:s10], [sflag:$0x3] =	stream.linear.gather [hbm4b:s17+s13], $0x800, $0x38;
	[tilespmem:$0x1CB50] =	vst v63  }
0x5f: {  	_ =	swait.ge [sflag:s0], $0x800  }
0x60: {  	[sflag:s0] =	ssyncset.done $0x0  }
0x61: {  	[sflag:s0] =	ssyncadd.s32 $0xFFFFF800  }
0x62: {  	[tilespmem:s21], [sflag:$0x1] =	stream.indirect.gather [spmem:s1], $0x10, s13, s15, $0xb8;
	[tilespmem:$0x1CB50] =	vst v63  }
0x63: {  	_ = 	snop  }
0x64: {  	[tilespmem:s22], [sflag:$0x2] =	stream.linear.gather [hbm4b:s7+s13], $0x1000, $0x38;
	[tilespmem:$0x1CB50] =	vst v63  }
0x65: {  	_ =	swait.ge [sflag:s23], $0x1000  }
0x66: {  	[sflag:s23] =	ssyncset.done $0x0  }
0x67: {  	s25 =	simm.s32 $0x1;
	[sflag:s23] =	ssyncadd.s32 $0xFFFFF000  }
0x68: {  	s10 =	smin.u32 s25, $0xC;
	_ =	swait.ge [sflag:s24], $0x1000  }
0x69: {  	s10 =	sshll.u32 s10, $0xB;
	s14 =	rddreg [dreg:$0x4]  }
0x6a: {  	s14 =	sadd.s32 s14, s10  }
0x6b: {  	[sflag:s24] =	ssyncset.done $0x0;
	s10 =	simm.s32 $0x800;
	s20 =	sshrl.u32 s14, $0x3  }
0x6c: {  	[sflag:s24] =	ssyncadd.s32 $0xFFFFF000;
	s14 =	sand.u32 $0x800, s10;
	s25 =	sadd.s32 s5, s20  }
0x6d: {  	[tilespmem:s14], [sflag:$0x3] =	stream.linear.gather [hbm4b:s25+s3], $0x800, $0x38;
	[tilespmem:$0x1CB50] =	vst v63  }
0x6e: {  	_ =	swait.ge [sflag:s0], $0x800  }
0x6f: {  	[sflag:s0] =	ssyncset.done $0x0  }
0x70: {  	s26 =	sor.u32 $0x1000, s14;
	s20 =	sadd.s32 s6, s20;
	[sflag:s0] =	ssyncadd.s32 $0xFFFFF800  }
0x71: {  	[tilespmem:s26], [sflag:$0x3] =	stream.linear.gather [hbm4b:s20+s3], $0x800, $0x38;
	[tilespmem:$0x1CB50] =	vst v63  }
0x72: {  	_ =	swait.ge [sflag:s0], $0x800  }
0x73: {  	s13 =	sand.u32 $0x800, s13;
	[sflag:s0] =	ssyncset.done $0x0  }
0x74: {  	s25 =	sor.u32 $0x1000, s13;
	[sflag:s0] =	ssyncadd.s32 $0xFFFFF800  }
0x75: {  	[spmem:s2] =	stream.indirect.scatter.add.f32 [tilespmem:s21], [sflag:$0x2], $0x10, s25, s15, $0xb8;
	[tilespmem:$0x1CB50] =	vst v63  }
0x76: {  	s26 =	sor.u32 $0x100, s13  }
0x77: {  	[tilespmem:s22], [sflag:$0x1] =	stream.indirect.gather [spmem:s1], $0x10, s26, s15, $0xb8;
	[tilespmem:$0x1CB50] =	vst v63  }
0x78: {  	_ =	swait.ge [sflag:s23], $0x1000  }
0x79: {  	[sflag:s23] =	ssyncset.done $0x0  }
0x7a: {  	[sflag:s23] =	ssyncadd.s32 $0xFFFFF000  }
0x7b: {  	_ =	swait.ge [sflag:s24], $0x1000  }
0x7c: {  	[sflag:s24] =	ssyncset.done $0x0  }
0x7d: {  	s25 =	sor.u32 $0x1100, s13;
	[sflag:s24] =	ssyncadd.s32 $0xFFFFF000  }
0x7e: {  	[spmem:s2] =	stream.indirect.scatter.add.f32 [tilespmem:s22], [sflag:$0x2], $0x10, s25, s15, $0xb8;
	[tilespmem:$0x1CB50] =	vst v63  }
0x7f: {  	s26 =	sor.u32 $0x200, s13  }
0x80: {  	[tilespmem:s21], [sflag:$0x1] =	stream.indirect.gather [spmem:s1], $0x10, s26, s15, $0xb8;
	[tilespmem:$0x1CB50] =	vst v63  }
0x81: {  	_ =	swait.ge [sflag:s23], $0x1000  }
0x82: {  	[sflag:s23] =	ssyncset.done $0x0  }
0x83: {  	[sflag:s23] =	ssyncadd.s32 $0xFFFFF000  }
0x84: {  	_ =	swait.ge [sflag:s24], $0x1000  }
0x85: {  	[sflag:s24] =	ssyncset.done $0x0  }
0x86: {  	s25 =	sor.u32 $0x1200, s13;
	[sflag:s24] =	ssyncadd.s32 $0xFFFFF000  }
0x87: {  	[spmem:s2] =	stream.indirect.scatter.add.f32 [tilespmem:s21], [sflag:$0x2], $0x10, s25, s15, $0xb8;
	[tilespmem:$0x1CB50] =	vst v63  }
0x88: {  	s26 =	sor.u32 $0x300, s13  }
0x89: {  	[tilespmem:s22], [sflag:$0x1] =	stream.indirect.gather [spmem:s1], $0x10, s26, s15, $0xb8;
	[tilespmem:$0x1CB50] =	vst v63  }
0x8a: {  	_ =	swait.ge [sflag:s23], $0x1000  }
0x8b: {  	[sflag:s23] =	ssyncset.done $0x0  }
0x8c: {  	[sflag:s23] =	ssyncadd.s32 $0xFFFFF000  }
0x8d: {  	_ =	swait.ge [sflag:s24], $0x1000  }
0x8e: {  	[sflag:s24] =	ssyncset.done $0x0  }
0x8f: {  	s25 =	sor.u32 $0x1300, s13;
	[sflag:s24] =	ssyncadd.s32 $0xFFFFF000  }
0x90: {  	[spmem:s2] =	stream.indirect.scatter.add.f32 [tilespmem:s22], [sflag:$0x2], $0x10, s25, s15, $0xb8;
	[tilespmem:$0x1CB50] =	vst v63  }
0x91: {  	s26 =	sor.u32 $0x400, s13  }
0x92: {  	[tilespmem:s21], [sflag:$0x1] =	stream.indirect.gather [spmem:s1], $0x10, s26, s15, $0xb8;
	[tilespmem:$0x1CB50] =	vst v63  }
0x93: {  	_ =	swait.ge [sflag:s23], $0x1000  }
0x94: {  	[sflag:s23] =	ssyncset.done $0x0  }
0x95: {  	[sflag:s23] =	ssyncadd.s32 $0xFFFFF000  }
0x96: {  	_ =	swait.ge [sflag:s24], $0x1000  }
0x97: {  	[sflag:s24] =	ssyncset.done $0x0  }
0x98: {  	s25 =	sor.u32 $0x1400, s13;
	[sflag:s24] =	ssyncadd.s32 $0xFFFFF000  }
0x99: {  	[spmem:s2] =	stream.indirect.scatter.add.f32 [tilespmem:s21], [sflag:$0x2], $0x10, s25, s15, $0xb8;
	[tilespmem:$0x1CB50] =	vst v63  }
0x9a: {  	s26 =	sor.u32 $0x500, s13  }
0x9b: {  	[tilespmem:s22], [sflag:$0x1] =	stream.indirect.gather [spmem:s1], $0x10, s26, s15, $0xb8;
	[tilespmem:$0x1CB50] =	vst v63  }
0x9c: {  	_ =	swait.ge [sflag:s23], $0x1000  }
0x9d: {  	[sflag:s23] =	ssyncset.done $0x0  }
0x9e: {  	[sflag:s23] =	ssyncadd.s32 $0xFFFFF000  }
0x9f: {  	_ =	swait.ge [sflag:s24], $0x1000  }
0xa0: {  	[sflag:s24] =	ssyncset.done $0x0  }
0xa1: {  	s25 =	sor.u32 $0x1500, s13;
	[sflag:s24] =	ssyncadd.s32 $0xFFFFF000  }
0xa2: {  	[spmem:s2] =	stream.indirect.scatter.add.f32 [tilespmem:s22], [sflag:$0x2], $0x10, s25, s15, $0xb8;
	[tilespmem:$0x1CB50] =	vst v63  }
0xa3: {  	s26 =	sor.u32 $0x600, s13  }
0xa4: {  	[tilespmem:s21], [sflag:$0x1] =	stream.indirect.gather [spmem:s1], $0x10, s26, s15, $0xb8;
	[tilespmem:$0x1CB50] =	vst v63  }
0xa5: {  	_ =	swait.ge [sflag:s23], $0x1000  }
0xa6: {  	[sflag:s23] =	ssyncset.done $0x0  }
0xa7: {  	[sflag:s23] =	ssyncadd.s32 $0xFFFFF000  }
0xa8: {  	_ =	swait.ge [sflag:s24], $0x1000  }
0xa9: {  	[sflag:s24] =	ssyncset.done $0x0  }
0xaa: {  	s25 =	sor.u32 $0x1600, s13;
	[sflag:s24] =	ssyncadd.s32 $0xFFFFF000  }
0xab: {  	[spmem:s2] =	stream.indirect.scatter.add.f32 [tilespmem:s21], [sflag:$0x2], $0x10, s25, s15, $0xb8;
	[tilespmem:$0x1CB50] =	vst v63  }
0xac: {  	s26 =	sor.u32 $0x700, s13  }
0xad: {  	[tilespmem:s22], [sflag:$0x1] =	stream.indirect.gather [spmem:s1], $0x10, s26, s15, $0xb8;
	[tilespmem:$0x1CB50] =	vst v63  }
0xae: {  	_ =	swait.ge [sflag:s23], $0x1000  }
0xaf: {  	[sflag:s23] =	ssyncset.done $0x0  }
0xb0: {  	[sflag:s23] =	ssyncadd.s32 $0xFFFFF000  }
0xb1: {  	_ =	swait.ge [sflag:s24], $0x1000  }
0xb2: {  	[sflag:s24] =	ssyncset.done $0x0  }
0xb3: {  	s20 =	simm.s32 $0x2;
	s13 =	sor.u32 $0x1700, s13;
	[sflag:s24] =	ssyncadd.s32 $0xFFFFF000  }
0xb4: {  	[spmem:s2] =	stream.indirect.scatter.add.f32 [tilespmem:s22], [sflag:$0x2], $0x10, s13, s15, $0xb8;
	[tilespmem:$0x1CB50] =	vst v63  }
.LBB2_8:
0xb5: {  	[tilespmem:s21], [sflag:$0x1] =	stream.indirect.gather [spmem:s1], $0x10, s14, s15, $0xb8;
	[tilespmem:$0x1CB50] =	vst v63  }
0xb6: {  	_ =	swait.ge [sflag:s23], $0x1000  }
0xb7: {  	[sflag:s23] =	ssyncset.done $0x0  }
0xb8: {  	s13 =	smov.u32 s20;
	[sflag:s23] =	ssyncadd.s32 $0xFFFFF000  }
0xb9: {  	s13 =	smin.u32 s13, $0xC;
	_ =	swait.ge [sflag:s24], $0x1000  }
0xba: {  	s13 =	sshll.u32 s13, $0xB;
	s26 =	rddreg [dreg:$0x4]  }
0xbb: {  	s25 =	smov.u32 s10;
	s13 =	sadd.s32 s26, s13  }
0xbc: {  	s10 =	sadd.s32 $0x800, s10;
	[sflag:s24] =	ssyncset.done $0x0;
	s13 =	sshrl.u32 s13, $0x3  }
0xbd: {  	s14 =	sand.u32 $0x800, s10;
	[sflag:s24] =	ssyncadd.s32 $0xFFFFF000;
	s26 =	sadd.s32 s5, s13  }
0xbe: {  	[tilespmem:s14], [sflag:$0x3] =	stream.linear.gather [hbm4b:s26+s3], $0x800, $0x38;
	[tilespmem:$0x1CB50] =	vst v63  }
0xbf: {  	_ =	swait.ge [sflag:s0], $0x800  }
0xc0: {  	[sflag:s0] =	ssyncset.done $0x0  }
0xc1: {  	s13 =	sadd.s32 s6, s13;
	s26 =	sor.u32 $0x1000, s14;
	[sflag:s0] =	ssyncadd.s32 $0xFFFFF800  }
0xc2: {  	[tilespmem:s26], [sflag:$0x3] =	stream.linear.gather [hbm4b:s13+s3], $0x800, $0x38;
	[tilespmem:$0x1CB50] =	vst v63  }
0xc3: {  	_ =	swait.ge [sflag:s0], $0x800  }
0xc4: {  	s13 =	sand.u32 $0x800, s25;
	[sflag:s0] =	ssyncset.done $0x0  }
0xc5: {  	s25 =	sor.u32 $0x1000, s13;
	[sflag:s0] =	ssyncadd.s32 $0xFFFFF800  }
0xc6: {  	[spmem:s2] =	stream.indirect.scatter.add.f32 [tilespmem:s21], [sflag:$0x2], $0x10, s25, s15, $0xb8;
	[tilespmem:$0x1CB50] =	vst v63  }
0xc7: {  	s26 =	sor.u32 $0x100, s13  }
0xc8: {  	[tilespmem:s22], [sflag:$0x1] =	stream.indirect.gather [spmem:s1], $0x10, s26, s15, $0xb8;
	[tilespmem:$0x1CB50] =	vst v63  }
0xc9: {  	_ =	swait.ge [sflag:s23], $0x1000  }
0xca: {  	[sflag:s23] =	ssyncset.done $0x0  }
0xcb: {  	[sflag:s23] =	ssyncadd.s32 $0xFFFFF000  }
0xcc: {  	_ =	swait.ge [sflag:s24], $0x1000  }
0xcd: {  	[sflag:s24] =	ssyncset.done $0x0  }
0xce: {  	s26 =	sor.u32 $0x1100, s13;
	[sflag:s24] =	ssyncadd.s32 $0xFFFFF000  }
0xcf: {  	[spmem:s2] =	stream.indirect.scatter.add.f32 [tilespmem:s22], [sflag:$0x2], $0x10, s26, s15, $0xb8;
	[tilespmem:$0x1CB50] =	vst v63  }
0xd0: {  	s26 =	sor.u32 $0x200, s13  }
0xd1: {  	[tilespmem:s21], [sflag:$0x1] =	stream.indirect.gather [spmem:s1], $0x10, s26, s15, $0xb8;
	[tilespmem:$0x1CB50] =	vst v63  }
0xd2: {  	_ =	swait.ge [sflag:s23], $0x1000  }
0xd3: {  	[sflag:s23] =	ssyncset.done $0x0  }
0xd4: {  	[sflag:s23] =	ssyncadd.s32 $0xFFFFF000  }
0xd5: {  	_ =	swait.ge [sflag:s24], $0x1000  }
0xd6: {  	[sflag:s24] =	ssyncset.done $0x0  }
0xd7: {  	s26 =	sor.u32 $0x1200, s13;
	[sflag:s24] =	ssyncadd.s32 $0xFFFFF000  }
0xd8: {  	[spmem:s2] =	stream.indirect.scatter.add.f32 [tilespmem:s21], [sflag:$0x2], $0x10, s26, s15, $0xb8;
	[tilespmem:$0x1CB50] =	vst v63  }
0xd9: {  	s26 =	sor.u32 $0x300, s13  }
0xda: {  	[tilespmem:s22], [sflag:$0x1] =	stream.indirect.gather [spmem:s1], $0x10, s26, s15, $0xb8;
	[tilespmem:$0x1CB50] =	vst v63  }
0xdb: {  	_ =	swait.ge [sflag:s23], $0x1000  }
0xdc: {  	[sflag:s23] =	ssyncset.done $0x0  }
0xdd: {  	[sflag:s23] =	ssyncadd.s32 $0xFFFFF000  }
0xde: {  	_ =	swait.ge [sflag:s24], $0x1000  }
0xdf: {  	[sflag:s24] =	ssyncset.done $0x0  }
0xe0: {  	s26 =	sor.u32 $0x1300, s13;
	[sflag:s24] =	ssyncadd.s32 $0xFFFFF000  }
0xe1: {  	[spmem:s2] =	stream.indirect.scatter.add.f32 [tilespmem:s22], [sflag:$0x2], $0x10, s26, s15, $0xb8;
	[tilespmem:$0x1CB50] =	vst v63  }
0xe2: {  	s26 =	sor.u32 $0x400, s13  }
0xe3: {  	[tilespmem:s21], [sflag:$0x1] =	stream.indirect.gather [spmem:s1], $0x10, s26, s15, $0xb8;
	[tilespmem:$0x1CB50] =	vst v63  }
0xe4: {  	_ =	swait.ge [sflag:s23], $0x1000  }
0xe5: {  	[sflag:s23] =	ssyncset.done $0x0  }
0xe6: {  	[sflag:s23] =	ssyncadd.s32 $0xFFFFF000  }
0xe7: {  	_ =	swait.ge [sflag:s24], $0x1000  }
0xe8: {  	[sflag:s24] =	ssyncset.done $0x0  }
0xe9: {  	s26 =	sor.u32 $0x1400, s13;
	[sflag:s24] =	ssyncadd.s32 $0xFFFFF000  }
0xea: {  	[spmem:s2] =	stream.indirect.scatter.add.f32 [tilespmem:s21], [sflag:$0x2], $0x10, s26, s15, $0xb8;
	[tilespmem:$0x1CB50] =	vst v63  }
0xeb: {  	s26 =	sor.u32 $0x500, s13  }
0xec: {  	[tilespmem:s22], [sflag:$0x1] =	stream.indirect.gather [spmem:s1], $0x10, s26, s15, $0xb8;
	[tilespmem:$0x1CB50] =	vst v63  }
0xed: {  	_ =	swait.ge [sflag:s23], $0x1000  }
0xee: {  	[sflag:s23] =	ssyncset.done $0x0  }
0xef: {  	[sflag:s23] =	ssyncadd.s32 $0xFFFFF000  }
0xf0: {  	_ =	swait.ge [sflag:s24], $0x1000  }
0xf1: {  	[sflag:s24] =	ssyncset.done $0x0  }
0xf2: {  	s26 =	sor.u32 $0x1500, s13;
	[sflag:s24] =	ssyncadd.s32 $0xFFFFF000  }
0xf3: {  	[spmem:s2] =	stream.indirect.scatter.add.f32 [tilespmem:s22], [sflag:$0x2], $0x10, s26, s15, $0xb8;
	[tilespmem:$0x1CB50] =	vst v63  }
0xf4: {  	s26 =	sor.u32 $0x600, s13  }
0xf5: {  	[tilespmem:s21], [sflag:$0x1] =	stream.indirect.gather [spmem:s1], $0x10, s26, s15, $0xb8;
	[tilespmem:$0x1CB50] =	vst v63  }
0xf6: {  	_ =	swait.ge [sflag:s23], $0x1000  }
0xf7: {  	[sflag:s23] =	ssyncset.done $0x0  }
0xf8: {  	[sflag:s23] =	ssyncadd.s32 $0xFFFFF000  }
0xf9: {  	_ =	swait.ge [sflag:s24], $0x1000  }
0xfa: {  	[sflag:s24] =	ssyncset.done $0x0  }
0xfb: {  	s26 =	sor.u32 $0x1600, s13;
	[sflag:s24] =	ssyncadd.s32 $0xFFFFF000  }
0xfc: {  	[spmem:s2] =	stream.indirect.scatter.add.f32 [tilespmem:s21], [sflag:$0x2], $0x10, s26, s15, $0xb8;
	[tilespmem:$0x1CB50] =	vst v63  }
0xfd: {  	s26 =	sor.u32 $0x700, s13  }
0xfe: {  	[tilespmem:s22], [sflag:$0x1] =	stream.indirect.gather [spmem:s1], $0x10, s26, s15, $0xb8;
	[tilespmem:$0x1CB50] =	vst v63  }
0xff: {  	_ =	swait.ge [sflag:s23], $0x1000  }
0x100: {  	p3 =	sne.s32 s20, $0xD;
	[sflag:s23] =	ssyncset.done $0x0  }
.Ltmp5:
0x101: {  	[sflag:s23] =	ssyncadd.s32 $0xFFFFF000;
	(pc) =	sbr.rel @p3 .LBB2_8-.Ltmp5, $4  }
0x102: {  	_ =	swait.ge [sflag:s24], $0x1000  }
0x103: {  	[sflag:s24] =	ssyncset.done $0x0  }
0x104: {  	s20 =	sadd.s32 $0x1, s20;
	s13 =	sor.u32 $0x1700, s13;
	[sflag:s24] =	ssyncadd.s32 $0xFFFFF000  }
0x105: {  	[spmem:s2] =	stream.indirect.scatter.add.f32 [tilespmem:s22], [sflag:$0x2], $0x10, s13, s15, $0xb8;
	[tilespmem:$0x1CB50] =	vst v63  }
0x106: {  	[tilespmem:s21], [sflag:$0x1] =	stream.indirect.gather [spmem:s1], $0x10, s14, s15, $0xb8;
	[tilespmem:$0x1CB50] =	vst v63  }
0x107: {  	_ =	swait.ge [sflag:s24], $0x1000  }
0x108: {  	[sflag:s24] =	ssyncset.done $0x0  }
0x109: {  	[sflag:s24] =	ssyncadd.s32 $0xFFFFF000  }
0x10a: {  	s10 =	sshll.u32 s4, $0x6;
	_ =	swait.ge [sflag:s23], $0x1000  }
0x10b: {  	s9 =	sadd.s32 s9, s12;
	s8 =	sadd.s32 $0x1, s8;
	[sflag:s23] =	ssyncset.done $0x0  }
0x10c: {  	s13 =	sshrl.u32 s11, $0x3;
	p3 =	sne.s32 s8, s19;
	[sflag:s23] =	ssyncadd.s32 $0xFFFFF000  }
.Ltmp6:
0x10d: {  	s10 =	sor.u32 $0x1C03, s10;
	[bflag:$0x0] =	sbarrier.arrive $0xFFFF;
	(pc) =	sbr.rel @p3 .LBB2_1-.Ltmp6, $4  }
0x10e: {  	[hbm:s9], [sflag:s10] =	dma.local [spmem:s13], $0x1900  }
0x10f: {  	_ =	swait.ge [sflag:s0], $0x1900  }
0x110: {  	[sflag:s0] =	ssyncset.done $0x0  }
0x111: {  	[sflag:s0] =	ssyncadd.s32 $0xFFFFE700  }
0x112: {  	_ =	sfence.sel $0x180000  }
0x113: {  	[bflag:$0x0] =	sbarrier.arrive $0xFFFF  }
0x114: {  	_ =	strace $0x9000004A  }
0x115: {  	[bflag:$0x2] =	sbarrier.arrive $0xFFFF  }
0x116: {  	p0 =	sne.s32 s4, $0x0;
	s0 =	rddreg [dreg:$0x3]  }
0x117: {  	s0 =	sadd.s32 @!p0 $0x100000, s0  }
0x118: {  	[sflag:s0] =	ssyncadd.tile.s32 @!p0 $0x1;
	_ =	shalt  }
.Lfunc_end2:
_tile_overlayer_lowered:
.L_overlay_start_2:
0x119: {  	(tag) =	ssettag $0x2  }
0x11a: {  	s0 =	rddreg [dreg:$0x0];
	s2 =	stileid.u32  }
0x11b: {  	s1 =	rddreg [dreg:$0x1];
	p0 =	sne.s32 s2, $0x0  }
0x11c: {  	s3 =	rddreg [dreg:$0x2];
	[bflag:$0x3] =	sbarrier.arrive $0xFFFF;
	s2 =	simm.s32 @!p0 $0x1C03  }
0x11d: {  	[timem:s3], [sflag:s2] =	dma.local @!p0 [hbm:s0], s1  }
0x11e: {  	s0 =	simm.s32 @!p0 $0x3  }
0x11f: {  	_ =	swait.ge @!p0 [sflag:s0], s1  }
0x120: {  	s1 =	ssub.s32 @!p0 $0x0, s1;
	[sflag:s0] =	ssyncset.done @!p0 $0x0  }
0x121: {  	[sflag:s0] =	ssyncadd.s32 @!p0 s1  }
0x122: {  	[bflag:$0x3] =	sbarrier.arrive $0xFFFF  }
0x123: {  	_ =	shalt  }

// kernel: kernel.16.cloned.1.call-start
scs
__scs_entry_jumppad:
0x0: {  	(pc) =	sbr.rel $0x88, $3  }
0x1: {  	(tag) =	ssettag $0x0;
	lr =	simm.s32 $0x1  }
0x2: {  	[smem:$0x3F91] =	sst lr;
	_ =	strace $0xD0000000  }
0x3: {  	_ = 	snop  }
0x4: {  	_ = 	snop  }
0x5: {  	_ = 	snop  }
0x6: {  	_ = 	snop  }
0x7: {  	_ = 	snop  }
__scs_overlays_trampoline_lowered:
0x8: {  	[smem:$0x3FA0] =	sst s0  }
0x9: {  	[smem:$0x3FA1] =	sst s1  }
0xa: {  	[smem:$0x3FA2] =	sst s2  }
0xb: {  	[smem:$0x3FA3] =	sst s3  }
0xc: {  	[smem:$0x3FA4] =	sst s4  }
0xd: {  	[smem:$0x3FA5] =	sst s5  }
0xe: {  	[smem:$0x3FA6] =	sst s6  }
0xf: {  	[smem:$0x3FA7] =	sst s7  }
0x10: {  	[smem:$0x3FA8] =	sst s8  }
0x11: {  	[smem:$0x3FA9] =	sst s9;
	s0 =	simm.s32 @!p0 $0x0  }
0x12: {  	s1 =	sld [smem:$0x3F8F];
	s0 =	simm.s32 @p0 $0x1  }
0x13: {  	[smem:$0x3FAA] =	sst s0;
	s0 =	simm.s32 @!p1 $0x0  }
0x14: {  	s2 =	sld [smem:$0x3F8E];
	s0 =	simm.s32 @p1 $0x1  }
0x15: {  	[smem:$0x3FAB] =	sst s0;
	s0 =	simm.s32 @!p2 $0x0  }
0x16: {  	s3 =	sld [smem:$0x3FDB];
	s0 =	simm.s32 @p2 $0x1  }
0x17: {  	s4 =	simm.s32 $0x1BF5;
	[smem:$0x3FAD] =	sst s0  }
0x18: {  	s0 =	sld [smem:$0x3F90];
	_ =	swait.ge [sflag:s4], $0x0  }
0x19: {  	s7 =	sld [smem:$0x3F91]  }
0x1a: {  	s8 =	sadd.s32 $0xFFFFE003, lr  }
0x1b: {  	s9 =	sadd.s32 $0xFFFFFEF7, lr;
	s5 =	simm.s32 $0xFFFFFFFF;
	p2 =	slt.u32 s8, $0xFFFFF086  }
0x1c: {  	p1 =	slt.u32 s9, $0xF7A;
	s5 =	simm.s32 @!p2 $0x0  }
0x1d: {  	s5 =	simm.s32 @p1 $0x1;
	p0 =	seq.s32 s7, s2  }
0x1e: {  	s7 =	smul.u32 @!p0 $0xF7A, s2;
	p2 =	seq.s32 @!p0 s5, $0x0  }
0x1f: {  	s9 =	smul.u32 $0xF7A, s1;
	s8 =	simm.s32 @!p0 $0x1BF5;
	p2 =	por !p2, p0  }
0x20: {  	[sflag:s8] =	ssyncset.s32 @!p0 $0xFFFFF086;
	s6 =	sadd.s32 @!p0 s3, s7;
	s7 =	simm.s32 @!p0 $0x108  }
0x21: {  	s3 =	sadd.s32 s3, s9;
	s6 =	sadd.s32 @!p0 $0x88, s6;
	s7 =	simm.s32 @p2 $0x1082  }
0x22: {  	[simem:s7], [sflag:s8] =	dma.local @!p0 [hbm:s6], $0xF7A  }
0x23: {  	s9 =	sor.u32 $0xD0000000, s2;
	s6 =	simm.s32 $0x108;
	_ =	swait.ge @!p0 [sflag:s8], $0x0  }
0x24: {  	s3 =	sadd.s32 $0x88, s3;
	s6 =	simm.s32 @!p1 $0x1082;
	[sflag:s4] =	ssyncset.s32 $0xFFFFF086  }
0x25: {  	[simem:s6], [sflag:s4] =	dma.local [hbm:s3], $0xF7A  }
0x26: {  	[smem:$0x3F91] =	sst s1;
	(tag) =	ssettag s2;
	_ =	strace s9  }
0x27: {  	s1 =	sld [smem:$0x3FA1]  }
0x28: {  	s2 =	sld [smem:$0x3FA2]  }
0x29: {  	s4 =	sld [smem:$0x3FA4]  }
0x2a: {  	p0 =	seq.s32 s5, $0x0;
	s5 =	sld [smem:$0x3FA5]  }
0x2b: {  	s6 =	sld [smem:$0x3FA6]  }
0x2c: {  	s7 =	sld [smem:$0x3FA7]  }
0x2d: {  	s3 =	simm.s32 $0x108;
	s8 =	sld [smem:$0x3FA8]  }
0x2e: {  	s3 =	simm.s32 @!p0 $0x1082;
	s9 =	sld [smem:$0x3FA9]  }
0x2f: {  	lr =	sadd.s32 s0, s3;
	s0 =	sld [smem:$0x3FA0]  }
0x30: {  	s3 =	sld [smem:$0x3FA3]  }
0x31: {  	[smem:$0x3FAC] =	sst s10  }
0x32: {  	s10 =	sld [smem:$0x3FAA];
	_ =	sdelay $0x3  }
0x33: {  	p0 =	seq.s32 s10, $0x1;
	s10 =	sld [smem:$0x3FAC];
	_ =	sdelay $0x3  }
0x34: {  	[smem:$0x3FAC] =	sst s10  }
0x35: {  	s10 =	sld [smem:$0x3FAB];
	_ =	sdelay $0x3  }
0x36: {  	p1 =	seq.s32 s10, $0x1;
	s10 =	sld [smem:$0x3FAC];
	_ =	sdelay $0x3  }
0x37: {  	[smem:$0x3FAC] =	sst s10  }
0x38: {  	s10 =	sld [smem:$0x3FAD]  }
0x39: {  	_ = 	snop;
	(pc) =	sbr.ind lr, $3  }
0x3a: {  	_ = 	snop  }
0x3b: {  	_ = 	snop  }
0x3c: {  	p2 =	seq.s32 s10, $0x1;
	s10 =	sld [smem:$0x3FAC]  }
0x3d: {  	_ =	shalt  }
0x3e: {  	_ =	shalt  }
0x3f: {  	_ =	shalt  }
0x40: {  	_ =	shalt  }
0x41: {  	_ =	shalt  }
0x42: {  	_ =	shalt  }
0x43: {  	_ =	shalt  }
0x44: {  	_ =	shalt  }
0x45: {  	_ =	shalt  }
0x46: {  	_ =	shalt  }
0x47: {  	_ =	shalt  }
0x48: {  	_ =	shalt  }
0x49: {  	_ =	shalt  }
0x4a: {  	_ =	shalt  }
0x4b: {  	_ =	shalt  }
0x4c: {  	_ =	shalt  }
0x4d: {  	_ =	shalt  }
0x4e: {  	_ =	shalt  }
0x4f: {  	_ =	shalt  }
0x50: {  	_ =	shalt  }
0x51: {  	_ =	shalt  }
0x52: {  	_ =	shalt  }
0x53: {  	_ =	shalt  }
0x54: {  	_ =	shalt  }
0x55: {  	_ =	shalt  }
0x56: {  	_ =	shalt  }
0x57: {  	_ =	shalt  }
0x58: {  	_ =	shalt  }
0x59: {  	_ =	shalt  }
0x5a: {  	_ =	shalt  }
0x5b: {  	_ =	shalt  }
0x5c: {  	_ =	shalt  }
0x5d: {  	_ =	shalt  }
0x5e: {  	_ =	shalt  }
0x5f: {  	_ =	shalt  }
0x60: {  	_ =	shalt  }
0x61: {  	_ =	shalt  }
0x62: {  	_ =	shalt  }
0x63: {  	_ =	shalt  }
0x64: {  	_ =	shalt  }
0x65: {  	_ =	shalt  }
0x66: {  	_ =	shalt  }
0x67: {  	_ =	shalt  }
0x68: {  	_ =	shalt  }
0x69: {  	_ =	shalt  }
0x6a: {  	_ =	shalt  }
0x6b: {  	_ =	shalt  }
0x6c: {  	_ =	shalt  }
0x6d: {  	_ =	shalt  }
0x6e: {  	_ =	shalt  }
0x6f: {  	_ =	shalt  }
0x70: {  	_ =	shalt  }
0x71: {  	_ =	shalt  }
0x72: {  	_ =	shalt  }
0x73: {  	_ =	shalt  }
0x74: {  	_ =	shalt  }
0x75: {  	_ =	shalt  }
0x76: {  	_ =	shalt  }
0x77: {  	_ =	shalt  }
0x78: {  	_ =	shalt  }
0x79: {  	_ =	shalt  }
0x7a: {  	_ =	shalt  }
0x7b: {  	_ =	shalt  }
0x7c: {  	_ =	shalt  }
0x7d: {  	_ =	shalt  }
0x7e: {  	_ =	shalt  }
0x7f: {  	_ =	shalt  }
0x80: {  	_ =	shalt  }
0x81: {  	_ =	shalt  }
0x82: {  	_ =	shalt  }
0x83: {  	_ =	shalt  }
0x84: {  	_ =	shalt  }
0x85: {  	_ =	shalt  }
0x86: {  	_ =	shalt  }
0x87: {  	_ =	shalt  }
.Lfunc_end0:
.L_simem_size_0:
called_computation.2_lowered:
.L_overlay_start_0:
0x88: {  	s2 =	sld [smem:$0x3FD9]  }
0x89: {  	s3 =	sld [smem:$0x3FFE];
	_ =	sdelay $0x1  }
0x8a: {  	s1 =	srdreg.scid  }
0x8b: {  	s0 =	sand.u32 $0x1, s1  }
0x8c: {  	s16 =	sshll.u32 s0, $0xA;
	s2 =	sadd.s32 s3, s2  }
0x8d: {  	s2 =	sadd.s32 s2, s16  }
0x8e: {  	[smem:$0x3FB8] =	sst s2  }
0x8f: {  	_ = 	snop  }
0x90: {  	(tm) =	ssettm $0x1  }
0x91: {  	s17 =	sld [smem:$0x3FFB];
	_ =	sdelay $0x3  }
0x92: {  	_ =	strace s17  }
0x93: {  	s2 =	sld [smem:$0x3FFC];
	_ =	sdelay $0x3  }
0x94: {  	_ =	strace s2  }
0x95: {  	s2 =	sld [smem:$0x3FFD];
	_ =	sdelay $0x3  }
0x96: {  	_ =	strace s2  }
0x97: {  	_ =	strace $0x8FFFFFFF  }
0x98: {  	s18 =	sld [smem:$0x3FDB];
	_ =	sdelay $0x1  }
0x99: {  	s19 =	simm.s32 $_scs_section_size  }
0x9a: {  	s4 =	simm.s32 $_size__tile_overlayer_lowered;
	s5 =	simm.s32 $_tile_overlayer_lowered  }
0x9b: {  	s22 =	simm.s32 $0x1BFF;
	s21 =	sshll.u32 s5, $0x1;
	s2 =	sadd.s32 s19, s18  }
0x9c: {  	s6 =	simm.s32 $0x0;
	s20 =	sshll.u32 s4, $0x1;
	s4 =	sadd.s32 s21, s2  }
0x9d: {  	[timem:s6], [sflag:s22] =	dma.local [hbm:s4], s20  }
0x9e: {  	_ =	swait.ge [sflag:s22], s20  }
0x9f: {  	s3 =	ssub.s32 $0x0, s20;
	[sflag:s22] =	ssyncset.done $0x0  }
0xa0: {  	[sflag:s22] =	ssyncadd.s32 s3;
	_ =	sdelay $0x1  }
0xa1: {  	s23 =	simm.s32 $0x1B8B  }
0xa2: {  	_ =	swait.ge [sflag:s23], $0x1  }
0xa3: {  	[sflag:s23] =	ssyncset.done $0x0  }
0xa4: {  	s25 =	simm.s32 $0x1B8E;
	s24 =	sld [smem:$0x3FFE];
	[sflag:s23] =	ssyncadd.s32 $0xFFFFFFFF  }
0xa5: {  	s26 =	simm.s32 $execute0_lowered;
	[smem:$0x3FD2] =	sst s25  }
0xa6: {  	s4 =	sshll.u32 s26, $0x1;
	_ =	strace $0x8000004C;
	[dreg:$0x1] =	wrdreg $0xFFFFFFFF  }
0xa7: {  	s28 =	simm.s32 $_size_execute0_lowered;
	s2 =	sadd.s32 s2, s4;
	[dreg:$0x0] =	wrdreg $0x0  }
0xa8: {  	s4 =	sshll.u32 s28, $0x1;
	[dreg:$0x2] =	wrdreg s2  }
0xa9: {  	[dreg:$0x3] =	wrdreg s4  }
0xaa: {  	[dreg:$0x4] =	wrdreg $0xC0  }
0xab: {  	_ =	task [dreg:s6], $0x5FFFF  }
0xac: {  	[dreg:$0x1] =	wrdreg $0xFFFFFFFF  }
0xad: {  	[dreg:$0x0] =	wrdreg $0x60  }
0xae: {  	[dreg:$0x2] =	wrdreg s24  }
0xaf: {  	[dreg:$0x3] =	wrdreg $0x108000  }
0xb0: {  	[dreg:$0x4] =	wrdreg $0x40000  }
0xb1: {  	[dreg:$0x5] =	wrdreg $0x9  }
0xb2: {  	_ =	task.clear_ibuf [dreg:s6], $0x6FFFF;
	_ =	strace $0x9000004C  }
0xb3: {  	s29 =	simm.s32 $0x9;
	_ =	strace $0x8000004E  }
0xb4: {  	_ =	swait.ge [sflag:s29], $0x1  }
0xb5: {  	[sflag:s29] =	ssyncadd.s32 $0xFFFFFFFF  }
0xb6: {  	_ =	strace $0x9000004E  }
0xb7: {  	_ =	sfence  }
0xb8: {  	s30 =	sld [smem:$0x0];
	_ =	sdelay $0x2  }
0xb9: {  	s31 =	sshll.u32 s1, $0xD;
	s1 =	sshrl.u32 s1, $0x2  }
0xba: {  	s3 =	sand.u32 $0x4000, s31;
	s1 =	sadd.s32 s1, s30  }
0xbb: {  	s0 =	sor.u32 s3, s0;
	s1 =	sshll.u32 s1, $0x11  }
0xbc: {  	s0 =	sor.u32 s1, s0  }
0xbd: {  	s0 =	sadd.s32 $0x8F2B, s0  }
0xbe: {  	[sflag:s0] =	ssyncadd.remote.s32 $0x1  }
0xbf: {  	_ =	sfence.sel $0xFFFF  }
0xc0: {  	[dreg:$0x0] =	wrdreg $0xFFFFFFFF;
	(pc) =	sbr.abs _section_cstart, $3  }
0xc1: {  	[dreg:$0x1] =	wrdreg $0xFFFFFFFF  }
0xc2: {  	_ =	task.clear_ibuf [dreg:s6], $0x2FFFF;
	_ =	strace $0x9FFFFFFF  }
0xc3: {  	(tm) =	ssettm $0x7FFFFFFF  }
tec
execute0_lowered:
.L_overlay_start_1:
0x0: {  	(tag) =	ssettag $0x1  }
0x1: {  	s0 =	rddreg [dreg:$0x0]  }
0x2: {  	s1 =	rddreg [dreg:$0x1]  }
0x3: {  	s2 =	rddreg [dreg:$0x2];
	s3 =	simm.s32 $0x0  }
0x4: {  	s4 =	srdreg.scid;
	s12 =	stileid.u32;
	s28 =	simm.s32 $0x100  }
0x5: {  	s29 =	simm.s32 $0x2000;
	s30 =	simm.s32 $0x3000;
	s31 =	simm.s32 $0x1  }
0x6: {  	s15 =	stileid.u32;
	[smem:$0x7FF] =	sst s3;
	s5 =	sadd.s32 $0x114000, s0  }
0x7: {  	s6 =	sadd.s32 $0x4200, s0;
	s4 =	sand.u32 $0x1, s4;
	s13 =	smul.u32 $0x30E00, s12  }
0x8: {  	s7 =	sadd.s32 $0x12E000, s0;
	s10 =	smul.u32 $0x32000, s12;
	s14 =	sadd.s32 $0x18FC00, s0  }
0x9: {  	s9 =	sadd.s32 $0x1E200, s0;
	s17 =	smul.u32 $0x1A00, s12;
	s25 =	sadd.s32 $0x189A40, s0  }
0xa: {  	s18 =	sadd.s32 $0xBB800, s2;
	s19 =	smul.u32 $0xD000, s12;
	s0 =	sadd.s32 $0x18BC00, s0  }
0xb: {  	p0 =	seq.s32 s12, $0xF;
	_ =	strace $0x8000004D;
	[dreg:$0x6] =	wrdreg s14  }
0xc: {  	s8 =	ssub.s32 $0x2, s4;
	s4 =	sshll.u32 s4, $0x5;
	[dreg:$0x8] =	wrdreg s25  }
0xd: {  	[dreg:$0x9] =	wrdreg s0;
	s0 =	sadd.s32 $0xC3500, s2;
	s20 =	sshrl.u32 @p0 s18, $0x3  }
0xe: {  	s25 =	simm.s32 $0x3;
	s11 =	sshrl.u32 s8, $0x1;
	[dreg:$0x5] =	wrdreg s13  }
0xf: {  	s23 =	sshrl.u32 s13, $0x2;
	[dreg:$0x7] =	wrdreg s4;
	s24 =	sshrl.u32 s10, $0x2  }
0x10: {  	s16 =	sadd.s32 s5, s17;
	s17 =	sadd.s32 s6, s17;
	[dreg:$0x4] =	wrdreg s19  }
0x11: {  	s21 =	sshrl.u32 @p0 s0, $0x3;
	s0 =	simm.s32 $0x2;
	s8 =	ssub.s32 s8, s11  }
0x12: {  	s4 =	sadd.s32 s23, s1;
	s13 =	sadd.s32 s24, s2;
	s11 =	sadd.s32 $0xB7480, s1  }
0x13: {  	s23 =	sadd.s32 $0xC5D00, s2;
	s26 =	smax.u32 s8, $0x1;
	s8 =	sadd.s32 $0xC4900, s2  }
0x14: {  	s19 =	sshrl.u32 @p0 s11, $0x3;
	s23 =	sshrl.u32 @p0 s23, $0x3;
	s24 =	sshrl.u32 @!p0 s4, $0x3  }
0x15: {  	[dreg:$0xa] =	wrdreg s26;
	s22 =	sshrl.u32 @p0 s8, $0x3;
	s8 =	simm.s32 $0x0  }
.LBB2_1:
0x16: {  	[dreg:$0xb] =	wrdreg s8;
	p2 =	por $0x1, $0x1;
	s4 =	simm.s32 $0x0  }
.LBB2_2:
0x17: {  	s8 =	rddreg [dreg:$0x7]  }
0x18: {  	s11 =	simm.s32 @p0 $0x1;
	s26 =	sor.u32 s8, s4  }
0x19: {  	s18 =	simm.s32 @p0 $0x2;
	s8 =	rddreg [dreg:$0x8];
	s4 =	sshrl.u32 @p0 s26, $0x3  }
0x1a: {  	s12 =	simm.s32 @p0 $0x8;
	s14 =	simm.s32 @p0 $0x1FC1;
	s8 =	sadd.s32 @p0 s4, s8  }
0x1b: {  	[spmem:s19@s18], [sflag:s14] =	dma.strided @p0 [hbm:s8@s12], $0x1810, s11, $0x2   }
0x1c: {  	s8 =	rddreg [dreg:$0x9]  }
0x1d: {  	s4 =	sadd.s32 @p0 s4, s8;
	s8 =	simm.s32 @p0 $0x1FC2  }
0x1e: {  	[spmem:s20@s18], [sflag:s8] =	dma.strided @p0 [hbm:s4@s12], $0xFA0, s11, $0x2   }
0x1f: {  	s4 =	simm.s32 @p0 $0x1FC3;
	s8 =	simm.s32 @p0 $0x3  }
0x20: {  	[spmem:s21], [sflag:s4] =	dma.local @p0 [hbm:s9], $0x280  }
0x21: {  	_ =	swait.ge @p0 [sflag:s8], $0x280  }
0x22: {  	[sflag:s8] =	ssyncset.done @p0 $0x0  }
0x23: {  	[sflag:s8] =	ssyncadd.s32 @p0 $0xFFFFFD80  }
0x24: {  	[spmem:s22], [sflag:s4] =	dma.local @p0 [hbm:s9], $0x280  }
0x25: {  	_ =	swait.ge @p0 [sflag:s8], $0x280  }
0x26: {  	[sflag:s8] =	ssyncset.done @p0 $0x0  }
0x27: {  	[sflag:s8] =	ssyncadd.s32 @p0 $0xFFFFFD80  }
0x28: {  	[spmem:s23], [sflag:s4] =	dma.local @p0 [hbm:s9], $0x280  }
0x29: {  	_ =	swait.ge @p0 [sflag:s8], $0x280  }
0x2a: {  	[sflag:s8] =	ssyncset.done @p0 $0x0  }
0x2b: {  	[sflag:s8] =	ssyncadd.s32 @p0 $0xFFFFFD80  }
0x2c: {  	_ =	swait.ge @p0 [sflag:s11], $0x1810  }
0x2d: {  	[sflag:s11] =	ssyncset.done @p0 $0x0  }
0x2e: {  	[sflag:s11] =	ssyncadd.s32 @p0 $0xFFFFE7F0  }
0x2f: {  	_ =	swait.ge @p0 [sflag:s18], $0xFA0  }
0x30: {  	s14 =	simm.s32 @!p0 $0x2;
	s4 =	rddreg [dreg:$0x5]  }
0x31: {  	s12 =	simm.s32 @!p0 $0x1;
	s8 =	sshll.u32 @!p0 s15, $0x6;
	s4 =	sor.u32 @!p0 s4, s26  }
0x32: {  	s11 =	sor.u32 @!p0 $0x1C01, s8;
	[sflag:s18] =	ssyncset.done @p0 $0x0;
	s4 =	sshrl.u32 @!p0 s4, $0x3  }
0x33: {  	[sflag:s18] =	ssyncadd.s32 @p0 $0xFFFFF060;
	s18 =	simm.s32 @!p0 $0x8;
	s4 =	sadd.s32 @!p0 s7, s4  }
0x34: {  	[spmem:s24@s14], [sflag:s11] =	dma.strided @!p0 [hbm:s4@s18], $0x1870, s12, $0x2   }
0x35: {  	s4 =	sor.u32 @!p0 s10, s26  }
0x36: {  	s4 =	sshrl.u32 @!p0 s4, $0x3  }
0x37: {  	s8 =	sor.u32 @!p0 $0x1C02, s8;
	s11 =	sshrl.u32 @!p0 s13, $0x3;
	s4 =	sadd.s32 @!p0 s7, s4  }
0x38: {  	[spmem:s11@s14], [sflag:s8] =	dma.strided @!p0 [hbm:s4@s18], $0x1900, s12, $0x2   }
0x39: {  	_ =	swait.ge @!p0 [sflag:s12], $0x1870  }
0x3a: {  	[sflag:s12] =	ssyncset.done @!p0 $0x0  }
0x3b: {  	[sflag:s12] =	ssyncadd.s32 @!p0 $0xFFFFE790  }
0x3c: {  	_ =	swait.ge @!p0 [sflag:s14], $0x1900  }
0x3d: {  	[sflag:s14] =	ssyncset.done @!p0 $0x0  }
0x3e: {  	[sflag:s14] =	ssyncadd.s32 @!p0 $0xFFFFE700  }
0x3f: {  	s8 =	simm.s32 $0x0;
	[bflag:$0x0] =	sbarrier.arrive $0xFFFF  }
0x40: {  	[tilespmem:s8], [sflag:$0x3] =	stream.linear.gather [hbm4b:s16+s8], $0x800, $0x38;
	[tilespmem:$0x1CB50] =	vst v63  }
0x41: {  	_ =	swait.ge [sflag:s25], $0x800  }
0x42: {  	[sflag:s25] =	ssyncset.done $0x0  }
0x43: {  	s18 =	simm.s32 $0x1000;
	[sflag:s25] =	ssyncadd.s32 $0xFFFFF800  }
0x44: {  	[tilespmem:s18], [sflag:$0x3] =	stream.linear.gather [hbm4b:s17+s8], $0x800, $0x38;
	[tilespmem:$0x1CB50] =	vst v63  }
0x45: {  	_ =	swait.ge [sflag:s25], $0x800  }
0x46: {  	[sflag:s25] =	ssyncset.done $0x0  }
0x47: {  	[sflag:s25] =	ssyncadd.s32 $0xFFFFF800  }
0x48: {  	[tilespmem:s29], [sflag:$0x1] =	stream.indirect.gather [spmem:s1], $0x10, s8, s28, $0xb8;
	[tilespmem:$0x1CB50] =	vst v63  }
0x49: {  	_ = 	snop  }
0x4a: {  	[tilespmem:s30], [sflag:$0x2] =	stream.linear.gather [hbm4b:s9+s8], $0x1000, $0x38;
	[tilespmem:$0x1CB50] =	vst v63  }
0x4b: {  	_ =	swait.ge [sflag:s31], $0x1000  }
0x4c: {  	[sflag:s31] =	ssyncset.done $0x0  }
0x4d: {  	s11 =	simm.s32 $0x1;
	[sflag:s31] =	ssyncadd.s32 $0xFFFFF000  }
0x4e: {  	s4 =	smin.u32 s11, $0x19;
	_ =	swait.ge [sflag:s0], $0x1000  }
0x4f: {  	s4 =	sshll.u32 s4, $0xB;
	s12 =	rddreg [dreg:$0x4]  }
0x50: {  	s4 =	sadd.s32 s12, s4  }
0x51: {  	s18 =	simm.s32 $0x800;
	[sflag:s0] =	ssyncset.done $0x0;
	s11 =	sshrl.u32 s4, $0x3  }
0x52: {  	[sflag:s0] =	ssyncadd.s32 $0xFFFFF000;
	s4 =	sand.u32 $0x800, s18;
	s14 =	sadd.s32 s5, s11  }
0x53: {  	[tilespmem:s4], [sflag:$0x3] =	stream.linear.gather [hbm4b:s14+s3], $0x800, $0x38;
	[tilespmem:$0x1CB50] =	vst v63  }
0x54: {  	_ =	swait.ge [sflag:s25], $0x800  }
0x55: {  	[sflag:s25] =	ssyncset.done $0x0  }
0x56: {  	s11 =	sadd.s32 s6, s11;
	s14 =	sor.u32 $0x1000, s4;
	[sflag:s25] =	ssyncadd.s32 $0xFFFFF800  }
0x57: {  	[tilespmem:s14], [sflag:$0x3] =	stream.linear.gather [hbm4b:s11+s3], $0x800, $0x38;
	[tilespmem:$0x1CB50] =	vst v63  }
0x58: {  	_ =	swait.ge [sflag:s25], $0x800  }
0x59: {  	s8 =	sand.u32 $0x800, s8;
	[sflag:s25] =	ssyncset.done $0x0  }
0x5a: {  	s12 =	sor.u32 $0x1000, s8;
	[sflag:s25] =	ssyncadd.s32 $0xFFFFF800  }
0x5b: {  	[spmem:s2] =	stream.indirect.scatter.add.f32 [tilespmem:s29], [sflag:$0x2], $0x10, s12, s28, $0xb8;
	[tilespmem:$0x1CB50] =	vst v63  }
0x5c: {  	s14 =	sor.u32 $0x100, s8  }
0x5d: {  	[tilespmem:s30], [sflag:$0x1] =	stream.indirect.gather [spmem:s1], $0x10, s14, s28, $0xb8;
	[tilespmem:$0x1CB50] =	vst v63  }
0x5e: {  	_ =	swait.ge [sflag:s31], $0x1000  }
0x5f: {  	[sflag:s31] =	ssyncset.done $0x0  }
0x60: {  	[sflag:s31] =	ssyncadd.s32 $0xFFFFF000  }
0x61: {  	_ =	swait.ge [sflag:s0], $0x1000  }
0x62: {  	[sflag:s0] =	ssyncset.done $0x0  }
0x63: {  	s12 =	sor.u32 $0x1100, s8;
	[sflag:s0] =	ssyncadd.s32 $0xFFFFF000  }
0x64: {  	[spmem:s2] =	stream.indirect.scatter.add.f32 [tilespmem:s30], [sflag:$0x2], $0x10, s12, s28, $0xb8;
	[tilespmem:$0x1CB50] =	vst v63  }
0x65: {  	s14 =	sor.u32 $0x200, s8  }
0x66: {  	[tilespmem:s29], [sflag:$0x1] =	stream.indirect.gather [spmem:s1], $0x10, s14, s28, $0xb8;
	[tilespmem:$0x1CB50] =	vst v63  }
0x67: {  	_ =	swait.ge [sflag:s31], $0x1000  }
0x68: {  	[sflag:s31] =	ssyncset.done $0x0  }
0x69: {  	[sflag:s31] =	ssyncadd.s32 $0xFFFFF000  }
0x6a: {  	_ =	swait.ge [sflag:s0], $0x1000  }
0x6b: {  	[sflag:s0] =	ssyncset.done $0x0  }
0x6c: {  	s12 =	sor.u32 $0x1200, s8;
	[sflag:s0] =	ssyncadd.s32 $0xFFFFF000  }
0x6d: {  	[spmem:s2] =	stream.indirect.scatter.add.f32 [tilespmem:s29], [sflag:$0x2], $0x10, s12, s28, $0xb8;
	[tilespmem:$0x1CB50] =	vst v63  }
0x6e: {  	s14 =	sor.u32 $0x300, s8  }
0x6f: {  	[tilespmem:s30], [sflag:$0x1] =	stream.indirect.gather [spmem:s1], $0x10, s14, s28, $0xb8;
	[tilespmem:$0x1CB50] =	vst v63  }
0x70: {  	_ =	swait.ge [sflag:s31], $0x1000  }
0x71: {  	[sflag:s31] =	ssyncset.done $0x0  }
0x72: {  	[sflag:s31] =	ssyncadd.s32 $0xFFFFF000  }
0x73: {  	_ =	swait.ge [sflag:s0], $0x1000  }
0x74: {  	[sflag:s0] =	ssyncset.done $0x0  }
0x75: {  	s12 =	sor.u32 $0x1300, s8;
	[sflag:s0] =	ssyncadd.s32 $0xFFFFF000  }
0x76: {  	[spmem:s2] =	stream.indirect.scatter.add.f32 [tilespmem:s30], [sflag:$0x2], $0x10, s12, s28, $0xb8;
	[tilespmem:$0x1CB50] =	vst v63  }
0x77: {  	s14 =	sor.u32 $0x400, s8  }
0x78: {  	[tilespmem:s29], [sflag:$0x1] =	stream.indirect.gather [spmem:s1], $0x10, s14, s28, $0xb8;
	[tilespmem:$0x1CB50] =	vst v63  }
0x79: {  	_ =	swait.ge [sflag:s31], $0x1000  }
0x7a: {  	[sflag:s31] =	ssyncset.done $0x0  }
0x7b: {  	[sflag:s31] =	ssyncadd.s32 $0xFFFFF000  }
0x7c: {  	_ =	swait.ge [sflag:s0], $0x1000  }
0x7d: {  	[sflag:s0] =	ssyncset.done $0x0  }
0x7e: {  	s12 =	sor.u32 $0x1400, s8;
	[sflag:s0] =	ssyncadd.s32 $0xFFFFF000  }
0x7f: {  	[spmem:s2] =	stream.indirect.scatter.add.f32 [tilespmem:s29], [sflag:$0x2], $0x10, s12, s28, $0xb8;
	[tilespmem:$0x1CB50] =	vst v63  }
0x80: {  	s14 =	sor.u32 $0x500, s8  }
0x81: {  	[tilespmem:s30], [sflag:$0x1] =	stream.indirect.gather [spmem:s1], $0x10, s14, s28, $0xb8;
	[tilespmem:$0x1CB50] =	vst v63  }
0x82: {  	_ =	swait.ge [sflag:s31], $0x1000  }
0x83: {  	[sflag:s31] =	ssyncset.done $0x0  }
0x84: {  	[sflag:s31] =	ssyncadd.s32 $0xFFFFF000  }
0x85: {  	_ =	swait.ge [sflag:s0], $0x1000  }
0x86: {  	[sflag:s0] =	ssyncset.done $0x0  }
0x87: {  	s12 =	sor.u32 $0x1500, s8;
	[sflag:s0] =	ssyncadd.s32 $0xFFFFF000  }
0x88: {  	[spmem:s2] =	stream.indirect.scatter.add.f32 [tilespmem:s30], [sflag:$0x2], $0x10, s12, s28, $0xb8;
	[tilespmem:$0x1CB50] =	vst v63  }
0x89: {  	s14 =	sor.u32 $0x600, s8  }
0x8a: {  	[tilespmem:s29], [sflag:$0x1] =	stream.indirect.gather [spmem:s1], $0x10, s14, s28, $0xb8;
	[tilespmem:$0x1CB50] =	vst v63  }
0x8b: {  	_ =	swait.ge [sflag:s31], $0x1000  }
0x8c: {  	[sflag:s31] =	ssyncset.done $0x0  }
0x8d: {  	[sflag:s31] =	ssyncadd.s32 $0xFFFFF000  }
0x8e: {  	_ =	swait.ge [sflag:s0], $0x1000  }
0x8f: {  	[sflag:s0] =	ssyncset.done $0x0  }
0x90: {  	s12 =	sor.u32 $0x1600, s8;
	[sflag:s0] =	ssyncadd.s32 $0xFFFFF000  }
0x91: {  	[spmem:s2] =	stream.indirect.scatter.add.f32 [tilespmem:s29], [sflag:$0x2], $0x10, s12, s28, $0xb8;
	[tilespmem:$0x1CB50] =	vst v63  }
0x92: {  	s14 =	sor.u32 $0x700, s8  }
0x93: {  	[tilespmem:s30], [sflag:$0x1] =	stream.indirect.gather [spmem:s1], $0x10, s14, s28, $0xb8;
	[tilespmem:$0x1CB50] =	vst v63  }
0x94: {  	_ =	swait.ge [sflag:s31], $0x1000  }
0x95: {  	[sflag:s31] =	ssyncset.done $0x0  }
0x96: {  	[sflag:s31] =	ssyncadd.s32 $0xFFFFF000  }
0x97: {  	_ =	swait.ge [sflag:s0], $0x1000  }
0x98: {  	[sflag:s0] =	ssyncset.done $0x0  }
0x99: {  	s8 =	sor.u32 $0x1700, s8;
	[sflag:s0] =	ssyncadd.s32 $0xFFFFF000  }
0x9a: {  	[spmem:s2] =	stream.indirect.scatter.add.f32 [tilespmem:s30], [sflag:$0x2], $0x10, s8, s28, $0xb8;
	[tilespmem:$0x1CB50] =	vst v63  }
0x9b: {  	p1 =	por p2, p2;
	s8 =	simm.s32 $0x2  }
.LBB2_3:
0x9c: {  	[tilespmem:s29], [sflag:$0x1] =	stream.indirect.gather [spmem:s1], $0x10, s4, s28, $0xb8;
	[tilespmem:$0x1CB50] =	vst v63  }
0x9d: {  	_ =	swait.ge [sflag:s31], $0x1000  }
0x9e: {  	[sflag:s31] =	ssyncset.done $0x0  }
0x9f: {  	s14 =	smov.u32 s8;
	[sflag:s31] =	ssyncadd.s32 $0xFFFFF000  }
0xa0: {  	s4 =	smin.u32 s14, $0x19;
	_ =	swait.ge [sflag:s0], $0x1000  }
0xa1: {  	s4 =	sshll.u32 s4, $0xB;
	s12 =	rddreg [dreg:$0x4]  }
0xa2: {  	s11 =	smov.u32 s18;
	s4 =	sadd.s32 s12, s4  }
0xa3: {  	s18 =	sadd.s32 $0x800, s18;
	[sflag:s0] =	ssyncset.done $0x0;
	s12 =	sshrl.u32 s4, $0x3  }
0xa4: {  	[sflag:s0] =	ssyncadd.s32 $0xFFFFF000;
	s4 =	sand.u32 $0x800, s18;
	s14 =	sadd.s32 s5, s12  }
0xa5: {  	[tilespmem:s4], [sflag:$0x3] =	stream.linear.gather [hbm4b:s14+s3], $0x800, $0x38;
	[tilespmem:$0x1CB50] =	vst v63  }
0xa6: {  	_ =	swait.ge [sflag:s25], $0x800  }
0xa7: {  	[sflag:s25] =	ssyncset.done $0x0  }
0xa8: {  	s12 =	sadd.s32 s6, s12;
	s14 =	sor.u32 $0x1000, s4;
	[sflag:s25] =	ssyncadd.s32 $0xFFFFF800  }
0xa9: {  	[tilespmem:s14], [sflag:$0x3] =	stream.linear.gather [hbm4b:s12+s3], $0x800, $0x38;
	[tilespmem:$0x1CB50] =	vst v63  }
0xaa: {  	_ =	swait.ge [sflag:s25], $0x800  }
0xab: {  	s11 =	sand.u32 $0x800, s11;
	[sflag:s25] =	ssyncset.done $0x0  }
0xac: {  	s14 =	sor.u32 $0x1000, s11;
	[sflag:s25] =	ssyncadd.s32 $0xFFFFF800  }
0xad: {  	[spmem:s2] =	stream.indirect.scatter.add.f32 [tilespmem:s29], [sflag:$0x2], $0x10, s14, s28, $0xb8;
	[tilespmem:$0x1CB50] =	vst v63  }
0xae: {  	s14 =	sor.u32 $0x100, s11  }
0xaf: {  	[tilespmem:s30], [sflag:$0x1] =	stream.indirect.gather [spmem:s1], $0x10, s14, s28, $0xb8;
	[tilespmem:$0x1CB50] =	vst v63  }
0xb0: {  	_ =	swait.ge [sflag:s31], $0x1000  }
0xb1: {  	[sflag:s31] =	ssyncset.done $0x0  }
0xb2: {  	[sflag:s31] =	ssyncadd.s32 $0xFFFFF000  }
0xb3: {  	_ =	swait.ge [sflag:s0], $0x1000  }
0xb4: {  	[sflag:s0] =	ssyncset.done $0x0  }
0xb5: {  	s14 =	sor.u32 $0x1100, s11;
	[sflag:s0] =	ssyncadd.s32 $0xFFFFF000  }
0xb6: {  	[spmem:s2] =	stream.indirect.scatter.add.f32 [tilespmem:s30], [sflag:$0x2], $0x10, s14, s28, $0xb8;
	[tilespmem:$0x1CB50] =	vst v63  }
0xb7: {  	s14 =	sor.u32 $0x200, s11  }
0xb8: {  	[tilespmem:s29], [sflag:$0x1] =	stream.indirect.gather [spmem:s1], $0x10, s14, s28, $0xb8;
	[tilespmem:$0x1CB50] =	vst v63  }
0xb9: {  	_ =	swait.ge [sflag:s31], $0x1000  }
0xba: {  	[sflag:s31] =	ssyncset.done $0x0  }
0xbb: {  	[sflag:s31] =	ssyncadd.s32 $0xFFFFF000  }
0xbc: {  	_ =	swait.ge [sflag:s0], $0x1000  }
0xbd: {  	[sflag:s0] =	ssyncset.done $0x0  }
0xbe: {  	s14 =	sor.u32 $0x1200, s11;
	[sflag:s0] =	ssyncadd.s32 $0xFFFFF000  }
0xbf: {  	[spmem:s2] =	stream.indirect.scatter.add.f32 [tilespmem:s29], [sflag:$0x2], $0x10, s14, s28, $0xb8;
	[tilespmem:$0x1CB50] =	vst v63  }
0xc0: {  	s14 =	sor.u32 $0x300, s11  }
0xc1: {  	[tilespmem:s30], [sflag:$0x1] =	stream.indirect.gather [spmem:s1], $0x10, s14, s28, $0xb8;
	[tilespmem:$0x1CB50] =	vst v63  }
0xc2: {  	_ =	swait.ge [sflag:s31], $0x1000  }
0xc3: {  	[sflag:s31] =	ssyncset.done $0x0  }
0xc4: {  	[sflag:s31] =	ssyncadd.s32 $0xFFFFF000  }
0xc5: {  	_ =	swait.ge [sflag:s0], $0x1000  }
0xc6: {  	[sflag:s0] =	ssyncset.done $0x0  }
0xc7: {  	s14 =	sor.u32 $0x1300, s11;
	[sflag:s0] =	ssyncadd.s32 $0xFFFFF000  }
0xc8: {  	[spmem:s2] =	stream.indirect.scatter.add.f32 [tilespmem:s30], [sflag:$0x2], $0x10, s14, s28, $0xb8;
	[tilespmem:$0x1CB50] =	vst v63  }
0xc9: {  	s14 =	sor.u32 $0x400, s11  }
0xca: {  	[tilespmem:s29], [sflag:$0x1] =	stream.indirect.gather [spmem:s1], $0x10, s14, s28, $0xb8;
	[tilespmem:$0x1CB50] =	vst v63  }
0xcb: {  	_ =	swait.ge [sflag:s31], $0x1000  }
0xcc: {  	[sflag:s31] =	ssyncset.done $0x0  }
0xcd: {  	[sflag:s31] =	ssyncadd.s32 $0xFFFFF000  }
0xce: {  	_ =	swait.ge [sflag:s0], $0x1000  }
0xcf: {  	[sflag:s0] =	ssyncset.done $0x0  }
0xd0: {  	s14 =	sor.u32 $0x1400, s11;
	[sflag:s0] =	ssyncadd.s32 $0xFFFFF000  }
0xd1: {  	[spmem:s2] =	stream.indirect.scatter.add.f32 [tilespmem:s29], [sflag:$0x2], $0x10, s14, s28, $0xb8;
	[tilespmem:$0x1CB50] =	vst v63  }
0xd2: {  	s14 =	sor.u32 $0x500, s11  }
0xd3: {  	[tilespmem:s30], [sflag:$0x1] =	stream.indirect.gather [spmem:s1], $0x10, s14, s28, $0xb8;
	[tilespmem:$0x1CB50] =	vst v63  }
0xd4: {  	_ =	swait.ge [sflag:s31], $0x1000  }
0xd5: {  	[sflag:s31] =	ssyncset.done $0x0  }
0xd6: {  	[sflag:s31] =	ssyncadd.s32 $0xFFFFF000  }
0xd7: {  	_ =	swait.ge [sflag:s0], $0x1000  }
0xd8: {  	[sflag:s0] =	ssyncset.done $0x0  }
0xd9: {  	s14 =	sor.u32 $0x1500, s11;
	[sflag:s0] =	ssyncadd.s32 $0xFFFFF000  }
0xda: {  	[spmem:s2] =	stream.indirect.scatter.add.f32 [tilespmem:s30], [sflag:$0x2], $0x10, s14, s28, $0xb8;
	[tilespmem:$0x1CB50] =	vst v63  }
0xdb: {  	s14 =	sor.u32 $0x600, s11  }
0xdc: {  	[tilespmem:s29], [sflag:$0x1] =	stream.indirect.gather [spmem:s1], $0x10, s14, s28, $0xb8;
	[tilespmem:$0x1CB50] =	vst v63  }
0xdd: {  	_ =	swait.ge [sflag:s31], $0x1000  }
0xde: {  	[sflag:s31] =	ssyncset.done $0x0  }
0xdf: {  	[sflag:s31] =	ssyncadd.s32 $0xFFFFF000  }
0xe0: {  	_ =	swait.ge [sflag:s0], $0x1000  }
0xe1: {  	[sflag:s0] =	ssyncset.done $0x0  }
0xe2: {  	s14 =	sor.u32 $0x1600, s11;
	[sflag:s0] =	ssyncadd.s32 $0xFFFFF000  }
0xe3: {  	[spmem:s2] =	stream.indirect.scatter.add.f32 [tilespmem:s29], [sflag:$0x2], $0x10, s14, s28, $0xb8;
	[tilespmem:$0x1CB50] =	vst v63  }
0xe4: {  	s14 =	sor.u32 $0x700, s11  }
0xe5: {  	[tilespmem:s30], [sflag:$0x1] =	stream.indirect.gather [spmem:s1], $0x10, s14, s28, $0xb8;
	[tilespmem:$0x1CB50] =	vst v63  }
0xe6: {  	_ =	swait.ge [sflag:s31], $0x1000  }
0xe7: {  	p2 =	sne.s32 s8, $0x1A;
	[sflag:s31] =	ssyncset.done $0x0  }
.Ltmp0:
0xe8: {  	[sflag:s31] =	ssyncadd.s32 $0xFFFFF000;
	(pc) =	sbr.rel @p2 .LBB2_3-.Ltmp0, $4  }
0xe9: {  	_ =	swait.ge [sflag:s0], $0x1000  }
0xea: {  	[sflag:s0] =	ssyncset.done $0x0  }
0xeb: {  	s8 =	sadd.s32 $0x1, s8;
	s11 =	sor.u32 $0x1700, s11;
	[sflag:s0] =	ssyncadd.s32 $0xFFFFF000  }
0xec: {  	[spmem:s2] =	stream.indirect.scatter.add.f32 [tilespmem:s30], [sflag:$0x2], $0x10, s11, s28, $0xb8;
	[tilespmem:$0x1CB50] =	vst v63  }
0xed: {  	[tilespmem:s29], [sflag:$0x1] =	stream.indirect.gather [spmem:s1], $0x10, s4, s28, $0xb8;
	[tilespmem:$0x1CB50] =	vst v63  }
0xee: {  	_ =	swait.ge [sflag:s0], $0x1000  }
0xef: {  	[sflag:s0] =	ssyncset.done $0x0  }
0xf0: {  	[sflag:s0] =	ssyncadd.s32 $0xFFFFF000  }
0xf1: {  	_ =	swait.ge [sflag:s31], $0x1000  }
0xf2: {  	[sflag:s31] =	ssyncset.done $0x0  }
0xf3: {  	s18 =	sor.u32 s10, s26;
	[sflag:s31] =	ssyncadd.s32 $0xFFFFF000  }
0xf4: {  	s12 =	stileid.u32;
	s26 =	sshrl.u32 s13, $0x3;
	[bflag:$0x0] =	sbarrier.arrive $0xFFFF  }
0xf5: {  	s4 =	sshrl.u32 s18, $0x3;
	s8 =	sshll.u32 s12, $0x6;
	s11 =	rddreg [dreg:$0x6]  }
0xf6: {  	s14 =	simm.s32 $0x8;
	s8 =	sor.u32 $0x1C03, s8;
	s4 =	sadd.s32 s11, s4  }
0xf7: {  	[hbm:s4@s14], [sflag:s8] =	dma.strided [spmem:s26@s0], $0x1900, s31, $0x2   }
.Ltmp1:
0xf8: {  	_ =	swait.ge [sflag:s25], $0x1900;
	(pc) =	sbr.rel @p1 .LBB2_2-.Ltmp1, $4  }
0xf9: {  	[sflag:s25] =	ssyncset.done $0x0  }
0xfa: {  	[sflag:s25] =	ssyncadd.s32 $0xFFFFE700  }
0xfb: {  	[bflag:$0x0] =	sbarrier.arrive $0xFFFF  }
0xfc: {  	p2 =	por $0x0, $0x0;
	s4 =	simm.s32 $0x10  }
0xfd: {  	s8 =	rddreg [dreg:$0xb]  }
0xfe: {  	s4 =	rddreg [dreg:$0xa];
	s8 =	sadd.s32 $0x1, s8  }
0xff: {  	p1 =	sne.s32 s8, s4  }
.Ltmp2:
0x100: {  	_ = 	snop;
	(pc) =	sbr.rel @p1 .LBB2_1-.Ltmp2, $1  }
0x101: {  	_ =	sdelay $0x3  }
0x102: {  	_ =	sfence.sel $0x180000  }
0x103: {  	[bflag:$0x0] =	sbarrier.arrive $0xFFFF  }
0x104: {  	_ =	strace $0x9000004D  }
0x105: {  	[bflag:$0x2] =	sbarrier.arrive $0xFFFF  }
0x106: {  	p0 =	sne.s32 s12, $0x0;
	s0 =	rddreg [dreg:$0x3]  }
0x107: {  	s0 =	sadd.s32 @!p0 $0x100000, s0  }
0x108: {  	[sflag:s0] =	ssyncadd.tile.s32 @!p0 $0x1;
	_ =	shalt  }
.Lfunc_end2:
_tile_overlayer_lowered:
.L_overlay_start_2:
0x109: {  	(tag) =	ssettag $0x2  }
0x10a: {  	s0 =	rddreg [dreg:$0x0];
	s2 =	stileid.u32  }
0x10b: {  	s1 =	rddreg [dreg:$0x1];
	p0 =	sne.s32 s2, $0x0  }
0x10c: {  	s3 =	rddreg [dreg:$0x2];
	[bflag:$0x3] =	sbarrier.arrive $0xFFFF;
	s2 =	simm.s32 @!p0 $0x1C03  }
0x10d: {  	[timem:s3], [sflag:s2] =	dma.local @!p0 [hbm:s0], s1  }
0x10e: {  	s0 =	simm.s32 @!p0 $0x3  }
0x10f: {  	_ =	swait.ge @!p0 [sflag:s0], s1  }
0x110: {  	s1 =	ssub.s32 @!p0 $0x0, s1;
	[sflag:s0] =	ssyncset.done @!p0 $0x0  }
0x111: {  	[sflag:s0] =	ssyncadd.s32 @!p0 s1  }
0x112: {  	[bflag:$0x3] =	sbarrier.arrive $0xFFFF  }
0x113: {  	_ =	shalt  }

// kernel: kernel.19.cloned.1.call-start
scs
__scs_entry_jumppad:
0x0: {  	(pc) =	sbr.rel $0x88, $3  }
0x1: {  	(tag) =	ssettag $0x0;
	lr =	simm.s32 $0x1  }
0x2: {  	[smem:$0x3F91] =	sst lr;
	_ =	strace $0xD0000000  }
0x3: {  	_ = 	snop  }
0x4: {  	_ = 	snop  }
0x5: {  	_ = 	snop  }
0x6: {  	_ = 	snop  }
0x7: {  	_ = 	snop  }
__scs_overlays_trampoline_lowered:
0x8: {  	[smem:$0x3FA0] =	sst s0  }
0x9: {  	[smem:$0x3FA1] =	sst s1  }
0xa: {  	[smem:$0x3FA2] =	sst s2  }
0xb: {  	[smem:$0x3FA3] =	sst s3  }
0xc: {  	[smem:$0x3FA4] =	sst s4  }
0xd: {  	[smem:$0x3FA5] =	sst s5  }
0xe: {  	[smem:$0x3FA6] =	sst s6  }
0xf: {  	[smem:$0x3FA7] =	sst s7  }
0x10: {  	[smem:$0x3FA8] =	sst s8  }
0x11: {  	[smem:$0x3FA9] =	sst s9;
	s0 =	simm.s32 @!p0 $0x0  }
0x12: {  	s1 =	sld [smem:$0x3F8F];
	s0 =	simm.s32 @p0 $0x1  }
0x13: {  	[smem:$0x3FAA] =	sst s0;
	s0 =	simm.s32 @!p1 $0x0  }
0x14: {  	s2 =	sld [smem:$0x3F8E];
	s0 =	simm.s32 @p1 $0x1  }
0x15: {  	[smem:$0x3FAB] =	sst s0;
	s0 =	simm.s32 @!p2 $0x0  }
0x16: {  	s3 =	sld [smem:$0x3FDB];
	s0 =	simm.s32 @p2 $0x1  }
0x17: {  	s4 =	simm.s32 $0x1BF5;
	[smem:$0x3FAD] =	sst s0  }
0x18: {  	s0 =	sld [smem:$0x3F90];
	_ =	swait.ge [sflag:s4], $0x0  }
0x19: {  	s7 =	sld [smem:$0x3F91]  }
0x1a: {  	s8 =	sadd.s32 $0xFFFFE003, lr  }
0x1b: {  	s9 =	sadd.s32 $0xFFFFFEF7, lr;
	s5 =	simm.s32 $0xFFFFFFFF;
	p2 =	slt.u32 s8, $0xFFFFF086  }
0x1c: {  	p1 =	slt.u32 s9, $0xF7A;
	s5 =	simm.s32 @!p2 $0x0  }
0x1d: {  	s5 =	simm.s32 @p1 $0x1;
	p0 =	seq.s32 s7, s2  }
0x1e: {  	s7 =	smul.u32 @!p0 $0xF7A, s2;
	p2 =	seq.s32 @!p0 s5, $0x0  }
0x1f: {  	s9 =	smul.u32 $0xF7A, s1;
	s8 =	simm.s32 @!p0 $0x1BF5;
	p2 =	por !p2, p0  }
0x20: {  	[sflag:s8] =	ssyncset.s32 @!p0 $0xFFFFF086;
	s6 =	sadd.s32 @!p0 s3, s7;
	s7 =	simm.s32 @!p0 $0x108  }
0x21: {  	s3 =	sadd.s32 s3, s9;
	s6 =	sadd.s32 @!p0 $0x88, s6;
	s7 =	simm.s32 @p2 $0x1082  }
0x22: {  	[simem:s7], [sflag:s8] =	dma.local @!p0 [hbm:s6], $0xF7A  }
0x23: {  	s9 =	sor.u32 $0xD0000000, s2;
	s6 =	simm.s32 $0x108;
	_ =	swait.ge @!p0 [sflag:s8], $0x0  }
0x24: {  	s3 =	sadd.s32 $0x88, s3;
	s6 =	simm.s32 @!p1 $0x1082;
	[sflag:s4] =	ssyncset.s32 $0xFFFFF086  }
0x25: {  	[simem:s6], [sflag:s4] =	dma.local [hbm:s3], $0xF7A  }
0x26: {  	[smem:$0x3F91] =	sst s1;
	(tag) =	ssettag s2;
	_ =	strace s9  }
0x27: {  	s1 =	sld [smem:$0x3FA1]  }
0x28: {  	s2 =	sld [smem:$0x3FA2]  }
0x29: {  	s4 =	sld [smem:$0x3FA4]  }
0x2a: {  	p0 =	seq.s32 s5, $0x0;
	s5 =	sld [smem:$0x3FA5]  }
0x2b: {  	s6 =	sld [smem:$0x3FA6]  }
0x2c: {  	s7 =	sld [smem:$0x3FA7]  }
0x2d: {  	s3 =	simm.s32 $0x108;
	s8 =	sld [smem:$0x3FA8]  }
0x2e: {  	s3 =	simm.s32 @!p0 $0x1082;
	s9 =	sld [smem:$0x3FA9]  }
0x2f: {  	lr =	sadd.s32 s0, s3;
	s0 =	sld [smem:$0x3FA0]  }
0x30: {  	s3 =	sld [smem:$0x3FA3]  }
0x31: {  	[smem:$0x3FAC] =	sst s10  }
0x32: {  	s10 =	sld [smem:$0x3FAA];
	_ =	sdelay $0x3  }
0x33: {  	p0 =	seq.s32 s10, $0x1;
	s10 =	sld [smem:$0x3FAC];
	_ =	sdelay $0x3  }
0x34: {  	[smem:$0x3FAC] =	sst s10  }
0x35: {  	s10 =	sld [smem:$0x3FAB];
	_ =	sdelay $0x3  }
0x36: {  	p1 =	seq.s32 s10, $0x1;
	s10 =	sld [smem:$0x3FAC];
	_ =	sdelay $0x3  }
0x37: {  	[smem:$0x3FAC] =	sst s10  }
0x38: {  	s10 =	sld [smem:$0x3FAD]  }
0x39: {  	_ = 	snop;
	(pc) =	sbr.ind lr, $3  }
0x3a: {  	_ = 	snop  }
0x3b: {  	_ = 	snop  }
0x3c: {  	p2 =	seq.s32 s10, $0x1;
	s10 =	sld [smem:$0x3FAC]  }
0x3d: {  	_ =	shalt  }
0x3e: {  	_ =	shalt  }
0x3f: {  	_ =	shalt  }
0x40: {  	_ =	shalt  }
0x41: {  	_ =	shalt  }
0x42: {  	_ =	shalt  }
0x43: {  	_ =	shalt  }
0x44: {  	_ =	shalt  }
0x45: {  	_ =	shalt  }
0x46: {  	_ =	shalt  }
0x47: {  	_ =	shalt  }
0x48: {  	_ =	shalt  }
0x49: {  	_ =	shalt  }
0x4a: {  	_ =	shalt  }
0x4b: {  	_ =	shalt  }
0x4c: {  	_ =	shalt  }
0x4d: {  	_ =	shalt  }
0x4e: {  	_ =	shalt  }
0x4f: {  	_ =	shalt  }
0x50: {  	_ =	shalt  }
0x51: {  	_ =	shalt  }
0x52: {  	_ =	shalt  }
0x53: {  	_ =	shalt  }
0x54: {  	_ =	shalt  }
0x55: {  	_ =	shalt  }
0x56: {  	_ =	shalt  }
0x57: {  	_ =	shalt  }
0x58: {  	_ =	shalt  }
0x59: {  	_ =	shalt  }
0x5a: {  	_ =	shalt  }
0x5b: {  	_ =	shalt  }
0x5c: {  	_ =	shalt  }
0x5d: {  	_ =	shalt  }
0x5e: {  	_ =	shalt  }
0x5f: {  	_ =	shalt  }
0x60: {  	_ =	shalt  }
0x61: {  	_ =	shalt  }
0x62: {  	_ =	shalt  }
0x63: {  	_ =	shalt  }
0x64: {  	_ =	shalt  }
0x65: {  	_ =	shalt  }
0x66: {  	_ =	shalt  }
0x67: {  	_ =	shalt  }
0x68: {  	_ =	shalt  }
0x69: {  	_ =	shalt  }
0x6a: {  	_ =	shalt  }
0x6b: {  	_ =	shalt  }
0x6c: {  	_ =	shalt  }
0x6d: {  	_ =	shalt  }
0x6e: {  	_ =	shalt  }
0x6f: {  	_ =	shalt  }
0x70: {  	_ =	shalt  }
0x71: {  	_ =	shalt  }
0x72: {  	_ =	shalt  }
0x73: {  	_ =	shalt  }
0x74: {  	_ =	shalt  }
0x75: {  	_ =	shalt  }
0x76: {  	_ =	shalt  }
0x77: {  	_ =	shalt  }
0x78: {  	_ =	shalt  }
0x79: {  	_ =	shalt  }
0x7a: {  	_ =	shalt  }
0x7b: {  	_ =	shalt  }
0x7c: {  	_ =	shalt  }
0x7d: {  	_ =	shalt  }
0x7e: {  	_ =	shalt  }
0x7f: {  	_ =	shalt  }
0x80: {  	_ =	shalt  }
0x81: {  	_ =	shalt  }
0x82: {  	_ =	shalt  }
0x83: {  	_ =	shalt  }
0x84: {  	_ =	shalt  }
0x85: {  	_ =	shalt  }
0x86: {  	_ =	shalt  }
0x87: {  	_ =	shalt  }
.Lfunc_end0:
.L_simem_size_0:
called_computation.3_lowered:
.L_overlay_start_0:
0x88: {  	s2 =	sld [smem:$0x3FD9]  }
0x89: {  	s3 =	sld [smem:$0x3FFE];
	_ =	sdelay $0x1  }
0x8a: {  	s1 =	srdreg.scid  }
0x8b: {  	s0 =	sand.u32 $0x1, s1  }
0x8c: {  	s16 =	sshll.u32 s0, $0xA;
	s2 =	sadd.s32 s3, s2  }
0x8d: {  	s2 =	sadd.s32 s2, s16  }
0x8e: {  	[smem:$0x3FB8] =	sst s2  }
0x8f: {  	_ = 	snop  }
0x90: {  	(tm) =	ssettm $0x1  }
0x91: {  	s17 =	sld [smem:$0x3FFB];
	_ =	sdelay $0x3  }
0x92: {  	_ =	strace s17  }
0x93: {  	s2 =	sld [smem:$0x3FFC];
	_ =	sdelay $0x3  }
0x94: {  	_ =	strace s2  }
0x95: {  	s2 =	sld [smem:$0x3FFD];
	_ =	sdelay $0x3  }
0x96: {  	_ =	strace s2  }
0x97: {  	_ =	strace $0x8FFFFFFF  }
0x98: {  	s18 =	sld [smem:$0x3FDB];
	_ =	sdelay $0x1  }
0x99: {  	s19 =	simm.s32 $_scs_section_size  }
0x9a: {  	s4 =	simm.s32 $_size__tile_overlayer_lowered;
	s5 =	simm.s32 $_tile_overlayer_lowered  }
0x9b: {  	s22 =	simm.s32 $0x1BFF;
	s21 =	sshll.u32 s5, $0x1;
	s2 =	sadd.s32 s19, s18  }
0x9c: {  	s6 =	simm.s32 $0x0;
	s20 =	sshll.u32 s4, $0x1;
	s4 =	sadd.s32 s21, s2  }
0x9d: {  	[timem:s6], [sflag:s22] =	dma.local [hbm:s4], s20  }
0x9e: {  	_ =	swait.ge [sflag:s22], s20  }
0x9f: {  	s3 =	ssub.s32 $0x0, s20;
	[sflag:s22] =	ssyncset.done $0x0  }
0xa0: {  	[sflag:s22] =	ssyncadd.s32 s3;
	_ =	sdelay $0x1  }
0xa1: {  	s23 =	simm.s32 $0x1B8B  }
0xa2: {  	_ =	swait.ge [sflag:s23], $0x1  }
0xa3: {  	[sflag:s23] =	ssyncset.done $0x0  }
0xa4: {  	s25 =	simm.s32 $0x1B8E;
	s24 =	sld [smem:$0x3FFE];
	[sflag:s23] =	ssyncadd.s32 $0xFFFFFFFF  }
0xa5: {  	s26 =	simm.s32 $execute0_lowered;
	[smem:$0x3FD2] =	sst s25  }
0xa6: {  	s4 =	sshll.u32 s26, $0x1;
	_ =	strace $0x8000004F;
	[dreg:$0x1] =	wrdreg $0xFFFFFFFF  }
0xa7: {  	s28 =	simm.s32 $_size_execute0_lowered;
	s2 =	sadd.s32 s2, s4;
	[dreg:$0x0] =	wrdreg $0x0  }
0xa8: {  	s4 =	sshll.u32 s28, $0x1;
	[dreg:$0x2] =	wrdreg s2  }
0xa9: {  	[dreg:$0x3] =	wrdreg s4  }
0xaa: {  	[dreg:$0x4] =	wrdreg $0xC0  }
0xab: {  	_ =	task [dreg:s6], $0x5FFFF  }
0xac: {  	[dreg:$0x1] =	wrdreg $0xFFFFFFFF  }
0xad: {  	[dreg:$0x0] =	wrdreg $0x60  }
0xae: {  	[dreg:$0x2] =	wrdreg s24  }
0xaf: {  	[dreg:$0x3] =	wrdreg $0x108000  }
0xb0: {  	[dreg:$0x4] =	wrdreg $0x40000  }
0xb1: {  	[dreg:$0x5] =	wrdreg $0x9  }
0xb2: {  	_ =	task.clear_ibuf [dreg:s6], $0x6FFFF;
	_ =	strace $0x9000004F  }
0xb3: {  	s29 =	simm.s32 $0x9;
	_ =	strace $0x80000051  }
0xb4: {  	_ =	swait.ge [sflag:s29], $0x1  }
0xb5: {  	[sflag:s29] =	ssyncadd.s32 $0xFFFFFFFF  }
0xb6: {  	_ =	strace $0x90000051  }
0xb7: {  	_ =	sfence  }
0xb8: {  	s30 =	sld [smem:$0x0];
	_ =	sdelay $0x2  }
0xb9: {  	s31 =	sshll.u32 s1, $0xD;
	s1 =	sshrl.u32 s1, $0x2  }
0xba: {  	s3 =	sand.u32 $0x4000, s31;
	s1 =	sadd.s32 s1, s30  }
0xbb: {  	s0 =	sor.u32 s3, s0;
	s1 =	sshll.u32 s1, $0x11  }
0xbc: {  	s0 =	sor.u32 s1, s0  }
0xbd: {  	s0 =	sadd.s32 $0x8F2B, s0  }
0xbe: {  	[sflag:s0] =	ssyncadd.remote.s32 $0x1  }
0xbf: {  	_ =	sfence.sel $0xFFFF  }
0xc0: {  	[dreg:$0x0] =	wrdreg $0xFFFFFFFF;
	(pc) =	sbr.abs _section_cstart, $3  }
0xc1: {  	[dreg:$0x1] =	wrdreg $0xFFFFFFFF  }
0xc2: {  	_ =	task.clear_ibuf [dreg:s6], $0x2FFFF;
	_ =	strace $0x9FFFFFFF  }
0xc3: {  	(tm) =	ssettm $0x7FFFFFFF  }
tec
execute0_lowered:
.L_overlay_start_1:
0x0: {  	(tag) =	ssettag $0x1  }
0x1: {  	s0 =	rddreg [dreg:$0x0]  }
0x2: {  	s1 =	rddreg [dreg:$0x1]  }
0x3: {  	s2 =	rddreg [dreg:$0x2];
	s3 =	simm.s32 $0x0  }
0x4: {  	s4 =	srdreg.scid;
	s12 =	stileid.u32;
	s28 =	simm.s32 $0x100  }
0x5: {  	s29 =	simm.s32 $0x2000;
	s30 =	simm.s32 $0x3000;
	s31 =	simm.s32 $0x1  }
0x6: {  	s15 =	stileid.u32;
	[smem:$0x7FF] =	sst s3;
	s5 =	sadd.s32 $0x114000, s0  }
0x7: {  	s6 =	sadd.s32 $0x4200, s0;
	s4 =	sand.u32 $0x1, s4;
	s13 =	smul.u32 $0x30E00, s12  }
0x8: {  	s7 =	sadd.s32 $0x12E000, s0;
	s10 =	smul.u32 $0x32000, s12;
	s14 =	sadd.s32 $0x18FC00, s0  }
0x9: {  	s9 =	sadd.s32 $0x1E200, s0;
	s17 =	smul.u32 $0x1A00, s12;
	s25 =	sadd.s32 $0x189A40, s0  }
0xa: {  	s18 =	sadd.s32 $0xBB800, s2;
	s19 =	smul.u32 $0xD000, s12;
	s0 =	sadd.s32 $0x18BC00, s0  }
0xb: {  	p0 =	seq.s32 s12, $0xF;
	_ =	strace $0x80000050;
	[dreg:$0x6] =	wrdreg s14  }
0xc: {  	s8 =	ssub.s32 $0x2, s4;
	s4 =	sshll.u32 s4, $0x5;
	[dreg:$0x8] =	wrdreg s25  }
0xd: {  	[dreg:$0x9] =	wrdreg s0;
	s0 =	sadd.s32 $0xC3500, s2;
	s20 =	sshrl.u32 @p0 s18, $0x3  }
0xe: {  	s25 =	simm.s32 $0x3;
	s11 =	sshrl.u32 s8, $0x1;
	[dreg:$0x5] =	wrdreg s13  }
0xf: {  	s23 =	sshrl.u32 s13, $0x2;
	[dreg:$0x7] =	wrdreg s4;
	s24 =	sshrl.u32 s10, $0x2  }
0x10: {  	s16 =	sadd.s32 s5, s17;
	s17 =	sadd.s32 s6, s17;
	[dreg:$0x4] =	wrdreg s19  }
0x11: {  	s21 =	sshrl.u32 @p0 s0, $0x3;
	s0 =	simm.s32 $0x2;
	s8 =	ssub.s32 s8, s11  }
0x12: {  	s4 =	sadd.s32 s23, s1;
	s13 =	sadd.s32 s24, s2;
	s11 =	sadd.s32 $0xB7480, s1  }
0x13: {  	s23 =	sadd.s32 $0xC5D00, s2;
	s26 =	smax.u32 s8, $0x1;
	s8 =	sadd.s32 $0xC4900, s2  }
0x14: {  	s19 =	sshrl.u32 @p0 s11, $0x3;
	s23 =	sshrl.u32 @p0 s23, $0x3;
	s24 =	sshrl.u32 @!p0 s4, $0x3  }
0x15: {  	[dreg:$0xa] =	wrdreg s26;
	s22 =	sshrl.u32 @p0 s8, $0x3;
	s8 =	simm.s32 $0x0  }
.LBB2_1:
0x16: {  	[dreg:$0xb] =	wrdreg s8;
	p2 =	por $0x1, $0x1;
	s4 =	simm.s32 $0x0  }
.LBB2_2:
0x17: {  	s8 =	rddreg [dreg:$0x7]  }
0x18: {  	s11 =	simm.s32 @p0 $0x1;
	s26 =	sor.u32 s8, s4  }
0x19: {  	s18 =	simm.s32 @p0 $0x2;
	s8 =	rddreg [dreg:$0x8];
	s4 =	sshrl.u32 @p0 s26, $0x3  }
0x1a: {  	s12 =	simm.s32 @p0 $0x8;
	s14 =	simm.s32 @p0 $0x1FC1;
	s8 =	sadd.s32 @p0 s4, s8  }
0x1b: {  	[spmem:s19@s18], [sflag:s14] =	dma.strided @p0 [hbm:s8@s12], $0x1810, s11, $0x2   }
0x1c: {  	s8 =	rddreg [dreg:$0x9]  }
0x1d: {  	s4 =	sadd.s32 @p0 s4, s8;
	s8 =	simm.s32 @p0 $0x1FC2  }
0x1e: {  	[spmem:s20@s18], [sflag:s8] =	dma.strided @p0 [hbm:s4@s12], $0xFA0, s11, $0x2   }
0x1f: {  	s4 =	simm.s32 @p0 $0x1FC3;
	s8 =	simm.s32 @p0 $0x3  }
0x20: {  	[spmem:s21], [sflag:s4] =	dma.local @p0 [hbm:s9], $0x280  }
0x21: {  	_ =	swait.ge @p0 [sflag:s8], $0x280  }
0x22: {  	[sflag:s8] =	ssyncset.done @p0 $0x0  }
0x23: {  	[sflag:s8] =	ssyncadd.s32 @p0 $0xFFFFFD80  }
0x24: {  	[spmem:s22], [sflag:s4] =	dma.local @p0 [hbm:s9], $0x280  }
0x25: {  	_ =	swait.ge @p0 [sflag:s8], $0x280  }
0x26: {  	[sflag:s8] =	ssyncset.done @p0 $0x0  }
0x27: {  	[sflag:s8] =	ssyncadd.s32 @p0 $0xFFFFFD80  }
0x28: {  	[spmem:s23], [sflag:s4] =	dma.local @p0 [hbm:s9], $0x280  }
0x29: {  	_ =	swait.ge @p0 [sflag:s8], $0x280  }
0x2a: {  	[sflag:s8] =	ssyncset.done @p0 $0x0  }
0x2b: {  	[sflag:s8] =	ssyncadd.s32 @p0 $0xFFFFFD80  }
0x2c: {  	_ =	swait.ge @p0 [sflag:s11], $0x1810  }
0x2d: {  	[sflag:s11] =	ssyncset.done @p0 $0x0  }
0x2e: {  	[sflag:s11] =	ssyncadd.s32 @p0 $0xFFFFE7F0  }
0x2f: {  	_ =	swait.ge @p0 [sflag:s18], $0xFA0  }
0x30: {  	s14 =	simm.s32 @!p0 $0x2;
	s4 =	rddreg [dreg:$0x5]  }
0x31: {  	s12 =	simm.s32 @!p0 $0x1;
	s8 =	sshll.u32 @!p0 s15, $0x6;
	s4 =	sor.u32 @!p0 s4, s26  }
0x32: {  	s11 =	sor.u32 @!p0 $0x1C01, s8;
	[sflag:s18] =	ssyncset.done @p0 $0x0;
	s4 =	sshrl.u32 @!p0 s4, $0x3  }
0x33: {  	[sflag:s18] =	ssyncadd.s32 @p0 $0xFFFFF060;
	s18 =	simm.s32 @!p0 $0x8;
	s4 =	sadd.s32 @!p0 s7, s4  }
0x34: {  	[spmem:s24@s14], [sflag:s11] =	dma.strided @!p0 [hbm:s4@s18], $0x1870, s12, $0x2   }
0x35: {  	s4 =	sor.u32 @!p0 s10, s26  }
0x36: {  	s4 =	sshrl.u32 @!p0 s4, $0x3  }
0x37: {  	s8 =	sor.u32 @!p0 $0x1C02, s8;
	s11 =	sshrl.u32 @!p0 s13, $0x3;
	s4 =	sadd.s32 @!p0 s7, s4  }
0x38: {  	[spmem:s11@s14], [sflag:s8] =	dma.strided @!p0 [hbm:s4@s18], $0x1900, s12, $0x2   }
0x39: {  	_ =	swait.ge @!p0 [sflag:s12], $0x1870  }
0x3a: {  	[sflag:s12] =	ssyncset.done @!p0 $0x0  }
0x3b: {  	[sflag:s12] =	ssyncadd.s32 @!p0 $0xFFFFE790  }
0x3c: {  	_ =	swait.ge @!p0 [sflag:s14], $0x1900  }
0x3d: {  	[sflag:s14] =	ssyncset.done @!p0 $0x0  }
0x3e: {  	[sflag:s14] =	ssyncadd.s32 @!p0 $0xFFFFE700  }
0x3f: {  	s8 =	simm.s32 $0x0;
	[bflag:$0x0] =	sbarrier.arrive $0xFFFF  }
0x40: {  	[tilespmem:s8], [sflag:$0x3] =	stream.linear.gather [hbm4b:s16+s8], $0x800, $0x38;
	[tilespmem:$0x1CB50] =	vst v63  }
0x41: {  	_ =	swait.ge [sflag:s25], $0x800  }
0x42: {  	[sflag:s25] =	ssyncset.done $0x0  }
0x43: {  	s18 =	simm.s32 $0x1000;
	[sflag:s25] =	ssyncadd.s32 $0xFFFFF800  }
0x44: {  	[tilespmem:s18], [sflag:$0x3] =	stream.linear.gather [hbm4b:s17+s8], $0x800, $0x38;
	[tilespmem:$0x1CB50] =	vst v63  }
0x45: {  	_ =	swait.ge [sflag:s25], $0x800  }
0x46: {  	[sflag:s25] =	ssyncset.done $0x0  }
0x47: {  	[sflag:s25] =	ssyncadd.s32 $0xFFFFF800  }
0x48: {  	[tilespmem:s29], [sflag:$0x1] =	stream.indirect.gather [spmem:s1], $0x10, s8, s28, $0xb8;
	[tilespmem:$0x1CB50] =	vst v63  }
0x49: {  	_ = 	snop  }
0x4a: {  	[tilespmem:s30], [sflag:$0x2] =	stream.linear.gather [hbm4b:s9+s8], $0x1000, $0x38;
	[tilespmem:$0x1CB50] =	vst v63  }
0x4b: {  	_ =	swait.ge [sflag:s31], $0x1000  }
0x4c: {  	[sflag:s31] =	ssyncset.done $0x0  }
0x4d: {  	s11 =	simm.s32 $0x1;
	[sflag:s31] =	ssyncadd.s32 $0xFFFFF000  }
0x4e: {  	s4 =	smin.u32 s11, $0x19;
	_ =	swait.ge [sflag:s0], $0x1000  }
0x4f: {  	s4 =	sshll.u32 s4, $0xB;
	s12 =	rddreg [dreg:$0x4]  }
0x50: {  	s4 =	sadd.s32 s12, s4  }
0x51: {  	s18 =	simm.s32 $0x800;
	[sflag:s0] =	ssyncset.done $0x0;
	s11 =	sshrl.u32 s4, $0x3  }
0x52: {  	[sflag:s0] =	ssyncadd.s32 $0xFFFFF000;
	s4 =	sand.u32 $0x800, s18;
	s14 =	sadd.s32 s5, s11  }
0x53: {  	[tilespmem:s4], [sflag:$0x3] =	stream.linear.gather [hbm4b:s14+s3], $0x800, $0x38;
	[tilespmem:$0x1CB50] =	vst v63  }
0x54: {  	_ =	swait.ge [sflag:s25], $0x800  }
0x55: {  	[sflag:s25] =	ssyncset.done $0x0  }
0x56: {  	s11 =	sadd.s32 s6, s11;
	s14 =	sor.u32 $0x1000, s4;
	[sflag:s25] =	ssyncadd.s32 $0xFFFFF800  }
0x57: {  	[tilespmem:s14], [sflag:$0x3] =	stream.linear.gather [hbm4b:s11+s3], $0x800, $0x38;
	[tilespmem:$0x1CB50] =	vst v63  }
0x58: {  	_ =	swait.ge [sflag:s25], $0x800  }
0x59: {  	s8 =	sand.u32 $0x800, s8;
	[sflag:s25] =	ssyncset.done $0x0  }
0x5a: {  	s12 =	sor.u32 $0x1000, s8;
	[sflag:s25] =	ssyncadd.s32 $0xFFFFF800  }
0x5b: {  	[spmem:s2] =	stream.indirect.scatter.add.f32 [tilespmem:s29], [sflag:$0x2], $0x10, s12, s28, $0xb8;
	[tilespmem:$0x1CB50] =	vst v63  }
0x5c: {  	s14 =	sor.u32 $0x100, s8  }
0x5d: {  	[tilespmem:s30], [sflag:$0x1] =	stream.indirect.gather [spmem:s1], $0x10, s14, s28, $0xb8;
	[tilespmem:$0x1CB50] =	vst v63  }
0x5e: {  	_ =	swait.ge [sflag:s31], $0x1000  }
0x5f: {  	[sflag:s31] =	ssyncset.done $0x0  }
0x60: {  	[sflag:s31] =	ssyncadd.s32 $0xFFFFF000  }
0x61: {  	_ =	swait.ge [sflag:s0], $0x1000  }
0x62: {  	[sflag:s0] =	ssyncset.done $0x0  }
0x63: {  	s12 =	sor.u32 $0x1100, s8;
	[sflag:s0] =	ssyncadd.s32 $0xFFFFF000  }
0x64: {  	[spmem:s2] =	stream.indirect.scatter.add.f32 [tilespmem:s30], [sflag:$0x2], $0x10, s12, s28, $0xb8;
	[tilespmem:$0x1CB50] =	vst v63  }
0x65: {  	s14 =	sor.u32 $0x200, s8  }
0x66: {  	[tilespmem:s29], [sflag:$0x1] =	stream.indirect.gather [spmem:s1], $0x10, s14, s28, $0xb8;
	[tilespmem:$0x1CB50] =	vst v63  }
0x67: {  	_ =	swait.ge [sflag:s31], $0x1000  }
0x68: {  	[sflag:s31] =	ssyncset.done $0x0  }
0x69: {  	[sflag:s31] =	ssyncadd.s32 $0xFFFFF000  }
0x6a: {  	_ =	swait.ge [sflag:s0], $0x1000  }
0x6b: {  	[sflag:s0] =	ssyncset.done $0x0  }
0x6c: {  	s12 =	sor.u32 $0x1200, s8;
	[sflag:s0] =	ssyncadd.s32 $0xFFFFF000  }
0x6d: {  	[spmem:s2] =	stream.indirect.scatter.add.f32 [tilespmem:s29], [sflag:$0x2], $0x10, s12, s28, $0xb8;
	[tilespmem:$0x1CB50] =	vst v63  }
0x6e: {  	s14 =	sor.u32 $0x300, s8  }
0x6f: {  	[tilespmem:s30], [sflag:$0x1] =	stream.indirect.gather [spmem:s1], $0x10, s14, s28, $0xb8;
	[tilespmem:$0x1CB50] =	vst v63  }
0x70: {  	_ =	swait.ge [sflag:s31], $0x1000  }
0x71: {  	[sflag:s31] =	ssyncset.done $0x0  }
0x72: {  	[sflag:s31] =	ssyncadd.s32 $0xFFFFF000  }
0x73: {  	_ =	swait.ge [sflag:s0], $0x1000  }
0x74: {  	[sflag:s0] =	ssyncset.done $0x0  }
0x75: {  	s12 =	sor.u32 $0x1300, s8;
	[sflag:s0] =	ssyncadd.s32 $0xFFFFF000  }
0x76: {  	[spmem:s2] =	stream.indirect.scatter.add.f32 [tilespmem:s30], [sflag:$0x2], $0x10, s12, s28, $0xb8;
	[tilespmem:$0x1CB50] =	vst v63  }
0x77: {  	s14 =	sor.u32 $0x400, s8  }
0x78: {  	[tilespmem:s29], [sflag:$0x1] =	stream.indirect.gather [spmem:s1], $0x10, s14, s28, $0xb8;
	[tilespmem:$0x1CB50] =	vst v63  }
0x79: {  	_ =	swait.ge [sflag:s31], $0x1000  }
0x7a: {  	[sflag:s31] =	ssyncset.done $0x0  }
0x7b: {  	[sflag:s31] =	ssyncadd.s32 $0xFFFFF000  }
0x7c: {  	_ =	swait.ge [sflag:s0], $0x1000  }
0x7d: {  	[sflag:s0] =	ssyncset.done $0x0  }
0x7e: {  	s12 =	sor.u32 $0x1400, s8;
	[sflag:s0] =	ssyncadd.s32 $0xFFFFF000  }
0x7f: {  	[spmem:s2] =	stream.indirect.scatter.add.f32 [tilespmem:s29], [sflag:$0x2], $0x10, s12, s28, $0xb8;
	[tilespmem:$0x1CB50] =	vst v63  }
0x80: {  	s14 =	sor.u32 $0x500, s8  }
0x81: {  	[tilespmem:s30], [sflag:$0x1] =	stream.indirect.gather [spmem:s1], $0x10, s14, s28, $0xb8;
	[tilespmem:$0x1CB50] =	vst v63  }
0x82: {  	_ =	swait.ge [sflag:s31], $0x1000  }
0x83: {  	[sflag:s31] =	ssyncset.done $0x0  }
0x84: {  	[sflag:s31] =	ssyncadd.s32 $0xFFFFF000  }
0x85: {  	_ =	swait.ge [sflag:s0], $0x1000  }
0x86: {  	[sflag:s0] =	ssyncset.done $0x0  }
0x87: {  	s12 =	sor.u32 $0x1500, s8;
	[sflag:s0] =	ssyncadd.s32 $0xFFFFF000  }
0x88: {  	[spmem:s2] =	stream.indirect.scatter.add.f32 [tilespmem:s30], [sflag:$0x2], $0x10, s12, s28, $0xb8;
	[tilespmem:$0x1CB50] =	vst v63  }
0x89: {  	s14 =	sor.u32 $0x600, s8  }
0x8a: {  	[tilespmem:s29], [sflag:$0x1] =	stream.indirect.gather [spmem:s1], $0x10, s14, s28, $0xb8;
	[tilespmem:$0x1CB50] =	vst v63  }
0x8b: {  	_ =	swait.ge [sflag:s31], $0x1000  }
0x8c: {  	[sflag:s31] =	ssyncset.done $0x0  }
0x8d: {  	[sflag:s31] =	ssyncadd.s32 $0xFFFFF000  }
0x8e: {  	_ =	swait.ge [sflag:s0], $0x1000  }
0x8f: {  	[sflag:s0] =	ssyncset.done $0x0  }
0x90: {  	s12 =	sor.u32 $0x1600, s8;
	[sflag:s0] =	ssyncadd.s32 $0xFFFFF000  }
0x91: {  	[spmem:s2] =	stream.indirect.scatter.add.f32 [tilespmem:s29], [sflag:$0x2], $0x10, s12, s28, $0xb8;
	[tilespmem:$0x1CB50] =	vst v63  }
0x92: {  	s14 =	sor.u32 $0x700, s8  }
0x93: {  	[tilespmem:s30], [sflag:$0x1] =	stream.indirect.gather [spmem:s1], $0x10, s14, s28, $0xb8;
	[tilespmem:$0x1CB50] =	vst v63  }
0x94: {  	_ =	swait.ge [sflag:s31], $0x1000  }
0x95: {  	[sflag:s31] =	ssyncset.done $0x0  }
0x96: {  	[sflag:s31] =	ssyncadd.s32 $0xFFFFF000  }
0x97: {  	_ =	swait.ge [sflag:s0], $0x1000  }
0x98: {  	[sflag:s0] =	ssyncset.done $0x0  }
0x99: {  	s8 =	sor.u32 $0x1700, s8;
	[sflag:s0] =	ssyncadd.s32 $0xFFFFF000  }
0x9a: {  	[spmem:s2] =	stream.indirect.scatter.add.f32 [tilespmem:s30], [sflag:$0x2], $0x10, s8, s28, $0xb8;
	[tilespmem:$0x1CB50] =	vst v63  }
0x9b: {  	p1 =	por p2, p2;
	s8 =	simm.s32 $0x2  }
.LBB2_3:
0x9c: {  	[tilespmem:s29], [sflag:$0x1] =	stream.indirect.gather [spmem:s1], $0x10, s4, s28, $0xb8;
	[tilespmem:$0x1CB50] =	vst v63  }
0x9d: {  	_ =	swait.ge [sflag:s31], $0x1000  }
0x9e: {  	[sflag:s31] =	ssyncset.done $0x0  }
0x9f: {  	s14 =	smov.u32 s8;
	[sflag:s31] =	ssyncadd.s32 $0xFFFFF000  }
0xa0: {  	s4 =	smin.u32 s14, $0x19;
	_ =	swait.ge [sflag:s0], $0x1000  }
0xa1: {  	s4 =	sshll.u32 s4, $0xB;
	s12 =	rddreg [dreg:$0x4]  }
0xa2: {  	s11 =	smov.u32 s18;
	s4 =	sadd.s32 s12, s4  }
0xa3: {  	s18 =	sadd.s32 $0x800, s18;
	[sflag:s0] =	ssyncset.done $0x0;
	s12 =	sshrl.u32 s4, $0x3  }
0xa4: {  	[sflag:s0] =	ssyncadd.s32 $0xFFFFF000;
	s4 =	sand.u32 $0x800, s18;
	s14 =	sadd.s32 s5, s12  }
0xa5: {  	[tilespmem:s4], [sflag:$0x3] =	stream.linear.gather [hbm4b:s14+s3], $0x800, $0x38;
	[tilespmem:$0x1CB50] =	vst v63  }
0xa6: {  	_ =	swait.ge [sflag:s25], $0x800  }
0xa7: {  	[sflag:s25] =	ssyncset.done $0x0  }
0xa8: {  	s12 =	sadd.s32 s6, s12;
	s14 =	sor.u32 $0x1000, s4;
	[sflag:s25] =	ssyncadd.s32 $0xFFFFF800  }
0xa9: {  	[tilespmem:s14], [sflag:$0x3] =	stream.linear.gather [hbm4b:s12+s3], $0x800, $0x38;
	[tilespmem:$0x1CB50] =	vst v63  }
0xaa: {  	_ =	swait.ge [sflag:s25], $0x800  }
0xab: {  	s11 =	sand.u32 $0x800, s11;
	[sflag:s25] =	ssyncset.done $0x0  }
0xac: {  	s14 =	sor.u32 $0x1000, s11;
	[sflag:s25] =	ssyncadd.s32 $0xFFFFF800  }
0xad: {  	[spmem:s2] =	stream.indirect.scatter.add.f32 [tilespmem:s29], [sflag:$0x2], $0x10, s14, s28, $0xb8;
	[tilespmem:$0x1CB50] =	vst v63  }
0xae: {  	s14 =	sor.u32 $0x100, s11  }
0xaf: {  	[tilespmem:s30], [sflag:$0x1] =	stream.indirect.gather [spmem:s1], $0x10, s14, s28, $0xb8;
	[tilespmem:$0x1CB50] =	vst v63  }
0xb0: {  	_ =	swait.ge [sflag:s31], $0x1000  }
0xb1: {  	[sflag:s31] =	ssyncset.done $0x0  }
0xb2: {  	[sflag:s31] =	ssyncadd.s32 $0xFFFFF000  }
0xb3: {  	_ =	swait.ge [sflag:s0], $0x1000  }
0xb4: {  	[sflag:s0] =	ssyncset.done $0x0  }
0xb5: {  	s14 =	sor.u32 $0x1100, s11;
	[sflag:s0] =	ssyncadd.s32 $0xFFFFF000  }
0xb6: {  	[spmem:s2] =	stream.indirect.scatter.add.f32 [tilespmem:s30], [sflag:$0x2], $0x10, s14, s28, $0xb8;
	[tilespmem:$0x1CB50] =	vst v63  }
0xb7: {  	s14 =	sor.u32 $0x200, s11  }
0xb8: {  	[tilespmem:s29], [sflag:$0x1] =	stream.indirect.gather [spmem:s1], $0x10, s14, s28, $0xb8;
	[tilespmem:$0x1CB50] =	vst v63  }
0xb9: {  	_ =	swait.ge [sflag:s31], $0x1000  }
0xba: {  	[sflag:s31] =	ssyncset.done $0x0  }
0xbb: {  	[sflag:s31] =	ssyncadd.s32 $0xFFFFF000  }
0xbc: {  	_ =	swait.ge [sflag:s0], $0x1000  }
0xbd: {  	[sflag:s0] =	ssyncset.done $0x0  }
0xbe: {  	s14 =	sor.u32 $0x1200, s11;
	[sflag:s0] =	ssyncadd.s32 $0xFFFFF000  }
0xbf: {  	[spmem:s2] =	stream.indirect.scatter.add.f32 [tilespmem:s29], [sflag:$0x2], $0x10, s14, s28, $0xb8;
	[tilespmem:$0x1CB50] =	vst v63  }
0xc0: {  	s14 =	sor.u32 $0x300, s11  }
0xc1: {  	[tilespmem:s30], [sflag:$0x1] =	stream.indirect.gather [spmem:s1], $0x10, s14, s28, $0xb8;
	[tilespmem:$0x1CB50] =	vst v63  }
0xc2: {  	_ =	swait.ge [sflag:s31], $0x1000  }
0xc3: {  	[sflag:s31] =	ssyncset.done $0x0  }
0xc4: {  	[sflag:s31] =	ssyncadd.s32 $0xFFFFF000  }
0xc5: {  	_ =	swait.ge [sflag:s0], $0x1000  }
0xc6: {  	[sflag:s0] =	ssyncset.done $0x0  }
0xc7: {  	s14 =	sor.u32 $0x1300, s11;
	[sflag:s0] =	ssyncadd.s32 $0xFFFFF000  }
0xc8: {  	[spmem:s2] =	stream.indirect.scatter.add.f32 [tilespmem:s30], [sflag:$0x2], $0x10, s14, s28, $0xb8;
	[tilespmem:$0x1CB50] =	vst v63  }
0xc9: {  	s14 =	sor.u32 $0x400, s11  }
0xca: {  	[tilespmem:s29], [sflag:$0x1] =	stream.indirect.gather [spmem:s1], $0x10, s14, s28, $0xb8;
	[tilespmem:$0x1CB50] =	vst v63  }
0xcb: {  	_ =	swait.ge [sflag:s31], $0x1000  }
0xcc: {  	[sflag:s31] =	ssyncset.done $0x0  }
0xcd: {  	[sflag:s31] =	ssyncadd.s32 $0xFFFFF000  }
0xce: {  	_ =	swait.ge [sflag:s0], $0x1000  }
0xcf: {  	[sflag:s0] =	ssyncset.done $0x0  }
0xd0: {  	s14 =	sor.u32 $0x1400, s11;
	[sflag:s0] =	ssyncadd.s32 $0xFFFFF000  }
0xd1: {  	[spmem:s2] =	stream.indirect.scatter.add.f32 [tilespmem:s29], [sflag:$0x2], $0x10, s14, s28, $0xb8;
	[tilespmem:$0x1CB50] =	vst v63  }
0xd2: {  	s14 =	sor.u32 $0x500, s11  }
0xd3: {  	[tilespmem:s30], [sflag:$0x1] =	stream.indirect.gather [spmem:s1], $0x10, s14, s28, $0xb8;
	[tilespmem:$0x1CB50] =	vst v63  }
0xd4: {  	_ =	swait.ge [sflag:s31], $0x1000  }
0xd5: {  	[sflag:s31] =	ssyncset.done $0x0  }
0xd6: {  	[sflag:s31] =	ssyncadd.s32 $0xFFFFF000  }
0xd7: {  	_ =	swait.ge [sflag:s0], $0x1000  }
0xd8: {  	[sflag:s0] =	ssyncset.done $0x0  }
0xd9: {  	s14 =	sor.u32 $0x1500, s11;
	[sflag:s0] =	ssyncadd.s32 $0xFFFFF000  }
0xda: {  	[spmem:s2] =	stream.indirect.scatter.add.f32 [tilespmem:s30], [sflag:$0x2], $0x10, s14, s28, $0xb8;
	[tilespmem:$0x1CB50] =	vst v63  }
0xdb: {  	s14 =	sor.u32 $0x600, s11  }
0xdc: {  	[tilespmem:s29], [sflag:$0x1] =	stream.indirect.gather [spmem:s1], $0x10, s14, s28, $0xb8;
	[tilespmem:$0x1CB50] =	vst v63  }
0xdd: {  	_ =	swait.ge [sflag:s31], $0x1000  }
0xde: {  	[sflag:s31] =	ssyncset.done $0x0  }
0xdf: {  	[sflag:s31] =	ssyncadd.s32 $0xFFFFF000  }
0xe0: {  	_ =	swait.ge [sflag:s0], $0x1000  }
0xe1: {  	[sflag:s0] =	ssyncset.done $0x0  }
0xe2: {  	s14 =	sor.u32 $0x1600, s11;
	[sflag:s0] =	ssyncadd.s32 $0xFFFFF000  }
0xe3: {  	[spmem:s2] =	stream.indirect.scatter.add.f32 [tilespmem:s29], [sflag:$0x2], $0x10, s14, s28, $0xb8;
	[tilespmem:$0x1CB50] =	vst v63  }
0xe4: {  	s14 =	sor.u32 $0x700, s11  }
0xe5: {  	[tilespmem:s30], [sflag:$0x1] =	stream.indirect.gather [spmem:s1], $0x10, s14, s28, $0xb8;
	[tilespmem:$0x1CB50] =	vst v63  }
0xe6: {  	_ =	swait.ge [sflag:s31], $0x1000  }
0xe7: {  	p2 =	sne.s32 s8, $0x1A;
	[sflag:s31] =	ssyncset.done $0x0  }
.Ltmp0:
0xe8: {  	[sflag:s31] =	ssyncadd.s32 $0xFFFFF000;
	(pc) =	sbr.rel @p2 .LBB2_3-.Ltmp0, $4  }
0xe9: {  	_ =	swait.ge [sflag:s0], $0x1000  }
0xea: {  	[sflag:s0] =	ssyncset.done $0x0  }
0xeb: {  	s8 =	sadd.s32 $0x1, s8;
	s11 =	sor.u32 $0x1700, s11;
	[sflag:s0] =	ssyncadd.s32 $0xFFFFF000  }
0xec: {  	[spmem:s2] =	stream.indirect.scatter.add.f32 [tilespmem:s30], [sflag:$0x2], $0x10, s11, s28, $0xb8;
	[tilespmem:$0x1CB50] =	vst v63  }
0xed: {  	[tilespmem:s29], [sflag:$0x1] =	stream.indirect.gather [spmem:s1], $0x10, s4, s28, $0xb8;
	[tilespmem:$0x1CB50] =	vst v63  }
0xee: {  	_ =	swait.ge [sflag:s0], $0x1000  }
0xef: {  	[sflag:s0] =	ssyncset.done $0x0  }
0xf0: {  	[sflag:s0] =	ssyncadd.s32 $0xFFFFF000  }
0xf1: {  	_ =	swait.ge [sflag:s31], $0x1000  }
0xf2: {  	[sflag:s31] =	ssyncset.done $0x0  }
0xf3: {  	s18 =	sor.u32 s10, s26;
	[sflag:s31] =	ssyncadd.s32 $0xFFFFF000  }
0xf4: {  	s12 =	stileid.u32;
	s26 =	sshrl.u32 s13, $0x3;
	[bflag:$0x0] =	sbarrier.arrive $0xFFFF  }
0xf5: {  	s4 =	sshrl.u32 s18, $0x3;
	s8 =	sshll.u32 s12, $0x6;
	s11 =	rddreg [dreg:$0x6]  }
0xf6: {  	s14 =	simm.s32 $0x8;
	s8 =	sor.u32 $0x1C03, s8;
	s4 =	sadd.s32 s11, s4  }
0xf7: {  	[hbm:s4@s14], [sflag:s8] =	dma.strided [spmem:s26@s0], $0x1900, s31, $0x2   }
.Ltmp1:
0xf8: {  	_ =	swait.ge [sflag:s25], $0x1900;
	(pc) =	sbr.rel @p1 .LBB2_2-.Ltmp1, $4  }
0xf9: {  	[sflag:s25] =	ssyncset.done $0x0  }
0xfa: {  	[sflag:s25] =	ssyncadd.s32 $0xFFFFE700  }
0xfb: {  	[bflag:$0x0] =	sbarrier.arrive $0xFFFF  }
0xfc: {  	p2 =	por $0x0, $0x0;
	s4 =	simm.s32 $0x10  }
0xfd: {  	s8 =	rddreg [dreg:$0xb]  }
0xfe: {  	s4 =	rddreg [dreg:$0xa];
	s8 =	sadd.s32 $0x1, s8  }
0xff: {  	p1 =	sne.s32 s8, s4  }
.Ltmp2:
0x100: {  	_ = 	snop;
	(pc) =	sbr.rel @p1 .LBB2_1-.Ltmp2, $1  }
0x101: {  	_ =	sdelay $0x3  }
0x102: {  	_ =	sfence.sel $0x180000  }
0x103: {  	[bflag:$0x0] =	sbarrier.arrive $0xFFFF  }
0x104: {  	_ =	strace $0x90000050  }
0x105: {  	[bflag:$0x2] =	sbarrier.arrive $0xFFFF  }
0x106: {  	p0 =	sne.s32 s12, $0x0;
	s0 =	rddreg [dreg:$0x3]  }
0x107: {  	s0 =	sadd.s32 @!p0 $0x100000, s0  }
0x108: {  	[sflag:s0] =	ssyncadd.tile.s32 @!p0 $0x1;
	_ =	shalt  }
.Lfunc_end2:
_tile_overlayer_lowered:
.L_overlay_start_2:
0x109: {  	(tag) =	ssettag $0x2  }
0x10a: {  	s0 =	rddreg [dreg:$0x0];
	s2 =	stileid.u32  }
0x10b: {  	s1 =	rddreg [dreg:$0x1];
	p0 =	sne.s32 s2, $0x0  }
0x10c: {  	s3 =	rddreg [dreg:$0x2];
	[bflag:$0x3] =	sbarrier.arrive $0xFFFF;
	s2 =	simm.s32 @!p0 $0x1C03  }
0x10d: {  	[timem:s3], [sflag:s2] =	dma.local @!p0 [hbm:s0], s1  }
0x10e: {  	s0 =	simm.s32 @!p0 $0x3  }
0x10f: {  	_ =	swait.ge @!p0 [sflag:s0], s1  }
0x110: {  	s1 =	ssub.s32 @!p0 $0x0, s1;
	[sflag:s0] =	ssyncset.done @!p0 $0x0  }
0x111: {  	[sflag:s0] =	ssyncadd.s32 @!p0 s1  }
0x112: {  	[bflag:$0x3] =	sbarrier.arrive $0xFFFF  }
0x113: {  	_ =	shalt  }

</sc_bundles>
